<compile_context>
chip_gen: v7x
topology: tpu7x:2x2x1
jax: 0.10.2.dev20260603
libtpu: 0.0.44.dev20260713+nightly
codegen_flags: <defaults>
</compile_context>

<pallas_src>
import functools

import jax
import jax.numpy as jnp
from jax import lax
from jax.experimental import pallas as pl
from jax.experimental.pallas import tpu as pltpu
from jax.experimental.pallas import tpu_sc as plsc

N = 10000
E = 320000
C = 128
NC = 2
NS = 16
NW = NC * NS
CHUNK = 128
CPT = 80
CPT0 = 120
CPT1 = 40
CPTR = 128
EPAD = NW * CPT * CHUNK
NPAD = 10240
RPT = NPAD // NS
DEGW = 128
HALF = 40
NBUF = 2



def _build_rid(rid_v, base):
    for j in range(CPT // 16):
        rid_v[pl.ds(j * 16, 16)] = base + j * 16 + lax.iota(jnp.int32, 16)


def _sc_degree_body(col_hbm, out_hbm, rid_v, idxc_v, ones_v, deg_sh, sems):
    c = lax.axis_index("c")
    s = lax.axis_index("s")
    wid = c * NS + s

    _build_rid(rid_v, wid * CPT)
    pltpu.async_copy(col_hbm.at[rid_v], idxc_v, sems).wait()

    def zfill(i, carry):
        for j in range(DEGW // 16):
            ones_v[i, pl.ds(j * 16, 16)] = jnp.zeros((16,), jnp.float32)
        return carry

    lax.fori_loop(0, CHUNK, zfill, 0)
    for t in range(RPT // CHUNK):
        pltpu.sync_copy(ones_v, deg_sh.at[pl.ds(s * RPT + t * CHUNK, CHUNK)])

    def fill(i, carry):
        for j in range(DEGW // 16):
            ones_v[i, pl.ds(j * 16, 16)] = jnp.full((16,), 1.0, jnp.float32)
        return carry

    lax.fori_loop(0, CHUNK, fill, 0)
    plsc.subcore_barrier()

    def issue(k, carry):
        @pl.when(k >= 8)
        def _():
            pltpu.make_async_copy(ones_v, deg_sh.at[idxc_v.at[k - 8]],
                                  sems).wait()

        pltpu.async_copy(ones_v, deg_sh.at[idxc_v.at[k]], sems, add=True)
        return carry

    lax.fori_loop(0, CPT, issue, 0)

    def drain(k, carry):
        pltpu.make_async_copy(ones_v, deg_sh.at[idxc_v.at[k]], sems).wait()
        return carry

    lax.fori_loop(CPT - 8, CPT, drain, 0)
    plsc.subcore_barrier()
    for t in range(RPT // CHUNK):
        pltpu.sync_copy(
            deg_sh.at[pl.ds(s * RPT + t * CHUNK, CHUNK)],
            out_hbm.at[pl.ds(c * NPAD + s * RPT + t * CHUNK, CHUNK)])


def _sc_aggregate_body(pk_hbm, z_hbm, out_hbm,
                       rid_v, pk_v, ir0, ir1, ic0, ic1, b0, b1, s_sh,
                       semg, sems, sempk):
    c = lax.axis_index("c")
    s = lax.axis_index("s")
    wid = c * NS + s
    irs = [ir0, ir1]
    ics = [ic0, ic1]
    bufs = [b0, b1]

    cpt_c = jnp.where(c == 0, CPT0, CPT1)
    base_c = jnp.where(c == 0, s * CPT0, NS * CPT0 + s * CPT1)
    for j in range(CPTR // 16):
        rid_v[pl.ds(j * 16, 16)] = jnp.minimum(
            base_c + j * 16 + lax.iota(jnp.int32, 16),
            jnp.int32(NS * (CPT0 + CPT1) - 1))

    def zfill(i, carry):
        for j in range(C // 16):
            b0[i, pl.ds(j * 16, 16)] = jnp.zeros((16,), jnp.float32)
        return carry

    lax.fori_loop(0, CHUNK, zfill, 0)
    for t in range(RPT // CHUNK):
        pltpu.sync_copy(b0, s_sh.at[pl.ds(s * RPT + t * CHUNK, CHUNK)])
    plsc.subcore_barrier()

    def run_ring(base):
        def step(q, carry):
            for b in range(NBUF):
                k = base + q * NBUF + b

                @pl.when((k >= NBUF) & (k - NBUF < cpt_c))
                def _():
                    pltpu.make_async_copy(bufs[b], s_sh.at[ics[b]],
                                          sems).wait()

                @pl.when(k < cpt_c)
                def _():
                    def unpack(j, carry2):
                        p = pk_v[(k - base), pl.ds(j * 16, 16)]
                        irs[b][pl.ds(j * 16, 16)] = lax.shift_right_logical(
                            p, jnp.int32(14))
                        ics[b][pl.ds(j * 16, 16)] = p & jnp.int32(16383)
                        return carry2

                    lax.fori_loop(0, CHUNK // 16, unpack, 0)
                    pltpu.async_copy(z_hbm.at[irs[b]], bufs[b], semg)

                bp = (b + NBUF - 1) % NBUF
                kp = k - 1

                @pl.when((kp >= 0) & (kp < cpt_c))
                def _():
                    pltpu.make_async_copy(z_hbm.at[irs[bp]], bufs[bp],
                                          semg).wait()
                    pltpu.async_copy(bufs[bp], s_sh.at[ics[bp]], sems,
                                     add=True)

            return carry

        return step

    for h in range(CPT0 // HALF):
        @pl.when(h * HALF < cpt_c)
        def _():
            pltpu.async_copy(
                pk_hbm.at[rid_v.at[pl.ds(h * HALF, HALF)]], pk_v,
                sempk).wait()

        lax.fori_loop(0, HALF // NBUF, run_ring(h * HALF), 0)

    lax.fori_loop(0, 1, run_ring(CPT0), 0)
    plsc.subcore_barrier()
    for t in range(RPT // CHUNK):
        pltpu.sync_copy(
            s_sh.at[pl.ds(s * RPT + t * CHUNK, CHUNK)],
            out_hbm.at[pl.ds(c * NPAD + s * RPT + t * CHUNK, CHUNK)])


@functools.cache
def _sc_kernels():
    mesh = plsc.VectorSubcoreMesh(core_axis_name="c", subcore_axis_name="s")
    rid = pltpu.VMEM((CPT,), jnp.int32)
    idx2 = pltpu.VMEM((CPT, CHUNK), jnp.int32)
    deg = pl.kernel(
        _sc_degree_body,
        out_type=jax.ShapeDtypeStruct((NC * NPAD, DEGW), jnp.float32),
        scratch_types=[
            rid, idx2,
            pltpu.VMEM((CHUNK, DEGW), jnp.float32),
            pltpu.VMEM_SHARED((NPAD, DEGW), jnp.float32),
            pltpu.SemaphoreType.DMA,
        ],
        mesh=mesh,
    )
    buf = pltpu.VMEM((CHUNK, C), jnp.float32)
    idxc = pltpu.VMEM((CHUNK,), jnp.int32)
    agg = pl.kernel(
        _sc_aggregate_body,
        out_type=jax.ShapeDtypeStruct((NC * NPAD, C), jnp.float32),
        scratch_types=[
            pltpu.VMEM((CPTR,), jnp.int32),
            pltpu.VMEM((HALF, CHUNK), jnp.int32),
            idxc, idxc, idxc, idxc,
            buf, buf,
            pltpu.VMEM_SHARED((NPAD, C), jnp.float32),
            pltpu.SemaphoreType.DMA,
            pltpu.SemaphoreType.DMA,
            pltpu.SemaphoreType.DMA,
        ],
        mesh=mesh,
    )
    return deg, agg


def _sc_degree(col2d):
    return _sc_kernels()[0](col2d)


def _sc_aggregate(pk2d, z):
    return _sc_kernels()[1](pk2d, z)



BLK = 1000


def _dinv_block(da_ref, db_ref):
    deg = da_ref[:, 0:1] + db_ref[:, 0:1] + 1.0
    return lax.rsqrt(deg)


def _tc1a_body(x_ref, win_ref, bin_ref, h0_ref):
    h0_ref[...] = jnp.maximum(
        jnp.dot(x_ref[...], win_ref[...], preferred_element_type=jnp.float32)
        + bin_ref[...], 0.0)


def _tc1b_body(h0_ref, wg1_ref, da_ref, db_ref, z1_ref):
    dinv = _dinv_block(da_ref, db_ref)
    z1_ref[...] = dinv * jnp.dot(h0_ref[...], wg1_ref[...],
                                 preferred_element_type=jnp.float32)


def _tc2_body(s1a_ref, s1b_ref, z1_ref, da_ref, db_ref, wg2_ref, bg1_ref,
              z2_ref):
    dinv = _dinv_block(da_ref, db_ref)
    h1 = jnp.maximum(
        dinv * (s1a_ref[...] + s1b_ref[...] + z1_ref[...]) + bg1_ref[...],
        0.0)
    z2_ref[...] = dinv * jnp.dot(h1, wg2_ref[...],
                                 preferred_element_type=jnp.float32)


def _tc3_body(s2a_ref, s2b_ref, z2_ref, da_ref, db_ref, h0_ref,
              wout_ref, bout_ref, bg2_ref, hf_ref, out_ref):
    dinv = _dinv_block(da_ref, db_ref)
    conv = dinv * (s2a_ref[...] + s2b_ref[...] + z2_ref[...]) + bg2_ref[...]
    hf = jnp.maximum(conv + h0_ref[...], 0.0)
    hf_ref[...] = hf
    out_ref[...] = (jnp.dot(hf, wout_ref[...],
                            preferred_element_type=jnp.float32)
                    + bout_ref[...])


def _rows(shape):
    return pl.BlockSpec(shape, lambda i: (i, 0))


def _full(shape):
    return pl.BlockSpec(shape, lambda i: (0, 0))


_MAT = jax.ShapeDtypeStruct((N, C), jnp.float32)
_GRID = (N // BLK,)


def _tc1a(x, W_in, b_in2):
    return pl.pallas_call(
        _tc1a_body,
        grid=_GRID,
        in_specs=[_rows((BLK, C)), _full((C, C)), _full((1, C))],
        out_specs=[_rows((BLK, C))],
        out_shape=[_MAT],
    )(x, W_in, b_in2)


def _tc1b(h0, W_g1, da, db):
    return pl.pallas_call(
        _tc1b_body,
        grid=_GRID,
        in_specs=[_rows((BLK, C)), _full((C, C)),
                  _rows((BLK, DEGW)), _rows((BLK, DEGW))],
        out_specs=[_rows((BLK, C))],
        out_shape=[_MAT],
    )(h0, W_g1, da, db)


def _tc2(s1a, s1b, z1, da, db, W_g2, bg1_2):
    return pl.pallas_call(
        _tc2_body,
        grid=_GRID,
        in_specs=[_rows((BLK, C)), _rows((BLK, C)), _rows((BLK, C)),
                  _rows((BLK, DEGW)), _rows((BLK, DEGW)),
                  _full((C, C)), _full((1, C))],
        out_specs=[_rows((BLK, C))],
        out_shape=[_MAT],
    )(s1a, s1b, z1, da, db, W_g2, bg1_2)


def _tc3(s2a, s2b, z2, da, db, h0, W_out, bout_2, bg2_2):
    return pl.pallas_call(
        _tc3_body,
        grid=_GRID,
        in_specs=[_rows((BLK, C)), _rows((BLK, C)), _rows((BLK, C)),
                  _rows((BLK, DEGW)), _rows((BLK, DEGW)), _rows((BLK, C)),
                  _full((C, C)), _full((1, C)), _full((1, C))],
        out_specs=[_rows((BLK, C)), _rows((BLK, C))],
        out_shape=[_MAT, _MAT],
    )(s2a, s2b, z2, da, db, h0, W_out, bout_2, bg2_2)



def kernel(x, edge, W_in, b_in, W_g1, b_g1, W_g2, b_g2, W_out, b_out):
    row = edge[0]
    col = edge[1]
    npad_e = EPAD - E
    row2d = jnp.concatenate(
        [row, jnp.zeros((npad_e,), row.dtype)]).reshape(-1, CHUNK)
    col2d = jnp.concatenate(
        [col, jnp.full((npad_e,), NPAD - 1, col.dtype)]).reshape(-1, CHUNK)

    pk2d = (row2d * jnp.int32(16384) + col2d)

    deg2 = _sc_degree(col2d)
    da, db = deg2[:N], deg2[NPAD:NPAD + N]

    h0, = _tc1a(x, W_in, b_in.reshape(1, C))
    z1, = _tc1b(h0, W_g1, da, db)

    s1 = _sc_aggregate(pk2d, z1)
    z2, = _tc2(s1[:N], s1[NPAD:NPAD + N], z1, da, db, W_g2,
               b_g1.reshape(1, C))

    s2 = _sc_aggregate(pk2d, z2)
    hf, out = _tc3(s2[:N], s2[NPAD:NPAD + N], z2, da, db, h0,
                   W_out, b_out.reshape(1, C), b_g2.reshape(1, C))
    return hf, out

# --- scband reference (transcript-rebuilt; emitter-appended) ---
"""Pipeline reference for scband-simple-gcn-5016521802568 (READ-ONLY COPY).

The authoritative reference and input builder live on the scoring server;
editing this copy changes nothing except your own understanding.
"""

import jax, jax.numpy as jnp
import numpy as np

N = 10000
E = 320000
IN_C = 128
MID_C = 128
OUT_C = 128


def setup_inputs(seed: int = 0) -> dict:
    key = jax.random.key(seed)
    ks = jax.random.split(key, 12)
    x = jax.random.normal(ks[0], (N, IN_C), dtype=jnp.float32)
    edge = jax.random.randint(ks[1], (2, E), 0, N, dtype=jnp.int32)
    s_in = 1.0 / np.sqrt(IN_C)
    s_mid = 1.0 / np.sqrt(MID_C)
    W_in = jax.random.uniform(ks[2], (IN_C, MID_C), jnp.float32, -s_in, s_in)
    b_in = jax.random.uniform(ks[3], (MID_C,), jnp.float32, -s_in, s_in)
    W_g1 = jax.random.uniform(ks[4], (MID_C, MID_C), jnp.float32, -s_mid, s_mid)
    b_g1 = jnp.zeros((MID_C,), jnp.float32)
    W_g2 = jax.random.uniform(ks[5], (MID_C, MID_C), jnp.float32, -s_mid, s_mid)
    b_g2 = jnp.zeros((MID_C,), jnp.float32)
    W_out = jax.random.uniform(ks[6], (MID_C, OUT_C), jnp.float32, -s_mid, s_mid)
    b_out = jax.random.uniform(ks[7], (OUT_C,), jnp.float32, -s_mid, s_mid)
    return {"x": x, "edge": edge, "W_in": W_in, "b_in": b_in,
            "W_g1": W_g1, "b_g1": b_g1, "W_g2": W_g2, "b_g2": b_g2,
            "W_out": W_out, "b_out": b_out}


def reference(x, edge, W_in, b_in, W_g1, b_g1, W_g2, b_g2, W_out, b_out):
    n = x.shape[0]
    loop = jnp.arange(n, dtype=edge.dtype)
    row = jnp.concatenate([edge[0], loop])  # source nodes (+ self loops)
    col = jnp.concatenate([edge[1], loop])  # target nodes (+ self loops)
    ew = jnp.ones(row.shape[0], dtype=x.dtype)
    # GCN symmetric normalization (gcn_norm with add_self_loops=True)
    deg = jax.ops.segment_sum(ew, col, num_segments=n)
    dinv = jnp.where(deg > 0, deg ** -0.5, 0.0)
    norm = dinv[row] * ew * dinv[col]

    def gcn_conv(h, W, b):
        h = h @ W
        msg = jnp.take(h, row, axis=0) * norm[:, None]
        agg = jax.ops.segment_sum(msg, col, num_segments=n)
        return agg + b

    # inLayer + ReLU
    h = jax.nn.relu(x @ W_in + b_in)
    h2 = h
    # i=0: GCNConv
    h = gcn_conv(h, W_g1, b_g1)
    # i=1: ReLU (i%4 == 1, no residual)
    h = jax.nn.relu(h)
    # i=2: GCNConv
    h = gcn_conv(h, W_g2, b_g2)
    # i=3: residual add, ReLU, update x2
    h = h + h2
    h = jax.nn.relu(h)
    # outLayer
    out = h @ W_out + b_out
    return (h, out)

if __name__ == "__main__":
    import jax
    _d = setup_inputs()
    print(jax.jit(kernel)(*tuple(_d.values())))

</pallas_src>

<mosaic_0001>
#map = affine_map<(d0, d1) -> (0, 0)>
module attributes {stable_mosaic.version = 14 : i64} {
  func.func @_sc_aggregate_body(%arg0: i32, %arg1: i32, %arg2: memref<2560x128xi32, #tpu.memory_space<hbm>>, %arg3: memref<10000x128xf32, #tpu.memory_space<hbm>>, %arg4: memref<20480x128xf32, #tpu.memory_space<hbm>>, %arg5: memref<128xi32, #tpu.memory_space<vmem>>, %arg6: memref<40x128xi32, #tpu.memory_space<vmem>>, %arg7: memref<128xi32, #tpu.memory_space<vmem>>, %arg8: memref<128xi32, #tpu.memory_space<vmem>>, %arg9: memref<128xi32, #tpu.memory_space<vmem>>, %arg10: memref<128xi32, #tpu.memory_space<vmem>>, %arg11: memref<128x128xf32, #tpu.memory_space<vmem>>, %arg12: memref<128x128xf32, #tpu.memory_space<vmem>>, %arg13: memref<10240x128xf32, #tpu.memory_space<vmem_shared>>, %arg14: memref<!tpu.dma_semaphore, #tpu.memory_space<semaphore_mem>>, %arg15: memref<!tpu.dma_semaphore, #tpu.memory_space<semaphore_mem>>, %arg16: memref<!tpu.dma_semaphore, #tpu.memory_space<semaphore_mem>>) attributes {dimension_semantics = [#tpu.dimension_semantics<core_parallel>, #tpu.dimension_semantics<subcore_parallel>], iteration_bounds = array<i64: 2, 16>, scalar_prefetch = 0 : i64, scratch_operands = 12 : i64, tpu.core_type = #tpu.core_type<sc_vector_subcore>, window_params = [{transform_indices = #map}, {transform_indices = #map}, {transform_indices = #map}]} {
    %mul3A = arith.constant 16 : i32
    %mul3A_0 = arith.muli %arg0, %mul3A : i32
    %add3A = arith.addi %mul3A_0, %arg1 : i32
    %eq3A = arith.constant 0 : i32
    %eq3A_1 = arith.cmpi eq, %arg0, %eq3A : i32
    %jit3A = arith.constant 120 : i32
    %jit3A_2 = arith.constant 40 : i32
    %select_n3A = arith.select %eq3A_1, %jit3A, %jit3A_2 : i32
    %eq3A_3 = arith.constant 0 : i32
    %eq3A_4 = arith.cmpi eq, %arg0, %eq3A_3 : i32
    %mul3A_5 = arith.constant 120 : i32
    %mul3A_6 = arith.muli %arg1, %mul3A_5 : i32
    %mul3A_7 = arith.constant 40 : i32
    %mul3A_8 = arith.muli %arg1, %mul3A_7 : i32
    %add3A_9 = arith.constant 1920 : i32
    %add3A_10 = arith.addi %add3A_9, %mul3A_8 : i32
    %select_n3A_11 = arith.select %eq3A_4, %mul3A_6, %add3A_10 : i32
    %add3A_12 = arith.constant 0 : i32
    %add3A_13 = arith.addi %select_n3A_11, %add3A_12 : i32
    %iota3A = tpu.iota {dimensions = array<i32: 0>} : vector<16xi32>
    %add3A_14 = vector.broadcast %add3A_13 : i32 to vector<16xi32>
    %add3A_15 = arith.addi %add3A_14, %iota3A : vector<16xi32>
    %min3A = arith.constant 2559 : i32
    %min3A_16 = vector.broadcast %min3A : i32 to vector<16xi32>
    %min3A_17 = arith.minsi %add3A_15, %min3A_16 : vector<16xi32>
    %swap3A = arith.constant 0 : index
    %swap3A_18 = tpu.vector_load %arg5[%swap3A] {strides = array<i32>} : memref<128xi32, #tpu.memory_space<vmem>>, vector<16xi32>,
    %swap3A_19 = vector.shape_cast %swap3A_18 : vector<16xi32> to vector<16xi32>
    %swap3A_20 = vector.shape_cast %min3A_17 : vector<16xi32> to vector<16xi32>
    tpu.vector_store %arg5[%swap3A], %swap3A_20 {strides = array<i32>} : memref<128xi32, #tpu.memory_space<vmem>>, vector<16xi32>,
    %add3A_21 = arith.constant 16 : i32
    %add3A_22 = arith.addi %select_n3A_11, %add3A_21 : i32
    %iota3A_23 = tpu.iota {dimensions = array<i32: 0>} : vector<16xi32>
    %add3A_24 = vector.broadcast %add3A_22 : i32 to vector<16xi32>
    %add3A_25 = arith.addi %add3A_24, %iota3A_23 : vector<16xi32>
    %min3A_26 = arith.constant 2559 : i32
    %min3A_27 = vector.broadcast %min3A_26 : i32 to vector<16xi32>
    %min3A_28 = arith.minsi %add3A_25, %min3A_27 : vector<16xi32>
    %swap3A_29 = arith.constant 16 : index
    %swap3A_30 = tpu.vector_load %arg5[%swap3A_29] {strides = array<i32>} : memref<128xi32, #tpu.memory_space<vmem>>, vector<16xi32>,
    %swap3A_31 = vector.shape_cast %swap3A_30 : vector<16xi32> to vector<16xi32>
    %swap3A_32 = vector.shape_cast %min3A_28 : vector<16xi32> to vector<16xi32>
    tpu.vector_store %arg5[%swap3A_29], %swap3A_32 {strides = array<i32>} : memref<128xi32, #tpu.memory_space<vmem>>, vector<16xi32>,
    %add3A_33 = arith.constant 32 : i32
    %add3A_34 = arith.addi %select_n3A_11, %add3A_33 : i32
    %iota3A_35 = tpu.iota {dimensions = array<i32: 0>} : vector<16xi32>
    %add3A_36 = vector.broadcast %add3A_34 : i32 to vector<16xi32>
    %add3A_37 = arith.addi %add3A_36, %iota3A_35 : vector<16xi32>
    %min3A_38 = arith.constant 2559 : i32
    %min3A_39 = vector.broadcast %min3A_38 : i32 to vector<16xi32>
    %min3A_40 = arith.minsi %add3A_37, %min3A_39 : vector<16xi32>
    %swap3A_41 = arith.constant 32 : index
    %swap3A_42 = tpu.vector_load %arg5[%swap3A_41] {strides = array<i32>} : memref<128xi32, #tpu.memory_space<vmem>>, vector<16xi32>,
    %swap3A_43 = vector.shape_cast %swap3A_42 : vector<16xi32> to vector<16xi32>
    %swap3A_44 = vector.shape_cast %min3A_40 : vector<16xi32> to vector<16xi32>
    tpu.vector_store %arg5[%swap3A_41], %swap3A_44 {strides = array<i32>} : memref<128xi32, #tpu.memory_space<vmem>>, vector<16xi32>,
    %add3A_45 = arith.constant 48 : i32
    %add3A_46 = arith.addi %select_n3A_11, %add3A_45 : i32
    %iota3A_47 = tpu.iota {dimensions = array<i32: 0>} : vector<16xi32>
    %add3A_48 = vector.broadcast %add3A_46 : i32 to vector<16xi32>
    %add3A_49 = arith.addi %add3A_48, %iota3A_47 : vector<16xi32>
    %min3A_50 = arith.constant 2559 : i32
    %min3A_51 = vector.broadcast %min3A_50 : i32 to vector<16xi32>
    %min3A_52 = arith.minsi %add3A_49, %min3A_51 : vector<16xi32>
    %swap3A_53 = arith.constant 48 : index
    %swap3A_54 = tpu.vector_load %arg5[%swap3A_53] {strides = array<i32>} : memref<128xi32, #tpu.memory_space<vmem>>, vector<16xi32>,
    %swap3A_55 = vector.shape_cast %swap3A_54 : vector<16xi32> to vector<16xi32>
    %swap3A_56 = vector.shape_cast %min3A_52 : vector<16xi32> to vector<16xi32>
    tpu.vector_store %arg5[%swap3A_53], %swap3A_56 {strides = array<i32>} : memref<128xi32, #tpu.memory_space<vmem>>, vector<16xi32>,
    %add3A_57 = arith.constant 64 : i32
    %add3A_58 = arith.addi %select_n3A_11, %add3A_57 : i32
    %iota3A_59 = tpu.iota {dimensions = array<i32: 0>} : vector<16xi32>
    %add3A_60 = vector.broadcast %add3A_58 : i32 to vector<16xi32>
    %add3A_61 = arith.addi %add3A_60, %iota3A_59 : vector<16xi32>
    %min3A_62 = arith.constant 2559 : i32
    %min3A_63 = vector.broadcast %min3A_62 : i32 to vector<16xi32>
    %min3A_64 = arith.minsi %add3A_61, %min3A_63 : vector<16xi32>
    %swap3A_65 = arith.constant 64 : index
    %swap3A_66 = tpu.vector_load %arg5[%swap3A_65] {strides = array<i32>} : memref<128xi32, #tpu.memory_space<vmem>>, vector<16xi32>,
    %swap3A_67 = vector.shape_cast %swap3A_66 : vector<16xi32> to vector<16xi32>
    %swap3A_68 = vector.shape_cast %min3A_64 : vector<16xi32> to vector<16xi32>
    tpu.vector_store %arg5[%swap3A_65], %swap3A_68 {strides = array<i32>} : memref<128xi32, #tpu.memory_space<vmem>>, vector<16xi32>,
    %add3A_69 = arith.constant 80 : i32
    %add3A_70 = arith.addi %select_n3A_11, %add3A_69 : i32
    %iota3A_71 = tpu.iota {dimensions = array<i32: 0>} : vector<16xi32>
    %add3A_72 = vector.broadcast %add3A_70 : i32 to vector<16xi32>
    %add3A_73 = arith.addi %add3A_72, %iota3A_71 : vector<16xi32>
    %min3A_74 = arith.constant 2559 : i32
    %min3A_75 = vector.broadcast %min3A_74 : i32 to vector<16xi32>
    %min3A_76 = arith.minsi %add3A_73, %min3A_75 : vector<16xi32>
    %swap3A_77 = arith.constant 80 : index
    %swap3A_78 = tpu.vector_load %arg5[%swap3A_77] {strides = array<i32>} : memref<128xi32, #tpu.memory_space<vmem>>, vector<16xi32>,
    %swap3A_79 = vector.shape_cast %swap3A_78 : vector<16xi32> to vector<16xi32>
    %swap3A_80 = vector.shape_cast %min3A_76 : vector<16xi32> to vector<16xi32>
    tpu.vector_store %arg5[%swap3A_77], %swap3A_80 {strides = array<i32>} : memref<128xi32, #tpu.memory_space<vmem>>, vector<16xi32>,
    %add3A_81 = arith.constant 96 : i32
    %add3A_82 = arith.addi %select_n3A_11, %add3A_81 : i32
    %iota3A_83 = tpu.iota {dimensions = array<i32: 0>} : vector<16xi32>
    %add3A_84 = vector.broadcast %add3A_82 : i32 to vector<16xi32>
    %add3A_85 = arith.addi %add3A_84, %iota3A_83 : vector<16xi32>
    %min3A_86 = arith.constant 2559 : i32
    %min3A_87 = vector.broadcast %min3A_86 : i32 to vector<16xi32>
    %min3A_88 = arith.minsi %add3A_85, %min3A_87 : vector<16xi32>
    %swap3A_89 = arith.constant 96 : index
    %swap3A_90 = tpu.vector_load %arg5[%swap3A_89] {strides = array<i32>} : memref<128xi32, #tpu.memory_space<vmem>>, vector<16xi32>,
    %swap3A_91 = vector.shape_cast %swap3A_90 : vector<16xi32> to vector<16xi32>
    %swap3A_92 = vector.shape_cast %min3A_88 : vector<16xi32> to vector<16xi32>
    tpu.vector_store %arg5[%swap3A_89], %swap3A_92 {strides = array<i32>} : memref<128xi32, #tpu.memory_space<vmem>>, vector<16xi32>,
    %add3A_93 = arith.constant 112 : i32
    %add3A_94 = arith.addi %select_n3A_11, %add3A_93 : i32
    %iota3A_95 = tpu.iota {dimensions = array<i32: 0>} : vector<16xi32>
    %add3A_96 = vector.broadcast %add3A_94 : i32 to vector<16xi32>
    %add3A_97 = arith.addi %add3A_96, %iota3A_95 : vector<16xi32>
    %min3A_98 = arith.constant 2559 : i32
    %min3A_99 = vector.broadcast %min3A_98 : i32 to vector<16xi32>
    %min3A_100 = arith.minsi %add3A_97, %min3A_99 : vector<16xi32>
    %swap3A_101 = arith.constant 112 : index
    %swap3A_102 = tpu.vector_load %arg5[%swap3A_101] {strides = array<i32>} : memref<128xi32, #tpu.memory_space<vmem>>, vector<16xi32>,
    %swap3A_103 = vector.shape_cast %swap3A_102 : vector<16xi32> to vector<16xi32>
    %swap3A_104 = vector.shape_cast %min3A_100 : vector<16xi32> to vector<16xi32>
    tpu.vector_store %arg5[%swap3A_101], %swap3A_104 {strides = array<i32>} : memref<128xi32, #tpu.memory_space<vmem>>, vector<16xi32>,
    %scan3A = arith.constant 0 : i32
    %scan3A_105 = arith.constant 0 : i32
    %scan3A_106 = arith.constant 128 : i32
    %scan3A_107 = arith.addi %scan3A_105, %scan3A_106 : i32
    %scan3A_108 = arith.constant 1 : i32
    scf.for %scan3A_271 = %scan3A_105 to %scan3A_107 step %scan3A_108  : i32 {
      %broadcast_in_dim3A = arith.constant 0.000000e+00 : f32
      %broadcast_in_dim3A_272 = vector.broadcast %broadcast_in_dim3A : f32 to vector<16xf32>
      %swap3A_273 = arith.index_cast %scan3A_271 : i32 to index
      %swap3A_274 = arith.constant 0 : index
      %swap3A_275 = tpu.vector_load %arg11[%swap3A_273, %swap3A_274] {strides = array<i32>} : memref<128x128xf32, #tpu.memory_space<vmem>>, vector<1x16xf32>,
      %swap3A_276 = vector.shape_cast %swap3A_275 : vector<1x16xf32> to vector<16xf32>
      %swap3A_277 = vector.shape_cast %broadcast_in_dim3A_272 : vector<16xf32> to vector<1x16xf32>
      tpu.vector_store %arg11[%swap3A_273, %swap3A_274], %swap3A_277 {strides = array<i32>} : memref<128x128xf32, #tpu.memory_space<vmem>>, vector<1x16xf32>,
      %broadcast_in_dim3A_278 = arith.constant 0.000000e+00 : f32
      %broadcast_in_dim3A_279 = vector.broadcast %broadcast_in_dim3A_278 : f32 to vector<16xf32>
      %swap3A_280 = arith.index_cast %scan3A_271 : i32 to index
      %swap3A_281 = arith.constant 16 : index
      %swap3A_282 = tpu.vector_load %arg11[%swap3A_280, %swap3A_281] {strides = array<i32>} : memref<128x128xf32, #tpu.memory_space<vmem>>, vector<1x16xf32>,
      %swap3A_283 = vector.shape_cast %swap3A_282 : vector<1x16xf32> to vector<16xf32>
      %swap3A_284 = vector.shape_cast %broadcast_in_dim3A_279 : vector<16xf32> to vector<1x16xf32>
      tpu.vector_store %arg11[%swap3A_280, %swap3A_281], %swap3A_284 {strides = array<i32>} : memref<128x128xf32, #tpu.memory_space<vmem>>, vector<1x16xf32>,
      %broadcast_in_dim3A_285 = arith.constant 0.000000e+00 : f32
      %broadcast_in_dim3A_286 = vector.broadcast %broadcast_in_dim3A_285 : f32 to vector<16xf32>
      %swap3A_287 = arith.index_cast %scan3A_271 : i32 to index
      %swap3A_288 = arith.constant 32 : index
      %swap3A_289 = tpu.vector_load %arg11[%swap3A_287, %swap3A_288] {strides = array<i32>} : memref<128x128xf32, #tpu.memory_space<vmem>>, vector<1x16xf32>,
      %swap3A_290 = vector.shape_cast %swap3A_289 : vector<1x16xf32> to vector<16xf32>
      %swap3A_291 = vector.shape_cast %broadcast_in_dim3A_286 : vector<16xf32> to vector<1x16xf32>
      tpu.vector_store %arg11[%swap3A_287, %swap3A_288], %swap3A_291 {strides = array<i32>} : memref<128x128xf32, #tpu.memory_space<vmem>>, vector<1x16xf32>,
      %broadcast_in_dim3A_292 = arith.constant 0.000000e+00 : f32
      %broadcast_in_dim3A_293 = vector.broadcast %broadcast_in_dim3A_292 : f32 to vector<16xf32>
      %swap3A_294 = arith.index_cast %scan3A_271 : i32 to index
      %swap3A_295 = arith.constant 48 : index
      %swap3A_296 = tpu.vector_load %arg11[%swap3A_294, %swap3A_295] {strides = array<i32>} : memref<128x128xf32, #tpu.memory_space<vmem>>, vector<1x16xf32>,
      %swap3A_297 = vector.shape_cast %swap3A_296 : vector<1x16xf32> to vector<16xf32>
      %swap3A_298 = vector.shape_cast %broadcast_in_dim3A_293 : vector<16xf32> to vector<1x16xf32>
      tpu.vector_store %arg11[%swap3A_294, %swap3A_295], %swap3A_298 {strides = array<i32>} : memref<128x128xf32, #tpu.memory_space<vmem>>, vector<1x16xf32>,
      %broadcast_in_dim3A_299 = arith.constant 0.000000e+00 : f32
      %broadcast_in_dim3A_300 = vector.broadcast %broadcast_in_dim3A_299 : f32 to vector<16xf32>
      %swap3A_301 = arith.index_cast %scan3A_271 : i32 to index
      %swap3A_302 = arith.constant 64 : index
      %swap3A_303 = tpu.vector_load %arg11[%swap3A_301, %swap3A_302] {strides = array<i32>} : memref<128x128xf32, #tpu.memory_space<vmem>>, vector<1x16xf32>,
      %swap3A_304 = vector.shape_cast %swap3A_303 : vector<1x16xf32> to vector<16xf32>
      %swap3A_305 = vector.shape_cast %broadcast_in_dim3A_300 : vector<16xf32> to vector<1x16xf32>
      tpu.vector_store %arg11[%swap3A_301, %swap3A_302], %swap3A_305 {strides = array<i32>} : memref<128x128xf32, #tpu.memory_space<vmem>>, vector<1x16xf32>,
      %broadcast_in_dim3A_306 = arith.constant 0.000000e+00 : f32
      %broadcast_in_dim3A_307 = vector.broadcast %broadcast_in_dim3A_306 : f32 to vector<16xf32>
      %swap3A_308 = arith.index_cast %scan3A_271 : i32 to index
      %swap3A_309 = arith.constant 80 : index
      %swap3A_310 = tpu.vector_load %arg11[%swap3A_308, %swap3A_309] {strides = array<i32>} : memref<128x128xf32, #tpu.memory_space<vmem>>, vector<1x16xf32>,
      %swap3A_311 = vector.shape_cast %swap3A_310 : vector<1x16xf32> to vector<16xf32>
      %swap3A_312 = vector.shape_cast %broadcast_in_dim3A_307 : vector<16xf32> to vector<1x16xf32>
      tpu.vector_store %arg11[%swap3A_308, %swap3A_309], %swap3A_312 {strides = array<i32>} : memref<128x128xf32, #tpu.memory_space<vmem>>, vector<1x16xf32>,
      %broadcast_in_dim3A_313 = arith.constant 0.000000e+00 : f32
      %broadcast_in_dim3A_314 = vector.broadcast %broadcast_in_dim3A_313 : f32 to vector<16xf32>
      %swap3A_315 = arith.index_cast %scan3A_271 : i32 to index
      %swap3A_316 = arith.constant 96 : index
      %swap3A_317 = tpu.vector_load %arg11[%swap3A_315, %swap3A_316] {strides = array<i32>} : memref<128x128xf32, #tpu.memory_space<vmem>>, vector<1x16xf32>,
      %swap3A_318 = vector.shape_cast %swap3A_317 : vector<1x16xf32> to vector<16xf32>
      %swap3A_319 = vector.shape_cast %broadcast_in_dim3A_314 : vector<16xf32> to vector<1x16xf32>
      tpu.vector_store %arg11[%swap3A_315, %swap3A_316], %swap3A_319 {strides = array<i32>} : memref<128x128xf32, #tpu.memory_space<vmem>>, vector<1x16xf32>,
      %broadcast_in_dim3A_320 = arith.constant 0.000000e+00 : f32
      %broadcast_in_dim3A_321 = vector.broadcast %broadcast_in_dim3A_320 : f32 to vector<16xf32>
      %swap3A_322 = arith.index_cast %scan3A_271 : i32 to index
      %swap3A_323 = arith.constant 112 : index
      %swap3A_324 = tpu.vector_load %arg11[%swap3A_322, %swap3A_323] {strides = array<i32>} : memref<128x128xf32, #tpu.memory_space<vmem>>, vector<1x16xf32>,
      %swap3A_325 = vector.shape_cast %swap3A_324 : vector<1x16xf32> to vector<16xf32>
      %swap3A_326 = vector.shape_cast %broadcast_in_dim3A_321 : vector<16xf32> to vector<1x16xf32>
      tpu.vector_store %arg11[%swap3A_322, %swap3A_323], %swap3A_326 {strides = array<i32>} : memref<128x128xf32, #tpu.memory_space<vmem>>, vector<1x16xf32>,
    }
    %scan3A_109 = arith.constant 128 : i32
    %mul3A_110 = arith.constant 640 : i32
    %mul3A_111 = arith.muli %arg1, %mul3A_110 : i32
    %add3A_112 = arith.constant 0 : i32
    %add3A_113 = arith.addi %mul3A_111, %add3A_112 : i32
    "tpu.region"() ({
      %run_scoped3A = tpu.sem_alloc : memref<!tpu.dma_semaphore, #tpu.memory_space<semaphore_mem>>
      %dma_start3A = arith.constant 0 : i32
      %dma_start3A_271 = tpu.memref_slice %arg13[%add3A_113, %dma_start3A] : memref<10240x128xf32, #tpu.memory_space<vmem_shared>> -> memref<128x128xf32, #tpu.memory_space<vmem_shared>>
      %dma_start3A_272 = arith.constant 0 : i32
      %dma_start3A_273 = tpu.memref_slice %arg13[%add3A_113, %dma_start3A_272] : memref<10240x128xf32, #tpu.memory_space<vmem_shared>> -> memref<128x128xf32, #tpu.memory_space<vmem_shared>>
      tpu.enqueue_dma source(%arg11 : memref<128x128xf32, #tpu.memory_space<vmem>>) target(%dma_start3A_273 : memref<128x128xf32, #tpu.memory_space<vmem_shared>>) target_semaphore(%run_scoped3A : memref<!tpu.dma_semaphore, #tpu.memory_space<semaphore_mem>>)
      %dma_wait3A = arith.constant 0 : i32
      %dma_wait3A_274 = tpu.memref_slice %arg13[%add3A_113, %dma_wait3A] : memref<10240x128xf32, #tpu.memory_space<vmem_shared>> -> memref<128x128xf32, #tpu.memory_space<vmem_shared>>
      %dma_wait3A_275 = arith.constant 0 : i32
      %dma_wait3A_276 = tpu.memref_slice %arg13[%add3A_113, %dma_wait3A_275] : memref<10240x128xf32, #tpu.memory_space<vmem_shared>> -> memref<128x128xf32, #tpu.memory_space<vmem_shared>>
      tpu.wait_dma2 semaphore(%run_scoped3A : memref<!tpu.dma_semaphore, #tpu.memory_space<semaphore_mem>>) src(%arg11 : memref<128x128xf32, #tpu.memory_space<vmem>>) dst(%dma_wait3A_276 : memref<128x128xf32, #tpu.memory_space<vmem_shared>>)
      tpu.yield
    }) : () -> ()
    %mul3A_114 = arith.constant 640 : i32
    %mul3A_115 = arith.muli %arg1, %mul3A_114 : i32
    %add3A_116 = arith.constant 128 : i32
    %add3A_117 = arith.addi %mul3A_115, %add3A_116 : i32
    "tpu.region"() ({
      %run_scoped3A = tpu.sem_alloc : memref<!tpu.dma_semaphore, #tpu.memory_space<semaphore_mem>>
      %dma_start3A = arith.constant 0 : i32
      %dma_start3A_271 = tpu.memref_slice %arg13[%add3A_117, %dma_start3A] : memref<10240x128xf32, #tpu.memory_space<vmem_shared>> -> memref<128x128xf32, #tpu.memory_space<vmem_shared>>
      %dma_start3A_272 = arith.constant 0 : i32
      %dma_start3A_273 = tpu.memref_slice %arg13[%add3A_117, %dma_start3A_272] : memref<10240x128xf32, #tpu.memory_space<vmem_shared>> -> memref<128x128xf32, #tpu.memory_space<vmem_shared>>
      tpu.enqueue_dma source(%arg11 : memref<128x128xf32, #tpu.memory_space<vmem>>) target(%dma_start3A_273 : memref<128x128xf32, #tpu.memory_space<vmem_shared>>) target_semaphore(%run_scoped3A : memref<!tpu.dma_semaphore, #tpu.memory_space<semaphore_mem>>)
      %dma_wait3A = arith.constant 0 : i32
      %dma_wait3A_274 = tpu.memref_slice %arg13[%add3A_117, %dma_wait3A] : memref<10240x128xf32, #tpu.memory_space<vmem_shared>> -> memref<128x128xf32, #tpu.memory_space<vmem_shared>>
      %dma_wait3A_275 = arith.constant 0 : i32
      %dma_wait3A_276 = tpu.memref_slice %arg13[%add3A_117, %dma_wait3A_275] : memref<10240x128xf32, #tpu.memory_space<vmem_shared>> -> memref<128x128xf32, #tpu.memory_space<vmem_shared>>
      tpu.wait_dma2 semaphore(%run_scoped3A : memref<!tpu.dma_semaphore, #tpu.memory_space<semaphore_mem>>) src(%arg11 : memref<128x128xf32, #tpu.memory_space<vmem>>) dst(%dma_wait3A_276 : memref<128x128xf32, #tpu.memory_space<vmem_shared>>)
      tpu.yield
    }) : () -> ()
    %mul3A_118 = arith.constant 640 : i32
    %mul3A_119 = arith.muli %arg1, %mul3A_118 : i32
    %add3A_120 = arith.constant 256 : i32
    %add3A_121 = arith.addi %mul3A_119, %add3A_120 : i32
    "tpu.region"() ({
      %run_scoped3A = tpu.sem_alloc : memref<!tpu.dma_semaphore, #tpu.memory_space<semaphore_mem>>
      %dma_start3A = arith.constant 0 : i32
      %dma_start3A_271 = tpu.memref_slice %arg13[%add3A_121, %dma_start3A] : memref<10240x128xf32, #tpu.memory_space<vmem_shared>> -> memref<128x128xf32, #tpu.memory_space<vmem_shared>>
      %dma_start3A_272 = arith.constant 0 : i32
      %dma_start3A_273 = tpu.memref_slice %arg13[%add3A_121, %dma_start3A_272] : memref<10240x128xf32, #tpu.memory_space<vmem_shared>> -> memref<128x128xf32, #tpu.memory_space<vmem_shared>>
      tpu.enqueue_dma source(%arg11 : memref<128x128xf32, #tpu.memory_space<vmem>>) target(%dma_start3A_273 : memref<128x128xf32, #tpu.memory_space<vmem_shared>>) target_semaphore(%run_scoped3A : memref<!tpu.dma_semaphore, #tpu.memory_space<semaphore_mem>>)
      %dma_wait3A = arith.constant 0 : i32
      %dma_wait3A_274 = tpu.memref_slice %arg13[%add3A_121, %dma_wait3A] : memref<10240x128xf32, #tpu.memory_space<vmem_shared>> -> memref<128x128xf32, #tpu.memory_space<vmem_shared>>
      %dma_wait3A_275 = arith.constant 0 : i32
      %dma_wait3A_276 = tpu.memref_slice %arg13[%add3A_121, %dma_wait3A_275] : memref<10240x128xf32, #tpu.memory_space<vmem_shared>> -> memref<128x128xf32, #tpu.memory_space<vmem_shared>>
      tpu.wait_dma2 semaphore(%run_scoped3A : memref<!tpu.dma_semaphore, #tpu.memory_space<semaphore_mem>>) src(%arg11 : memref<128x128xf32, #tpu.memory_space<vmem>>) dst(%dma_wait3A_276 : memref<128x128xf32, #tpu.memory_space<vmem_shared>>)
      tpu.yield
    }) : () -> ()
    %mul3A_122 = arith.constant 640 : i32
    %mul3A_123 = arith.muli %arg1, %mul3A_122 : i32
    %add3A_124 = arith.constant 384 : i32
    %add3A_125 = arith.addi %mul3A_123, %add3A_124 : i32
    "tpu.region"() ({
      %run_scoped3A = tpu.sem_alloc : memref<!tpu.dma_semaphore, #tpu.memory_space<semaphore_mem>>
      %dma_start3A = arith.constant 0 : i32
      %dma_start3A_271 = tpu.memref_slice %arg13[%add3A_125, %dma_start3A] : memref<10240x128xf32, #tpu.memory_space<vmem_shared>> -> memref<128x128xf32, #tpu.memory_space<vmem_shared>>
      %dma_start3A_272 = arith.constant 0 : i32
      %dma_start3A_273 = tpu.memref_slice %arg13[%add3A_125, %dma_start3A_272] : memref<10240x128xf32, #tpu.memory_space<vmem_shared>> -> memref<128x128xf32, #tpu.memory_space<vmem_shared>>
      tpu.enqueue_dma source(%arg11 : memref<128x128xf32, #tpu.memory_space<vmem>>) target(%dma_start3A_273 : memref<128x128xf32, #tpu.memory_space<vmem_shared>>) target_semaphore(%run_scoped3A : memref<!tpu.dma_semaphore, #tpu.memory_space<semaphore_mem>>)
      %dma_wait3A = arith.constant 0 : i32
      %dma_wait3A_274 = tpu.memref_slice %arg13[%add3A_125, %dma_wait3A] : memref<10240x128xf32, #tpu.memory_space<vmem_shared>> -> memref<128x128xf32, #tpu.memory_space<vmem_shared>>
      %dma_wait3A_275 = arith.constant 0 : i32
      %dma_wait3A_276 = tpu.memref_slice %arg13[%add3A_125, %dma_wait3A_275] : memref<10240x128xf32, #tpu.memory_space<vmem_shared>> -> memref<128x128xf32, #tpu.memory_space<vmem_shared>>
      tpu.wait_dma2 semaphore(%run_scoped3A : memref<!tpu.dma_semaphore, #tpu.memory_space<semaphore_mem>>) src(%arg11 : memref<128x128xf32, #tpu.memory_space<vmem>>) dst(%dma_wait3A_276 : memref<128x128xf32, #tpu.memory_space<vmem_shared>>)
      tpu.yield
    }) : () -> ()
    %mul3A_126 = arith.constant 640 : i32
    %mul3A_127 = arith.muli %arg1, %mul3A_126 : i32
    %add3A_128 = arith.constant 512 : i32
    %add3A_129 = arith.addi %mul3A_127, %add3A_128 : i32
    "tpu.region"() ({
      %run_scoped3A = tpu.sem_alloc : memref<!tpu.dma_semaphore, #tpu.memory_space<semaphore_mem>>
      %dma_start3A = arith.constant 0 : i32
      %dma_start3A_271 = tpu.memref_slice %arg13[%add3A_129, %dma_start3A] : memref<10240x128xf32, #tpu.memory_space<vmem_shared>> -> memref<128x128xf32, #tpu.memory_space<vmem_shared>>
      %dma_start3A_272 = arith.constant 0 : i32
      %dma_start3A_273 = tpu.memref_slice %arg13[%add3A_129, %dma_start3A_272] : memref<10240x128xf32, #tpu.memory_space<vmem_shared>> -> memref<128x128xf32, #tpu.memory_space<vmem_shared>>
      tpu.enqueue_dma source(%arg11 : memref<128x128xf32, #tpu.memory_space<vmem>>) target(%dma_start3A_273 : memref<128x128xf32, #tpu.memory_space<vmem_shared>>) target_semaphore(%run_scoped3A : memref<!tpu.dma_semaphore, #tpu.memory_space<semaphore_mem>>)
      %dma_wait3A = arith.constant 0 : i32
      %dma_wait3A_274 = tpu.memref_slice %arg13[%add3A_129, %dma_wait3A] : memref<10240x128xf32, #tpu.memory_space<vmem_shared>> -> memref<128x128xf32, #tpu.memory_space<vmem_shared>>
      %dma_wait3A_275 = arith.constant 0 : i32
      %dma_wait3A_276 = tpu.memref_slice %arg13[%add3A_129, %dma_wait3A_275] : memref<10240x128xf32, #tpu.memory_space<vmem_shared>> -> memref<128x128xf32, #tpu.memory_space<vmem_shared>>
      tpu.wait_dma2 semaphore(%run_scoped3A : memref<!tpu.dma_semaphore, #tpu.memory_space<semaphore_mem>>) src(%arg11 : memref<128x128xf32, #tpu.memory_space<vmem>>) dst(%dma_wait3A_276 : memref<128x128xf32, #tpu.memory_space<vmem_shared>>)
      tpu.yield
    }) : () -> ()
    %barrier3A = arith.constant 0 : index
    tpu.barrier barrier_id(%barrier3A)
    %gt3A = arith.constant 0 : i32
    %gt3A_130 = arith.cmpi sgt, %select_n3A, %gt3A : i32
    %convert_element_type3A = arith.extui %gt3A_130 : i1 to i32
    %cond3A = arith.constant 0 : i32
    %cond3A_131 = arith.cmpi ne, %convert_element_type3A, %cond3A : i32
    scf.if %cond3A_131 {
      %dma_start3A = arith.constant 0 : i32
      %dma_start3A_271 = tpu.memref_slice %arg5[%dma_start3A] : memref<128xi32, #tpu.memory_space<vmem>> -> memref<40xi32, #tpu.memory_space<vmem>>
      %dma_start3A_272 = arith.constant 0 : i32
      %dma_start3A_273 = arith.constant 0 : i32
      %dma_start3A_274 = tpu.memref_slice %arg2[%dma_start3A_272, %dma_start3A_273] : memref<2560x128xi32, #tpu.memory_space<hbm>> -> memref<2560x128xi32, #tpu.memory_space<hbm>>
      tpu.enqueue_indirect_dma source(%dma_start3A_274 : memref<2560x128xi32, #tpu.memory_space<hbm>>) target(%arg6 : memref<40x128xi32, #tpu.memory_space<vmem>>) offsets(%dma_start3A_271 : memref<40xi32, #tpu.memory_space<vmem>>) semaphore(%arg16 : memref<!tpu.dma_semaphore, #tpu.memory_space<semaphore_mem>>)
      %dma_wait3A = arith.constant 0 : i32
      %dma_wait3A_275 = tpu.memref_slice %arg5[%dma_wait3A] : memref<128xi32, #tpu.memory_space<vmem>> -> memref<40xi32, #tpu.memory_space<vmem>>
      %dma_wait3A_276 = arith.constant 0 : i32
      %dma_wait3A_277 = arith.constant 0 : i32
      %dma_wait3A_278 = tpu.memref_slice %arg2[%dma_wait3A_276, %dma_wait3A_277] : memref<2560x128xi32, #tpu.memory_space<hbm>> -> memref<2560x128xi32, #tpu.memory_space<hbm>>
      tpu.wait_indirect_dma semaphore(%arg16 : memref<!tpu.dma_semaphore, #tpu.memory_space<semaphore_mem>>) src(%dma_wait3A_278 : memref<2560x128xi32, #tpu.memory_space<hbm>>) dst(%arg6 : memref<40x128xi32, #tpu.memory_space<vmem>>)
    } else {
    }
    %scan3A_132 = arith.constant 0 : i32
    %scan3A_133 = arith.constant 0 : i32
    %scan3A_134 = arith.constant 20 : i32
    %scan3A_135 = arith.addi %scan3A_133, %scan3A_134 : i32
    %scan3A_136 = arith.constant 1 : i32
    scf.for %scan3A_271 = %scan3A_133 to %scan3A_135 step %scan3A_136  : i32 {
      %mul3A_272 = arith.constant 2 : i32
      %mul3A_273 = arith.muli %scan3A_271, %mul3A_272 : i32
      %add3A_274 = arith.constant 0 : i32
      %add3A_275 = arith.addi %add3A_274, %mul3A_273 : i32
      %add3A_276 = arith.constant 0 : i32
      %add3A_277 = arith.addi %add3A_275, %add3A_276 : i32
      %ge3A_278 = arith.constant 2 : i32
      %ge3A_279 = arith.cmpi sge, %add3A_277, %ge3A_278 : i32
      %sub3A_280 = arith.constant 2 : i32
      %sub3A_281 = arith.subi %add3A_277, %sub3A_280 : i32
      %lt3A_282 = arith.cmpi slt, %sub3A_281, %select_n3A : i32
      %and3A_283 = arith.andi %ge3A_279, %lt3A_282 : i1
      %convert_element_type3A_284 = arith.extui %and3A_283 : i1 to i32
      %cond3A_285 = arith.constant 0 : i32
      %cond3A_286 = arith.cmpi ne, %convert_element_type3A_284, %cond3A_285 : i32
      scf.if %cond3A_286 {
        %dma_wait3A = arith.constant 0 : i32
        %dma_wait3A_328 = arith.constant 0 : i32
        %dma_wait3A_329 = tpu.memref_slice %arg13[%dma_wait3A, %dma_wait3A_328] : memref<10240x128xf32, #tpu.memory_space<vmem_shared>> -> memref<10240x128xf32, #tpu.memory_space<vmem_shared>>
        tpu.wait_indirect_dma semaphore(%arg15 : memref<!tpu.dma_semaphore, #tpu.memory_space<semaphore_mem>>) src(%arg11 : memref<128x128xf32, #tpu.memory_space<vmem>>) dst(%dma_wait3A_329 : memref<10240x128xf32, #tpu.memory_space<vmem_shared>>)
      } else {
      }
      %lt3A_287 = arith.cmpi slt, %add3A_277, %select_n3A : i32
      %convert_element_type3A_288 = arith.extui %lt3A_287 : i1 to i32
      %cond3A_289 = arith.constant 0 : i32
      %cond3A_290 = arith.cmpi ne, %convert_element_type3A_288, %cond3A_289 : i32
      scf.if %cond3A_290 {
        %scan3A_328 = arith.constant 0 : i32
        %scan3A_329 = arith.constant 0 : i32
        %scan3A_330 = arith.constant 8 : i32
        %scan3A_331 = arith.addi %scan3A_329, %scan3A_330 : i32
        %scan3A_332 = arith.constant 1 : i32
        scf.for %scan3A_336 = %scan3A_329 to %scan3A_331 step %scan3A_332  : i32 {
          %sub3A_337 = arith.constant 0 : i32
          %sub3A_338 = arith.subi %add3A_277, %sub3A_337 : i32
          %mul3A_339 = arith.constant 16 : i32
          %mul3A_340 = arith.muli %scan3A_336, %mul3A_339 : i32
          %get3A = arith.index_cast %sub3A_338 : i32 to index
          %get3A_341 = arith.index_cast %mul3A_340 : i32 to index
          %get3A_342 = tpu.vector_load %arg6[%get3A, %get3A_341] {strides = array<i32>} : memref<40x128xi32, #tpu.memory_space<vmem>>, vector<1x16xi32>,
          %get3A_343 = vector.shape_cast %get3A_342 : vector<1x16xi32> to vector<16xi32>
          %shift_right_logical3A = arith.constant 14 : i32
          %shift_right_logical3A_344 = vector.broadcast %shift_right_logical3A : i32 to vector<16xi32>
          %shift_right_logical3A_345 = arith.shrui %get3A_343, %shift_right_logical3A_344 : vector<16xi32>
          %mul3A_346 = arith.constant 16 : i32
          %mul3A_347 = arith.muli %scan3A_336, %mul3A_346 : i32
          %swap3A_348 = arith.index_cast %mul3A_347 : i32 to index
          %swap3A_349 = tpu.vector_load %arg7[%swap3A_348] {strides = array<i32>} : memref<128xi32, #tpu.memory_space<vmem>>, vector<16xi32>,
          %swap3A_350 = vector.shape_cast %swap3A_349 : vector<16xi32> to vector<16xi32>
          %swap3A_351 = vector.shape_cast %shift_right_logical3A_345 : vector<16xi32> to vector<16xi32>
          tpu.vector_store %arg7[%swap3A_348], %swap3A_351 {strides = array<i32>} : memref<128xi32, #tpu.memory_space<vmem>>, vector<16xi32>,
          %and3A_352 = arith.constant 16383 : i32
          %and3A_353 = vector.broadcast %and3A_352 : i32 to vector<16xi32>
          %and3A_354 = arith.andi %get3A_343, %and3A_353 : vector<16xi32>
          %mul3A_355 = arith.constant 16 : i32
          %mul3A_356 = arith.muli %scan3A_336, %mul3A_355 : i32
          %swap3A_357 = arith.index_cast %mul3A_356 : i32 to index
          %swap3A_358 = tpu.vector_load %arg9[%swap3A_357] {strides = array<i32>} : memref<128xi32, #tpu.memory_space<vmem>>, vector<16xi32>,
          %swap3A_359 = vector.shape_cast %swap3A_358 : vector<16xi32> to vector<16xi32>
          %swap3A_360 = vector.shape_cast %and3A_354 : vector<16xi32> to vector<16xi32>
          tpu.vector_store %arg9[%swap3A_357], %swap3A_360 {strides = array<i32>} : memref<128xi32, #tpu.memory_space<vmem>>, vector<16xi32>,
        }
        %scan3A_333 = arith.constant 8 : i32
        %dma_start3A = arith.constant 0 : i32
        %dma_start3A_334 = arith.constant 0 : i32
        %dma_start3A_335 = tpu.memref_slice %arg3[%dma_start3A, %dma_start3A_334] : memref<10000x128xf32, #tpu.memory_space<hbm>> -> memref<10000x128xf32, #tpu.memory_space<hbm>>
        tpu.enqueue_indirect_dma source(%dma_start3A_335 : memref<10000x128xf32, #tpu.memory_space<hbm>>) target(%arg11 : memref<128x128xf32, #tpu.memory_space<vmem>>) offsets(%arg7 : memref<128xi32, #tpu.memory_space<vmem>>) semaphore(%arg14 : memref<!tpu.dma_semaphore, #tpu.memory_space<semaphore_mem>>)
      } else {
      }
      %sub3A_291 = arith.constant 1 : i32
      %sub3A_292 = arith.subi %add3A_277, %sub3A_291 : i32
      %ge3A_293 = arith.constant 0 : i32
      %ge3A_294 = arith.cmpi sge, %sub3A_292, %ge3A_293 : i32
      %lt3A_295 = arith.cmpi slt, %sub3A_292, %select_n3A : i32
      %and3A_296 = arith.andi %ge3A_294, %lt3A_295 : i1
      %convert_element_type3A_297 = arith.extui %and3A_296 : i1 to i32
      %cond3A_298 = arith.constant 0 : i32
      %cond3A_299 = arith.cmpi ne, %convert_element_type3A_297, %cond3A_298 : i32
      scf.if %cond3A_299 {
        %dma_wait3A = arith.constant 0 : i32
        %dma_wait3A_328 = arith.constant 0 : i32
        %dma_wait3A_329 = tpu.memref_slice %arg3[%dma_wait3A, %dma_wait3A_328] : memref<10000x128xf32, #tpu.memory_space<hbm>> -> memref<10000x128xf32, #tpu.memory_space<hbm>>
        tpu.wait_indirect_dma semaphore(%arg14 : memref<!tpu.dma_semaphore, #tpu.memory_space<semaphore_mem>>) src(%dma_wait3A_329 : memref<10000x128xf32, #tpu.memory_space<hbm>>) dst(%arg12 : memref<128x128xf32, #tpu.memory_space<vmem>>)
        %dma_start3A = arith.constant 0 : i32
        %dma_start3A_330 = arith.constant 0 : i32
        %dma_start3A_331 = tpu.memref_slice %arg13[%dma_start3A, %dma_start3A_330] : memref<10240x128xf32, #tpu.memory_space<vmem_shared>> -> memref<10240x128xf32, #tpu.memory_space<vmem_shared>>
        tpu.enqueue_indirect_dma source(%arg12 : memref<128x128xf32, #tpu.memory_space<vmem>>) target(%dma_start3A_331 : memref<10240x128xf32, #tpu.memory_space<vmem_shared>>) offsets(%arg10 : memref<128xi32, #tpu.memory_space<vmem>>) semaphore(%arg15 : memref<!tpu.dma_semaphore, #tpu.memory_space<semaphore_mem>>) {add = true}
      } else {
      }
      %mul3A_300 = arith.constant 2 : i32
      %mul3A_301 = arith.muli %scan3A_271, %mul3A_300 : i32
      %add3A_302 = arith.constant 0 : i32
      %add3A_303 = arith.addi %add3A_302, %mul3A_301 : i32
      %add3A_304 = arith.constant 1 : i32
      %add3A_305 = arith.addi %add3A_303, %add3A_304 : i32
      %ge3A_306 = arith.constant 2 : i32
      %ge3A_307 = arith.cmpi sge, %add3A_305, %ge3A_306 : i32
      %sub3A_308 = arith.constant 2 : i32
      %sub3A_309 = arith.subi %add3A_305, %sub3A_308 : i32
      %lt3A_310 = arith.cmpi slt, %sub3A_309, %select_n3A : i32
      %and3A_311 = arith.andi %ge3A_307, %lt3A_310 : i1
      %convert_element_type3A_312 = arith.extui %and3A_311 : i1 to i32
      %cond3A_313 = arith.constant 0 : i32
      %cond3A_314 = arith.cmpi ne, %convert_element_type3A_312, %cond3A_313 : i32
      scf.if %cond3A_314 {
        %dma_wait3A = arith.constant 0 : i32
        %dma_wait3A_328 = arith.constant 0 : i32
        %dma_wait3A_329 = tpu.memref_slice %arg13[%dma_wait3A, %dma_wait3A_328] : memref<10240x128xf32, #tpu.memory_space<vmem_shared>> -> memref<10240x128xf32, #tpu.memory_space<vmem_shared>>
        tpu.wait_indirect_dma semaphore(%arg15 : memref<!tpu.dma_semaphore, #tpu.memory_space<semaphore_mem>>) src(%arg12 : memref<128x128xf32, #tpu.memory_space<vmem>>) dst(%dma_wait3A_329 : memref<10240x128xf32, #tpu.memory_space<vmem_shared>>)
      } else {
      }
      %lt3A_315 = arith.cmpi slt, %add3A_305, %select_n3A : i32
      %convert_element_type3A_316 = arith.extui %lt3A_315 : i1 to i32
      %cond3A_317 = arith.constant 0 : i32
      %cond3A_318 = arith.cmpi ne, %convert_element_type3A_316, %cond3A_317 : i32
      scf.if %cond3A_318 {
        %scan3A_328 = arith.constant 0 : i32
        %scan3A_329 = arith.constant 0 : i32
        %scan3A_330 = arith.constant 8 : i32
        %scan3A_331 = arith.addi %scan3A_329, %scan3A_330 : i32
        %scan3A_332 = arith.constant 1 : i32
        scf.for %scan3A_336 = %scan3A_329 to %scan3A_331 step %scan3A_332  : i32 {
          %sub3A_337 = arith.constant 0 : i32
          %sub3A_338 = arith.subi %add3A_305, %sub3A_337 : i32
          %mul3A_339 = arith.constant 16 : i32
          %mul3A_340 = arith.muli %scan3A_336, %mul3A_339 : i32
          %get3A = arith.index_cast %sub3A_338 : i32 to index
          %get3A_341 = arith.index_cast %mul3A_340 : i32 to index
          %get3A_342 = tpu.vector_load %arg6[%get3A, %get3A_341] {strides = array<i32>} : memref<40x128xi32, #tpu.memory_space<vmem>>, vector<1x16xi32>,
          %get3A_343 = vector.shape_cast %get3A_342 : vector<1x16xi32> to vector<16xi32>
          %shift_right_logical3A = arith.constant 14 : i32
          %shift_right_logical3A_344 = vector.broadcast %shift_right_logical3A : i32 to vector<16xi32>
          %shift_right_logical3A_345 = arith.shrui %get3A_343, %shift_right_logical3A_344 : vector<16xi32>
          %mul3A_346 = arith.constant 16 : i32
          %mul3A_347 = arith.muli %scan3A_336, %mul3A_346 : i32
          %swap3A_348 = arith.index_cast %mul3A_347 : i32 to index
          %swap3A_349 = tpu.vector_load %arg8[%swap3A_348] {strides = array<i32>} : memref<128xi32, #tpu.memory_space<vmem>>, vector<16xi32>,
          %swap3A_350 = vector.shape_cast %swap3A_349 : vector<16xi32> to vector<16xi32>
          %swap3A_351 = vector.shape_cast %shift_right_logical3A_345 : vector<16xi32> to vector<16xi32>
          tpu.vector_store %arg8[%swap3A_348], %swap3A_351 {strides = array<i32>} : memref<128xi32, #tpu.memory_space<vmem>>, vector<16xi32>,
          %and3A_352 = arith.constant 16383 : i32
          %and3A_353 = vector.broadcast %and3A_352 : i32 to vector<16xi32>
          %and3A_354 = arith.andi %get3A_343, %and3A_353 : vector<16xi32>
          %mul3A_355 = arith.constant 16 : i32
          %mul3A_356 = arith.muli %scan3A_336, %mul3A_355 : i32
          %swap3A_357 = arith.index_cast %mul3A_356 : i32 to index
          %swap3A_358 = tpu.vector_load %arg10[%swap3A_357] {strides = array<i32>} : memref<128xi32, #tpu.memory_space<vmem>>, vector<16xi32>,
          %swap3A_359 = vector.shape_cast %swap3A_358 : vector<16xi32> to vector<16xi32>
          %swap3A_360 = vector.shape_cast %and3A_354 : vector<16xi32> to vector<16xi32>
          tpu.vector_store %arg10[%swap3A_357], %swap3A_360 {strides = array<i32>} : memref<128xi32, #tpu.memory_space<vmem>>, vector<16xi32>,
        }
        %scan3A_333 = arith.constant 8 : i32
        %dma_start3A = arith.constant 0 : i32
        %dma_start3A_334 = arith.constant 0 : i32
        %dma_start3A_335 = tpu.memref_slice %arg3[%dma_start3A, %dma_start3A_334] : memref<10000x128xf32, #tpu.memory_space<hbm>> -> memref<10000x128xf32, #tpu.memory_space<hbm>>
        tpu.enqueue_indirect_dma source(%dma_start3A_335 : memref<10000x128xf32, #tpu.memory_space<hbm>>) target(%arg12 : memref<128x128xf32, #tpu.memory_space<vmem>>) offsets(%arg8 : memref<128xi32, #tpu.memory_space<vmem>>) semaphore(%arg14 : memref<!tpu.dma_semaphore, #tpu.memory_space<semaphore_mem>>)
      } else {
      }
      %sub3A_319 = arith.constant 1 : i32
      %sub3A_320 = arith.subi %add3A_305, %sub3A_319 : i32
      %ge3A_321 = arith.constant 0 : i32
      %ge3A_322 = arith.cmpi sge, %sub3A_320, %ge3A_321 : i32
      %lt3A_323 = arith.cmpi slt, %sub3A_320, %select_n3A : i32
      %and3A_324 = arith.andi %ge3A_322, %lt3A_323 : i1
      %convert_element_type3A_325 = arith.extui %and3A_324 : i1 to i32
      %cond3A_326 = arith.constant 0 : i32
      %cond3A_327 = arith.cmpi ne, %convert_element_type3A_325, %cond3A_326 : i32
      scf.if %cond3A_327 {
        %dma_wait3A = arith.constant 0 : i32
        %dma_wait3A_328 = arith.constant 0 : i32
        %dma_wait3A_329 = tpu.memref_slice %arg3[%dma_wait3A, %dma_wait3A_328] : memref<10000x128xf32, #tpu.memory_space<hbm>> -> memref<10000x128xf32, #tpu.memory_space<hbm>>
        tpu.wait_indirect_dma semaphore(%arg14 : memref<!tpu.dma_semaphore, #tpu.memory_space<semaphore_mem>>) src(%dma_wait3A_329 : memref<10000x128xf32, #tpu.memory_space<hbm>>) dst(%arg11 : memref<128x128xf32, #tpu.memory_space<vmem>>)
        %dma_start3A = arith.constant 0 : i32
        %dma_start3A_330 = arith.constant 0 : i32
        %dma_start3A_331 = tpu.memref_slice %arg13[%dma_start3A, %dma_start3A_330] : memref<10240x128xf32, #tpu.memory_space<vmem_shared>> -> memref<10240x128xf32, #tpu.memory_space<vmem_shared>>
        tpu.enqueue_indirect_dma source(%arg11 : memref<128x128xf32, #tpu.memory_space<vmem>>) target(%dma_start3A_331 : memref<10240x128xf32, #tpu.memory_space<vmem_shared>>) offsets(%arg9 : memref<128xi32, #tpu.memory_space<vmem>>) semaphore(%arg15 : memref<!tpu.dma_semaphore, #tpu.memory_space<semaphore_mem>>) {add = true}
      } else {
      }
    }
    %scan3A_137 = arith.constant 20 : i32
    %gt3A_138 = arith.constant 40 : i32
    %gt3A_139 = arith.cmpi sgt, %select_n3A, %gt3A_138 : i32
    %convert_element_type3A_140 = arith.extui %gt3A_139 : i1 to i32
    %cond3A_141 = arith.constant 0 : i32
    %cond3A_142 = arith.cmpi ne, %convert_element_type3A_140, %cond3A_141 : i32
    scf.if %cond3A_142 {
      %dma_start3A = arith.constant 40 : i32
      %dma_start3A_271 = tpu.memref_slice %arg5[%dma_start3A] : memref<128xi32, #tpu.memory_space<vmem>> -> memref<40xi32, #tpu.memory_space<vmem>>
      %dma_start3A_272 = arith.constant 0 : i32
      %dma_start3A_273 = arith.constant 0 : i32
      %dma_start3A_274 = tpu.memref_slice %arg2[%dma_start3A_272, %dma_start3A_273] : memref<2560x128xi32, #tpu.memory_space<hbm>> -> memref<2560x128xi32, #tpu.memory_space<hbm>>
      tpu.enqueue_indirect_dma source(%dma_start3A_274 : memref<2560x128xi32, #tpu.memory_space<hbm>>) target(%arg6 : memref<40x128xi32, #tpu.memory_space<vmem>>) offsets(%dma_start3A_271 : memref<40xi32, #tpu.memory_space<vmem>>) semaphore(%arg16 : memref<!tpu.dma_semaphore, #tpu.memory_space<semaphore_mem>>)
      %dma_wait3A = arith.constant 40 : i32
      %dma_wait3A_275 = tpu.memref_slice %arg5[%dma_wait3A] : memref<128xi32, #tpu.memory_space<vmem>> -> memref<40xi32, #tpu.memory_space<vmem>>
      %dma_wait3A_276 = arith.constant 0 : i32
      %dma_wait3A_277 = arith.constant 0 : i32
      %dma_wait3A_278 = tpu.memref_slice %arg2[%dma_wait3A_276, %dma_wait3A_277] : memref<2560x128xi32, #tpu.memory_space<hbm>> -> memref<2560x128xi32, #tpu.memory_space<hbm>>
      tpu.wait_indirect_dma semaphore(%arg16 : memref<!tpu.dma_semaphore, #tpu.memory_space<semaphore_mem>>) src(%dma_wait3A_278 : memref<2560x128xi32, #tpu.memory_space<hbm>>) dst(%arg6 : memref<40x128xi32, #tpu.memory_space<vmem>>)
    } else {
    }
    %scan3A_143 = arith.constant 0 : i32
    %scan3A_144 = arith.constant 0 : i32
    %scan3A_145 = arith.constant 20 : i32
    %scan3A_146 = arith.addi %scan3A_144, %scan3A_145 : i32
    %scan3A_147 = arith.constant 1 : i32
    scf.for %scan3A_271 = %scan3A_144 to %scan3A_146 step %scan3A_147  : i32 {
      %mul3A_272 = arith.constant 2 : i32
      %mul3A_273 = arith.muli %scan3A_271, %mul3A_272 : i32
      %add3A_274 = arith.constant 40 : i32
      %add3A_275 = arith.addi %add3A_274, %mul3A_273 : i32
      %add3A_276 = arith.constant 0 : i32
      %add3A_277 = arith.addi %add3A_275, %add3A_276 : i32
      %ge3A_278 = arith.constant 2 : i32
      %ge3A_279 = arith.cmpi sge, %add3A_277, %ge3A_278 : i32
      %sub3A_280 = arith.constant 2 : i32
      %sub3A_281 = arith.subi %add3A_277, %sub3A_280 : i32
      %lt3A_282 = arith.cmpi slt, %sub3A_281, %select_n3A : i32
      %and3A_283 = arith.andi %ge3A_279, %lt3A_282 : i1
      %convert_element_type3A_284 = arith.extui %and3A_283 : i1 to i32
      %cond3A_285 = arith.constant 0 : i32
      %cond3A_286 = arith.cmpi ne, %convert_element_type3A_284, %cond3A_285 : i32
      scf.if %cond3A_286 {
        %dma_wait3A = arith.constant 0 : i32
        %dma_wait3A_328 = arith.constant 0 : i32
        %dma_wait3A_329 = tpu.memref_slice %arg13[%dma_wait3A, %dma_wait3A_328] : memref<10240x128xf32, #tpu.memory_space<vmem_shared>> -> memref<10240x128xf32, #tpu.memory_space<vmem_shared>>
        tpu.wait_indirect_dma semaphore(%arg15 : memref<!tpu.dma_semaphore, #tpu.memory_space<semaphore_mem>>) src(%arg11 : memref<128x128xf32, #tpu.memory_space<vmem>>) dst(%dma_wait3A_329 : memref<10240x128xf32, #tpu.memory_space<vmem_shared>>)
      } else {
      }
      %lt3A_287 = arith.cmpi slt, %add3A_277, %select_n3A : i32
      %convert_element_type3A_288 = arith.extui %lt3A_287 : i1 to i32
      %cond3A_289 = arith.constant 0 : i32
      %cond3A_290 = arith.cmpi ne, %convert_element_type3A_288, %cond3A_289 : i32
      scf.if %cond3A_290 {
        %scan3A_328 = arith.constant 0 : i32
        %scan3A_329 = arith.constant 0 : i32
        %scan3A_330 = arith.constant 8 : i32
        %scan3A_331 = arith.addi %scan3A_329, %scan3A_330 : i32
        %scan3A_332 = arith.constant 1 : i32
        scf.for %scan3A_336 = %scan3A_329 to %scan3A_331 step %scan3A_332  : i32 {
          %sub3A_337 = arith.constant 40 : i32
          %sub3A_338 = arith.subi %add3A_277, %sub3A_337 : i32
          %mul3A_339 = arith.constant 16 : i32
          %mul3A_340 = arith.muli %scan3A_336, %mul3A_339 : i32
          %get3A = arith.index_cast %sub3A_338 : i32 to index
          %get3A_341 = arith.index_cast %mul3A_340 : i32 to index
          %get3A_342 = tpu.vector_load %arg6[%get3A, %get3A_341] {strides = array<i32>} : memref<40x128xi32, #tpu.memory_space<vmem>>, vector<1x16xi32>,
          %get3A_343 = vector.shape_cast %get3A_342 : vector<1x16xi32> to vector<16xi32>
          %shift_right_logical3A = arith.constant 14 : i32
          %shift_right_logical3A_344 = vector.broadcast %shift_right_logical3A : i32 to vector<16xi32>
          %shift_right_logical3A_345 = arith.shrui %get3A_343, %shift_right_logical3A_344 : vector<16xi32>
          %mul3A_346 = arith.constant 16 : i32
          %mul3A_347 = arith.muli %scan3A_336, %mul3A_346 : i32
          %swap3A_348 = arith.index_cast %mul3A_347 : i32 to index
          %swap3A_349 = tpu.vector_load %arg7[%swap3A_348] {strides = array<i32>} : memref<128xi32, #tpu.memory_space<vmem>>, vector<16xi32>,
          %swap3A_350 = vector.shape_cast %swap3A_349 : vector<16xi32> to vector<16xi32>
          %swap3A_351 = vector.shape_cast %shift_right_logical3A_345 : vector<16xi32> to vector<16xi32>
          tpu.vector_store %arg7[%swap3A_348], %swap3A_351 {strides = array<i32>} : memref<128xi32, #tpu.memory_space<vmem>>, vector<16xi32>,
          %and3A_352 = arith.constant 16383 : i32
          %and3A_353 = vector.broadcast %and3A_352 : i32 to vector<16xi32>
          %and3A_354 = arith.andi %get3A_343, %and3A_353 : vector<16xi32>
          %mul3A_355 = arith.constant 16 : i32
          %mul3A_356 = arith.muli %scan3A_336, %mul3A_355 : i32
          %swap3A_357 = arith.index_cast %mul3A_356 : i32 to index
          %swap3A_358 = tpu.vector_load %arg9[%swap3A_357] {strides = array<i32>} : memref<128xi32, #tpu.memory_space<vmem>>, vector<16xi32>,
          %swap3A_359 = vector.shape_cast %swap3A_358 : vector<16xi32> to vector<16xi32>
          %swap3A_360 = vector.shape_cast %and3A_354 : vector<16xi32> to vector<16xi32>
          tpu.vector_store %arg9[%swap3A_357], %swap3A_360 {strides = array<i32>} : memref<128xi32, #tpu.memory_space<vmem>>, vector<16xi32>,
        }
        %scan3A_333 = arith.constant 8 : i32
        %dma_start3A = arith.constant 0 : i32
        %dma_start3A_334 = arith.constant 0 : i32
        %dma_start3A_335 = tpu.memref_slice %arg3[%dma_start3A, %dma_start3A_334] : memref<10000x128xf32, #tpu.memory_space<hbm>> -> memref<10000x128xf32, #tpu.memory_space<hbm>>
        tpu.enqueue_indirect_dma source(%dma_start3A_335 : memref<10000x128xf32, #tpu.memory_space<hbm>>) target(%arg11 : memref<128x128xf32, #tpu.memory_space<vmem>>) offsets(%arg7 : memref<128xi32, #tpu.memory_space<vmem>>) semaphore(%arg14 : memref<!tpu.dma_semaphore, #tpu.memory_space<semaphore_mem>>)
      } else {
      }
      %sub3A_291 = arith.constant 1 : i32
      %sub3A_292 = arith.subi %add3A_277, %sub3A_291 : i32
      %ge3A_293 = arith.constant 0 : i32
      %ge3A_294 = arith.cmpi sge, %sub3A_292, %ge3A_293 : i32
      %lt3A_295 = arith.cmpi slt, %sub3A_292, %select_n3A : i32
      %and3A_296 = arith.andi %ge3A_294, %lt3A_295 : i1
      %convert_element_type3A_297 = arith.extui %and3A_296 : i1 to i32
      %cond3A_298 = arith.constant 0 : i32
      %cond3A_299 = arith.cmpi ne, %convert_element_type3A_297, %cond3A_298 : i32
      scf.if %cond3A_299 {
        %dma_wait3A = arith.constant 0 : i32
        %dma_wait3A_328 = arith.constant 0 : i32
        %dma_wait3A_329 = tpu.memref_slice %arg3[%dma_wait3A, %dma_wait3A_328] : memref<10000x128xf32, #tpu.memory_space<hbm>> -> memref<10000x128xf32, #tpu.memory_space<hbm>>
        tpu.wait_indirect_dma semaphore(%arg14 : memref<!tpu.dma_semaphore, #tpu.memory_space<semaphore_mem>>) src(%dma_wait3A_329 : memref<10000x128xf32, #tpu.memory_space<hbm>>) dst(%arg12 : memref<128x128xf32, #tpu.memory_space<vmem>>)
        %dma_start3A = arith.constant 0 : i32
        %dma_start3A_330 = arith.constant 0 : i32
        %dma_start3A_331 = tpu.memref_slice %arg13[%dma_start3A, %dma_start3A_330] : memref<10240x128xf32, #tpu.memory_space<vmem_shared>> -> memref<10240x128xf32, #tpu.memory_space<vmem_shared>>
        tpu.enqueue_indirect_dma source(%arg12 : memref<128x128xf32, #tpu.memory_space<vmem>>) target(%dma_start3A_331 : memref<10240x128xf32, #tpu.memory_space<vmem_shared>>) offsets(%arg10 : memref<128xi32, #tpu.memory_space<vmem>>) semaphore(%arg15 : memref<!tpu.dma_semaphore, #tpu.memory_space<semaphore_mem>>) {add = true}
      } else {
      }
      %mul3A_300 = arith.constant 2 : i32
      %mul3A_301 = arith.muli %scan3A_271, %mul3A_300 : i32
      %add3A_302 = arith.constant 40 : i32
      %add3A_303 = arith.addi %add3A_302, %mul3A_301 : i32
      %add3A_304 = arith.constant 1 : i32
      %add3A_305 = arith.addi %add3A_303, %add3A_304 : i32
      %ge3A_306 = arith.constant 2 : i32
      %ge3A_307 = arith.cmpi sge, %add3A_305, %ge3A_306 : i32
      %sub3A_308 = arith.constant 2 : i32
      %sub3A_309 = arith.subi %add3A_305, %sub3A_308 : i32
      %lt3A_310 = arith.cmpi slt, %sub3A_309, %select_n3A : i32
      %and3A_311 = arith.andi %ge3A_307, %lt3A_310 : i1
      %convert_element_type3A_312 = arith.extui %and3A_311 : i1 to i32
      %cond3A_313 = arith.constant 0 : i32
      %cond3A_314 = arith.cmpi ne, %convert_element_type3A_312, %cond3A_313 : i32
      scf.if %cond3A_314 {
        %dma_wait3A = arith.constant 0 : i32
        %dma_wait3A_328 = arith.constant 0 : i32
        %dma_wait3A_329 = tpu.memref_slice %arg13[%dma_wait3A, %dma_wait3A_328] : memref<10240x128xf32, #tpu.memory_space<vmem_shared>> -> memref<10240x128xf32, #tpu.memory_space<vmem_shared>>
        tpu.wait_indirect_dma semaphore(%arg15 : memref<!tpu.dma_semaphore, #tpu.memory_space<semaphore_mem>>) src(%arg12 : memref<128x128xf32, #tpu.memory_space<vmem>>) dst(%dma_wait3A_329 : memref<10240x128xf32, #tpu.memory_space<vmem_shared>>)
      } else {
      }
      %lt3A_315 = arith.cmpi slt, %add3A_305, %select_n3A : i32
      %convert_element_type3A_316 = arith.extui %lt3A_315 : i1 to i32
      %cond3A_317 = arith.constant 0 : i32
      %cond3A_318 = arith.cmpi ne, %convert_element_type3A_316, %cond3A_317 : i32
      scf.if %cond3A_318 {
        %scan3A_328 = arith.constant 0 : i32
        %scan3A_329 = arith.constant 0 : i32
        %scan3A_330 = arith.constant 8 : i32
        %scan3A_331 = arith.addi %scan3A_329, %scan3A_330 : i32
        %scan3A_332 = arith.constant 1 : i32
        scf.for %scan3A_336 = %scan3A_329 to %scan3A_331 step %scan3A_332  : i32 {
          %sub3A_337 = arith.constant 40 : i32
          %sub3A_338 = arith.subi %add3A_305, %sub3A_337 : i32
          %mul3A_339 = arith.constant 16 : i32
          %mul3A_340 = arith.muli %scan3A_336, %mul3A_339 : i32
          %get3A = arith.index_cast %sub3A_338 : i32 to index
          %get3A_341 = arith.index_cast %mul3A_340 : i32 to index
          %get3A_342 = tpu.vector_load %arg6[%get3A, %get3A_341] {strides = array<i32>} : memref<40x128xi32, #tpu.memory_space<vmem>>, vector<1x16xi32>,
          %get3A_343 = vector.shape_cast %get3A_342 : vector<1x16xi32> to vector<16xi32>
          %shift_right_logical3A = arith.constant 14 : i32
          %shift_right_logical3A_344 = vector.broadcast %shift_right_logical3A : i32 to vector<16xi32>
          %shift_right_logical3A_345 = arith.shrui %get3A_343, %shift_right_logical3A_344 : vector<16xi32>
          %mul3A_346 = arith.constant 16 : i32
          %mul3A_347 = arith.muli %scan3A_336, %mul3A_346 : i32
          %swap3A_348 = arith.index_cast %mul3A_347 : i32 to index
          %swap3A_349 = tpu.vector_load %arg8[%swap3A_348] {strides = array<i32>} : memref<128xi32, #tpu.memory_space<vmem>>, vector<16xi32>,
          %swap3A_350 = vector.shape_cast %swap3A_349 : vector<16xi32> to vector<16xi32>
          %swap3A_351 = vector.shape_cast %shift_right_logical3A_345 : vector<16xi32> to vector<16xi32>
          tpu.vector_store %arg8[%swap3A_348], %swap3A_351 {strides = array<i32>} : memref<128xi32, #tpu.memory_space<vmem>>, vector<16xi32>,
          %and3A_352 = arith.constant 16383 : i32
          %and3A_353 = vector.broadcast %and3A_352 : i32 to vector<16xi32>
          %and3A_354 = arith.andi %get3A_343, %and3A_353 : vector<16xi32>
          %mul3A_355 = arith.constant 16 : i32
          %mul3A_356 = arith.muli %scan3A_336, %mul3A_355 : i32
          %swap3A_357 = arith.index_cast %mul3A_356 : i32 to index
          %swap3A_358 = tpu.vector_load %arg10[%swap3A_357] {strides = array<i32>} : memref<128xi32, #tpu.memory_space<vmem>>, vector<16xi32>,
          %swap3A_359 = vector.shape_cast %swap3A_358 : vector<16xi32> to vector<16xi32>
          %swap3A_360 = vector.shape_cast %and3A_354 : vector<16xi32> to vector<16xi32>
          tpu.vector_store %arg10[%swap3A_357], %swap3A_360 {strides = array<i32>} : memref<128xi32, #tpu.memory_space<vmem>>, vector<16xi32>,
        }
        %scan3A_333 = arith.constant 8 : i32
        %dma_start3A = arith.constant 0 : i32
        %dma_start3A_334 = arith.constant 0 : i32
        %dma_start3A_335 = tpu.memref_slice %arg3[%dma_start3A, %dma_start3A_334] : memref<10000x128xf32, #tpu.memory_space<hbm>> -> memref<10000x128xf32, #tpu.memory_space<hbm>>
        tpu.enqueue_indirect_dma source(%dma_start3A_335 : memref<10000x128xf32, #tpu.memory_space<hbm>>) target(%arg12 : memref<128x128xf32, #tpu.memory_space<vmem>>) offsets(%arg8 : memref<128xi32, #tpu.memory_space<vmem>>) semaphore(%arg14 : memref<!tpu.dma_semaphore, #tpu.memory_space<semaphore_mem>>)
      } else {
      }
      %sub3A_319 = arith.constant 1 : i32
      %sub3A_320 = arith.subi %add3A_305, %sub3A_319 : i32
      %ge3A_321 = arith.constant 0 : i32
      %ge3A_322 = arith.cmpi sge, %sub3A_320, %ge3A_321 : i32
      %lt3A_323 = arith.cmpi slt, %sub3A_320, %select_n3A : i32
      %and3A_324 = arith.andi %ge3A_322, %lt3A_323 : i1
      %convert_element_type3A_325 = arith.extui %and3A_324 : i1 to i32
      %cond3A_326 = arith.constant 0 : i32
      %cond3A_327 = arith.cmpi ne, %convert_element_type3A_325, %cond3A_326 : i32
      scf.if %cond3A_327 {
        %dma_wait3A = arith.constant 0 : i32
        %dma_wait3A_328 = arith.constant 0 : i32
        %dma_wait3A_329 = tpu.memref_slice %arg3[%dma_wait3A, %dma_wait3A_328] : memref<10000x128xf32, #tpu.memory_space<hbm>> -> memref<10000x128xf32, #tpu.memory_space<hbm>>
        tpu.wait_indirect_dma semaphore(%arg14 : memref<!tpu.dma_semaphore, #tpu.memory_space<semaphore_mem>>) src(%dma_wait3A_329 : memref<10000x128xf32, #tpu.memory_space<hbm>>) dst(%arg11 : memref<128x128xf32, #tpu.memory_space<vmem>>)
        %dma_start3A = arith.constant 0 : i32
        %dma_start3A_330 = arith.constant 0 : i32
        %dma_start3A_331 = tpu.memref_slice %arg13[%dma_start3A, %dma_start3A_330] : memref<10240x128xf32, #tpu.memory_space<vmem_shared>> -> memref<10240x128xf32, #tpu.memory_space<vmem_shared>>
        tpu.enqueue_indirect_dma source(%arg11 : memref<128x128xf32, #tpu.memory_space<vmem>>) target(%dma_start3A_331 : memref<10240x128xf32, #tpu.memory_space<vmem_shared>>) offsets(%arg9 : memref<128xi32, #tpu.memory_space<vmem>>) semaphore(%arg15 : memref<!tpu.dma_semaphore, #tpu.memory_space<semaphore_mem>>) {add = true}
      } else {
      }
    }
    %scan3A_148 = arith.constant 20 : i32
    %gt3A_149 = arith.constant 80 : i32
    %gt3A_150 = arith.cmpi sgt, %select_n3A, %gt3A_149 : i32
    %convert_element_type3A_151 = arith.extui %gt3A_150 : i1 to i32
    %cond3A_152 = arith.constant 0 : i32
    %cond3A_153 = arith.cmpi ne, %convert_element_type3A_151, %cond3A_152 : i32
    scf.if %cond3A_153 {
      %dma_start3A = arith.constant 80 : i32
      %dma_start3A_271 = tpu.memref_slice %arg5[%dma_start3A] : memref<128xi32, #tpu.memory_space<vmem>> -> memref<40xi32, #tpu.memory_space<vmem>>
      %dma_start3A_272 = arith.constant 0 : i32
      %dma_start3A_273 = arith.constant 0 : i32
      %dma_start3A_274 = tpu.memref_slice %arg2[%dma_start3A_272, %dma_start3A_273] : memref<2560x128xi32, #tpu.memory_space<hbm>> -> memref<2560x128xi32, #tpu.memory_space<hbm>>
      tpu.enqueue_indirect_dma source(%dma_start3A_274 : memref<2560x128xi32, #tpu.memory_space<hbm>>) target(%arg6 : memref<40x128xi32, #tpu.memory_space<vmem>>) offsets(%dma_start3A_271 : memref<40xi32, #tpu.memory_space<vmem>>) semaphore(%arg16 : memref<!tpu.dma_semaphore, #tpu.memory_space<semaphore_mem>>)
      %dma_wait3A = arith.constant 80 : i32
      %dma_wait3A_275 = tpu.memref_slice %arg5[%dma_wait3A] : memref<128xi32, #tpu.memory_space<vmem>> -> memref<40xi32, #tpu.memory_space<vmem>>
      %dma_wait3A_276 = arith.constant 0 : i32
      %dma_wait3A_277 = arith.constant 0 : i32
      %dma_wait3A_278 = tpu.memref_slice %arg2[%dma_wait3A_276, %dma_wait3A_277] : memref<2560x128xi32, #tpu.memory_space<hbm>> -> memref<2560x128xi32, #tpu.memory_space<hbm>>
      tpu.wait_indirect_dma semaphore(%arg16 : memref<!tpu.dma_semaphore, #tpu.memory_space<semaphore_mem>>) src(%dma_wait3A_278 : memref<2560x128xi32, #tpu.memory_space<hbm>>) dst(%arg6 : memref<40x128xi32, #tpu.memory_space<vmem>>)
    } else {
    }
    %scan3A_154 = arith.constant 0 : i32
    %scan3A_155 = arith.constant 0 : i32
    %scan3A_156 = arith.constant 20 : i32
    %scan3A_157 = arith.addi %scan3A_155, %scan3A_156 : i32
    %scan3A_158 = arith.constant 1 : i32
    scf.for %scan3A_271 = %scan3A_155 to %scan3A_157 step %scan3A_158  : i32 {
      %mul3A_272 = arith.constant 2 : i32
      %mul3A_273 = arith.muli %scan3A_271, %mul3A_272 : i32
      %add3A_274 = arith.constant 80 : i32
      %add3A_275 = arith.addi %add3A_274, %mul3A_273 : i32
      %add3A_276 = arith.constant 0 : i32
      %add3A_277 = arith.addi %add3A_275, %add3A_276 : i32
      %ge3A_278 = arith.constant 2 : i32
      %ge3A_279 = arith.cmpi sge, %add3A_277, %ge3A_278 : i32
      %sub3A_280 = arith.constant 2 : i32
      %sub3A_281 = arith.subi %add3A_277, %sub3A_280 : i32
      %lt3A_282 = arith.cmpi slt, %sub3A_281, %select_n3A : i32
      %and3A_283 = arith.andi %ge3A_279, %lt3A_282 : i1
      %convert_element_type3A_284 = arith.extui %and3A_283 : i1 to i32
      %cond3A_285 = arith.constant 0 : i32
      %cond3A_286 = arith.cmpi ne, %convert_element_type3A_284, %cond3A_285 : i32
      scf.if %cond3A_286 {
        %dma_wait3A = arith.constant 0 : i32
        %dma_wait3A_328 = arith.constant 0 : i32
        %dma_wait3A_329 = tpu.memref_slice %arg13[%dma_wait3A, %dma_wait3A_328] : memref<10240x128xf32, #tpu.memory_space<vmem_shared>> -> memref<10240x128xf32, #tpu.memory_space<vmem_shared>>
        tpu.wait_indirect_dma semaphore(%arg15 : memref<!tpu.dma_semaphore, #tpu.memory_space<semaphore_mem>>) src(%arg11 : memref<128x128xf32, #tpu.memory_space<vmem>>) dst(%dma_wait3A_329 : memref<10240x128xf32, #tpu.memory_space<vmem_shared>>)
      } else {
      }
      %lt3A_287 = arith.cmpi slt, %add3A_277, %select_n3A : i32
      %convert_element_type3A_288 = arith.extui %lt3A_287 : i1 to i32
      %cond3A_289 = arith.constant 0 : i32
      %cond3A_290 = arith.cmpi ne, %convert_element_type3A_288, %cond3A_289 : i32
      scf.if %cond3A_290 {
        %scan3A_328 = arith.constant 0 : i32
        %scan3A_329 = arith.constant 0 : i32
        %scan3A_330 = arith.constant 8 : i32
        %scan3A_331 = arith.addi %scan3A_329, %scan3A_330 : i32
        %scan3A_332 = arith.constant 1 : i32
        scf.for %scan3A_336 = %scan3A_329 to %scan3A_331 step %scan3A_332  : i32 {
          %sub3A_337 = arith.constant 80 : i32
          %sub3A_338 = arith.subi %add3A_277, %sub3A_337 : i32
          %mul3A_339 = arith.constant 16 : i32
          %mul3A_340 = arith.muli %scan3A_336, %mul3A_339 : i32
          %get3A = arith.index_cast %sub3A_338 : i32 to index
          %get3A_341 = arith.index_cast %mul3A_340 : i32 to index
          %get3A_342 = tpu.vector_load %arg6[%get3A, %get3A_341] {strides = array<i32>} : memref<40x128xi32, #tpu.memory_space<vmem>>, vector<1x16xi32>,
          %get3A_343 = vector.shape_cast %get3A_342 : vector<1x16xi32> to vector<16xi32>
          %shift_right_logical3A = arith.constant 14 : i32
          %shift_right_logical3A_344 = vector.broadcast %shift_right_logical3A : i32 to vector<16xi32>
          %shift_right_logical3A_345 = arith.shrui %get3A_343, %shift_right_logical3A_344 : vector<16xi32>
          %mul3A_346 = arith.constant 16 : i32
          %mul3A_347 = arith.muli %scan3A_336, %mul3A_346 : i32
          %swap3A_348 = arith.index_cast %mul3A_347 : i32 to index
          %swap3A_349 = tpu.vector_load %arg7[%swap3A_348] {strides = array<i32>} : memref<128xi32, #tpu.memory_space<vmem>>, vector<16xi32>,
          %swap3A_350 = vector.shape_cast %swap3A_349 : vector<16xi32> to vector<16xi32>
          %swap3A_351 = vector.shape_cast %shift_right_logical3A_345 : vector<16xi32> to vector<16xi32>
          tpu.vector_store %arg7[%swap3A_348], %swap3A_351 {strides = array<i32>} : memref<128xi32, #tpu.memory_space<vmem>>, vector<16xi32>,
          %and3A_352 = arith.constant 16383 : i32
          %and3A_353 = vector.broadcast %and3A_352 : i32 to vector<16xi32>
          %and3A_354 = arith.andi %get3A_343, %and3A_353 : vector<16xi32>
          %mul3A_355 = arith.constant 16 : i32
          %mul3A_356 = arith.muli %scan3A_336, %mul3A_355 : i32
          %swap3A_357 = arith.index_cast %mul3A_356 : i32 to index
          %swap3A_358 = tpu.vector_load %arg9[%swap3A_357] {strides = array<i32>} : memref<128xi32, #tpu.memory_space<vmem>>, vector<16xi32>,
          %swap3A_359 = vector.shape_cast %swap3A_358 : vector<16xi32> to vector<16xi32>
          %swap3A_360 = vector.shape_cast %and3A_354 : vector<16xi32> to vector<16xi32>
          tpu.vector_store %arg9[%swap3A_357], %swap3A_360 {strides = array<i32>} : memref<128xi32, #tpu.memory_space<vmem>>, vector<16xi32>,
        }
        %scan3A_333 = arith.constant 8 : i32
        %dma_start3A = arith.constant 0 : i32
        %dma_start3A_334 = arith.constant 0 : i32
        %dma_start3A_335 = tpu.memref_slice %arg3[%dma_start3A, %dma_start3A_334] : memref<10000x128xf32, #tpu.memory_space<hbm>> -> memref<10000x128xf32, #tpu.memory_space<hbm>>
        tpu.enqueue_indirect_dma source(%dma_start3A_335 : memref<10000x128xf32, #tpu.memory_space<hbm>>) target(%arg11 : memref<128x128xf32, #tpu.memory_space<vmem>>) offsets(%arg7 : memref<128xi32, #tpu.memory_space<vmem>>) semaphore(%arg14 : memref<!tpu.dma_semaphore, #tpu.memory_space<semaphore_mem>>)
      } else {
      }
      %sub3A_291 = arith.constant 1 : i32
      %sub3A_292 = arith.subi %add3A_277, %sub3A_291 : i32
      %ge3A_293 = arith.constant 0 : i32
      %ge3A_294 = arith.cmpi sge, %sub3A_292, %ge3A_293 : i32
      %lt3A_295 = arith.cmpi slt, %sub3A_292, %select_n3A : i32
      %and3A_296 = arith.andi %ge3A_294, %lt3A_295 : i1
      %convert_element_type3A_297 = arith.extui %and3A_296 : i1 to i32
      %cond3A_298 = arith.constant 0 : i32
      %cond3A_299 = arith.cmpi ne, %convert_element_type3A_297, %cond3A_298 : i32
      scf.if %cond3A_299 {
        %dma_wait3A = arith.constant 0 : i32
        %dma_wait3A_328 = arith.constant 0 : i32
        %dma_wait3A_329 = tpu.memref_slice %arg3[%dma_wait3A, %dma_wait3A_328] : memref<10000x128xf32, #tpu.memory_space<hbm>> -> memref<10000x128xf32, #tpu.memory_space<hbm>>
        tpu.wait_indirect_dma semaphore(%arg14 : memref<!tpu.dma_semaphore, #tpu.memory_space<semaphore_mem>>) src(%dma_wait3A_329 : memref<10000x128xf32, #tpu.memory_space<hbm>>) dst(%arg12 : memref<128x128xf32, #tpu.memory_space<vmem>>)
        %dma_start3A = arith.constant 0 : i32
        %dma_start3A_330 = arith.constant 0 : i32
        %dma_start3A_331 = tpu.memref_slice %arg13[%dma_start3A, %dma_start3A_330] : memref<10240x128xf32, #tpu.memory_space<vmem_shared>> -> memref<10240x128xf32, #tpu.memory_space<vmem_shared>>
        tpu.enqueue_indirect_dma source(%arg12 : memref<128x128xf32, #tpu.memory_space<vmem>>) target(%dma_start3A_331 : memref<10240x128xf32, #tpu.memory_space<vmem_shared>>) offsets(%arg10 : memref<128xi32, #tpu.memory_space<vmem>>) semaphore(%arg15 : memref<!tpu.dma_semaphore, #tpu.memory_space<semaphore_mem>>) {add = true}
      } else {
      }
      %mul3A_300 = arith.constant 2 : i32
      %mul3A_301 = arith.muli %scan3A_271, %mul3A_300 : i32
      %add3A_302 = arith.constant 80 : i32
      %add3A_303 = arith.addi %add3A_302, %mul3A_301 : i32
      %add3A_304 = arith.constant 1 : i32
      %add3A_305 = arith.addi %add3A_303, %add3A_304 : i32
      %ge3A_306 = arith.constant 2 : i32
      %ge3A_307 = arith.cmpi sge, %add3A_305, %ge3A_306 : i32
      %sub3A_308 = arith.constant 2 : i32
      %sub3A_309 = arith.subi %add3A_305, %sub3A_308 : i32
      %lt3A_310 = arith.cmpi slt, %sub3A_309, %select_n3A : i32
      %and3A_311 = arith.andi %ge3A_307, %lt3A_310 : i1
      %convert_element_type3A_312 = arith.extui %and3A_311 : i1 to i32
      %cond3A_313 = arith.constant 0 : i32
      %cond3A_314 = arith.cmpi ne, %convert_element_type3A_312, %cond3A_313 : i32
      scf.if %cond3A_314 {
        %dma_wait3A = arith.constant 0 : i32
        %dma_wait3A_328 = arith.constant 0 : i32
        %dma_wait3A_329 = tpu.memref_slice %arg13[%dma_wait3A, %dma_wait3A_328] : memref<10240x128xf32, #tpu.memory_space<vmem_shared>> -> memref<10240x128xf32, #tpu.memory_space<vmem_shared>>
        tpu.wait_indirect_dma semaphore(%arg15 : memref<!tpu.dma_semaphore, #tpu.memory_space<semaphore_mem>>) src(%arg12 : memref<128x128xf32, #tpu.memory_space<vmem>>) dst(%dma_wait3A_329 : memref<10240x128xf32, #tpu.memory_space<vmem_shared>>)
      } else {
      }
      %lt3A_315 = arith.cmpi slt, %add3A_305, %select_n3A : i32
      %convert_element_type3A_316 = arith.extui %lt3A_315 : i1 to i32
      %cond3A_317 = arith.constant 0 : i32
      %cond3A_318 = arith.cmpi ne, %convert_element_type3A_316, %cond3A_317 : i32
      scf.if %cond3A_318 {
        %scan3A_328 = arith.constant 0 : i32
        %scan3A_329 = arith.constant 0 : i32
        %scan3A_330 = arith.constant 8 : i32
        %scan3A_331 = arith.addi %scan3A_329, %scan3A_330 : i32
        %scan3A_332 = arith.constant 1 : i32
        scf.for %scan3A_336 = %scan3A_329 to %scan3A_331 step %scan3A_332  : i32 {
          %sub3A_337 = arith.constant 80 : i32
          %sub3A_338 = arith.subi %add3A_305, %sub3A_337 : i32
          %mul3A_339 = arith.constant 16 : i32
          %mul3A_340 = arith.muli %scan3A_336, %mul3A_339 : i32
          %get3A = arith.index_cast %sub3A_338 : i32 to index
          %get3A_341 = arith.index_cast %mul3A_340 : i32 to index
          %get3A_342 = tpu.vector_load %arg6[%get3A, %get3A_341] {strides = array<i32>} : memref<40x128xi32, #tpu.memory_space<vmem>>, vector<1x16xi32>,
          %get3A_343 = vector.shape_cast %get3A_342 : vector<1x16xi32> to vector<16xi32>
          %shift_right_logical3A = arith.constant 14 : i32
          %shift_right_logical3A_344 = vector.broadcast %shift_right_logical3A : i32 to vector<16xi32>
          %shift_right_logical3A_345 = arith.shrui %get3A_343, %shift_right_logical3A_344 : vector<16xi32>
          %mul3A_346 = arith.constant 16 : i32
          %mul3A_347 = arith.muli %scan3A_336, %mul3A_346 : i32
          %swap3A_348 = arith.index_cast %mul3A_347 : i32 to index
          %swap3A_349 = tpu.vector_load %arg8[%swap3A_348] {strides = array<i32>} : memref<128xi32, #tpu.memory_space<vmem>>, vector<16xi32>,
          %swap3A_350 = vector.shape_cast %swap3A_349 : vector<16xi32> to vector<16xi32>
          %swap3A_351 = vector.shape_cast %shift_right_logical3A_345 : vector<16xi32> to vector<16xi32>
          tpu.vector_store %arg8[%swap3A_348], %swap3A_351 {strides = array<i32>} : memref<128xi32, #tpu.memory_space<vmem>>, vector<16xi32>,
          %and3A_352 = arith.constant 16383 : i32
          %and3A_353 = vector.broadcast %and3A_352 : i32 to vector<16xi32>
          %and3A_354 = arith.andi %get3A_343, %and3A_353 : vector<16xi32>
          %mul3A_355 = arith.constant 16 : i32
          %mul3A_356 = arith.muli %scan3A_336, %mul3A_355 : i32
          %swap3A_357 = arith.index_cast %mul3A_356 : i32 to index
          %swap3A_358 = tpu.vector_load %arg10[%swap3A_357] {strides = array<i32>} : memref<128xi32, #tpu.memory_space<vmem>>, vector<16xi32>,
          %swap3A_359 = vector.shape_cast %swap3A_358 : vector<16xi32> to vector<16xi32>
          %swap3A_360 = vector.shape_cast %and3A_354 : vector<16xi32> to vector<16xi32>
          tpu.vector_store %arg10[%swap3A_357], %swap3A_360 {strides = array<i32>} : memref<128xi32, #tpu.memory_space<vmem>>, vector<16xi32>,
        }
        %scan3A_333 = arith.constant 8 : i32
        %dma_start3A = arith.constant 0 : i32
        %dma_start3A_334 = arith.constant 0 : i32
        %dma_start3A_335 = tpu.memref_slice %arg3[%dma_start3A, %dma_start3A_334] : memref<10000x128xf32, #tpu.memory_space<hbm>> -> memref<10000x128xf32, #tpu.memory_space<hbm>>
        tpu.enqueue_indirect_dma source(%dma_start3A_335 : memref<10000x128xf32, #tpu.memory_space<hbm>>) target(%arg12 : memref<128x128xf32, #tpu.memory_space<vmem>>) offsets(%arg8 : memref<128xi32, #tpu.memory_space<vmem>>) semaphore(%arg14 : memref<!tpu.dma_semaphore, #tpu.memory_space<semaphore_mem>>)
      } else {
      }
      %sub3A_319 = arith.constant 1 : i32
      %sub3A_320 = arith.subi %add3A_305, %sub3A_319 : i32
      %ge3A_321 = arith.constant 0 : i32
      %ge3A_322 = arith.cmpi sge, %sub3A_320, %ge3A_321 : i32
      %lt3A_323 = arith.cmpi slt, %sub3A_320, %select_n3A : i32
      %and3A_324 = arith.andi %ge3A_322, %lt3A_323 : i1
      %convert_element_type3A_325 = arith.extui %and3A_324 : i1 to i32
      %cond3A_326 = arith.constant 0 : i32
      %cond3A_327 = arith.cmpi ne, %convert_element_type3A_325, %cond3A_326 : i32
      scf.if %cond3A_327 {
        %dma_wait3A = arith.constant 0 : i32
        %dma_wait3A_328 = arith.constant 0 : i32
        %dma_wait3A_329 = tpu.memref_slice %arg3[%dma_wait3A, %dma_wait3A_328] : memref<10000x128xf32, #tpu.memory_space<hbm>> -> memref<10000x128xf32, #tpu.memory_space<hbm>>
        tpu.wait_indirect_dma semaphore(%arg14 : memref<!tpu.dma_semaphore, #tpu.memory_space<semaphore_mem>>) src(%dma_wait3A_329 : memref<10000x128xf32, #tpu.memory_space<hbm>>) dst(%arg11 : memref<128x128xf32, #tpu.memory_space<vmem>>)
        %dma_start3A = arith.constant 0 : i32
        %dma_start3A_330 = arith.constant 0 : i32
        %dma_start3A_331 = tpu.memref_slice %arg13[%dma_start3A, %dma_start3A_330] : memref<10240x128xf32, #tpu.memory_space<vmem_shared>> -> memref<10240x128xf32, #tpu.memory_space<vmem_shared>>
        tpu.enqueue_indirect_dma source(%arg11 : memref<128x128xf32, #tpu.memory_space<vmem>>) target(%dma_start3A_331 : memref<10240x128xf32, #tpu.memory_space<vmem_shared>>) offsets(%arg9 : memref<128xi32, #tpu.memory_space<vmem>>) semaphore(%arg15 : memref<!tpu.dma_semaphore, #tpu.memory_space<semaphore_mem>>) {add = true}
      } else {
      }
    }
    %scan3A_159 = arith.constant 20 : i32
    %scan3A_160 = arith.constant 0 : i32
    %scan3A_161 = arith.constant 0 : i32
    %mul3A_162 = arith.constant 2 : i32
    %mul3A_163 = arith.muli %scan3A_161, %mul3A_162 : i32
    %add3A_164 = arith.constant 120 : i32
    %add3A_165 = arith.addi %add3A_164, %mul3A_163 : i32
    %add3A_166 = arith.constant 0 : i32
    %add3A_167 = arith.addi %add3A_165, %add3A_166 : i32
    %ge3A = arith.constant 2 : i32
    %ge3A_168 = arith.cmpi sge, %add3A_167, %ge3A : i32
    %sub3A = arith.constant 2 : i32
    %sub3A_169 = arith.subi %add3A_167, %sub3A : i32
    %lt3A = arith.cmpi slt, %sub3A_169, %select_n3A : i32
    %and3A = arith.andi %ge3A_168, %lt3A : i1
    %convert_element_type3A_170 = arith.extui %and3A : i1 to i32
    %cond3A_171 = arith.constant 0 : i32
    %cond3A_172 = arith.cmpi ne, %convert_element_type3A_170, %cond3A_171 : i32
    scf.if %cond3A_172 {
      %dma_wait3A = arith.constant 0 : i32
      %dma_wait3A_271 = arith.constant 0 : i32
      %dma_wait3A_272 = tpu.memref_slice %arg13[%dma_wait3A, %dma_wait3A_271] : memref<10240x128xf32, #tpu.memory_space<vmem_shared>> -> memref<10240x128xf32, #tpu.memory_space<vmem_shared>>
      tpu.wait_indirect_dma semaphore(%arg15 : memref<!tpu.dma_semaphore, #tpu.memory_space<semaphore_mem>>) src(%arg11 : memref<128x128xf32, #tpu.memory_space<vmem>>) dst(%dma_wait3A_272 : memref<10240x128xf32, #tpu.memory_space<vmem_shared>>)
    } else {
    }
    %lt3A_173 = arith.cmpi slt, %add3A_167, %select_n3A : i32
    %convert_element_type3A_174 = arith.extui %lt3A_173 : i1 to i32
    %cond3A_175 = arith.constant 0 : i32
    %cond3A_176 = arith.cmpi ne, %convert_element_type3A_174, %cond3A_175 : i32
    scf.if %cond3A_176 {
      %scan3A_271 = arith.constant 0 : i32
      %scan3A_272 = arith.constant 0 : i32
      %scan3A_273 = arith.constant 8 : i32
      %scan3A_274 = arith.addi %scan3A_272, %scan3A_273 : i32
      %scan3A_275 = arith.constant 1 : i32
      scf.for %scan3A_279 = %scan3A_272 to %scan3A_274 step %scan3A_275  : i32 {
        %sub3A_280 = arith.constant 120 : i32
        %sub3A_281 = arith.subi %add3A_167, %sub3A_280 : i32
        %mul3A_282 = arith.constant 16 : i32
        %mul3A_283 = arith.muli %scan3A_279, %mul3A_282 : i32
        %get3A = arith.index_cast %sub3A_281 : i32 to index
        %get3A_284 = arith.index_cast %mul3A_283 : i32 to index
        %get3A_285 = tpu.vector_load %arg6[%get3A, %get3A_284] {strides = array<i32>} : memref<40x128xi32, #tpu.memory_space<vmem>>, vector<1x16xi32>,
        %get3A_286 = vector.shape_cast %get3A_285 : vector<1x16xi32> to vector<16xi32>
        %shift_right_logical3A = arith.constant 14 : i32
        %shift_right_logical3A_287 = vector.broadcast %shift_right_logical3A : i32 to vector<16xi32>
        %shift_right_logical3A_288 = arith.shrui %get3A_286, %shift_right_logical3A_287 : vector<16xi32>
        %mul3A_289 = arith.constant 16 : i32
        %mul3A_290 = arith.muli %scan3A_279, %mul3A_289 : i32
        %swap3A_291 = arith.index_cast %mul3A_290 : i32 to index
        %swap3A_292 = tpu.vector_load %arg7[%swap3A_291] {strides = array<i32>} : memref<128xi32, #tpu.memory_space<vmem>>, vector<16xi32>,
        %swap3A_293 = vector.shape_cast %swap3A_292 : vector<16xi32> to vector<16xi32>
        %swap3A_294 = vector.shape_cast %shift_right_logical3A_288 : vector<16xi32> to vector<16xi32>
        tpu.vector_store %arg7[%swap3A_291], %swap3A_294 {strides = array<i32>} : memref<128xi32, #tpu.memory_space<vmem>>, vector<16xi32>,
        %and3A_295 = arith.constant 16383 : i32
        %and3A_296 = vector.broadcast %and3A_295 : i32 to vector<16xi32>
        %and3A_297 = arith.andi %get3A_286, %and3A_296 : vector<16xi32>
        %mul3A_298 = arith.constant 16 : i32
        %mul3A_299 = arith.muli %scan3A_279, %mul3A_298 : i32
        %swap3A_300 = arith.index_cast %mul3A_299 : i32 to index
        %swap3A_301 = tpu.vector_load %arg9[%swap3A_300] {strides = array<i32>} : memref<128xi32, #tpu.memory_space<vmem>>, vector<16xi32>,
        %swap3A_302 = vector.shape_cast %swap3A_301 : vector<16xi32> to vector<16xi32>
        %swap3A_303 = vector.shape_cast %and3A_297 : vector<16xi32> to vector<16xi32>
        tpu.vector_store %arg9[%swap3A_300], %swap3A_303 {strides = array<i32>} : memref<128xi32, #tpu.memory_space<vmem>>, vector<16xi32>,
      }
      %scan3A_276 = arith.constant 8 : i32
      %dma_start3A = arith.constant 0 : i32
      %dma_start3A_277 = arith.constant 0 : i32
      %dma_start3A_278 = tpu.memref_slice %arg3[%dma_start3A, %dma_start3A_277] : memref<10000x128xf32, #tpu.memory_space<hbm>> -> memref<10000x128xf32, #tpu.memory_space<hbm>>
      tpu.enqueue_indirect_dma source(%dma_start3A_278 : memref<10000x128xf32, #tpu.memory_space<hbm>>) target(%arg11 : memref<128x128xf32, #tpu.memory_space<vmem>>) offsets(%arg7 : memref<128xi32, #tpu.memory_space<vmem>>) semaphore(%arg14 : memref<!tpu.dma_semaphore, #tpu.memory_space<semaphore_mem>>)
    } else {
    }
    %sub3A_177 = arith.constant 1 : i32
    %sub3A_178 = arith.subi %add3A_167, %sub3A_177 : i32
    %ge3A_179 = arith.constant 0 : i32
    %ge3A_180 = arith.cmpi sge, %sub3A_178, %ge3A_179 : i32
    %lt3A_181 = arith.cmpi slt, %sub3A_178, %select_n3A : i32
    %and3A_182 = arith.andi %ge3A_180, %lt3A_181 : i1
    %convert_element_type3A_183 = arith.extui %and3A_182 : i1 to i32
    %cond3A_184 = arith.constant 0 : i32
    %cond3A_185 = arith.cmpi ne, %convert_element_type3A_183, %cond3A_184 : i32
    scf.if %cond3A_185 {
      %dma_wait3A = arith.constant 0 : i32
      %dma_wait3A_271 = arith.constant 0 : i32
      %dma_wait3A_272 = tpu.memref_slice %arg3[%dma_wait3A, %dma_wait3A_271] : memref<10000x128xf32, #tpu.memory_space<hbm>> -> memref<10000x128xf32, #tpu.memory_space<hbm>>
      tpu.wait_indirect_dma semaphore(%arg14 : memref<!tpu.dma_semaphore, #tpu.memory_space<semaphore_mem>>) src(%dma_wait3A_272 : memref<10000x128xf32, #tpu.memory_space<hbm>>) dst(%arg12 : memref<128x128xf32, #tpu.memory_space<vmem>>)
      %dma_start3A = arith.constant 0 : i32
      %dma_start3A_273 = arith.constant 0 : i32
      %dma_start3A_274 = tpu.memref_slice %arg13[%dma_start3A, %dma_start3A_273] : memref<10240x128xf32, #tpu.memory_space<vmem_shared>> -> memref<10240x128xf32, #tpu.memory_space<vmem_shared>>
      tpu.enqueue_indirect_dma source(%arg12 : memref<128x128xf32, #tpu.memory_space<vmem>>) target(%dma_start3A_274 : memref<10240x128xf32, #tpu.memory_space<vmem_shared>>) offsets(%arg10 : memref<128xi32, #tpu.memory_space<vmem>>) semaphore(%arg15 : memref<!tpu.dma_semaphore, #tpu.memory_space<semaphore_mem>>) {add = true}
    } else {
    }
    %mul3A_186 = arith.constant 2 : i32
    %mul3A_187 = arith.muli %scan3A_161, %mul3A_186 : i32
    %add3A_188 = arith.constant 120 : i32
    %add3A_189 = arith.addi %add3A_188, %mul3A_187 : i32
    %add3A_190 = arith.constant 1 : i32
    %add3A_191 = arith.addi %add3A_189, %add3A_190 : i32
    %ge3A_192 = arith.constant 2 : i32
    %ge3A_193 = arith.cmpi sge, %add3A_191, %ge3A_192 : i32
    %sub3A_194 = arith.constant 2 : i32
    %sub3A_195 = arith.subi %add3A_191, %sub3A_194 : i32
    %lt3A_196 = arith.cmpi slt, %sub3A_195, %select_n3A : i32
    %and3A_197 = arith.andi %ge3A_193, %lt3A_196 : i1
    %convert_element_type3A_198 = arith.extui %and3A_197 : i1 to i32
    %cond3A_199 = arith.constant 0 : i32
    %cond3A_200 = arith.cmpi ne, %convert_element_type3A_198, %cond3A_199 : i32
    scf.if %cond3A_200 {
      %dma_wait3A = arith.constant 0 : i32
      %dma_wait3A_271 = arith.constant 0 : i32
      %dma_wait3A_272 = tpu.memref_slice %arg13[%dma_wait3A, %dma_wait3A_271] : memref<10240x128xf32, #tpu.memory_space<vmem_shared>> -> memref<10240x128xf32, #tpu.memory_space<vmem_shared>>
      tpu.wait_indirect_dma semaphore(%arg15 : memref<!tpu.dma_semaphore, #tpu.memory_space<semaphore_mem>>) src(%arg12 : memref<128x128xf32, #tpu.memory_space<vmem>>) dst(%dma_wait3A_272 : memref<10240x128xf32, #tpu.memory_space<vmem_shared>>)
    } else {
    }
    %lt3A_201 = arith.cmpi slt, %add3A_191, %select_n3A : i32
    %convert_element_type3A_202 = arith.extui %lt3A_201 : i1 to i32
    %cond3A_203 = arith.constant 0 : i32
    %cond3A_204 = arith.cmpi ne, %convert_element_type3A_202, %cond3A_203 : i32
    scf.if %cond3A_204 {
      %scan3A_271 = arith.constant 0 : i32
      %scan3A_272 = arith.constant 0 : i32
      %scan3A_273 = arith.constant 8 : i32
      %scan3A_274 = arith.addi %scan3A_272, %scan3A_273 : i32
      %scan3A_275 = arith.constant 1 : i32
      scf.for %scan3A_279 = %scan3A_272 to %scan3A_274 step %scan3A_275  : i32 {
        %sub3A_280 = arith.constant 120 : i32
        %sub3A_281 = arith.subi %add3A_191, %sub3A_280 : i32
        %mul3A_282 = arith.constant 16 : i32
        %mul3A_283 = arith.muli %scan3A_279, %mul3A_282 : i32
        %get3A = arith.index_cast %sub3A_281 : i32 to index
        %get3A_284 = arith.index_cast %mul3A_283 : i32 to index
        %get3A_285 = tpu.vector_load %arg6[%get3A, %get3A_284] {strides = array<i32>} : memref<40x128xi32, #tpu.memory_space<vmem>>, vector<1x16xi32>,
        %get3A_286 = vector.shape_cast %get3A_285 : vector<1x16xi32> to vector<16xi32>
        %shift_right_logical3A = arith.constant 14 : i32
        %shift_right_logical3A_287 = vector.broadcast %shift_right_logical3A : i32 to vector<16xi32>
        %shift_right_logical3A_288 = arith.shrui %get3A_286, %shift_right_logical3A_287 : vector<16xi32>
        %mul3A_289 = arith.constant 16 : i32
        %mul3A_290 = arith.muli %scan3A_279, %mul3A_289 : i32
        %swap3A_291 = arith.index_cast %mul3A_290 : i32 to index
        %swap3A_292 = tpu.vector_load %arg8[%swap3A_291] {strides = array<i32>} : memref<128xi32, #tpu.memory_space<vmem>>, vector<16xi32>,
        %swap3A_293 = vector.shape_cast %swap3A_292 : vector<16xi32> to vector<16xi32>
        %swap3A_294 = vector.shape_cast %shift_right_logical3A_288 : vector<16xi32> to vector<16xi32>
        tpu.vector_store %arg8[%swap3A_291], %swap3A_294 {strides = array<i32>} : memref<128xi32, #tpu.memory_space<vmem>>, vector<16xi32>,
        %and3A_295 = arith.constant 16383 : i32
        %and3A_296 = vector.broadcast %and3A_295 : i32 to vector<16xi32>
        %and3A_297 = arith.andi %get3A_286, %and3A_296 : vector<16xi32>
        %mul3A_298 = arith.constant 16 : i32
        %mul3A_299 = arith.muli %scan3A_279, %mul3A_298 : i32
        %swap3A_300 = arith.index_cast %mul3A_299 : i32 to index
        %swap3A_301 = tpu.vector_load %arg10[%swap3A_300] {strides = array<i32>} : memref<128xi32, #tpu.memory_space<vmem>>, vector<16xi32>,
        %swap3A_302 = vector.shape_cast %swap3A_301 : vector<16xi32> to vector<16xi32>
        %swap3A_303 = vector.shape_cast %and3A_297 : vector<16xi32> to vector<16xi32>
        tpu.vector_store %arg10[%swap3A_300], %swap3A_303 {strides = array<i32>} : memref<128xi32, #tpu.memory_space<vmem>>, vector<16xi32>,
      }
      %scan3A_276 = arith.constant 8 : i32
      %dma_start3A = arith.constant 0 : i32
      %dma_start3A_277 = arith.constant 0 : i32
      %dma_start3A_278 = tpu.memref_slice %arg3[%dma_start3A, %dma_start3A_277] : memref<10000x128xf32, #tpu.memory_space<hbm>> -> memref<10000x128xf32, #tpu.memory_space<hbm>>
      tpu.enqueue_indirect_dma source(%dma_start3A_278 : memref<10000x128xf32, #tpu.memory_space<hbm>>) target(%arg12 : memref<128x128xf32, #tpu.memory_space<vmem>>) offsets(%arg8 : memref<128xi32, #tpu.memory_space<vmem>>) semaphore(%arg14 : memref<!tpu.dma_semaphore, #tpu.memory_space<semaphore_mem>>)
    } else {
    }
    %sub3A_205 = arith.constant 1 : i32
    %sub3A_206 = arith.subi %add3A_191, %sub3A_205 : i32
    %ge3A_207 = arith.constant 0 : i32
    %ge3A_208 = arith.cmpi sge, %sub3A_206, %ge3A_207 : i32
    %lt3A_209 = arith.cmpi slt, %sub3A_206, %select_n3A : i32
    %and3A_210 = arith.andi %ge3A_208, %lt3A_209 : i1
    %convert_element_type3A_211 = arith.extui %and3A_210 : i1 to i32
    %cond3A_212 = arith.constant 0 : i32
    %cond3A_213 = arith.cmpi ne, %convert_element_type3A_211, %cond3A_212 : i32
    scf.if %cond3A_213 {
      %dma_wait3A = arith.constant 0 : i32
      %dma_wait3A_271 = arith.constant 0 : i32
      %dma_wait3A_272 = tpu.memref_slice %arg3[%dma_wait3A, %dma_wait3A_271] : memref<10000x128xf32, #tpu.memory_space<hbm>> -> memref<10000x128xf32, #tpu.memory_space<hbm>>
      tpu.wait_indirect_dma semaphore(%arg14 : memref<!tpu.dma_semaphore, #tpu.memory_space<semaphore_mem>>) src(%dma_wait3A_272 : memref<10000x128xf32, #tpu.memory_space<hbm>>) dst(%arg11 : memref<128x128xf32, #tpu.memory_space<vmem>>)
      %dma_start3A = arith.constant 0 : i32
      %dma_start3A_273 = arith.constant 0 : i32
      %dma_start3A_274 = tpu.memref_slice %arg13[%dma_start3A, %dma_start3A_273] : memref<10240x128xf32, #tpu.memory_space<vmem_shared>> -> memref<10240x128xf32, #tpu.memory_space<vmem_shared>>
      tpu.enqueue_indirect_dma source(%arg11 : memref<128x128xf32, #tpu.memory_space<vmem>>) target(%dma_start3A_274 : memref<10240x128xf32, #tpu.memory_space<vmem_shared>>) offsets(%arg9 : memref<128xi32, #tpu.memory_space<vmem>>) semaphore(%arg15 : memref<!tpu.dma_semaphore, #tpu.memory_space<semaphore_mem>>) {add = true}
    } else {
    }
    %scan3A_214 = arith.constant 1 : i32
    %barrier3A_215 = arith.constant 0 : index
    tpu.barrier barrier_id(%barrier3A_215)
    %mul3A_216 = arith.constant 640 : i32
    %mul3A_217 = arith.muli %arg1, %mul3A_216 : i32
    %add3A_218 = arith.constant 0 : i32
    %add3A_219 = arith.addi %mul3A_217, %add3A_218 : i32
    %mul3A_220 = arith.constant 10240 : i32
    %mul3A_221 = arith.muli %arg0, %mul3A_220 : i32
    %mul3A_222 = arith.constant 640 : i32
    %mul3A_223 = arith.muli %arg1, %mul3A_222 : i32
    %add3A_224 = arith.addi %mul3A_221, %mul3A_223 : i32
    %add3A_225 = arith.constant 0 : i32
    %add3A_226 = arith.addi %add3A_224, %add3A_225 : i32
    "tpu.region"() ({
      %run_scoped3A = tpu.sem_alloc : memref<!tpu.dma_semaphore, #tpu.memory_space<semaphore_mem>>
      %dma_start3A = arith.constant 0 : i32
      %dma_start3A_271 = tpu.memref_slice %arg4[%add3A_226, %dma_start3A] : memref<20480x128xf32, #tpu.memory_space<hbm>> -> memref<128x128xf32, #tpu.memory_space<hbm>>
      %dma_start3A_272 = arith.constant 0 : i32
      %dma_start3A_273 = tpu.memref_slice %arg13[%add3A_219, %dma_start3A_272] : memref<10240x128xf32, #tpu.memory_space<vmem_shared>> -> memref<128x128xf32, #tpu.memory_space<vmem_shared>>
      tpu.enqueue_dma source(%dma_start3A_273 : memref<128x128xf32, #tpu.memory_space<vmem_shared>>) target(%dma_start3A_271 : memref<128x128xf32, #tpu.memory_space<hbm>>) target_semaphore(%run_scoped3A : memref<!tpu.dma_semaphore, #tpu.memory_space<semaphore_mem>>)
      %dma_wait3A = arith.constant 0 : i32
      %dma_wait3A_274 = tpu.memref_slice %arg4[%add3A_226, %dma_wait3A] : memref<20480x128xf32, #tpu.memory_space<hbm>> -> memref<128x128xf32, #tpu.memory_space<hbm>>
      %dma_wait3A_275 = arith.constant 0 : i32
      %dma_wait3A_276 = tpu.memref_slice %arg13[%add3A_219, %dma_wait3A_275] : memref<10240x128xf32, #tpu.memory_space<vmem_shared>> -> memref<128x128xf32, #tpu.memory_space<vmem_shared>>
      tpu.wait_dma2 semaphore(%run_scoped3A : memref<!tpu.dma_semaphore, #tpu.memory_space<semaphore_mem>>) src(%dma_wait3A_276 : memref<128x128xf32, #tpu.memory_space<vmem_shared>>) dst(%dma_wait3A_274 : memref<128x128xf32, #tpu.memory_space<hbm>>)
      tpu.yield
    }) : () -> ()
    %mul3A_227 = arith.constant 640 : i32
    %mul3A_228 = arith.muli %arg1, %mul3A_227 : i32
    %add3A_229 = arith.constant 128 : i32
    %add3A_230 = arith.addi %mul3A_228, %add3A_229 : i32
    %mul3A_231 = arith.constant 10240 : i32
    %mul3A_232 = arith.muli %arg0, %mul3A_231 : i32
    %mul3A_233 = arith.constant 640 : i32
    %mul3A_234 = arith.muli %arg1, %mul3A_233 : i32
    %add3A_235 = arith.addi %mul3A_232, %mul3A_234 : i32
    %add3A_236 = arith.constant 128 : i32
    %add3A_237 = arith.addi %add3A_235, %add3A_236 : i32
    "tpu.region"() ({
      %run_scoped3A = tpu.sem_alloc : memref<!tpu.dma_semaphore, #tpu.memory_space<semaphore_mem>>
      %dma_start3A = arith.constant 0 : i32
      %dma_start3A_271 = tpu.memref_slice %arg4[%add3A_237, %dma_start3A] : memref<20480x128xf32, #tpu.memory_space<hbm>> -> memref<128x128xf32, #tpu.memory_space<hbm>>
      %dma_start3A_272 = arith.constant 0 : i32
      %dma_start3A_273 = tpu.memref_slice %arg13[%add3A_230, %dma_start3A_272] : memref<10240x128xf32, #tpu.memory_space<vmem_shared>> -> memref<128x128xf32, #tpu.memory_space<vmem_shared>>
      tpu.enqueue_dma source(%dma_start3A_273 : memref<128x128xf32, #tpu.memory_space<vmem_shared>>) target(%dma_start3A_271 : memref<128x128xf32, #tpu.memory_space<hbm>>) target_semaphore(%run_scoped3A : memref<!tpu.dma_semaphore, #tpu.memory_space<semaphore_mem>>)
      %dma_wait3A = arith.constant 0 : i32
      %dma_wait3A_274 = tpu.memref_slice %arg4[%add3A_237, %dma_wait3A] : memref<20480x128xf32, #tpu.memory_space<hbm>> -> memref<128x128xf32, #tpu.memory_space<hbm>>
      %dma_wait3A_275 = arith.constant 0 : i32
      %dma_wait3A_276 = tpu.memref_slice %arg13[%add3A_230, %dma_wait3A_275] : memref<10240x128xf32, #tpu.memory_space<vmem_shared>> -> memref<128x128xf32, #tpu.memory_space<vmem_shared>>
      tpu.wait_dma2 semaphore(%run_scoped3A : memref<!tpu.dma_semaphore, #tpu.memory_space<semaphore_mem>>) src(%dma_wait3A_276 : memref<128x128xf32, #tpu.memory_space<vmem_shared>>) dst(%dma_wait3A_274 : memref<128x128xf32, #tpu.memory_space<hbm>>)
      tpu.yield
    }) : () -> ()
    %mul3A_238 = arith.constant 640 : i32
    %mul3A_239 = arith.muli %arg1, %mul3A_238 : i32
    %add3A_240 = arith.constant 256 : i32
    %add3A_241 = arith.addi %mul3A_239, %add3A_240 : i32
    %mul3A_242 = arith.constant 10240 : i32
    %mul3A_243 = arith.muli %arg0, %mul3A_242 : i32
    %mul3A_244 = arith.constant 640 : i32
    %mul3A_245 = arith.muli %arg1, %mul3A_244 : i32
    %add3A_246 = arith.addi %mul3A_243, %mul3A_245 : i32
    %add3A_247 = arith.constant 256 : i32
    %add3A_248 = arith.addi %add3A_246, %add3A_247 : i32
    "tpu.region"() ({
      %run_scoped3A = tpu.sem_alloc : memref<!tpu.dma_semaphore, #tpu.memory_space<semaphore_mem>>
      %dma_start3A = arith.constant 0 : i32
      %dma_start3A_271 = tpu.memref_slice %arg4[%add3A_248, %dma_start3A] : memref<20480x128xf32, #tpu.memory_space<hbm>> -> memref<128x128xf32, #tpu.memory_space<hbm>>
      %dma_start3A_272 = arith.constant 0 : i32
      %dma_start3A_273 = tpu.memref_slice %arg13[%add3A_241, %dma_start3A_272] : memref<10240x128xf32, #tpu.memory_space<vmem_shared>> -> memref<128x128xf32, #tpu.memory_space<vmem_shared>>
      tpu.enqueue_dma source(%dma_start3A_273 : memref<128x128xf32, #tpu.memory_space<vmem_shared>>) target(%dma_start3A_271 : memref<128x128xf32, #tpu.memory_space<hbm>>) target_semaphore(%run_scoped3A : memref<!tpu.dma_semaphore, #tpu.memory_space<semaphore_mem>>)
      %dma_wait3A = arith.constant 0 : i32
      %dma_wait3A_274 = tpu.memref_slice %arg4[%add3A_248, %dma_wait3A] : memref<20480x128xf32, #tpu.memory_space<hbm>> -> memref<128x128xf32, #tpu.memory_space<hbm>>
      %dma_wait3A_275 = arith.constant 0 : i32
      %dma_wait3A_276 = tpu.memref_slice %arg13[%add3A_241, %dma_wait3A_275] : memref<10240x128xf32, #tpu.memory_space<vmem_shared>> -> memref<128x128xf32, #tpu.memory_space<vmem_shared>>
      tpu.wait_dma2 semaphore(%run_scoped3A : memref<!tpu.dma_semaphore, #tpu.memory_space<semaphore_mem>>) src(%dma_wait3A_276 : memref<128x128xf32, #tpu.memory_space<vmem_shared>>) dst(%dma_wait3A_274 : memref<128x128xf32, #tpu.memory_space<hbm>>)
      tpu.yield
    }) : () -> ()
    %mul3A_249 = arith.constant 640 : i32
    %mul3A_250 = arith.muli %arg1, %mul3A_249 : i32
    %add3A_251 = arith.constant 384 : i32
    %add3A_252 = arith.addi %mul3A_250, %add3A_251 : i32
    %mul3A_253 = arith.constant 10240 : i32
    %mul3A_254 = arith.muli %arg0, %mul3A_253 : i32
    %mul3A_255 = arith.constant 640 : i32
    %mul3A_256 = arith.muli %arg1, %mul3A_255 : i32
    %add3A_257 = arith.addi %mul3A_254, %mul3A_256 : i32
    %add3A_258 = arith.constant 384 : i32
    %add3A_259 = arith.addi %add3A_257, %add3A_258 : i32
    "tpu.region"() ({
      %run_scoped3A = tpu.sem_alloc : memref<!tpu.dma_semaphore, #tpu.memory_space<semaphore_mem>>
      %dma_start3A = arith.constant 0 : i32
      %dma_start3A_271 = tpu.memref_slice %arg4[%add3A_259, %dma_start3A] : memref<20480x128xf32, #tpu.memory_space<hbm>> -> memref<128x128xf32, #tpu.memory_space<hbm>>
      %dma_start3A_272 = arith.constant 0 : i32
      %dma_start3A_273 = tpu.memref_slice %arg13[%add3A_252, %dma_start3A_272] : memref<10240x128xf32, #tpu.memory_space<vmem_shared>> -> memref<128x128xf32, #tpu.memory_space<vmem_shared>>
      tpu.enqueue_dma source(%dma_start3A_273 : memref<128x128xf32, #tpu.memory_space<vmem_shared>>) target(%dma_start3A_271 : memref<128x128xf32, #tpu.memory_space<hbm>>) target_semaphore(%run_scoped3A : memref<!tpu.dma_semaphore, #tpu.memory_space<semaphore_mem>>)
      %dma_wait3A = arith.constant 0 : i32
      %dma_wait3A_274 = tpu.memref_slice %arg4[%add3A_259, %dma_wait3A] : memref<20480x128xf32, #tpu.memory_space<hbm>> -> memref<128x128xf32, #tpu.memory_space<hbm>>
      %dma_wait3A_275 = arith.constant 0 : i32
      %dma_wait3A_276 = tpu.memref_slice %arg13[%add3A_252, %dma_wait3A_275] : memref<10240x128xf32, #tpu.memory_space<vmem_shared>> -> memref<128x128xf32, #tpu.memory_space<vmem_shared>>
      tpu.wait_dma2 semaphore(%run_scoped3A : memref<!tpu.dma_semaphore, #tpu.memory_space<semaphore_mem>>) src(%dma_wait3A_276 : memref<128x128xf32, #tpu.memory_space<vmem_shared>>) dst(%dma_wait3A_274 : memref<128x128xf32, #tpu.memory_space<hbm>>)
      tpu.yield
    }) : () -> ()
    %mul3A_260 = arith.constant 640 : i32
    %mul3A_261 = arith.muli %arg1, %mul3A_260 : i32
    %add3A_262 = arith.constant 512 : i32
    %add3A_263 = arith.addi %mul3A_261, %add3A_262 : i32
    %mul3A_264 = arith.constant 10240 : i32
    %mul3A_265 = arith.muli %arg0, %mul3A_264 : i32
    %mul3A_266 = arith.constant 640 : i32
    %mul3A_267 = arith.muli %arg1, %mul3A_266 : i32
    %add3A_268 = arith.addi %mul3A_265, %mul3A_267 : i32
    %add3A_269 = arith.constant 512 : i32
    %add3A_270 = arith.addi %add3A_268, %add3A_269 : i32
    "tpu.region"() ({
      %run_scoped3A = tpu.sem_alloc : memref<!tpu.dma_semaphore, #tpu.memory_space<semaphore_mem>>
      %dma_start3A = arith.constant 0 : i32
      %dma_start3A_271 = tpu.memref_slice %arg4[%add3A_270, %dma_start3A] : memref<20480x128xf32, #tpu.memory_space<hbm>> -> memref<128x128xf32, #tpu.memory_space<hbm>>
      %dma_start3A_272 = arith.constant 0 : i32
      %dma_start3A_273 = tpu.memref_slice %arg13[%add3A_263, %dma_start3A_272] : memref<10240x128xf32, #tpu.memory_space<vmem_shared>> -> memref<128x128xf32, #tpu.memory_space<vmem_shared>>
      tpu.enqueue_dma source(%dma_start3A_273 : memref<128x128xf32, #tpu.memory_space<vmem_shared>>) target(%dma_start3A_271 : memref<128x128xf32, #tpu.memory_space<hbm>>) target_semaphore(%run_scoped3A : memref<!tpu.dma_semaphore, #tpu.memory_space<semaphore_mem>>)
      %dma_wait3A = arith.constant 0 : i32
      %dma_wait3A_274 = tpu.memref_slice %arg4[%add3A_270, %dma_wait3A] : memref<20480x128xf32, #tpu.memory_space<hbm>> -> memref<128x128xf32, #tpu.memory_space<hbm>>
      %dma_wait3A_275 = arith.constant 0 : i32
      %dma_wait3A_276 = tpu.memref_slice %arg13[%add3A_263, %dma_wait3A_275] : memref<10240x128xf32, #tpu.memory_space<vmem_shared>> -> memref<128x128xf32, #tpu.memory_space<vmem_shared>>
      tpu.wait_dma2 semaphore(%run_scoped3A : memref<!tpu.dma_semaphore, #tpu.memory_space<semaphore_mem>>) src(%dma_wait3A_276 : memref<128x128xf32, #tpu.memory_space<vmem_shared>>) dst(%dma_wait3A_274 : memref<128x128xf32, #tpu.memory_space<hbm>>)
      tpu.yield
    }) : () -> ()
    return
  }
}

#map = affine_map<(d0, d1) -> (0, 0)>
module attributes {stable_mosaic.version = 14 : i64} {
  func.func @_sc_degree_body(%arg0: i32, %arg1: i32, %arg2: memref<2560x128xi32, #tpu.memory_space<hbm>>, %arg3: memref<20480x128xf32, #tpu.memory_space<hbm>>, %arg4: memref<80xi32, #tpu.memory_space<vmem>>, %arg5: memref<80x128xi32, #tpu.memory_space<vmem>>, %arg6: memref<128x128xf32, #tpu.memory_space<vmem>>, %arg7: memref<10240x128xf32, #tpu.memory_space<vmem_shared>>, %arg8: memref<!tpu.dma_semaphore, #tpu.memory_space<semaphore_mem>>) attributes {dimension_semantics = [#tpu.dimension_semantics<core_parallel>, #tpu.dimension_semantics<subcore_parallel>], iteration_bounds = array<i64: 2, 16>, scalar_prefetch = 0 : i64, scratch_operands = 5 : i64, tpu.core_type = #tpu.core_type<sc_vector_subcore>, window_params = [{transform_indices = #map}, {transform_indices = #map}]} {
    %mul3A = arith.constant 16 : i32
    %mul3A_0 = arith.muli %arg0, %mul3A : i32
    %add3A = arith.addi %mul3A_0, %arg1 : i32
    %mul3A_1 = arith.constant 80 : i32
    %mul3A_2 = arith.muli %add3A, %mul3A_1 : i32
    %add3A_3 = arith.constant 0 : i32
    %add3A_4 = arith.addi %mul3A_2, %add3A_3 : i32
    %iota3A = tpu.iota {dimensions = array<i32: 0>} : vector<16xi32>
    %add3A_5 = vector.broadcast %add3A_4 : i32 to vector<16xi32>
    %add3A_6 = arith.addi %add3A_5, %iota3A : vector<16xi32>
    %swap3A = arith.constant 0 : index
    %swap3A_7 = tpu.vector_load %arg4[%swap3A] {strides = array<i32>} : memref<80xi32, #tpu.memory_space<vmem>>, vector<16xi32>,
    %swap3A_8 = vector.shape_cast %swap3A_7 : vector<16xi32> to vector<16xi32>
    %swap3A_9 = vector.shape_cast %add3A_6 : vector<16xi32> to vector<16xi32>
    tpu.vector_store %arg4[%swap3A], %swap3A_9 {strides = array<i32>} : memref<80xi32, #tpu.memory_space<vmem>>, vector<16xi32>,
    %add3A_10 = arith.constant 16 : i32
    %add3A_11 = arith.addi %mul3A_2, %add3A_10 : i32
    %iota3A_12 = tpu.iota {dimensions = array<i32: 0>} : vector<16xi32>
    %add3A_13 = vector.broadcast %add3A_11 : i32 to vector<16xi32>
    %add3A_14 = arith.addi %add3A_13, %iota3A_12 : vector<16xi32>
    %swap3A_15 = arith.constant 16 : index
    %swap3A_16 = tpu.vector_load %arg4[%swap3A_15] {strides = array<i32>} : memref<80xi32, #tpu.memory_space<vmem>>, vector<16xi32>,
    %swap3A_17 = vector.shape_cast %swap3A_16 : vector<16xi32> to vector<16xi32>
    %swap3A_18 = vector.shape_cast %add3A_14 : vector<16xi32> to vector<16xi32>
    tpu.vector_store %arg4[%swap3A_15], %swap3A_18 {strides = array<i32>} : memref<80xi32, #tpu.memory_space<vmem>>, vector<16xi32>,
    %add3A_19 = arith.constant 32 : i32
    %add3A_20 = arith.addi %mul3A_2, %add3A_19 : i32
    %iota3A_21 = tpu.iota {dimensions = array<i32: 0>} : vector<16xi32>
    %add3A_22 = vector.broadcast %add3A_20 : i32 to vector<16xi32>
    %add3A_23 = arith.addi %add3A_22, %iota3A_21 : vector<16xi32>
    %swap3A_24 = arith.constant 32 : index
    %swap3A_25 = tpu.vector_load %arg4[%swap3A_24] {strides = array<i32>} : memref<80xi32, #tpu.memory_space<vmem>>, vector<16xi32>,
    %swap3A_26 = vector.shape_cast %swap3A_25 : vector<16xi32> to vector<16xi32>
    %swap3A_27 = vector.shape_cast %add3A_23 : vector<16xi32> to vector<16xi32>
    tpu.vector_store %arg4[%swap3A_24], %swap3A_27 {strides = array<i32>} : memref<80xi32, #tpu.memory_space<vmem>>, vector<16xi32>,
    %add3A_28 = arith.constant 48 : i32
    %add3A_29 = arith.addi %mul3A_2, %add3A_28 : i32
    %iota3A_30 = tpu.iota {dimensions = array<i32: 0>} : vector<16xi32>
    %add3A_31 = vector.broadcast %add3A_29 : i32 to vector<16xi32>
    %add3A_32 = arith.addi %add3A_31, %iota3A_30 : vector<16xi32>
    %swap3A_33 = arith.constant 48 : index
    %swap3A_34 = tpu.vector_load %arg4[%swap3A_33] {strides = array<i32>} : memref<80xi32, #tpu.memory_space<vmem>>, vector<16xi32>,
    %swap3A_35 = vector.shape_cast %swap3A_34 : vector<16xi32> to vector<16xi32>
    %swap3A_36 = vector.shape_cast %add3A_32 : vector<16xi32> to vector<16xi32>
    tpu.vector_store %arg4[%swap3A_33], %swap3A_36 {strides = array<i32>} : memref<80xi32, #tpu.memory_space<vmem>>, vector<16xi32>,
    %add3A_37 = arith.constant 64 : i32
    %add3A_38 = arith.addi %mul3A_2, %add3A_37 : i32
    %iota3A_39 = tpu.iota {dimensions = array<i32: 0>} : vector<16xi32>
    %add3A_40 = vector.broadcast %add3A_38 : i32 to vector<16xi32>
    %add3A_41 = arith.addi %add3A_40, %iota3A_39 : vector<16xi32>
    %swap3A_42 = arith.constant 64 : index
    %swap3A_43 = tpu.vector_load %arg4[%swap3A_42] {strides = array<i32>} : memref<80xi32, #tpu.memory_space<vmem>>, vector<16xi32>,
    %swap3A_44 = vector.shape_cast %swap3A_43 : vector<16xi32> to vector<16xi32>
    %swap3A_45 = vector.shape_cast %add3A_41 : vector<16xi32> to vector<16xi32>
    tpu.vector_store %arg4[%swap3A_42], %swap3A_45 {strides = array<i32>} : memref<80xi32, #tpu.memory_space<vmem>>, vector<16xi32>,
    %dma_start3A = arith.constant 0 : i32
    %dma_start3A_46 = arith.constant 0 : i32
    %dma_start3A_47 = tpu.memref_slice %arg2[%dma_start3A, %dma_start3A_46] : memref<2560x128xi32, #tpu.memory_space<hbm>> -> memref<2560x128xi32, #tpu.memory_space<hbm>>
    tpu.enqueue_indirect_dma source(%dma_start3A_47 : memref<2560x128xi32, #tpu.memory_space<hbm>>) target(%arg5 : memref<80x128xi32, #tpu.memory_space<vmem>>) offsets(%arg4 : memref<80xi32, #tpu.memory_space<vmem>>) semaphore(%arg8 : memref<!tpu.dma_semaphore, #tpu.memory_space<semaphore_mem>>)
    %dma_wait3A = arith.constant 0 : i32
    %dma_wait3A_48 = arith.constant 0 : i32
    %dma_wait3A_49 = tpu.memref_slice %arg2[%dma_wait3A, %dma_wait3A_48] : memref<2560x128xi32, #tpu.memory_space<hbm>> -> memref<2560x128xi32, #tpu.memory_space<hbm>>
    tpu.wait_indirect_dma semaphore(%arg8 : memref<!tpu.dma_semaphore, #tpu.memory_space<semaphore_mem>>) src(%dma_wait3A_49 : memref<2560x128xi32, #tpu.memory_space<hbm>>) dst(%arg5 : memref<80x128xi32, #tpu.memory_space<vmem>>)
    %scan3A = arith.constant 0 : i32
    %scan3A_50 = arith.constant 0 : i32
    %scan3A_51 = arith.constant 128 : i32
    %scan3A_52 = arith.addi %scan3A_50, %scan3A_51 : i32
    %scan3A_53 = arith.constant 1 : i32
    scf.for %scan3A_149 = %scan3A_50 to %scan3A_52 step %scan3A_53  : i32 {
      %broadcast_in_dim3A = arith.constant 0.000000e+00 : f32
      %broadcast_in_dim3A_150 = vector.broadcast %broadcast_in_dim3A : f32 to vector<16xf32>
      %swap3A_151 = arith.index_cast %scan3A_149 : i32 to index
      %swap3A_152 = arith.constant 0 : index
      %swap3A_153 = tpu.vector_load %arg6[%swap3A_151, %swap3A_152] {strides = array<i32>} : memref<128x128xf32, #tpu.memory_space<vmem>>, vector<1x16xf32>,
      %swap3A_154 = vector.shape_cast %swap3A_153 : vector<1x16xf32> to vector<16xf32>
      %swap3A_155 = vector.shape_cast %broadcast_in_dim3A_150 : vector<16xf32> to vector<1x16xf32>
      tpu.vector_store %arg6[%swap3A_151, %swap3A_152], %swap3A_155 {strides = array<i32>} : memref<128x128xf32, #tpu.memory_space<vmem>>, vector<1x16xf32>,
      %broadcast_in_dim3A_156 = arith.constant 0.000000e+00 : f32
      %broadcast_in_dim3A_157 = vector.broadcast %broadcast_in_dim3A_156 : f32 to vector<16xf32>
      %swap3A_158 = arith.index_cast %scan3A_149 : i32 to index
      %swap3A_159 = arith.constant 16 : index
      %swap3A_160 = tpu.vector_load %arg6[%swap3A_158, %swap3A_159] {strides = array<i32>} : memref<128x128xf32, #tpu.memory_space<vmem>>, vector<1x16xf32>,
      %swap3A_161 = vector.shape_cast %swap3A_160 : vector<1x16xf32> to vector<16xf32>
      %swap3A_162 = vector.shape_cast %broadcast_in_dim3A_157 : vector<16xf32> to vector<1x16xf32>
      tpu.vector_store %arg6[%swap3A_158, %swap3A_159], %swap3A_162 {strides = array<i32>} : memref<128x128xf32, #tpu.memory_space<vmem>>, vector<1x16xf32>,
      %broadcast_in_dim3A_163 = arith.constant 0.000000e+00 : f32
      %broadcast_in_dim3A_164 = vector.broadcast %broadcast_in_dim3A_163 : f32 to vector<16xf32>
      %swap3A_165 = arith.index_cast %scan3A_149 : i32 to index
      %swap3A_166 = arith.constant 32 : index
      %swap3A_167 = tpu.vector_load %arg6[%swap3A_165, %swap3A_166] {strides = array<i32>} : memref<128x128xf32, #tpu.memory_space<vmem>>, vector<1x16xf32>,
      %swap3A_168 = vector.shape_cast %swap3A_167 : vector<1x16xf32> to vector<16xf32>
      %swap3A_169 = vector.shape_cast %broadcast_in_dim3A_164 : vector<16xf32> to vector<1x16xf32>
      tpu.vector_store %arg6[%swap3A_165, %swap3A_166], %swap3A_169 {strides = array<i32>} : memref<128x128xf32, #tpu.memory_space<vmem>>, vector<1x16xf32>,
      %broadcast_in_dim3A_170 = arith.constant 0.000000e+00 : f32
      %broadcast_in_dim3A_171 = vector.broadcast %broadcast_in_dim3A_170 : f32 to vector<16xf32>
      %swap3A_172 = arith.index_cast %scan3A_149 : i32 to index
      %swap3A_173 = arith.constant 48 : index
      %swap3A_174 = tpu.vector_load %arg6[%swap3A_172, %swap3A_173] {strides = array<i32>} : memref<128x128xf32, #tpu.memory_space<vmem>>, vector<1x16xf32>,
      %swap3A_175 = vector.shape_cast %swap3A_174 : vector<1x16xf32> to vector<16xf32>
      %swap3A_176 = vector.shape_cast %broadcast_in_dim3A_171 : vector<16xf32> to vector<1x16xf32>
      tpu.vector_store %arg6[%swap3A_172, %swap3A_173], %swap3A_176 {strides = array<i32>} : memref<128x128xf32, #tpu.memory_space<vmem>>, vector<1x16xf32>,
      %broadcast_in_dim3A_177 = arith.constant 0.000000e+00 : f32
      %broadcast_in_dim3A_178 = vector.broadcast %broadcast_in_dim3A_177 : f32 to vector<16xf32>
      %swap3A_179 = arith.index_cast %scan3A_149 : i32 to index
      %swap3A_180 = arith.constant 64 : index
      %swap3A_181 = tpu.vector_load %arg6[%swap3A_179, %swap3A_180] {strides = array<i32>} : memref<128x128xf32, #tpu.memory_space<vmem>>, vector<1x16xf32>,
      %swap3A_182 = vector.shape_cast %swap3A_181 : vector<1x16xf32> to vector<16xf32>
      %swap3A_183 = vector.shape_cast %broadcast_in_dim3A_178 : vector<16xf32> to vector<1x16xf32>
      tpu.vector_store %arg6[%swap3A_179, %swap3A_180], %swap3A_183 {strides = array<i32>} : memref<128x128xf32, #tpu.memory_space<vmem>>, vector<1x16xf32>,
      %broadcast_in_dim3A_184 = arith.constant 0.000000e+00 : f32
      %broadcast_in_dim3A_185 = vector.broadcast %broadcast_in_dim3A_184 : f32 to vector<16xf32>
      %swap3A_186 = arith.index_cast %scan3A_149 : i32 to index
      %swap3A_187 = arith.constant 80 : index
      %swap3A_188 = tpu.vector_load %arg6[%swap3A_186, %swap3A_187] {strides = array<i32>} : memref<128x128xf32, #tpu.memory_space<vmem>>, vector<1x16xf32>,
      %swap3A_189 = vector.shape_cast %swap3A_188 : vector<1x16xf32> to vector<16xf32>
      %swap3A_190 = vector.shape_cast %broadcast_in_dim3A_185 : vector<16xf32> to vector<1x16xf32>
      tpu.vector_store %arg6[%swap3A_186, %swap3A_187], %swap3A_190 {strides = array<i32>} : memref<128x128xf32, #tpu.memory_space<vmem>>, vector<1x16xf32>,
      %broadcast_in_dim3A_191 = arith.constant 0.000000e+00 : f32
      %broadcast_in_dim3A_192 = vector.broadcast %broadcast_in_dim3A_191 : f32 to vector<16xf32>
      %swap3A_193 = arith.index_cast %scan3A_149 : i32 to index
      %swap3A_194 = arith.constant 96 : index
      %swap3A_195 = tpu.vector_load %arg6[%swap3A_193, %swap3A_194] {strides = array<i32>} : memref<128x128xf32, #tpu.memory_space<vmem>>, vector<1x16xf32>,
      %swap3A_196 = vector.shape_cast %swap3A_195 : vector<1x16xf32> to vector<16xf32>
      %swap3A_197 = vector.shape_cast %broadcast_in_dim3A_192 : vector<16xf32> to vector<1x16xf32>
      tpu.vector_store %arg6[%swap3A_193, %swap3A_194], %swap3A_197 {strides = array<i32>} : memref<128x128xf32, #tpu.memory_space<vmem>>, vector<1x16xf32>,
      %broadcast_in_dim3A_198 = arith.constant 0.000000e+00 : f32
      %broadcast_in_dim3A_199 = vector.broadcast %broadcast_in_dim3A_198 : f32 to vector<16xf32>
      %swap3A_200 = arith.index_cast %scan3A_149 : i32 to index
      %swap3A_201 = arith.constant 112 : index
      %swap3A_202 = tpu.vector_load %arg6[%swap3A_200, %swap3A_201] {strides = array<i32>} : memref<128x128xf32, #tpu.memory_space<vmem>>, vector<1x16xf32>,
      %swap3A_203 = vector.shape_cast %swap3A_202 : vector<1x16xf32> to vector<16xf32>
      %swap3A_204 = vector.shape_cast %broadcast_in_dim3A_199 : vector<16xf32> to vector<1x16xf32>
      tpu.vector_store %arg6[%swap3A_200, %swap3A_201], %swap3A_204 {strides = array<i32>} : memref<128x128xf32, #tpu.memory_space<vmem>>, vector<1x16xf32>,
    }
    %scan3A_54 = arith.constant 128 : i32
    %mul3A_55 = arith.constant 640 : i32
    %mul3A_56 = arith.muli %arg1, %mul3A_55 : i32
    %add3A_57 = arith.constant 0 : i32
    %add3A_58 = arith.addi %mul3A_56, %add3A_57 : i32
    "tpu.region"() ({
      %run_scoped3A = tpu.sem_alloc : memref<!tpu.dma_semaphore, #tpu.memory_space<semaphore_mem>>
      %dma_start3A_149 = arith.constant 0 : i32
      %dma_start3A_150 = tpu.memref_slice %arg7[%add3A_58, %dma_start3A_149] : memref<10240x128xf32, #tpu.memory_space<vmem_shared>> -> memref<128x128xf32, #tpu.memory_space<vmem_shared>>
      %dma_start3A_151 = arith.constant 0 : i32
      %dma_start3A_152 = tpu.memref_slice %arg7[%add3A_58, %dma_start3A_151] : memref<10240x128xf32, #tpu.memory_space<vmem_shared>> -> memref<128x128xf32, #tpu.memory_space<vmem_shared>>
      tpu.enqueue_dma source(%arg6 : memref<128x128xf32, #tpu.memory_space<vmem>>) target(%dma_start3A_152 : memref<128x128xf32, #tpu.memory_space<vmem_shared>>) target_semaphore(%run_scoped3A : memref<!tpu.dma_semaphore, #tpu.memory_space<semaphore_mem>>)
      %dma_wait3A_153 = arith.constant 0 : i32
      %dma_wait3A_154 = tpu.memref_slice %arg7[%add3A_58, %dma_wait3A_153] : memref<10240x128xf32, #tpu.memory_space<vmem_shared>> -> memref<128x128xf32, #tpu.memory_space<vmem_shared>>
      %dma_wait3A_155 = arith.constant 0 : i32
      %dma_wait3A_156 = tpu.memref_slice %arg7[%add3A_58, %dma_wait3A_155] : memref<10240x128xf32, #tpu.memory_space<vmem_shared>> -> memref<128x128xf32, #tpu.memory_space<vmem_shared>>
      tpu.wait_dma2 semaphore(%run_scoped3A : memref<!tpu.dma_semaphore, #tpu.memory_space<semaphore_mem>>) src(%arg6 : memref<128x128xf32, #tpu.memory_space<vmem>>) dst(%dma_wait3A_156 : memref<128x128xf32, #tpu.memory_space<vmem_shared>>)
      tpu.yield
    }) : () -> ()
    %mul3A_59 = arith.constant 640 : i32
    %mul3A_60 = arith.muli %arg1, %mul3A_59 : i32
    %add3A_61 = arith.constant 128 : i32
    %add3A_62 = arith.addi %mul3A_60, %add3A_61 : i32
    "tpu.region"() ({
      %run_scoped3A = tpu.sem_alloc : memref<!tpu.dma_semaphore, #tpu.memory_space<semaphore_mem>>
      %dma_start3A_149 = arith.constant 0 : i32
      %dma_start3A_150 = tpu.memref_slice %arg7[%add3A_62, %dma_start3A_149] : memref<10240x128xf32, #tpu.memory_space<vmem_shared>> -> memref<128x128xf32, #tpu.memory_space<vmem_shared>>
      %dma_start3A_151 = arith.constant 0 : i32
      %dma_start3A_152 = tpu.memref_slice %arg7[%add3A_62, %dma_start3A_151] : memref<10240x128xf32, #tpu.memory_space<vmem_shared>> -> memref<128x128xf32, #tpu.memory_space<vmem_shared>>
      tpu.enqueue_dma source(%arg6 : memref<128x128xf32, #tpu.memory_space<vmem>>) target(%dma_start3A_152 : memref<128x128xf32, #tpu.memory_space<vmem_shared>>) target_semaphore(%run_scoped3A : memref<!tpu.dma_semaphore, #tpu.memory_space<semaphore_mem>>)
      %dma_wait3A_153 = arith.constant 0 : i32
      %dma_wait3A_154 = tpu.memref_slice %arg7[%add3A_62, %dma_wait3A_153] : memref<10240x128xf32, #tpu.memory_space<vmem_shared>> -> memref<128x128xf32, #tpu.memory_space<vmem_shared>>
      %dma_wait3A_155 = arith.constant 0 : i32
      %dma_wait3A_156 = tpu.memref_slice %arg7[%add3A_62, %dma_wait3A_155] : memref<10240x128xf32, #tpu.memory_space<vmem_shared>> -> memref<128x128xf32, #tpu.memory_space<vmem_shared>>
      tpu.wait_dma2 semaphore(%run_scoped3A : memref<!tpu.dma_semaphore, #tpu.memory_space<semaphore_mem>>) src(%arg6 : memref<128x128xf32, #tpu.memory_space<vmem>>) dst(%dma_wait3A_156 : memref<128x128xf32, #tpu.memory_space<vmem_shared>>)
      tpu.yield
    }) : () -> ()
    %mul3A_63 = arith.constant 640 : i32
    %mul3A_64 = arith.muli %arg1, %mul3A_63 : i32
    %add3A_65 = arith.constant 256 : i32
    %add3A_66 = arith.addi %mul3A_64, %add3A_65 : i32
    "tpu.region"() ({
      %run_scoped3A = tpu.sem_alloc : memref<!tpu.dma_semaphore, #tpu.memory_space<semaphore_mem>>
      %dma_start3A_149 = arith.constant 0 : i32
      %dma_start3A_150 = tpu.memref_slice %arg7[%add3A_66, %dma_start3A_149] : memref<10240x128xf32, #tpu.memory_space<vmem_shared>> -> memref<128x128xf32, #tpu.memory_space<vmem_shared>>
      %dma_start3A_151 = arith.constant 0 : i32
      %dma_start3A_152 = tpu.memref_slice %arg7[%add3A_66, %dma_start3A_151] : memref<10240x128xf32, #tpu.memory_space<vmem_shared>> -> memref<128x128xf32, #tpu.memory_space<vmem_shared>>
      tpu.enqueue_dma source(%arg6 : memref<128x128xf32, #tpu.memory_space<vmem>>) target(%dma_start3A_152 : memref<128x128xf32, #tpu.memory_space<vmem_shared>>) target_semaphore(%run_scoped3A : memref<!tpu.dma_semaphore, #tpu.memory_space<semaphore_mem>>)
      %dma_wait3A_153 = arith.constant 0 : i32
      %dma_wait3A_154 = tpu.memref_slice %arg7[%add3A_66, %dma_wait3A_153] : memref<10240x128xf32, #tpu.memory_space<vmem_shared>> -> memref<128x128xf32, #tpu.memory_space<vmem_shared>>
      %dma_wait3A_155 = arith.constant 0 : i32
      %dma_wait3A_156 = tpu.memref_slice %arg7[%add3A_66, %dma_wait3A_155] : memref<10240x128xf32, #tpu.memory_space<vmem_shared>> -> memref<128x128xf32, #tpu.memory_space<vmem_shared>>
      tpu.wait_dma2 semaphore(%run_scoped3A : memref<!tpu.dma_semaphore, #tpu.memory_space<semaphore_mem>>) src(%arg6 : memref<128x128xf32, #tpu.memory_space<vmem>>) dst(%dma_wait3A_156 : memref<128x128xf32, #tpu.memory_space<vmem_shared>>)
      tpu.yield
    }) : () -> ()
    %mul3A_67 = arith.constant 640 : i32
    %mul3A_68 = arith.muli %arg1, %mul3A_67 : i32
    %add3A_69 = arith.constant 384 : i32
    %add3A_70 = arith.addi %mul3A_68, %add3A_69 : i32
    "tpu.region"() ({
      %run_scoped3A = tpu.sem_alloc : memref<!tpu.dma_semaphore, #tpu.memory_space<semaphore_mem>>
      %dma_start3A_149 = arith.constant 0 : i32
      %dma_start3A_150 = tpu.memref_slice %arg7[%add3A_70, %dma_start3A_149] : memref<10240x128xf32, #tpu.memory_space<vmem_shared>> -> memref<128x128xf32, #tpu.memory_space<vmem_shared>>
      %dma_start3A_151 = arith.constant 0 : i32
      %dma_start3A_152 = tpu.memref_slice %arg7[%add3A_70, %dma_start3A_151] : memref<10240x128xf32, #tpu.memory_space<vmem_shared>> -> memref<128x128xf32, #tpu.memory_space<vmem_shared>>
      tpu.enqueue_dma source(%arg6 : memref<128x128xf32, #tpu.memory_space<vmem>>) target(%dma_start3A_152 : memref<128x128xf32, #tpu.memory_space<vmem_shared>>) target_semaphore(%run_scoped3A : memref<!tpu.dma_semaphore, #tpu.memory_space<semaphore_mem>>)
      %dma_wait3A_153 = arith.constant 0 : i32
      %dma_wait3A_154 = tpu.memref_slice %arg7[%add3A_70, %dma_wait3A_153] : memref<10240x128xf32, #tpu.memory_space<vmem_shared>> -> memref<128x128xf32, #tpu.memory_space<vmem_shared>>
      %dma_wait3A_155 = arith.constant 0 : i32
      %dma_wait3A_156 = tpu.memref_slice %arg7[%add3A_70, %dma_wait3A_155] : memref<10240x128xf32, #tpu.memory_space<vmem_shared>> -> memref<128x128xf32, #tpu.memory_space<vmem_shared>>
      tpu.wait_dma2 semaphore(%run_scoped3A : memref<!tpu.dma_semaphore, #tpu.memory_space<semaphore_mem>>) src(%arg6 : memref<128x128xf32, #tpu.memory_space<vmem>>) dst(%dma_wait3A_156 : memref<128x128xf32, #tpu.memory_space<vmem_shared>>)
      tpu.yield
    }) : () -> ()
    %mul3A_71 = arith.constant 640 : i32
    %mul3A_72 = arith.muli %arg1, %mul3A_71 : i32
    %add3A_73 = arith.constant 512 : i32
    %add3A_74 = arith.addi %mul3A_72, %add3A_73 : i32
    "tpu.region"() ({
      %run_scoped3A = tpu.sem_alloc : memref<!tpu.dma_semaphore, #tpu.memory_space<semaphore_mem>>
      %dma_start3A_149 = arith.constant 0 : i32
      %dma_start3A_150 = tpu.memref_slice %arg7[%add3A_74, %dma_start3A_149] : memref<10240x128xf32, #tpu.memory_space<vmem_shared>> -> memref<128x128xf32, #tpu.memory_space<vmem_shared>>
      %dma_start3A_151 = arith.constant 0 : i32
      %dma_start3A_152 = tpu.memref_slice %arg7[%add3A_74, %dma_start3A_151] : memref<10240x128xf32, #tpu.memory_space<vmem_shared>> -> memref<128x128xf32, #tpu.memory_space<vmem_shared>>
      tpu.enqueue_dma source(%arg6 : memref<128x128xf32, #tpu.memory_space<vmem>>) target(%dma_start3A_152 : memref<128x128xf32, #tpu.memory_space<vmem_shared>>) target_semaphore(%run_scoped3A : memref<!tpu.dma_semaphore, #tpu.memory_space<semaphore_mem>>)
      %dma_wait3A_153 = arith.constant 0 : i32
      %dma_wait3A_154 = tpu.memref_slice %arg7[%add3A_74, %dma_wait3A_153] : memref<10240x128xf32, #tpu.memory_space<vmem_shared>> -> memref<128x128xf32, #tpu.memory_space<vmem_shared>>
      %dma_wait3A_155 = arith.constant 0 : i32
      %dma_wait3A_156 = tpu.memref_slice %arg7[%add3A_74, %dma_wait3A_155] : memref<10240x128xf32, #tpu.memory_space<vmem_shared>> -> memref<128x128xf32, #tpu.memory_space<vmem_shared>>
      tpu.wait_dma2 semaphore(%run_scoped3A : memref<!tpu.dma_semaphore, #tpu.memory_space<semaphore_mem>>) src(%arg6 : memref<128x128xf32, #tpu.memory_space<vmem>>) dst(%dma_wait3A_156 : memref<128x128xf32, #tpu.memory_space<vmem_shared>>)
      tpu.yield
    }) : () -> ()
    %scan3A_75 = arith.constant 0 : i32
    %scan3A_76 = arith.constant 0 : i32
    %scan3A_77 = arith.constant 128 : i32
    %scan3A_78 = arith.addi %scan3A_76, %scan3A_77 : i32
    %scan3A_79 = arith.constant 1 : i32
    scf.for %scan3A_149 = %scan3A_76 to %scan3A_78 step %scan3A_79  : i32 {
      %broadcast_in_dim3A = arith.constant 1.000000e+00 : f32
      %broadcast_in_dim3A_150 = vector.broadcast %broadcast_in_dim3A : f32 to vector<16xf32>
      %swap3A_151 = arith.index_cast %scan3A_149 : i32 to index
      %swap3A_152 = arith.constant 0 : index
      %swap3A_153 = tpu.vector_load %arg6[%swap3A_151, %swap3A_152] {strides = array<i32>} : memref<128x128xf32, #tpu.memory_space<vmem>>, vector<1x16xf32>,
      %swap3A_154 = vector.shape_cast %swap3A_153 : vector<1x16xf32> to vector<16xf32>
      %swap3A_155 = vector.shape_cast %broadcast_in_dim3A_150 : vector<16xf32> to vector<1x16xf32>
      tpu.vector_store %arg6[%swap3A_151, %swap3A_152], %swap3A_155 {strides = array<i32>} : memref<128x128xf32, #tpu.memory_space<vmem>>, vector<1x16xf32>,
      %broadcast_in_dim3A_156 = arith.constant 1.000000e+00 : f32
      %broadcast_in_dim3A_157 = vector.broadcast %broadcast_in_dim3A_156 : f32 to vector<16xf32>
      %swap3A_158 = arith.index_cast %scan3A_149 : i32 to index
      %swap3A_159 = arith.constant 16 : index
      %swap3A_160 = tpu.vector_load %arg6[%swap3A_158, %swap3A_159] {strides = array<i32>} : memref<128x128xf32, #tpu.memory_space<vmem>>, vector<1x16xf32>,
      %swap3A_161 = vector.shape_cast %swap3A_160 : vector<1x16xf32> to vector<16xf32>
      %swap3A_162 = vector.shape_cast %broadcast_in_dim3A_157 : vector<16xf32> to vector<1x16xf32>
      tpu.vector_store %arg6[%swap3A_158, %swap3A_159], %swap3A_162 {strides = array<i32>} : memref<128x128xf32, #tpu.memory_space<vmem>>, vector<1x16xf32>,
      %broadcast_in_dim3A_163 = arith.constant 1.000000e+00 : f32
      %broadcast_in_dim3A_164 = vector.broadcast %broadcast_in_dim3A_163 : f32 to vector<16xf32>
      %swap3A_165 = arith.index_cast %scan3A_149 : i32 to index
      %swap3A_166 = arith.constant 32 : index
      %swap3A_167 = tpu.vector_load %arg6[%swap3A_165, %swap3A_166] {strides = array<i32>} : memref<128x128xf32, #tpu.memory_space<vmem>>, vector<1x16xf32>,
      %swap3A_168 = vector.shape_cast %swap3A_167 : vector<1x16xf32> to vector<16xf32>
      %swap3A_169 = vector.shape_cast %broadcast_in_dim3A_164 : vector<16xf32> to vector<1x16xf32>
      tpu.vector_store %arg6[%swap3A_165, %swap3A_166], %swap3A_169 {strides = array<i32>} : memref<128x128xf32, #tpu.memory_space<vmem>>, vector<1x16xf32>,
      %broadcast_in_dim3A_170 = arith.constant 1.000000e+00 : f32
      %broadcast_in_dim3A_171 = vector.broadcast %broadcast_in_dim3A_170 : f32 to vector<16xf32>
      %swap3A_172 = arith.index_cast %scan3A_149 : i32 to index
      %swap3A_173 = arith.constant 48 : index
      %swap3A_174 = tpu.vector_load %arg6[%swap3A_172, %swap3A_173] {strides = array<i32>} : memref<128x128xf32, #tpu.memory_space<vmem>>, vector<1x16xf32>,
      %swap3A_175 = vector.shape_cast %swap3A_174 : vector<1x16xf32> to vector<16xf32>
      %swap3A_176 = vector.shape_cast %broadcast_in_dim3A_171 : vector<16xf32> to vector<1x16xf32>
      tpu.vector_store %arg6[%swap3A_172, %swap3A_173], %swap3A_176 {strides = array<i32>} : memref<128x128xf32, #tpu.memory_space<vmem>>, vector<1x16xf32>,
      %broadcast_in_dim3A_177 = arith.constant 1.000000e+00 : f32
      %broadcast_in_dim3A_178 = vector.broadcast %broadcast_in_dim3A_177 : f32 to vector<16xf32>
      %swap3A_179 = arith.index_cast %scan3A_149 : i32 to index
      %swap3A_180 = arith.constant 64 : index
      %swap3A_181 = tpu.vector_load %arg6[%swap3A_179, %swap3A_180] {strides = array<i32>} : memref<128x128xf32, #tpu.memory_space<vmem>>, vector<1x16xf32>,
      %swap3A_182 = vector.shape_cast %swap3A_181 : vector<1x16xf32> to vector<16xf32>
      %swap3A_183 = vector.shape_cast %broadcast_in_dim3A_178 : vector<16xf32> to vector<1x16xf32>
      tpu.vector_store %arg6[%swap3A_179, %swap3A_180], %swap3A_183 {strides = array<i32>} : memref<128x128xf32, #tpu.memory_space<vmem>>, vector<1x16xf32>,
      %broadcast_in_dim3A_184 = arith.constant 1.000000e+00 : f32
      %broadcast_in_dim3A_185 = vector.broadcast %broadcast_in_dim3A_184 : f32 to vector<16xf32>
      %swap3A_186 = arith.index_cast %scan3A_149 : i32 to index
      %swap3A_187 = arith.constant 80 : index
      %swap3A_188 = tpu.vector_load %arg6[%swap3A_186, %swap3A_187] {strides = array<i32>} : memref<128x128xf32, #tpu.memory_space<vmem>>, vector<1x16xf32>,
      %swap3A_189 = vector.shape_cast %swap3A_188 : vector<1x16xf32> to vector<16xf32>
      %swap3A_190 = vector.shape_cast %broadcast_in_dim3A_185 : vector<16xf32> to vector<1x16xf32>
      tpu.vector_store %arg6[%swap3A_186, %swap3A_187], %swap3A_190 {strides = array<i32>} : memref<128x128xf32, #tpu.memory_space<vmem>>, vector<1x16xf32>,
      %broadcast_in_dim3A_191 = arith.constant 1.000000e+00 : f32
      %broadcast_in_dim3A_192 = vector.broadcast %broadcast_in_dim3A_191 : f32 to vector<16xf32>
      %swap3A_193 = arith.index_cast %scan3A_149 : i32 to index
      %swap3A_194 = arith.constant 96 : index
      %swap3A_195 = tpu.vector_load %arg6[%swap3A_193, %swap3A_194] {strides = array<i32>} : memref<128x128xf32, #tpu.memory_space<vmem>>, vector<1x16xf32>,
      %swap3A_196 = vector.shape_cast %swap3A_195 : vector<1x16xf32> to vector<16xf32>
      %swap3A_197 = vector.shape_cast %broadcast_in_dim3A_192 : vector<16xf32> to vector<1x16xf32>
      tpu.vector_store %arg6[%swap3A_193, %swap3A_194], %swap3A_197 {strides = array<i32>} : memref<128x128xf32, #tpu.memory_space<vmem>>, vector<1x16xf32>,
      %broadcast_in_dim3A_198 = arith.constant 1.000000e+00 : f32
      %broadcast_in_dim3A_199 = vector.broadcast %broadcast_in_dim3A_198 : f32 to vector<16xf32>
      %swap3A_200 = arith.index_cast %scan3A_149 : i32 to index
      %swap3A_201 = arith.constant 112 : index
      %swap3A_202 = tpu.vector_load %arg6[%swap3A_200, %swap3A_201] {strides = array<i32>} : memref<128x128xf32, #tpu.memory_space<vmem>>, vector<1x16xf32>,
      %swap3A_203 = vector.shape_cast %swap3A_202 : vector<1x16xf32> to vector<16xf32>
      %swap3A_204 = vector.shape_cast %broadcast_in_dim3A_199 : vector<16xf32> to vector<1x16xf32>
      tpu.vector_store %arg6[%swap3A_200, %swap3A_201], %swap3A_204 {strides = array<i32>} : memref<128x128xf32, #tpu.memory_space<vmem>>, vector<1x16xf32>,
    }
    %scan3A_80 = arith.constant 128 : i32
    %barrier3A = arith.constant 0 : index
    tpu.barrier barrier_id(%barrier3A)
    %scan3A_81 = arith.constant 0 : i32
    %scan3A_82 = arith.constant 0 : i32
    %scan3A_83 = arith.constant 80 : i32
    %scan3A_84 = arith.addi %scan3A_82, %scan3A_83 : i32
    %scan3A_85 = arith.constant 1 : i32
    scf.for %scan3A_149 = %scan3A_82 to %scan3A_84 step %scan3A_85  : i32 {
      %ge3A = arith.constant 8 : i32
      %ge3A_150 = arith.cmpi sge, %scan3A_149, %ge3A : i32
      %convert_element_type3A = arith.extui %ge3A_150 : i1 to i32
      %cond3A = arith.constant 0 : i32
      %cond3A_151 = arith.cmpi ne, %convert_element_type3A, %cond3A : i32
      scf.if %cond3A_151 {
        %sub3A = arith.constant 8 : i32
        %sub3A_158 = arith.subi %scan3A_149, %sub3A : i32
        %dma_wait3A_159 = arith.constant 0 : i32
        %dma_wait3A_160 = tpu.memref_slice %arg5[%sub3A_158, %dma_wait3A_159] : memref<80x128xi32, #tpu.memory_space<vmem>> -> memref<1x128xi32, #tpu.memory_space<vmem>>
        %dma_wait3A_161 = tpu.memref_squeeze %dma_wait3A_160 : memref<1x128xi32, #tpu.memory_space<vmem>> -> memref<128xi32, #tpu.memory_space<vmem>>
        %dma_wait3A_162 = arith.constant 0 : i32
        %dma_wait3A_163 = arith.constant 0 : i32
        %dma_wait3A_164 = tpu.memref_slice %arg7[%dma_wait3A_162, %dma_wait3A_163] : memref<10240x128xf32, #tpu.memory_space<vmem_shared>> -> memref<10240x128xf32, #tpu.memory_space<vmem_shared>>
        tpu.wait_indirect_dma semaphore(%arg8 : memref<!tpu.dma_semaphore, #tpu.memory_space<semaphore_mem>>) src(%arg6 : memref<128x128xf32, #tpu.memory_space<vmem>>) dst(%dma_wait3A_164 : memref<10240x128xf32, #tpu.memory_space<vmem_shared>>)
      } else {
      }
      %dma_start3A_152 = arith.constant 0 : i32
      %dma_start3A_153 = tpu.memref_slice %arg5[%scan3A_149, %dma_start3A_152] : memref<80x128xi32, #tpu.memory_space<vmem>> -> memref<1x128xi32, #tpu.memory_space<vmem>>
      %dma_start3A_154 = tpu.memref_squeeze %dma_start3A_153 : memref<1x128xi32, #tpu.memory_space<vmem>> -> memref<128xi32, #tpu.memory_space<vmem>>
      %dma_start3A_155 = arith.constant 0 : i32
      %dma_start3A_156 = arith.constant 0 : i32
      %dma_start3A_157 = tpu.memref_slice %arg7[%dma_start3A_155, %dma_start3A_156] : memref<10240x128xf32, #tpu.memory_space<vmem_shared>> -> memref<10240x128xf32, #tpu.memory_space<vmem_shared>>
      tpu.enqueue_indirect_dma source(%arg6 : memref<128x128xf32, #tpu.memory_space<vmem>>) target(%dma_start3A_157 : memref<10240x128xf32, #tpu.memory_space<vmem_shared>>) offsets(%dma_start3A_154 : memref<128xi32, #tpu.memory_space<vmem>>) semaphore(%arg8 : memref<!tpu.dma_semaphore, #tpu.memory_space<semaphore_mem>>) {add = true}
    }
    %scan3A_86 = arith.constant 80 : i32
    %scan3A_87 = arith.constant 0 : i32
    %scan3A_88 = arith.constant 72 : i32
    %scan3A_89 = arith.constant 8 : i32
    %scan3A_90 = arith.addi %scan3A_88, %scan3A_89 : i32
    %scan3A_91 = arith.constant 1 : i32
    scf.for %scan3A_149 = %scan3A_88 to %scan3A_90 step %scan3A_91  : i32 {
      %dma_wait3A_150 = arith.constant 0 : i32
      %dma_wait3A_151 = tpu.memref_slice %arg5[%scan3A_149, %dma_wait3A_150] : memref<80x128xi32, #tpu.memory_space<vmem>> -> memref<1x128xi32, #tpu.memory_space<vmem>>
      %dma_wait3A_152 = tpu.memref_squeeze %dma_wait3A_151 : memref<1x128xi32, #tpu.memory_space<vmem>> -> memref<128xi32, #tpu.memory_space<vmem>>
      %dma_wait3A_153 = arith.constant 0 : i32
      %dma_wait3A_154 = arith.constant 0 : i32
      %dma_wait3A_155 = tpu.memref_slice %arg7[%dma_wait3A_153, %dma_wait3A_154] : memref<10240x128xf32, #tpu.memory_space<vmem_shared>> -> memref<10240x128xf32, #tpu.memory_space<vmem_shared>>
      tpu.wait_indirect_dma semaphore(%arg8 : memref<!tpu.dma_semaphore, #tpu.memory_space<semaphore_mem>>) src(%arg6 : memref<128x128xf32, #tpu.memory_space<vmem>>) dst(%dma_wait3A_155 : memref<10240x128xf32, #tpu.memory_space<vmem_shared>>)
    }
    %scan3A_92 = arith.constant 8 : i32
    %barrier3A_93 = arith.constant 0 : index
    tpu.barrier barrier_id(%barrier3A_93)
    %mul3A_94 = arith.constant 640 : i32
    %mul3A_95 = arith.muli %arg1, %mul3A_94 : i32
    %add3A_96 = arith.constant 0 : i32
    %add3A_97 = arith.addi %mul3A_95, %add3A_96 : i32
    %mul3A_98 = arith.constant 10240 : i32
    %mul3A_99 = arith.muli %arg0, %mul3A_98 : i32
    %mul3A_100 = arith.constant 640 : i32
    %mul3A_101 = arith.muli %arg1, %mul3A_100 : i32
    %add3A_102 = arith.addi %mul3A_99, %mul3A_101 : i32
    %add3A_103 = arith.constant 0 : i32
    %add3A_104 = arith.addi %add3A_102, %add3A_103 : i32
    "tpu.region"() ({
      %run_scoped3A = tpu.sem_alloc : memref<!tpu.dma_semaphore, #tpu.memory_space<semaphore_mem>>
      %dma_start3A_149 = arith.constant 0 : i32
      %dma_start3A_150 = tpu.memref_slice %arg3[%add3A_104, %dma_start3A_149] : memref<20480x128xf32, #tpu.memory_space<hbm>> -> memref<128x128xf32, #tpu.memory_space<hbm>>
      %dma_start3A_151 = arith.constant 0 : i32
      %dma_start3A_152 = tpu.memref_slice %arg7[%add3A_97, %dma_start3A_151] : memref<10240x128xf32, #tpu.memory_space<vmem_shared>> -> memref<128x128xf32, #tpu.memory_space<vmem_shared>>
      tpu.enqueue_dma source(%dma_start3A_152 : memref<128x128xf32, #tpu.memory_space<vmem_shared>>) target(%dma_start3A_150 : memref<128x128xf32, #tpu.memory_space<hbm>>) target_semaphore(%run_scoped3A : memref<!tpu.dma_semaphore, #tpu.memory_space<semaphore_mem>>)
      %dma_wait3A_153 = arith.constant 0 : i32
      %dma_wait3A_154 = tpu.memref_slice %arg3[%add3A_104, %dma_wait3A_153] : memref<20480x128xf32, #tpu.memory_space<hbm>> -> memref<128x128xf32, #tpu.memory_space<hbm>>
      %dma_wait3A_155 = arith.constant 0 : i32
      %dma_wait3A_156 = tpu.memref_slice %arg7[%add3A_97, %dma_wait3A_155] : memref<10240x128xf32, #tpu.memory_space<vmem_shared>> -> memref<128x128xf32, #tpu.memory_space<vmem_shared>>
      tpu.wait_dma2 semaphore(%run_scoped3A : memref<!tpu.dma_semaphore, #tpu.memory_space<semaphore_mem>>) src(%dma_wait3A_156 : memref<128x128xf32, #tpu.memory_space<vmem_shared>>) dst(%dma_wait3A_154 : memref<128x128xf32, #tpu.memory_space<hbm>>)
      tpu.yield
    }) : () -> ()
    %mul3A_105 = arith.constant 640 : i32
    %mul3A_106 = arith.muli %arg1, %mul3A_105 : i32
    %add3A_107 = arith.constant 128 : i32
    %add3A_108 = arith.addi %mul3A_106, %add3A_107 : i32
    %mul3A_109 = arith.constant 10240 : i32
    %mul3A_110 = arith.muli %arg0, %mul3A_109 : i32
    %mul3A_111 = arith.constant 640 : i32
    %mul3A_112 = arith.muli %arg1, %mul3A_111 : i32
    %add3A_113 = arith.addi %mul3A_110, %mul3A_112 : i32
    %add3A_114 = arith.constant 128 : i32
    %add3A_115 = arith.addi %add3A_113, %add3A_114 : i32
    "tpu.region"() ({
      %run_scoped3A = tpu.sem_alloc : memref<!tpu.dma_semaphore, #tpu.memory_space<semaphore_mem>>
      %dma_start3A_149 = arith.constant 0 : i32
      %dma_start3A_150 = tpu.memref_slice %arg3[%add3A_115, %dma_start3A_149] : memref<20480x128xf32, #tpu.memory_space<hbm>> -> memref<128x128xf32, #tpu.memory_space<hbm>>
      %dma_start3A_151 = arith.constant 0 : i32
      %dma_start3A_152 = tpu.memref_slice %arg7[%add3A_108, %dma_start3A_151] : memref<10240x128xf32, #tpu.memory_space<vmem_shared>> -> memref<128x128xf32, #tpu.memory_space<vmem_shared>>
      tpu.enqueue_dma source(%dma_start3A_152 : memref<128x128xf32, #tpu.memory_space<vmem_shared>>) target(%dma_start3A_150 : memref<128x128xf32, #tpu.memory_space<hbm>>) target_semaphore(%run_scoped3A : memref<!tpu.dma_semaphore, #tpu.memory_space<semaphore_mem>>)
      %dma_wait3A_153 = arith.constant 0 : i32
      %dma_wait3A_154 = tpu.memref_slice %arg3[%add3A_115, %dma_wait3A_153] : memref<20480x128xf32, #tpu.memory_space<hbm>> -> memref<128x128xf32, #tpu.memory_space<hbm>>
      %dma_wait3A_155 = arith.constant 0 : i32
      %dma_wait3A_156 = tpu.memref_slice %arg7[%add3A_108, %dma_wait3A_155] : memref<10240x128xf32, #tpu.memory_space<vmem_shared>> -> memref<128x128xf32, #tpu.memory_space<vmem_shared>>
      tpu.wait_dma2 semaphore(%run_scoped3A : memref<!tpu.dma_semaphore, #tpu.memory_space<semaphore_mem>>) src(%dma_wait3A_156 : memref<128x128xf32, #tpu.memory_space<vmem_shared>>) dst(%dma_wait3A_154 : memref<128x128xf32, #tpu.memory_space<hbm>>)
      tpu.yield
    }) : () -> ()
    %mul3A_116 = arith.constant 640 : i32
    %mul3A_117 = arith.muli %arg1, %mul3A_116 : i32
    %add3A_118 = arith.constant 256 : i32
    %add3A_119 = arith.addi %mul3A_117, %add3A_118 : i32
    %mul3A_120 = arith.constant 10240 : i32
    %mul3A_121 = arith.muli %arg0, %mul3A_120 : i32
    %mul3A_122 = arith.constant 640 : i32
    %mul3A_123 = arith.muli %arg1, %mul3A_122 : i32
    %add3A_124 = arith.addi %mul3A_121, %mul3A_123 : i32
    %add3A_125 = arith.constant 256 : i32
    %add3A_126 = arith.addi %add3A_124, %add3A_125 : i32
    "tpu.region"() ({
      %run_scoped3A = tpu.sem_alloc : memref<!tpu.dma_semaphore, #tpu.memory_space<semaphore_mem>>
      %dma_start3A_149 = arith.constant 0 : i32
      %dma_start3A_150 = tpu.memref_slice %arg3[%add3A_126, %dma_start3A_149] : memref<20480x128xf32, #tpu.memory_space<hbm>> -> memref<128x128xf32, #tpu.memory_space<hbm>>
      %dma_start3A_151 = arith.constant 0 : i32
      %dma_start3A_152 = tpu.memref_slice %arg7[%add3A_119, %dma_start3A_151] : memref<10240x128xf32, #tpu.memory_space<vmem_shared>> -> memref<128x128xf32, #tpu.memory_space<vmem_shared>>
      tpu.enqueue_dma source(%dma_start3A_152 : memref<128x128xf32, #tpu.memory_space<vmem_shared>>) target(%dma_start3A_150 : memref<128x128xf32, #tpu.memory_space<hbm>>) target_semaphore(%run_scoped3A : memref<!tpu.dma_semaphore, #tpu.memory_space<semaphore_mem>>)
      %dma_wait3A_153 = arith.constant 0 : i32
      %dma_wait3A_154 = tpu.memref_slice %arg3[%add3A_126, %dma_wait3A_153] : memref<20480x128xf32, #tpu.memory_space<hbm>> -> memref<128x128xf32, #tpu.memory_space<hbm>>
      %dma_wait3A_155 = arith.constant 0 : i32
      %dma_wait3A_156 = tpu.memref_slice %arg7[%add3A_119, %dma_wait3A_155] : memref<10240x128xf32, #tpu.memory_space<vmem_shared>> -> memref<128x128xf32, #tpu.memory_space<vmem_shared>>
      tpu.wait_dma2 semaphore(%run_scoped3A : memref<!tpu.dma_semaphore, #tpu.memory_space<semaphore_mem>>) src(%dma_wait3A_156 : memref<128x128xf32, #tpu.memory_space<vmem_shared>>) dst(%dma_wait3A_154 : memref<128x128xf32, #tpu.memory_space<hbm>>)
      tpu.yield
    }) : () -> ()
    %mul3A_127 = arith.constant 640 : i32
    %mul3A_128 = arith.muli %arg1, %mul3A_127 : i32
    %add3A_129 = arith.constant 384 : i32
    %add3A_130 = arith.addi %mul3A_128, %add3A_129 : i32
    %mul3A_131 = arith.constant 10240 : i32
    %mul3A_132 = arith.muli %arg0, %mul3A_131 : i32
    %mul3A_133 = arith.constant 640 : i32
    %mul3A_134 = arith.muli %arg1, %mul3A_133 : i32
    %add3A_135 = arith.addi %mul3A_132, %mul3A_134 : i32
    %add3A_136 = arith.constant 384 : i32
    %add3A_137 = arith.addi %add3A_135, %add3A_136 : i32
    "tpu.region"() ({
      %run_scoped3A = tpu.sem_alloc : memref<!tpu.dma_semaphore, #tpu.memory_space<semaphore_mem>>
      %dma_start3A_149 = arith.constant 0 : i32
      %dma_start3A_150 = tpu.memref_slice %arg3[%add3A_137, %dma_start3A_149] : memref<20480x128xf32, #tpu.memory_space<hbm>> -> memref<128x128xf32, #tpu.memory_space<hbm>>
      %dma_start3A_151 = arith.constant 0 : i32
      %dma_start3A_152 = tpu.memref_slice %arg7[%add3A_130, %dma_start3A_151] : memref<10240x128xf32, #tpu.memory_space<vmem_shared>> -> memref<128x128xf32, #tpu.memory_space<vmem_shared>>
      tpu.enqueue_dma source(%dma_start3A_152 : memref<128x128xf32, #tpu.memory_space<vmem_shared>>) target(%dma_start3A_150 : memref<128x128xf32, #tpu.memory_space<hbm>>) target_semaphore(%run_scoped3A : memref<!tpu.dma_semaphore, #tpu.memory_space<semaphore_mem>>)
      %dma_wait3A_153 = arith.constant 0 : i32
      %dma_wait3A_154 = tpu.memref_slice %arg3[%add3A_137, %dma_wait3A_153] : memref<20480x128xf32, #tpu.memory_space<hbm>> -> memref<128x128xf32, #tpu.memory_space<hbm>>
      %dma_wait3A_155 = arith.constant 0 : i32
      %dma_wait3A_156 = tpu.memref_slice %arg7[%add3A_130, %dma_wait3A_155] : memref<10240x128xf32, #tpu.memory_space<vmem_shared>> -> memref<128x128xf32, #tpu.memory_space<vmem_shared>>
      tpu.wait_dma2 semaphore(%run_scoped3A : memref<!tpu.dma_semaphore, #tpu.memory_space<semaphore_mem>>) src(%dma_wait3A_156 : memref<128x128xf32, #tpu.memory_space<vmem_shared>>) dst(%dma_wait3A_154 : memref<128x128xf32, #tpu.memory_space<hbm>>)
      tpu.yield
    }) : () -> ()
    %mul3A_138 = arith.constant 640 : i32
    %mul3A_139 = arith.muli %arg1, %mul3A_138 : i32
    %add3A_140 = arith.constant 512 : i32
    %add3A_141 = arith.addi %mul3A_139, %add3A_140 : i32
    %mul3A_142 = arith.constant 10240 : i32
    %mul3A_143 = arith.muli %arg0, %mul3A_142 : i32
    %mul3A_144 = arith.constant 640 : i32
    %mul3A_145 = arith.muli %arg1, %mul3A_144 : i32
    %add3A_146 = arith.addi %mul3A_143, %mul3A_145 : i32
    %add3A_147 = arith.constant 512 : i32
    %add3A_148 = arith.addi %add3A_146, %add3A_147 : i32
    "tpu.region"() ({
      %run_scoped3A = tpu.sem_alloc : memref<!tpu.dma_semaphore, #tpu.memory_space<semaphore_mem>>
      %dma_start3A_149 = arith.constant 0 : i32
      %dma_start3A_150 = tpu.memref_slice %arg3[%add3A_148, %dma_start3A_149] : memref<20480x128xf32, #tpu.memory_space<hbm>> -> memref<128x128xf32, #tpu.memory_space<hbm>>
      %dma_start3A_151 = arith.constant 0 : i32
      %dma_start3A_152 = tpu.memref_slice %arg7[%add3A_141, %dma_start3A_151] : memref<10240x128xf32, #tpu.memory_space<vmem_shared>> -> memref<128x128xf32, #tpu.memory_space<vmem_shared>>
      tpu.enqueue_dma source(%dma_start3A_152 : memref<128x128xf32, #tpu.memory_space<vmem_shared>>) target(%dma_start3A_150 : memref<128x128xf32, #tpu.memory_space<hbm>>) target_semaphore(%run_scoped3A : memref<!tpu.dma_semaphore, #tpu.memory_space<semaphore_mem>>)
      %dma_wait3A_153 = arith.constant 0 : i32
      %dma_wait3A_154 = tpu.memref_slice %arg3[%add3A_148, %dma_wait3A_153] : memref<20480x128xf32, #tpu.memory_space<hbm>> -> memref<128x128xf32, #tpu.memory_space<hbm>>
      %dma_wait3A_155 = arith.constant 0 : i32
      %dma_wait3A_156 = tpu.memref_slice %arg7[%add3A_141, %dma_wait3A_155] : memref<10240x128xf32, #tpu.memory_space<vmem_shared>> -> memref<128x128xf32, #tpu.memory_space<vmem_shared>>
      tpu.wait_dma2 semaphore(%run_scoped3A : memref<!tpu.dma_semaphore, #tpu.memory_space<semaphore_mem>>) src(%dma_wait3A_156 : memref<128x128xf32, #tpu.memory_space<vmem_shared>>) dst(%dma_wait3A_154 : memref<128x128xf32, #tpu.memory_space<hbm>>)
      tpu.yield
    }) : () -> ()
    return
  }
}

#map = affine_map<(d0, d1) -> (0, 0)>
module attributes {stable_mosaic.version = 14 : i64} {
  func.func @_sc_aggregate_body(%arg0: i32, %arg1: i32, %arg2: memref<2560x128xi32, #tpu.memory_space<hbm>>, %arg3: memref<10000x128xf32, #tpu.memory_space<hbm>>, %arg4: memref<20480x128xf32, #tpu.memory_space<hbm>>, %arg5: memref<128xi32, #tpu.memory_space<vmem>>, %arg6: memref<40x128xi32, #tpu.memory_space<vmem>>, %arg7: memref<128xi32, #tpu.memory_space<vmem>>, %arg8: memref<128xi32, #tpu.memory_space<vmem>>, %arg9: memref<128xi32, #tpu.memory_space<vmem>>, %arg10: memref<128xi32, #tpu.memory_space<vmem>>, %arg11: memref<128x128xf32, #tpu.memory_space<vmem>>, %arg12: memref<128x128xf32, #tpu.memory_space<vmem>>, %arg13: memref<10240x128xf32, #tpu.memory_space<vmem_shared>>, %arg14: memref<!tpu.dma_semaphore, #tpu.memory_space<semaphore_mem>>, %arg15: memref<!tpu.dma_semaphore, #tpu.memory_space<semaphore_mem>>, %arg16: memref<!tpu.dma_semaphore, #tpu.memory_space<semaphore_mem>>) attributes {dimension_semantics = [#tpu.dimension_semantics<core_parallel>, #tpu.dimension_semantics<subcore_parallel>], iteration_bounds = array<i64: 2, 16>, scalar_prefetch = 0 : i64, scratch_operands = 12 : i64, tpu.core_type = #tpu.core_type<sc_vector_subcore>, window_params = [{transform_indices = #map}, {transform_indices = #map}, {transform_indices = #map}]} {
    %mul3A = arith.constant 16 : i32
    %mul3A_0 = arith.muli %arg0, %mul3A : i32
    %add3A = arith.addi %mul3A_0, %arg1 : i32
    %eq3A = arith.constant 0 : i32
    %eq3A_1 = arith.cmpi eq, %arg0, %eq3A : i32
    %jit3A = arith.constant 120 : i32
    %jit3A_2 = arith.constant 40 : i32
    %select_n3A = arith.select %eq3A_1, %jit3A, %jit3A_2 : i32
    %eq3A_3 = arith.constant 0 : i32
    %eq3A_4 = arith.cmpi eq, %arg0, %eq3A_3 : i32
    %mul3A_5 = arith.constant 120 : i32
    %mul3A_6 = arith.muli %arg1, %mul3A_5 : i32
    %mul3A_7 = arith.constant 40 : i32
    %mul3A_8 = arith.muli %arg1, %mul3A_7 : i32
    %add3A_9 = arith.constant 1920 : i32
    %add3A_10 = arith.addi %add3A_9, %mul3A_8 : i32
    %select_n3A_11 = arith.select %eq3A_4, %mul3A_6, %add3A_10 : i32
    %add3A_12 = arith.constant 0 : i32
    %add3A_13 = arith.addi %select_n3A_11, %add3A_12 : i32
    %iota3A = tpu.iota {dimensions = array<i32: 0>} : vector<16xi32>
    %add3A_14 = vector.broadcast %add3A_13 : i32 to vector<16xi32>
    %add3A_15 = arith.addi %add3A_14, %iota3A : vector<16xi32>
    %min3A = arith.constant 2559 : i32
    %min3A_16 = vector.broadcast %min3A : i32 to vector<16xi32>
    %min3A_17 = arith.minsi %add3A_15, %min3A_16 : vector<16xi32>
    %swap3A = arith.constant 0 : index
    %swap3A_18 = tpu.vector_load %arg5[%swap3A] {strides = array<i32>} : memref<128xi32, #tpu.memory_space<vmem>>, vector<16xi32>,
    %swap3A_19 = vector.shape_cast %swap3A_18 : vector<16xi32> to vector<16xi32>
    %swap3A_20 = vector.shape_cast %min3A_17 : vector<16xi32> to vector<16xi32>
    tpu.vector_store %arg5[%swap3A], %swap3A_20 {strides = array<i32>} : memref<128xi32, #tpu.memory_space<vmem>>, vector<16xi32>,
    %add3A_21 = arith.constant 16 : i32
    %add3A_22 = arith.addi %select_n3A_11, %add3A_21 : i32
    %iota3A_23 = tpu.iota {dimensions = array<i32: 0>} : vector<16xi32>
    %add3A_24 = vector.broadcast %add3A_22 : i32 to vector<16xi32>
    %add3A_25 = arith.addi %add3A_24, %iota3A_23 : vector<16xi32>
    %min3A_26 = arith.constant 2559 : i32
    %min3A_27 = vector.broadcast %min3A_26 : i32 to vector<16xi32>
    %min3A_28 = arith.minsi %add3A_25, %min3A_27 : vector<16xi32>
    %swap3A_29 = arith.constant 16 : index
    %swap3A_30 = tpu.vector_load %arg5[%swap3A_29] {strides = array<i32>} : memref<128xi32, #tpu.memory_space<vmem>>, vector<16xi32>,
    %swap3A_31 = vector.shape_cast %swap3A_30 : vector<16xi32> to vector<16xi32>
    %swap3A_32 = vector.shape_cast %min3A_28 : vector<16xi32> to vector<16xi32>
    tpu.vector_store %arg5[%swap3A_29], %swap3A_32 {strides = array<i32>} : memref<128xi32, #tpu.memory_space<vmem>>, vector<16xi32>,
    %add3A_33 = arith.constant 32 : i32
    %add3A_34 = arith.addi %select_n3A_11, %add3A_33 : i32
    %iota3A_35 = tpu.iota {dimensions = array<i32: 0>} : vector<16xi32>
    %add3A_36 = vector.broadcast %add3A_34 : i32 to vector<16xi32>
    %add3A_37 = arith.addi %add3A_36, %iota3A_35 : vector<16xi32>
    %min3A_38 = arith.constant 2559 : i32
    %min3A_39 = vector.broadcast %min3A_38 : i32 to vector<16xi32>
    %min3A_40 = arith.minsi %add3A_37, %min3A_39 : vector<16xi32>
    %swap3A_41 = arith.constant 32 : index
    %swap3A_42 = tpu.vector_load %arg5[%swap3A_41] {strides = array<i32>} : memref<128xi32, #tpu.memory_space<vmem>>, vector<16xi32>,
    %swap3A_43 = vector.shape_cast %swap3A_42 : vector<16xi32> to vector<16xi32>
    %swap3A_44 = vector.shape_cast %min3A_40 : vector<16xi32> to vector<16xi32>
    tpu.vector_store %arg5[%swap3A_41], %swap3A_44 {strides = array<i32>} : memref<128xi32, #tpu.memory_space<vmem>>, vector<16xi32>,
    %add3A_45 = arith.constant 48 : i32
    %add3A_46 = arith.addi %select_n3A_11, %add3A_45 : i32
    %iota3A_47 = tpu.iota {dimensions = array<i32: 0>} : vector<16xi32>
    %add3A_48 = vector.broadcast %add3A_46 : i32 to vector<16xi32>
    %add3A_49 = arith.addi %add3A_48, %iota3A_47 : vector<16xi32>
    %min3A_50 = arith.constant 2559 : i32
    %min3A_51 = vector.broadcast %min3A_50 : i32 to vector<16xi32>
    %min3A_52 = arith.minsi %add3A_49, %min3A_51 : vector<16xi32>
    %swap3A_53 = arith.constant 48 : index
    %swap3A_54 = tpu.vector_load %arg5[%swap3A_53] {strides = array<i32>} : memref<128xi32, #tpu.memory_space<vmem>>, vector<16xi32>,
    %swap3A_55 = vector.shape_cast %swap3A_54 : vector<16xi32> to vector<16xi32>
    %swap3A_56 = vector.shape_cast %min3A_52 : vector<16xi32> to vector<16xi32>
    tpu.vector_store %arg5[%swap3A_53], %swap3A_56 {strides = array<i32>} : memref<128xi32, #tpu.memory_space<vmem>>, vector<16xi32>,
    %add3A_57 = arith.constant 64 : i32
    %add3A_58 = arith.addi %select_n3A_11, %add3A_57 : i32
    %iota3A_59 = tpu.iota {dimensions = array<i32: 0>} : vector<16xi32>
    %add3A_60 = vector.broadcast %add3A_58 : i32 to vector<16xi32>
    %add3A_61 = arith.addi %add3A_60, %iota3A_59 : vector<16xi32>
    %min3A_62 = arith.constant 2559 : i32
    %min3A_63 = vector.broadcast %min3A_62 : i32 to vector<16xi32>
    %min3A_64 = arith.minsi %add3A_61, %min3A_63 : vector<16xi32>
    %swap3A_65 = arith.constant 64 : index
    %swap3A_66 = tpu.vector_load %arg5[%swap3A_65] {strides = array<i32>} : memref<128xi32, #tpu.memory_space<vmem>>, vector<16xi32>,
    %swap3A_67 = vector.shape_cast %swap3A_66 : vector<16xi32> to vector<16xi32>
    %swap3A_68 = vector.shape_cast %min3A_64 : vector<16xi32> to vector<16xi32>
    tpu.vector_store %arg5[%swap3A_65], %swap3A_68 {strides = array<i32>} : memref<128xi32, #tpu.memory_space<vmem>>, vector<16xi32>,
    %add3A_69 = arith.constant 80 : i32
    %add3A_70 = arith.addi %select_n3A_11, %add3A_69 : i32
    %iota3A_71 = tpu.iota {dimensions = array<i32: 0>} : vector<16xi32>
    %add3A_72 = vector.broadcast %add3A_70 : i32 to vector<16xi32>
    %add3A_73 = arith.addi %add3A_72, %iota3A_71 : vector<16xi32>
    %min3A_74 = arith.constant 2559 : i32
    %min3A_75 = vector.broadcast %min3A_74 : i32 to vector<16xi32>
    %min3A_76 = arith.minsi %add3A_73, %min3A_75 : vector<16xi32>
    %swap3A_77 = arith.constant 80 : index
    %swap3A_78 = tpu.vector_load %arg5[%swap3A_77] {strides = array<i32>} : memref<128xi32, #tpu.memory_space<vmem>>, vector<16xi32>,
    %swap3A_79 = vector.shape_cast %swap3A_78 : vector<16xi32> to vector<16xi32>
    %swap3A_80 = vector.shape_cast %min3A_76 : vector<16xi32> to vector<16xi32>
    tpu.vector_store %arg5[%swap3A_77], %swap3A_80 {strides = array<i32>} : memref<128xi32, #tpu.memory_space<vmem>>, vector<16xi32>,
    %add3A_81 = arith.constant 96 : i32
    %add3A_82 = arith.addi %select_n3A_11, %add3A_81 : i32
    %iota3A_83 = tpu.iota {dimensions = array<i32: 0>} : vector<16xi32>
    %add3A_84 = vector.broadcast %add3A_82 : i32 to vector<16xi32>
    %add3A_85 = arith.addi %add3A_84, %iota3A_83 : vector<16xi32>
    %min3A_86 = arith.constant 2559 : i32
    %min3A_87 = vector.broadcast %min3A_86 : i32 to vector<16xi32>
    %min3A_88 = arith.minsi %add3A_85, %min3A_87 : vector<16xi32>
    %swap3A_89 = arith.constant 96 : index
    %swap3A_90 = tpu.vector_load %arg5[%swap3A_89] {strides = array<i32>} : memref<128xi32, #tpu.memory_space<vmem>>, vector<16xi32>,
    %swap3A_91 = vector.shape_cast %swap3A_90 : vector<16xi32> to vector<16xi32>
    %swap3A_92 = vector.shape_cast %min3A_88 : vector<16xi32> to vector<16xi32>
    tpu.vector_store %arg5[%swap3A_89], %swap3A_92 {strides = array<i32>} : memref<128xi32, #tpu.memory_space<vmem>>, vector<16xi32>,
    %add3A_93 = arith.constant 112 : i32
    %add3A_94 = arith.addi %select_n3A_11, %add3A_93 : i32
    %iota3A_95 = tpu.iota {dimensions = array<i32: 0>} : vector<16xi32>
    %add3A_96 = vector.broadcast %add3A_94 : i32 to vector<16xi32>
    %add3A_97 = arith.addi %add3A_96, %iota3A_95 : vector<16xi32>
    %min3A_98 = arith.constant 2559 : i32
    %min3A_99 = vector.broadcast %min3A_98 : i32 to vector<16xi32>
    %min3A_100 = arith.minsi %add3A_97, %min3A_99 : vector<16xi32>
    %swap3A_101 = arith.constant 112 : index
    %swap3A_102 = tpu.vector_load %arg5[%swap3A_101] {strides = array<i32>} : memref<128xi32, #tpu.memory_space<vmem>>, vector<16xi32>,
    %swap3A_103 = vector.shape_cast %swap3A_102 : vector<16xi32> to vector<16xi32>
    %swap3A_104 = vector.shape_cast %min3A_100 : vector<16xi32> to vector<16xi32>
    tpu.vector_store %arg5[%swap3A_101], %swap3A_104 {strides = array<i32>} : memref<128xi32, #tpu.memory_space<vmem>>, vector<16xi32>,
    %scan3A = arith.constant 0 : i32
    %scan3A_105 = arith.constant 0 : i32
    %scan3A_106 = arith.constant 128 : i32
    %scan3A_107 = arith.addi %scan3A_105, %scan3A_106 : i32
    %scan3A_108 = arith.constant 1 : i32
    scf.for %scan3A_271 = %scan3A_105 to %scan3A_107 step %scan3A_108  : i32 {
      %broadcast_in_dim3A = arith.constant 0.000000e+00 : f32
      %broadcast_in_dim3A_272 = vector.broadcast %broadcast_in_dim3A : f32 to vector<16xf32>
      %swap3A_273 = arith.index_cast %scan3A_271 : i32 to index
      %swap3A_274 = arith.constant 0 : index
      %swap3A_275 = tpu.vector_load %arg11[%swap3A_273, %swap3A_274] {strides = array<i32>} : memref<128x128xf32, #tpu.memory_space<vmem>>, vector<1x16xf32>,
      %swap3A_276 = vector.shape_cast %swap3A_275 : vector<1x16xf32> to vector<16xf32>
      %swap3A_277 = vector.shape_cast %broadcast_in_dim3A_272 : vector<16xf32> to vector<1x16xf32>
      tpu.vector_store %arg11[%swap3A_273, %swap3A_274], %swap3A_277 {strides = array<i32>} : memref<128x128xf32, #tpu.memory_space<vmem>>, vector<1x16xf32>,
      %broadcast_in_dim3A_278 = arith.constant 0.000000e+00 : f32
      %broadcast_in_dim3A_279 = vector.broadcast %broadcast_in_dim3A_278 : f32 to vector<16xf32>
      %swap3A_280 = arith.index_cast %scan3A_271 : i32 to index
      %swap3A_281 = arith.constant 16 : index
      %swap3A_282 = tpu.vector_load %arg11[%swap3A_280, %swap3A_281] {strides = array<i32>} : memref<128x128xf32, #tpu.memory_space<vmem>>, vector<1x16xf32>,
      %swap3A_283 = vector.shape_cast %swap3A_282 : vector<1x16xf32> to vector<16xf32>
      %swap3A_284 = vector.shape_cast %broadcast_in_dim3A_279 : vector<16xf32> to vector<1x16xf32>
      tpu.vector_store %arg11[%swap3A_280, %swap3A_281], %swap3A_284 {strides = array<i32>} : memref<128x128xf32, #tpu.memory_space<vmem>>, vector<1x16xf32>,
      %broadcast_in_dim3A_285 = arith.constant 0.000000e+00 : f32
      %broadcast_in_dim3A_286 = vector.broadcast %broadcast_in_dim3A_285 : f32 to vector<16xf32>
      %swap3A_287 = arith.index_cast %scan3A_271 : i32 to index
      %swap3A_288 = arith.constant 32 : index
      %swap3A_289 = tpu.vector_load %arg11[%swap3A_287, %swap3A_288] {strides = array<i32>} : memref<128x128xf32, #tpu.memory_space<vmem>>, vector<1x16xf32>,
      %swap3A_290 = vector.shape_cast %swap3A_289 : vector<1x16xf32> to vector<16xf32>
      %swap3A_291 = vector.shape_cast %broadcast_in_dim3A_286 : vector<16xf32> to vector<1x16xf32>
      tpu.vector_store %arg11[%swap3A_287, %swap3A_288], %swap3A_291 {strides = array<i32>} : memref<128x128xf32, #tpu.memory_space<vmem>>, vector<1x16xf32>,
      %broadcast_in_dim3A_292 = arith.constant 0.000000e+00 : f32
      %broadcast_in_dim3A_293 = vector.broadcast %broadcast_in_dim3A_292 : f32 to vector<16xf32>
      %swap3A_294 = arith.index_cast %scan3A_271 : i32 to index
      %swap3A_295 = arith.constant 48 : index
      %swap3A_296 = tpu.vector_load %arg11[%swap3A_294, %swap3A_295] {strides = array<i32>} : memref<128x128xf32, #tpu.memory_space<vmem>>, vector<1x16xf32>,
      %swap3A_297 = vector.shape_cast %swap3A_296 : vector<1x16xf32> to vector<16xf32>
      %swap3A_298 = vector.shape_cast %broadcast_in_dim3A_293 : vector<16xf32> to vector<1x16xf32>
      tpu.vector_store %arg11[%swap3A_294, %swap3A_295], %swap3A_298 {strides = array<i32>} : memref<128x128xf32, #tpu.memory_space<vmem>>, vector<1x16xf32>,
      %broadcast_in_dim3A_299 = arith.constant 0.000000e+00 : f32
      %broadcast_in_dim3A_300 = vector.broadcast %broadcast_in_dim3A_299 : f32 to vector<16xf32>
      %swap3A_301 = arith.index_cast %scan3A_271 : i32 to index
      %swap3A_302 = arith.constant 64 : index
      %swap3A_303 = tpu.vector_load %arg11[%swap3A_301, %swap3A_302] {strides = array<i32>} : memref<128x128xf32, #tpu.memory_space<vmem>>, vector<1x16xf32>,
      %swap3A_304 = vector.shape_cast %swap3A_303 : vector<1x16xf32> to vector<16xf32>
      %swap3A_305 = vector.shape_cast %broadcast_in_dim3A_300 : vector<16xf32> to vector<1x16xf32>
      tpu.vector_store %arg11[%swap3A_301, %swap3A_302], %swap3A_305 {strides = array<i32>} : memref<128x128xf32, #tpu.memory_space<vmem>>, vector<1x16xf32>,
      %broadcast_in_dim3A_306 = arith.constant 0.000000e+00 : f32
      %broadcast_in_dim3A_307 = vector.broadcast %broadcast_in_dim3A_306 : f32 to vector<16xf32>
      %swap3A_308 = arith.index_cast %scan3A_271 : i32 to index
      %swap3A_309 = arith.constant 80 : index
      %swap3A_310 = tpu.vector_load %arg11[%swap3A_308, %swap3A_309] {strides = array<i32>} : memref<128x128xf32, #tpu.memory_space<vmem>>, vector<1x16xf32>,
      %swap3A_311 = vector.shape_cast %swap3A_310 : vector<1x16xf32> to vector<16xf32>
      %swap3A_312 = vector.shape_cast %broadcast_in_dim3A_307 : vector<16xf32> to vector<1x16xf32>
      tpu.vector_store %arg11[%swap3A_308, %swap3A_309], %swap3A_312 {strides = array<i32>} : memref<128x128xf32, #tpu.memory_space<vmem>>, vector<1x16xf32>,
      %broadcast_in_dim3A_313 = arith.constant 0.000000e+00 : f32
      %broadcast_in_dim3A_314 = vector.broadcast %broadcast_in_dim3A_313 : f32 to vector<16xf32>
      %swap3A_315 = arith.index_cast %scan3A_271 : i32 to index
      %swap3A_316 = arith.constant 96 : index
      %swap3A_317 = tpu.vector_load %arg11[%swap3A_315, %swap3A_316] {strides = array<i32>} : memref<128x128xf32, #tpu.memory_space<vmem>>, vector<1x16xf32>,
      %swap3A_318 = vector.shape_cast %swap3A_317 : vector<1x16xf32> to vector<16xf32>
      %swap3A_319 = vector.shape_cast %broadcast_in_dim3A_314 : vector<16xf32> to vector<1x16xf32>
      tpu.vector_store %arg11[%swap3A_315, %swap3A_316], %swap3A_319 {strides = array<i32>} : memref<128x128xf32, #tpu.memory_space<vmem>>, vector<1x16xf32>,
      %broadcast_in_dim3A_320 = arith.constant 0.000000e+00 : f32
      %broadcast_in_dim3A_321 = vector.broadcast %broadcast_in_dim3A_320 : f32 to vector<16xf32>
      %swap3A_322 = arith.index_cast %scan3A_271 : i32 to index
      %swap3A_323 = arith.constant 112 : index
      %swap3A_324 = tpu.vector_load %arg11[%swap3A_322, %swap3A_323] {strides = array<i32>} : memref<128x128xf32, #tpu.memory_space<vmem>>, vector<1x16xf32>,
      %swap3A_325 = vector.shape_cast %swap3A_324 : vector<1x16xf32> to vector<16xf32>
      %swap3A_326 = vector.shape_cast %broadcast_in_dim3A_321 : vector<16xf32> to vector<1x16xf32>
      tpu.vector_store %arg11[%swap3A_322, %swap3A_323], %swap3A_326 {strides = array<i32>} : memref<128x128xf32, #tpu.memory_space<vmem>>, vector<1x16xf32>,
    }
    %scan3A_109 = arith.constant 128 : i32
    %mul3A_110 = arith.constant 640 : i32
    %mul3A_111 = arith.muli %arg1, %mul3A_110 : i32
    %add3A_112 = arith.constant 0 : i32
    %add3A_113 = arith.addi %mul3A_111, %add3A_112 : i32
    "tpu.region"() ({
      %run_scoped3A = tpu.sem_alloc : memref<!tpu.dma_semaphore, #tpu.memory_space<semaphore_mem>>
      %dma_start3A = arith.constant 0 : i32
      %dma_start3A_271 = tpu.memref_slice %arg13[%add3A_113, %dma_start3A] : memref<10240x128xf32, #tpu.memory_space<vmem_shared>> -> memref<128x128xf32, #tpu.memory_space<vmem_shared>>
      %dma_start3A_272 = arith.constant 0 : i32
      %dma_start3A_273 = tpu.memref_slice %arg13[%add3A_113, %dma_start3A_272] : memref<10240x128xf32, #tpu.memory_space<vmem_shared>> -> memref<128x128xf32, #tpu.memory_space<vmem_shared>>
      tpu.enqueue_dma source(%arg11 : memref<128x128xf32, #tpu.memory_space<vmem>>) target(%dma_start3A_273 : memref<128x128xf32, #tpu.memory_space<vmem_shared>>) target_semaphore(%run_scoped3A : memref<!tpu.dma_semaphore, #tpu.memory_space<semaphore_mem>>)
      %dma_wait3A = arith.constant 0 : i32
      %dma_wait3A_274 = tpu.memref_slice %arg13[%add3A_113, %dma_wait3A] : memref<10240x128xf32, #tpu.memory_space<vmem_shared>> -> memref<128x128xf32, #tpu.memory_space<vmem_shared>>
      %dma_wait3A_275 = arith.constant 0 : i32
      %dma_wait3A_276 = tpu.memref_slice %arg13[%add3A_113, %dma_wait3A_275] : memref<10240x128xf32, #tpu.memory_space<vmem_shared>> -> memref<128x128xf32, #tpu.memory_space<vmem_shared>>
      tpu.wait_dma2 semaphore(%run_scoped3A : memref<!tpu.dma_semaphore, #tpu.memory_space<semaphore_mem>>) src(%arg11 : memref<128x128xf32, #tpu.memory_space<vmem>>) dst(%dma_wait3A_276 : memref<128x128xf32, #tpu.memory_space<vmem_shared>>)
      tpu.yield
    }) : () -> ()
    %mul3A_114 = arith.constant 640 : i32
    %mul3A_115 = arith.muli %arg1, %mul3A_114 : i32
    %add3A_116 = arith.constant 128 : i32
    %add3A_117 = arith.addi %mul3A_115, %add3A_116 : i32
    "tpu.region"() ({
      %run_scoped3A = tpu.sem_alloc : memref<!tpu.dma_semaphore, #tpu.memory_space<semaphore_mem>>
      %dma_start3A = arith.constant 0 : i32
      %dma_start3A_271 = tpu.memref_slice %arg13[%add3A_117, %dma_start3A] : memref<10240x128xf32, #tpu.memory_space<vmem_shared>> -> memref<128x128xf32, #tpu.memory_space<vmem_shared>>
      %dma_start3A_272 = arith.constant 0 : i32
      %dma_start3A_273 = tpu.memref_slice %arg13[%add3A_117, %dma_start3A_272] : memref<10240x128xf32, #tpu.memory_space<vmem_shared>> -> memref<128x128xf32, #tpu.memory_space<vmem_shared>>
      tpu.enqueue_dma source(%arg11 : memref<128x128xf32, #tpu.memory_space<vmem>>) target(%dma_start3A_273 : memref<128x128xf32, #tpu.memory_space<vmem_shared>>) target_semaphore(%run_scoped3A : memref<!tpu.dma_semaphore, #tpu.memory_space<semaphore_mem>>)
      %dma_wait3A = arith.constant 0 : i32
      %dma_wait3A_274 = tpu.memref_slice %arg13[%add3A_117, %dma_wait3A] : memref<10240x128xf32, #tpu.memory_space<vmem_shared>> -> memref<128x128xf32, #tpu.memory_space<vmem_shared>>
      %dma_wait3A_275 = arith.constant 0 : i32
      %dma_wait3A_276 = tpu.memref_slice %arg13[%add3A_117, %dma_wait3A_275] : memref<10240x128xf32, #tpu.memory_space<vmem_shared>> -> memref<128x128xf32, #tpu.memory_space<vmem_shared>>
      tpu.wait_dma2 semaphore(%run_scoped3A : memref<!tpu.dma_semaphore, #tpu.memory_space<semaphore_mem>>) src(%arg11 : memref<128x128xf32, #tpu.memory_space<vmem>>) dst(%dma_wait3A_276 : memref<128x128xf32, #tpu.memory_space<vmem_shared>>)
      tpu.yield
    }) : () -> ()
    %mul3A_118 = arith.constant 640 : i32
    %mul3A_119 = arith.muli %arg1, %mul3A_118 : i32
    %add3A_120 = arith.constant 256 : i32
    %add3A_121 = arith.addi %mul3A_119, %add3A_120 : i32
    "tpu.region"() ({
      %run_scoped3A = tpu.sem_alloc : memref<!tpu.dma_semaphore, #tpu.memory_space<semaphore_mem>>
      %dma_start3A = arith.constant 0 : i32
      %dma_start3A_271 = tpu.memref_slice %arg13[%add3A_121, %dma_start3A] : memref<10240x128xf32, #tpu.memory_space<vmem_shared>> -> memref<128x128xf32, #tpu.memory_space<vmem_shared>>
      %dma_start3A_272 = arith.constant 0 : i32
      %dma_start3A_273 = tpu.memref_slice %arg13[%add3A_121, %dma_start3A_272] : memref<10240x128xf32, #tpu.memory_space<vmem_shared>> -> memref<128x128xf32, #tpu.memory_space<vmem_shared>>
      tpu.enqueue_dma source(%arg11 : memref<128x128xf32, #tpu.memory_space<vmem>>) target(%dma_start3A_273 : memref<128x128xf32, #tpu.memory_space<vmem_shared>>) target_semaphore(%run_scoped3A : memref<!tpu.dma_semaphore, #tpu.memory_space<semaphore_mem>>)
      %dma_wait3A = arith.constant 0 : i32
      %dma_wait3A_274 = tpu.memref_slice %arg13[%add3A_121, %dma_wait3A] : memref<10240x128xf32, #tpu.memory_space<vmem_shared>> -> memref<128x128xf32, #tpu.memory_space<vmem_shared>>
      %dma_wait3A_275 = arith.constant 0 : i32
      %dma_wait3A_276 = tpu.memref_slice %arg13[%add3A_121, %dma_wait3A_275] : memref<10240x128xf32, #tpu.memory_space<vmem_shared>> -> memref<128x128xf32, #tpu.memory_space<vmem_shared>>
      tpu.wait_dma2 semaphore(%run_scoped3A : memref<!tpu.dma_semaphore, #tpu.memory_space<semaphore_mem>>) src(%arg11 : memref<128x128xf32, #tpu.memory_space<vmem>>) dst(%dma_wait3A_276 : memref<128x128xf32, #tpu.memory_space<vmem_shared>>)
      tpu.yield
    }) : () -> ()
    %mul3A_122 = arith.constant 640 : i32
    %mul3A_123 = arith.muli %arg1, %mul3A_122 : i32
    %add3A_124 = arith.constant 384 : i32
    %add3A_125 = arith.addi %mul3A_123, %add3A_124 : i32
    "tpu.region"() ({
      %run_scoped3A = tpu.sem_alloc : memref<!tpu.dma_semaphore, #tpu.memory_space<semaphore_mem>>
      %dma_start3A = arith.constant 0 : i32
      %dma_start3A_271 = tpu.memref_slice %arg13[%add3A_125, %dma_start3A] : memref<10240x128xf32, #tpu.memory_space<vmem_shared>> -> memref<128x128xf32, #tpu.memory_space<vmem_shared>>
      %dma_start3A_272 = arith.constant 0 : i32
      %dma_start3A_273 = tpu.memref_slice %arg13[%add3A_125, %dma_start3A_272] : memref<10240x128xf32, #tpu.memory_space<vmem_shared>> -> memref<128x128xf32, #tpu.memory_space<vmem_shared>>
      tpu.enqueue_dma source(%arg11 : memref<128x128xf32, #tpu.memory_space<vmem>>) target(%dma_start3A_273 : memref<128x128xf32, #tpu.memory_space<vmem_shared>>) target_semaphore(%run_scoped3A : memref<!tpu.dma_semaphore, #tpu.memory_space<semaphore_mem>>)
      %dma_wait3A = arith.constant 0 : i32
      %dma_wait3A_274 = tpu.memref_slice %arg13[%add3A_125, %dma_wait3A] : memref<10240x128xf32, #tpu.memory_space<vmem_shared>> -> memref<128x128xf32, #tpu.memory_space<vmem_shared>>
      %dma_wait3A_275 = arith.constant 0 : i32
      %dma_wait3A_276 = tpu.memref_slice %arg13[%add3A_125, %dma_wait3A_275] : memref<10240x128xf32, #tpu.memory_space<vmem_shared>> -> memref<128x128xf32, #tpu.memory_space<vmem_shared>>
      tpu.wait_dma2 semaphore(%run_scoped3A : memref<!tpu.dma_semaphore, #tpu.memory_space<semaphore_mem>>) src(%arg11 : memref<128x128xf32, #tpu.memory_space<vmem>>) dst(%dma_wait3A_276 : memref<128x128xf32, #tpu.memory_space<vmem_shared>>)
      tpu.yield
    }) : () -> ()
    %mul3A_126 = arith.constant 640 : i32
    %mul3A_127 = arith.muli %arg1, %mul3A_126 : i32
    %add3A_128 = arith.constant 512 : i32
    %add3A_129 = arith.addi %mul3A_127, %add3A_128 : i32
    "tpu.region"() ({
      %run_scoped3A = tpu.sem_alloc : memref<!tpu.dma_semaphore, #tpu.memory_space<semaphore_mem>>
      %dma_start3A = arith.constant 0 : i32
      %dma_start3A_271 = tpu.memref_slice %arg13[%add3A_129, %dma_start3A] : memref<10240x128xf32, #tpu.memory_space<vmem_shared>> -> memref<128x128xf32, #tpu.memory_space<vmem_shared>>
      %dma_start3A_272 = arith.constant 0 : i32
      %dma_start3A_273 = tpu.memref_slice %arg13[%add3A_129, %dma_start3A_272] : memref<10240x128xf32, #tpu.memory_space<vmem_shared>> -> memref<128x128xf32, #tpu.memory_space<vmem_shared>>
      tpu.enqueue_dma source(%arg11 : memref<128x128xf32, #tpu.memory_space<vmem>>) target(%dma_start3A_273 : memref<128x128xf32, #tpu.memory_space<vmem_shared>>) target_semaphore(%run_scoped3A : memref<!tpu.dma_semaphore, #tpu.memory_space<semaphore_mem>>)
      %dma_wait3A = arith.constant 0 : i32
      %dma_wait3A_274 = tpu.memref_slice %arg13[%add3A_129, %dma_wait3A] : memref<10240x128xf32, #tpu.memory_space<vmem_shared>> -> memref<128x128xf32, #tpu.memory_space<vmem_shared>>
      %dma_wait3A_275 = arith.constant 0 : i32
      %dma_wait3A_276 = tpu.memref_slice %arg13[%add3A_129, %dma_wait3A_275] : memref<10240x128xf32, #tpu.memory_space<vmem_shared>> -> memref<128x128xf32, #tpu.memory_space<vmem_shared>>
      tpu.wait_dma2 semaphore(%run_scoped3A : memref<!tpu.dma_semaphore, #tpu.memory_space<semaphore_mem>>) src(%arg11 : memref<128x128xf32, #tpu.memory_space<vmem>>) dst(%dma_wait3A_276 : memref<128x128xf32, #tpu.memory_space<vmem_shared>>)
      tpu.yield
    }) : () -> ()
    %barrier3A = arith.constant 0 : index
    tpu.barrier barrier_id(%barrier3A)
    %gt3A = arith.constant 0 : i32
    %gt3A_130 = arith.cmpi sgt, %select_n3A, %gt3A : i32
    %convert_element_type3A = arith.extui %gt3A_130 : i1 to i32
    %cond3A = arith.constant 0 : i32
    %cond3A_131 = arith.cmpi ne, %convert_element_type3A, %cond3A : i32
    scf.if %cond3A_131 {
      %dma_start3A = arith.constant 0 : i32
      %dma_start3A_271 = tpu.memref_slice %arg5[%dma_start3A] : memref<128xi32, #tpu.memory_space<vmem>> -> memref<40xi32, #tpu.memory_space<vmem>>
      %dma_start3A_272 = arith.constant 0 : i32
      %dma_start3A_273 = arith.constant 0 : i32
      %dma_start3A_274 = tpu.memref_slice %arg2[%dma_start3A_272, %dma_start3A_273] : memref<2560x128xi32, #tpu.memory_space<hbm>> -> memref<2560x128xi32, #tpu.memory_space<hbm>>
      tpu.enqueue_indirect_dma source(%dma_start3A_274 : memref<2560x128xi32, #tpu.memory_space<hbm>>) target(%arg6 : memref<40x128xi32, #tpu.memory_space<vmem>>) offsets(%dma_start3A_271 : memref<40xi32, #tpu.memory_space<vmem>>) semaphore(%arg16 : memref<!tpu.dma_semaphore, #tpu.memory_space<semaphore_mem>>)
      %dma_wait3A = arith.constant 0 : i32
      %dma_wait3A_275 = tpu.memref_slice %arg5[%dma_wait3A] : memref<128xi32, #tpu.memory_space<vmem>> -> memref<40xi32, #tpu.memory_space<vmem>>
      %dma_wait3A_276 = arith.constant 0 : i32
      %dma_wait3A_277 = arith.constant 0 : i32
      %dma_wait3A_278 = tpu.memref_slice %arg2[%dma_wait3A_276, %dma_wait3A_277] : memref<2560x128xi32, #tpu.memory_space<hbm>> -> memref<2560x128xi32, #tpu.memory_space<hbm>>
      tpu.wait_indirect_dma semaphore(%arg16 : memref<!tpu.dma_semaphore, #tpu.memory_space<semaphore_mem>>) src(%dma_wait3A_278 : memref<2560x128xi32, #tpu.memory_space<hbm>>) dst(%arg6 : memref<40x128xi32, #tpu.memory_space<vmem>>)
    } else {
    }
    %scan3A_132 = arith.constant 0 : i32
    %scan3A_133 = arith.constant 0 : i32
    %scan3A_134 = arith.constant 20 : i32
    %scan3A_135 = arith.addi %scan3A_133, %scan3A_134 : i32
    %scan3A_136 = arith.constant 1 : i32
    scf.for %scan3A_271 = %scan3A_133 to %scan3A_135 step %scan3A_136  : i32 {
      %mul3A_272 = arith.constant 2 : i32
      %mul3A_273 = arith.muli %scan3A_271, %mul3A_272 : i32
      %add3A_274 = arith.constant 0 : i32
      %add3A_275 = arith.addi %add3A_274, %mul3A_273 : i32
      %add3A_276 = arith.constant 0 : i32
      %add3A_277 = arith.addi %add3A_275, %add3A_276 : i32
      %ge3A_278 = arith.constant 2 : i32
      %ge3A_279 = arith.cmpi sge, %add3A_277, %ge3A_278 : i32
      %sub3A_280 = arith.constant 2 : i32
      %sub3A_281 = arith.subi %add3A_277, %sub3A_280 : i32
      %lt3A_282 = arith.cmpi slt, %sub3A_281, %select_n3A : i32
      %and3A_283 = arith.andi %ge3A_279, %lt3A_282 : i1
      %convert_element_type3A_284 = arith.extui %and3A_283 : i1 to i32
      %cond3A_285 = arith.constant 0 : i32
      %cond3A_286 = arith.cmpi ne, %convert_element_type3A_284, %cond3A_285 : i32
      scf.if %cond3A_286 {
        %dma_wait3A = arith.constant 0 : i32
        %dma_wait3A_328 = arith.constant 0 : i32
        %dma_wait3A_329 = tpu.memref_slice %arg13[%dma_wait3A, %dma_wait3A_328] : memref<10240x128xf32, #tpu.memory_space<vmem_shared>> -> memref<10240x128xf32, #tpu.memory_space<vmem_shared>>
        tpu.wait_indirect_dma semaphore(%arg15 : memref<!tpu.dma_semaphore, #tpu.memory_space<semaphore_mem>>) src(%arg11 : memref<128x128xf32, #tpu.memory_space<vmem>>) dst(%dma_wait3A_329 : memref<10240x128xf32, #tpu.memory_space<vmem_shared>>)
      } else {
      }
      %lt3A_287 = arith.cmpi slt, %add3A_277, %select_n3A : i32
      %convert_element_type3A_288 = arith.extui %lt3A_287 : i1 to i32
      %cond3A_289 = arith.constant 0 : i32
      %cond3A_290 = arith.cmpi ne, %convert_element_type3A_288, %cond3A_289 : i32
      scf.if %cond3A_290 {
        %scan3A_328 = arith.constant 0 : i32
        %scan3A_329 = arith.constant 0 : i32
        %scan3A_330 = arith.constant 8 : i32
        %scan3A_331 = arith.addi %scan3A_329, %scan3A_330 : i32
        %scan3A_332 = arith.constant 1 : i32
        scf.for %scan3A_336 = %scan3A_329 to %scan3A_331 step %scan3A_332  : i32 {
          %sub3A_337 = arith.constant 0 : i32
          %sub3A_338 = arith.subi %add3A_277, %sub3A_337 : i32
          %mul3A_339 = arith.constant 16 : i32
          %mul3A_340 = arith.muli %scan3A_336, %mul3A_339 : i32
          %get3A = arith.index_cast %sub3A_338 : i32 to index
          %get3A_341 = arith.index_cast %mul3A_340 : i32 to index
          %get3A_342 = tpu.vector_load %arg6[%get3A, %get3A_341] {strides = array<i32>} : memref<40x128xi32, #tpu.memory_space<vmem>>, vector<1x16xi32>,
          %get3A_343 = vector.shape_cast %get3A_342 : vector<1x16xi32> to vector<16xi32>
          %shift_right_logical3A = arith.constant 14 : i32
          %shift_right_logical3A_344 = vector.broadcast %shift_right_logical3A : i32 to vector<16xi32>
          %shift_right_logical3A_345 = arith.shrui %get3A_343, %shift_right_logical3A_344 : vector<16xi32>
          %mul3A_346 = arith.constant 16 : i32
          %mul3A_347 = arith.muli %scan3A_336, %mul3A_346 : i32
          %swap3A_348 = arith.index_cast %mul3A_347 : i32 to index
          %swap3A_349 = tpu.vector_load %arg7[%swap3A_348] {strides = array<i32>} : memref<128xi32, #tpu.memory_space<vmem>>, vector<16xi32>,
          %swap3A_350 = vector.shape_cast %swap3A_349 : vector<16xi32> to vector<16xi32>
          %swap3A_351 = vector.shape_cast %shift_right_logical3A_345 : vector<16xi32> to vector<16xi32>
          tpu.vector_store %arg7[%swap3A_348], %swap3A_351 {strides = array<i32>} : memref<128xi32, #tpu.memory_space<vmem>>, vector<16xi32>,
          %and3A_352 = arith.constant 16383 : i32
          %and3A_353 = vector.broadcast %and3A_352 : i32 to vector<16xi32>
          %and3A_354 = arith.andi %get3A_343, %and3A_353 : vector<16xi32>
          %mul3A_355 = arith.constant 16 : i32
          %mul3A_356 = arith.muli %scan3A_336, %mul3A_355 : i32
          %swap3A_357 = arith.index_cast %mul3A_356 : i32 to index
          %swap3A_358 = tpu.vector_load %arg9[%swap3A_357] {strides = array<i32>} : memref<128xi32, #tpu.memory_space<vmem>>, vector<16xi32>,
          %swap3A_359 = vector.shape_cast %swap3A_358 : vector<16xi32> to vector<16xi32>
          %swap3A_360 = vector.shape_cast %and3A_354 : vector<16xi32> to vector<16xi32>
          tpu.vector_store %arg9[%swap3A_357], %swap3A_360 {strides = array<i32>} : memref<128xi32, #tpu.memory_space<vmem>>, vector<16xi32>,
        }
        %scan3A_333 = arith.constant 8 : i32
        %dma_start3A = arith.constant 0 : i32
        %dma_start3A_334 = arith.constant 0 : i32
        %dma_start3A_335 = tpu.memref_slice %arg3[%dma_start3A, %dma_start3A_334] : memref<10000x128xf32, #tpu.memory_space<hbm>> -> memref<10000x128xf32, #tpu.memory_space<hbm>>
        tpu.enqueue_indirect_dma source(%dma_start3A_335 : memref<10000x128xf32, #tpu.memory_space<hbm>>) target(%arg11 : memref<128x128xf32, #tpu.memory_space<vmem>>) offsets(%arg7 : memref<128xi32, #tpu.memory_space<vmem>>) semaphore(%arg14 : memref<!tpu.dma_semaphore, #tpu.memory_space<semaphore_mem>>)
      } else {
      }
      %sub3A_291 = arith.constant 1 : i32
      %sub3A_292 = arith.subi %add3A_277, %sub3A_291 : i32
      %ge3A_293 = arith.constant 0 : i32
      %ge3A_294 = arith.cmpi sge, %sub3A_292, %ge3A_293 : i32
      %lt3A_295 = arith.cmpi slt, %sub3A_292, %select_n3A : i32
      %and3A_296 = arith.andi %ge3A_294, %lt3A_295 : i1
      %convert_element_type3A_297 = arith.extui %and3A_296 : i1 to i32
      %cond3A_298 = arith.constant 0 : i32
      %cond3A_299 = arith.cmpi ne, %convert_element_type3A_297, %cond3A_298 : i32
      scf.if %cond3A_299 {
        %dma_wait3A = arith.constant 0 : i32
        %dma_wait3A_328 = arith.constant 0 : i32
        %dma_wait3A_329 = tpu.memref_slice %arg3[%dma_wait3A, %dma_wait3A_328] : memref<10000x128xf32, #tpu.memory_space<hbm>> -> memref<10000x128xf32, #tpu.memory_space<hbm>>
        tpu.wait_indirect_dma semaphore(%arg14 : memref<!tpu.dma_semaphore, #tpu.memory_space<semaphore_mem>>) src(%dma_wait3A_329 : memref<10000x128xf32, #tpu.memory_space<hbm>>) dst(%arg12 : memref<128x128xf32, #tpu.memory_space<vmem>>)
        %dma_start3A = arith.constant 0 : i32
        %dma_start3A_330 = arith.constant 0 : i32
        %dma_start3A_331 = tpu.memref_slice %arg13[%dma_start3A, %dma_start3A_330] : memref<10240x128xf32, #tpu.memory_space<vmem_shared>> -> memref<10240x128xf32, #tpu.memory_space<vmem_shared>>
        tpu.enqueue_indirect_dma source(%arg12 : memref<128x128xf32, #tpu.memory_space<vmem>>) target(%dma_start3A_331 : memref<10240x128xf32, #tpu.memory_space<vmem_shared>>) offsets(%arg10 : memref<128xi32, #tpu.memory_space<vmem>>) semaphore(%arg15 : memref<!tpu.dma_semaphore, #tpu.memory_space<semaphore_mem>>) {add = true}
      } else {
      }
      %mul3A_300 = arith.constant 2 : i32
      %mul3A_301 = arith.muli %scan3A_271, %mul3A_300 : i32
      %add3A_302 = arith.constant 0 : i32
      %add3A_303 = arith.addi %add3A_302, %mul3A_301 : i32
      %add3A_304 = arith.constant 1 : i32
      %add3A_305 = arith.addi %add3A_303, %add3A_304 : i32
      %ge3A_306 = arith.constant 2 : i32
      %ge3A_307 = arith.cmpi sge, %add3A_305, %ge3A_306 : i32
      %sub3A_308 = arith.constant 2 : i32
      %sub3A_309 = arith.subi %add3A_305, %sub3A_308 : i32
      %lt3A_310 = arith.cmpi slt, %sub3A_309, %select_n3A : i32
      %and3A_311 = arith.andi %ge3A_307, %lt3A_310 : i1
      %convert_element_type3A_312 = arith.extui %and3A_311 : i1 to i32
      %cond3A_313 = arith.constant 0 : i32
      %cond3A_314 = arith.cmpi ne, %convert_element_type3A_312, %cond3A_313 : i32
      scf.if %cond3A_314 {
        %dma_wait3A = arith.constant 0 : i32
        %dma_wait3A_328 = arith.constant 0 : i32
        %dma_wait3A_329 = tpu.memref_slice %arg13[%dma_wait3A, %dma_wait3A_328] : memref<10240x128xf32, #tpu.memory_space<vmem_shared>> -> memref<10240x128xf32, #tpu.memory_space<vmem_shared>>
        tpu.wait_indirect_dma semaphore(%arg15 : memref<!tpu.dma_semaphore, #tpu.memory_space<semaphore_mem>>) src(%arg12 : memref<128x128xf32, #tpu.memory_space<vmem>>) dst(%dma_wait3A_329 : memref<10240x128xf32, #tpu.memory_space<vmem_shared>>)
      } else {
      }
      %lt3A_315 = arith.cmpi slt, %add3A_305, %select_n3A : i32
      %convert_element_type3A_316 = arith.extui %lt3A_315 : i1 to i32
      %cond3A_317 = arith.constant 0 : i32
      %cond3A_318 = arith.cmpi ne, %convert_element_type3A_316, %cond3A_317 : i32
      scf.if %cond3A_318 {
        %scan3A_328 = arith.constant 0 : i32
        %scan3A_329 = arith.constant 0 : i32
        %scan3A_330 = arith.constant 8 : i32
        %scan3A_331 = arith.addi %scan3A_329, %scan3A_330 : i32
        %scan3A_332 = arith.constant 1 : i32
        scf.for %scan3A_336 = %scan3A_329 to %scan3A_331 step %scan3A_332  : i32 {
          %sub3A_337 = arith.constant 0 : i32
          %sub3A_338 = arith.subi %add3A_305, %sub3A_337 : i32
          %mul3A_339 = arith.constant 16 : i32
          %mul3A_340 = arith.muli %scan3A_336, %mul3A_339 : i32
          %get3A = arith.index_cast %sub3A_338 : i32 to index
          %get3A_341 = arith.index_cast %mul3A_340 : i32 to index
          %get3A_342 = tpu.vector_load %arg6[%get3A, %get3A_341] {strides = array<i32>} : memref<40x128xi32, #tpu.memory_space<vmem>>, vector<1x16xi32>,
          %get3A_343 = vector.shape_cast %get3A_342 : vector<1x16xi32> to vector<16xi32>
          %shift_right_logical3A = arith.constant 14 : i32
          %shift_right_logical3A_344 = vector.broadcast %shift_right_logical3A : i32 to vector<16xi32>
          %shift_right_logical3A_345 = arith.shrui %get3A_343, %shift_right_logical3A_344 : vector<16xi32>
          %mul3A_346 = arith.constant 16 : i32
          %mul3A_347 = arith.muli %scan3A_336, %mul3A_346 : i32
          %swap3A_348 = arith.index_cast %mul3A_347 : i32 to index
          %swap3A_349 = tpu.vector_load %arg8[%swap3A_348] {strides = array<i32>} : memref<128xi32, #tpu.memory_space<vmem>>, vector<16xi32>,
          %swap3A_350 = vector.shape_cast %swap3A_349 : vector<16xi32> to vector<16xi32>
          %swap3A_351 = vector.shape_cast %shift_right_logical3A_345 : vector<16xi32> to vector<16xi32>
          tpu.vector_store %arg8[%swap3A_348], %swap3A_351 {strides = array<i32>} : memref<128xi32, #tpu.memory_space<vmem>>, vector<16xi32>,
          %and3A_352 = arith.constant 16383 : i32
          %and3A_353 = vector.broadcast %and3A_352 : i32 to vector<16xi32>
          %and3A_354 = arith.andi %get3A_343, %and3A_353 : vector<16xi32>
          %mul3A_355 = arith.constant 16 : i32
          %mul3A_356 = arith.muli %scan3A_336, %mul3A_355 : i32
          %swap3A_357 = arith.index_cast %mul3A_356 : i32 to index
          %swap3A_358 = tpu.vector_load %arg10[%swap3A_357] {strides = array<i32>} : memref<128xi32, #tpu.memory_space<vmem>>, vector<16xi32>,
          %swap3A_359 = vector.shape_cast %swap3A_358 : vector<16xi32> to vector<16xi32>
          %swap3A_360 = vector.shape_cast %and3A_354 : vector<16xi32> to vector<16xi32>
          tpu.vector_store %arg10[%swap3A_357], %swap3A_360 {strides = array<i32>} : memref<128xi32, #tpu.memory_space<vmem>>, vector<16xi32>,
        }
        %scan3A_333 = arith.constant 8 : i32
        %dma_start3A = arith.constant 0 : i32
        %dma_start3A_334 = arith.constant 0 : i32
        %dma_start3A_335 = tpu.memref_slice %arg3[%dma_start3A, %dma_start3A_334] : memref<10000x128xf32, #tpu.memory_space<hbm>> -> memref<10000x128xf32, #tpu.memory_space<hbm>>
        tpu.enqueue_indirect_dma source(%dma_start3A_335 : memref<10000x128xf32, #tpu.memory_space<hbm>>) target(%arg12 : memref<128x128xf32, #tpu.memory_space<vmem>>) offsets(%arg8 : memref<128xi32, #tpu.memory_space<vmem>>) semaphore(%arg14 : memref<!tpu.dma_semaphore, #tpu.memory_space<semaphore_mem>>)
      } else {
      }
      %sub3A_319 = arith.constant 1 : i32
      %sub3A_320 = arith.subi %add3A_305, %sub3A_319 : i32
      %ge3A_321 = arith.constant 0 : i32
      %ge3A_322 = arith.cmpi sge, %sub3A_320, %ge3A_321 : i32
      %lt3A_323 = arith.cmpi slt, %sub3A_320, %select_n3A : i32
      %and3A_324 = arith.andi %ge3A_322, %lt3A_323 : i1
      %convert_element_type3A_325 = arith.extui %and3A_324 : i1 to i32
      %cond3A_326 = arith.constant 0 : i32
      %cond3A_327 = arith.cmpi ne, %convert_element_type3A_325, %cond3A_326 : i32
      scf.if %cond3A_327 {
        %dma_wait3A = arith.constant 0 : i32
        %dma_wait3A_328 = arith.constant 0 : i32
        %dma_wait3A_329 = tpu.memref_slice %arg3[%dma_wait3A, %dma_wait3A_328] : memref<10000x128xf32, #tpu.memory_space<hbm>> -> memref<10000x128xf32, #tpu.memory_space<hbm>>
        tpu.wait_indirect_dma semaphore(%arg14 : memref<!tpu.dma_semaphore, #tpu.memory_space<semaphore_mem>>) src(%dma_wait3A_329 : memref<10000x128xf32, #tpu.memory_space<hbm>>) dst(%arg11 : memref<128x128xf32, #tpu.memory_space<vmem>>)
        %dma_start3A = arith.constant 0 : i32
        %dma_start3A_330 = arith.constant 0 : i32
        %dma_start3A_331 = tpu.memref_slice %arg13[%dma_start3A, %dma_start3A_330] : memref<10240x128xf32, #tpu.memory_space<vmem_shared>> -> memref<10240x128xf32, #tpu.memory_space<vmem_shared>>
        tpu.enqueue_indirect_dma source(%arg11 : memref<128x128xf32, #tpu.memory_space<vmem>>) target(%dma_start3A_331 : memref<10240x128xf32, #tpu.memory_space<vmem_shared>>) offsets(%arg9 : memref<128xi32, #tpu.memory_space<vmem>>) semaphore(%arg15 : memref<!tpu.dma_semaphore, #tpu.memory_space<semaphore_mem>>) {add = true}
      } else {
      }
    }
    %scan3A_137 = arith.constant 20 : i32
    %gt3A_138 = arith.constant 40 : i32
    %gt3A_139 = arith.cmpi sgt, %select_n3A, %gt3A_138 : i32
    %convert_element_type3A_140 = arith.extui %gt3A_139 : i1 to i32
    %cond3A_141 = arith.constant 0 : i32
    %cond3A_142 = arith.cmpi ne, %convert_element_type3A_140, %cond3A_141 : i32
    scf.if %cond3A_142 {
      %dma_start3A = arith.constant 40 : i32
      %dma_start3A_271 = tpu.memref_slice %arg5[%dma_start3A] : memref<128xi32, #tpu.memory_space<vmem>> -> memref<40xi32, #tpu.memory_space<vmem>>
      %dma_start3A_272 = arith.constant 0 : i32
      %dma_start3A_273 = arith.constant 0 : i32
      %dma_start3A_274 = tpu.memref_slice %arg2[%dma_start3A_272, %dma_start3A_273] : memref<2560x128xi32, #tpu.memory_space<hbm>> -> memref<2560x128xi32, #tpu.memory_space<hbm>>
      tpu.enqueue_indirect_dma source(%dma_start3A_274 : memref<2560x128xi32, #tpu.memory_space<hbm>>) target(%arg6 : memref<40x128xi32, #tpu.memory_space<vmem>>) offsets(%dma_start3A_271 : memref<40xi32, #tpu.memory_space<vmem>>) semaphore(%arg16 : memref<!tpu.dma_semaphore, #tpu.memory_space<semaphore_mem>>)
      %dma_wait3A = arith.constant 40 : i32
      %dma_wait3A_275 = tpu.memref_slice %arg5[%dma_wait3A] : memref<128xi32, #tpu.memory_space<vmem>> -> memref<40xi32, #tpu.memory_space<vmem>>
      %dma_wait3A_276 = arith.constant 0 : i32
      %dma_wait3A_277 = arith.constant 0 : i32
      %dma_wait3A_278 = tpu.memref_slice %arg2[%dma_wait3A_276, %dma_wait3A_277] : memref<2560x128xi32, #tpu.memory_space<hbm>> -> memref<2560x128xi32, #tpu.memory_space<hbm>>
      tpu.wait_indirect_dma semaphore(%arg16 : memref<!tpu.dma_semaphore, #tpu.memory_space<semaphore_mem>>) src(%dma_wait3A_278 : memref<2560x128xi32, #tpu.memory_space<hbm>>) dst(%arg6 : memref<40x128xi32, #tpu.memory_space<vmem>>)
    } else {
    }
    %scan3A_143 = arith.constant 0 : i32
    %scan3A_144 = arith.constant 0 : i32
    %scan3A_145 = arith.constant 20 : i32
    %scan3A_146 = arith.addi %scan3A_144, %scan3A_145 : i32
    %scan3A_147 = arith.constant 1 : i32
    scf.for %scan3A_271 = %scan3A_144 to %scan3A_146 step %scan3A_147  : i32 {
      %mul3A_272 = arith.constant 2 : i32
      %mul3A_273 = arith.muli %scan3A_271, %mul3A_272 : i32
      %add3A_274 = arith.constant 40 : i32
      %add3A_275 = arith.addi %add3A_274, %mul3A_273 : i32
      %add3A_276 = arith.constant 0 : i32
      %add3A_277 = arith.addi %add3A_275, %add3A_276 : i32
      %ge3A_278 = arith.constant 2 : i32
      %ge3A_279 = arith.cmpi sge, %add3A_277, %ge3A_278 : i32
      %sub3A_280 = arith.constant 2 : i32
      %sub3A_281 = arith.subi %add3A_277, %sub3A_280 : i32
      %lt3A_282 = arith.cmpi slt, %sub3A_281, %select_n3A : i32
      %and3A_283 = arith.andi %ge3A_279, %lt3A_282 : i1
      %convert_element_type3A_284 = arith.extui %and3A_283 : i1 to i32
      %cond3A_285 = arith.constant 0 : i32
      %cond3A_286 = arith.cmpi ne, %convert_element_type3A_284, %cond3A_285 : i32
      scf.if %cond3A_286 {
        %dma_wait3A = arith.constant 0 : i32
        %dma_wait3A_328 = arith.constant 0 : i32
        %dma_wait3A_329 = tpu.memref_slice %arg13[%dma_wait3A, %dma_wait3A_328] : memref<10240x128xf32, #tpu.memory_space<vmem_shared>> -> memref<10240x128xf32, #tpu.memory_space<vmem_shared>>
        tpu.wait_indirect_dma semaphore(%arg15 : memref<!tpu.dma_semaphore, #tpu.memory_space<semaphore_mem>>) src(%arg11 : memref<128x128xf32, #tpu.memory_space<vmem>>) dst(%dma_wait3A_329 : memref<10240x128xf32, #tpu.memory_space<vmem_shared>>)
      } else {
      }
      %lt3A_287 = arith.cmpi slt, %add3A_277, %select_n3A : i32
      %convert_element_type3A_288 = arith.extui %lt3A_287 : i1 to i32
      %cond3A_289 = arith.constant 0 : i32
      %cond3A_290 = arith.cmpi ne, %convert_element_type3A_288, %cond3A_289 : i32
      scf.if %cond3A_290 {
        %scan3A_328 = arith.constant 0 : i32
        %scan3A_329 = arith.constant 0 : i32
        %scan3A_330 = arith.constant 8 : i32
        %scan3A_331 = arith.addi %scan3A_329, %scan3A_330 : i32
        %scan3A_332 = arith.constant 1 : i32
        scf.for %scan3A_336 = %scan3A_329 to %scan3A_331 step %scan3A_332  : i32 {
          %sub3A_337 = arith.constant 40 : i32
          %sub3A_338 = arith.subi %add3A_277, %sub3A_337 : i32
          %mul3A_339 = arith.constant 16 : i32
          %mul3A_340 = arith.muli %scan3A_336, %mul3A_339 : i32
          %get3A = arith.index_cast %sub3A_338 : i32 to index
          %get3A_341 = arith.index_cast %mul3A_340 : i32 to index
          %get3A_342 = tpu.vector_load %arg6[%get3A, %get3A_341] {strides = array<i32>} : memref<40x128xi32, #tpu.memory_space<vmem>>, vector<1x16xi32>,
          %get3A_343 = vector.shape_cast %get3A_342 : vector<1x16xi32> to vector<16xi32>
          %shift_right_logical3A = arith.constant 14 : i32
          %shift_right_logical3A_344 = vector.broadcast %shift_right_logical3A : i32 to vector<16xi32>
          %shift_right_logical3A_345 = arith.shrui %get3A_343, %shift_right_logical3A_344 : vector<16xi32>
          %mul3A_346 = arith.constant 16 : i32
          %mul3A_347 = arith.muli %scan3A_336, %mul3A_346 : i32
          %swap3A_348 = arith.index_cast %mul3A_347 : i32 to index
          %swap3A_349 = tpu.vector_load %arg7[%swap3A_348] {strides = array<i32>} : memref<128xi32, #tpu.memory_space<vmem>>, vector<16xi32>,
          %swap3A_350 = vector.shape_cast %swap3A_349 : vector<16xi32> to vector<16xi32>
          %swap3A_351 = vector.shape_cast %shift_right_logical3A_345 : vector<16xi32> to vector<16xi32>
          tpu.vector_store %arg7[%swap3A_348], %swap3A_351 {strides = array<i32>} : memref<128xi32, #tpu.memory_space<vmem>>, vector<16xi32>,
          %and3A_352 = arith.constant 16383 : i32
          %and3A_353 = vector.broadcast %and3A_352 : i32 to vector<16xi32>
          %and3A_354 = arith.andi %get3A_343, %and3A_353 : vector<16xi32>
          %mul3A_355 = arith.constant 16 : i32
          %mul3A_356 = arith.muli %scan3A_336, %mul3A_355 : i32
          %swap3A_357 = arith.index_cast %mul3A_356 : i32 to index
          %swap3A_358 = tpu.vector_load %arg9[%swap3A_357] {strides = array<i32>} : memref<128xi32, #tpu.memory_space<vmem>>, vector<16xi32>,
          %swap3A_359 = vector.shape_cast %swap3A_358 : vector<16xi32> to vector<16xi32>
          %swap3A_360 = vector.shape_cast %and3A_354 : vector<16xi32> to vector<16xi32>
          tpu.vector_store %arg9[%swap3A_357], %swap3A_360 {strides = array<i32>} : memref<128xi32, #tpu.memory_space<vmem>>, vector<16xi32>,
        }
        %scan3A_333 = arith.constant 8 : i32
        %dma_start3A = arith.constant 0 : i32
        %dma_start3A_334 = arith.constant 0 : i32
        %dma_start3A_335 = tpu.memref_slice %arg3[%dma_start3A, %dma_start3A_334] : memref<10000x128xf32, #tpu.memory_space<hbm>> -> memref<10000x128xf32, #tpu.memory_space<hbm>>
        tpu.enqueue_indirect_dma source(%dma_start3A_335 : memref<10000x128xf32, #tpu.memory_space<hbm>>) target(%arg11 : memref<128x128xf32, #tpu.memory_space<vmem>>) offsets(%arg7 : memref<128xi32, #tpu.memory_space<vmem>>) semaphore(%arg14 : memref<!tpu.dma_semaphore, #tpu.memory_space<semaphore_mem>>)
      } else {
      }
      %sub3A_291 = arith.constant 1 : i32
      %sub3A_292 = arith.subi %add3A_277, %sub3A_291 : i32
      %ge3A_293 = arith.constant 0 : i32
      %ge3A_294 = arith.cmpi sge, %sub3A_292, %ge3A_293 : i32
      %lt3A_295 = arith.cmpi slt, %sub3A_292, %select_n3A : i32
      %and3A_296 = arith.andi %ge3A_294, %lt3A_295 : i1
      %convert_element_type3A_297 = arith.extui %and3A_296 : i1 to i32
      %cond3A_298 = arith.constant 0 : i32
      %cond3A_299 = arith.cmpi ne, %convert_element_type3A_297, %cond3A_298 : i32
      scf.if %cond3A_299 {
        %dma_wait3A = arith.constant 0 : i32
        %dma_wait3A_328 = arith.constant 0 : i32
        %dma_wait3A_329 = tpu.memref_slice %arg3[%dma_wait3A, %dma_wait3A_328] : memref<10000x128xf32, #tpu.memory_space<hbm>> -> memref<10000x128xf32, #tpu.memory_space<hbm>>
        tpu.wait_indirect_dma semaphore(%arg14 : memref<!tpu.dma_semaphore, #tpu.memory_space<semaphore_mem>>) src(%dma_wait3A_329 : memref<10000x128xf32, #tpu.memory_space<hbm>>) dst(%arg12 : memref<128x128xf32, #tpu.memory_space<vmem>>)
        %dma_start3A = arith.constant 0 : i32
        %dma_start3A_330 = arith.constant 0 : i32
        %dma_start3A_331 = tpu.memref_slice %arg13[%dma_start3A, %dma_start3A_330] : memref<10240x128xf32, #tpu.memory_space<vmem_shared>> -> memref<10240x128xf32, #tpu.memory_space<vmem_shared>>
        tpu.enqueue_indirect_dma source(%arg12 : memref<128x128xf32, #tpu.memory_space<vmem>>) target(%dma_start3A_331 : memref<10240x128xf32, #tpu.memory_space<vmem_shared>>) offsets(%arg10 : memref<128xi32, #tpu.memory_space<vmem>>) semaphore(%arg15 : memref<!tpu.dma_semaphore, #tpu.memory_space<semaphore_mem>>) {add = true}
      } else {
      }
      %mul3A_300 = arith.constant 2 : i32
      %mul3A_301 = arith.muli %scan3A_271, %mul3A_300 : i32
      %add3A_302 = arith.constant 40 : i32
      %add3A_303 = arith.addi %add3A_302, %mul3A_301 : i32
      %add3A_304 = arith.constant 1 : i32
      %add3A_305 = arith.addi %add3A_303, %add3A_304 : i32
      %ge3A_306 = arith.constant 2 : i32
      %ge3A_307 = arith.cmpi sge, %add3A_305, %ge3A_306 : i32
      %sub3A_308 = arith.constant 2 : i32
      %sub3A_309 = arith.subi %add3A_305, %sub3A_308 : i32
      %lt3A_310 = arith.cmpi slt, %sub3A_309, %select_n3A : i32
      %and3A_311 = arith.andi %ge3A_307, %lt3A_310 : i1
      %convert_element_type3A_312 = arith.extui %and3A_311 : i1 to i32
      %cond3A_313 = arith.constant 0 : i32
      %cond3A_314 = arith.cmpi ne, %convert_element_type3A_312, %cond3A_313 : i32
      scf.if %cond3A_314 {
        %dma_wait3A = arith.constant 0 : i32
        %dma_wait3A_328 = arith.constant 0 : i32
        %dma_wait3A_329 = tpu.memref_slice %arg13[%dma_wait3A, %dma_wait3A_328] : memref<10240x128xf32, #tpu.memory_space<vmem_shared>> -> memref<10240x128xf32, #tpu.memory_space<vmem_shared>>
        tpu.wait_indirect_dma semaphore(%arg15 : memref<!tpu.dma_semaphore, #tpu.memory_space<semaphore_mem>>) src(%arg12 : memref<128x128xf32, #tpu.memory_space<vmem>>) dst(%dma_wait3A_329 : memref<10240x128xf32, #tpu.memory_space<vmem_shared>>)
      } else {
      }
      %lt3A_315 = arith.cmpi slt, %add3A_305, %select_n3A : i32
      %convert_element_type3A_316 = arith.extui %lt3A_315 : i1 to i32
      %cond3A_317 = arith.constant 0 : i32
      %cond3A_318 = arith.cmpi ne, %convert_element_type3A_316, %cond3A_317 : i32
      scf.if %cond3A_318 {
        %scan3A_328 = arith.constant 0 : i32
        %scan3A_329 = arith.constant 0 : i32
        %scan3A_330 = arith.constant 8 : i32
        %scan3A_331 = arith.addi %scan3A_329, %scan3A_330 : i32
        %scan3A_332 = arith.constant 1 : i32
        scf.for %scan3A_336 = %scan3A_329 to %scan3A_331 step %scan3A_332  : i32 {
          %sub3A_337 = arith.constant 40 : i32
          %sub3A_338 = arith.subi %add3A_305, %sub3A_337 : i32
          %mul3A_339 = arith.constant 16 : i32
          %mul3A_340 = arith.muli %scan3A_336, %mul3A_339 : i32
          %get3A = arith.index_cast %sub3A_338 : i32 to index
          %get3A_341 = arith.index_cast %mul3A_340 : i32 to index
          %get3A_342 = tpu.vector_load %arg6[%get3A, %get3A_341] {strides = array<i32>} : memref<40x128xi32, #tpu.memory_space<vmem>>, vector<1x16xi32>,
          %get3A_343 = vector.shape_cast %get3A_342 : vector<1x16xi32> to vector<16xi32>
          %shift_right_logical3A = arith.constant 14 : i32
          %shift_right_logical3A_344 = vector.broadcast %shift_right_logical3A : i32 to vector<16xi32>
          %shift_right_logical3A_345 = arith.shrui %get3A_343, %shift_right_logical3A_344 : vector<16xi32>
          %mul3A_346 = arith.constant 16 : i32
          %mul3A_347 = arith.muli %scan3A_336, %mul3A_346 : i32
          %swap3A_348 = arith.index_cast %mul3A_347 : i32 to index
          %swap3A_349 = tpu.vector_load %arg8[%swap3A_348] {strides = array<i32>} : memref<128xi32, #tpu.memory_space<vmem>>, vector<16xi32>,
          %swap3A_350 = vector.shape_cast %swap3A_349 : vector<16xi32> to vector<16xi32>
          %swap3A_351 = vector.shape_cast %shift_right_logical3A_345 : vector<16xi32> to vector<16xi32>
          tpu.vector_store %arg8[%swap3A_348], %swap3A_351 {strides = array<i32>} : memref<128xi32, #tpu.memory_space<vmem>>, vector<16xi32>,
          %and3A_352 = arith.constant 16383 : i32
          %and3A_353 = vector.broadcast %and3A_352 : i32 to vector<16xi32>
          %and3A_354 = arith.andi %get3A_343, %and3A_353 : vector<16xi32>
          %mul3A_355 = arith.constant 16 : i32
          %mul3A_356 = arith.muli %scan3A_336, %mul3A_355 : i32
          %swap3A_357 = arith.index_cast %mul3A_356 : i32 to index
          %swap3A_358 = tpu.vector_load %arg10[%swap3A_357] {strides = array<i32>} : memref<128xi32, #tpu.memory_space<vmem>>, vector<16xi32>,
          %swap3A_359 = vector.shape_cast %swap3A_358 : vector<16xi32> to vector<16xi32>
          %swap3A_360 = vector.shape_cast %and3A_354 : vector<16xi32> to vector<16xi32>
          tpu.vector_store %arg10[%swap3A_357], %swap3A_360 {strides = array<i32>} : memref<128xi32, #tpu.memory_space<vmem>>, vector<16xi32>,
        }
        %scan3A_333 = arith.constant 8 : i32
        %dma_start3A = arith.constant 0 : i32
        %dma_start3A_334 = arith.constant 0 : i32
        %dma_start3A_335 = tpu.memref_slice %arg3[%dma_start3A, %dma_start3A_334] : memref<10000x128xf32, #tpu.memory_space<hbm>> -> memref<10000x128xf32, #tpu.memory_space<hbm>>
        tpu.enqueue_indirect_dma source(%dma_start3A_335 : memref<10000x128xf32, #tpu.memory_space<hbm>>) target(%arg12 : memref<128x128xf32, #tpu.memory_space<vmem>>) offsets(%arg8 : memref<128xi32, #tpu.memory_space<vmem>>) semaphore(%arg14 : memref<!tpu.dma_semaphore, #tpu.memory_space<semaphore_mem>>)
      } else {
      }
      %sub3A_319 = arith.constant 1 : i32
      %sub3A_320 = arith.subi %add3A_305, %sub3A_319 : i32
      %ge3A_321 = arith.constant 0 : i32
      %ge3A_322 = arith.cmpi sge, %sub3A_320, %ge3A_321 : i32
      %lt3A_323 = arith.cmpi slt, %sub3A_320, %select_n3A : i32
      %and3A_324 = arith.andi %ge3A_322, %lt3A_323 : i1
      %convert_element_type3A_325 = arith.extui %and3A_324 : i1 to i32
      %cond3A_326 = arith.constant 0 : i32
      %cond3A_327 = arith.cmpi ne, %convert_element_type3A_325, %cond3A_326 : i32
      scf.if %cond3A_327 {
        %dma_wait3A = arith.constant 0 : i32
        %dma_wait3A_328 = arith.constant 0 : i32
        %dma_wait3A_329 = tpu.memref_slice %arg3[%dma_wait3A, %dma_wait3A_328] : memref<10000x128xf32, #tpu.memory_space<hbm>> -> memref<10000x128xf32, #tpu.memory_space<hbm>>
        tpu.wait_indirect_dma semaphore(%arg14 : memref<!tpu.dma_semaphore, #tpu.memory_space<semaphore_mem>>) src(%dma_wait3A_329 : memref<10000x128xf32, #tpu.memory_space<hbm>>) dst(%arg11 : memref<128x128xf32, #tpu.memory_space<vmem>>)
        %dma_start3A = arith.constant 0 : i32
        %dma_start3A_330 = arith.constant 0 : i32
        %dma_start3A_331 = tpu.memref_slice %arg13[%dma_start3A, %dma_start3A_330] : memref<10240x128xf32, #tpu.memory_space<vmem_shared>> -> memref<10240x128xf32, #tpu.memory_space<vmem_shared>>
        tpu.enqueue_indirect_dma source(%arg11 : memref<128x128xf32, #tpu.memory_space<vmem>>) target(%dma_start3A_331 : memref<10240x128xf32, #tpu.memory_space<vmem_shared>>) offsets(%arg9 : memref<128xi32, #tpu.memory_space<vmem>>) semaphore(%arg15 : memref<!tpu.dma_semaphore, #tpu.memory_space<semaphore_mem>>) {add = true}
      } else {
      }
    }
    %scan3A_148 = arith.constant 20 : i32
    %gt3A_149 = arith.constant 80 : i32
    %gt3A_150 = arith.cmpi sgt, %select_n3A, %gt3A_149 : i32
    %convert_element_type3A_151 = arith.extui %gt3A_150 : i1 to i32
    %cond3A_152 = arith.constant 0 : i32
    %cond3A_153 = arith.cmpi ne, %convert_element_type3A_151, %cond3A_152 : i32
    scf.if %cond3A_153 {
      %dma_start3A = arith.constant 80 : i32
      %dma_start3A_271 = tpu.memref_slice %arg5[%dma_start3A] : memref<128xi32, #tpu.memory_space<vmem>> -> memref<40xi32, #tpu.memory_space<vmem>>
      %dma_start3A_272 = arith.constant 0 : i32
      %dma_start3A_273 = arith.constant 0 : i32
      %dma_start3A_274 = tpu.memref_slice %arg2[%dma_start3A_272, %dma_start3A_273] : memref<2560x128xi32, #tpu.memory_space<hbm>> -> memref<2560x128xi32, #tpu.memory_space<hbm>>
      tpu.enqueue_indirect_dma source(%dma_start3A_274 : memref<2560x128xi32, #tpu.memory_space<hbm>>) target(%arg6 : memref<40x128xi32, #tpu.memory_space<vmem>>) offsets(%dma_start3A_271 : memref<40xi32, #tpu.memory_space<vmem>>) semaphore(%arg16 : memref<!tpu.dma_semaphore, #tpu.memory_space<semaphore_mem>>)
      %dma_wait3A = arith.constant 80 : i32
      %dma_wait3A_275 = tpu.memref_slice %arg5[%dma_wait3A] : memref<128xi32, #tpu.memory_space<vmem>> -> memref<40xi32, #tpu.memory_space<vmem>>
      %dma_wait3A_276 = arith.constant 0 : i32
      %dma_wait3A_277 = arith.constant 0 : i32
      %dma_wait3A_278 = tpu.memref_slice %arg2[%dma_wait3A_276, %dma_wait3A_277] : memref<2560x128xi32, #tpu.memory_space<hbm>> -> memref<2560x128xi32, #tpu.memory_space<hbm>>
      tpu.wait_indirect_dma semaphore(%arg16 : memref<!tpu.dma_semaphore, #tpu.memory_space<semaphore_mem>>) src(%dma_wait3A_278 : memref<2560x128xi32, #tpu.memory_space<hbm>>) dst(%arg6 : memref<40x128xi32, #tpu.memory_space<vmem>>)
    } else {
    }
    %scan3A_154 = arith.constant 0 : i32
    %scan3A_155 = arith.constant 0 : i32
    %scan3A_156 = arith.constant 20 : i32
    %scan3A_157 = arith.addi %scan3A_155, %scan3A_156 : i32
    %scan3A_158 = arith.constant 1 : i32
    scf.for %scan3A_271 = %scan3A_155 to %scan3A_157 step %scan3A_158  : i32 {
      %mul3A_272 = arith.constant 2 : i32
      %mul3A_273 = arith.muli %scan3A_271, %mul3A_272 : i32
      %add3A_274 = arith.constant 80 : i32
      %add3A_275 = arith.addi %add3A_274, %mul3A_273 : i32
      %add3A_276 = arith.constant 0 : i32
      %add3A_277 = arith.addi %add3A_275, %add3A_276 : i32
      %ge3A_278 = arith.constant 2 : i32
      %ge3A_279 = arith.cmpi sge, %add3A_277, %ge3A_278 : i32
      %sub3A_280 = arith.constant 2 : i32
      %sub3A_281 = arith.subi %add3A_277, %sub3A_280 : i32
      %lt3A_282 = arith.cmpi slt, %sub3A_281, %select_n3A : i32
      %and3A_283 = arith.andi %ge3A_279, %lt3A_282 : i1
      %convert_element_type3A_284 = arith.extui %and3A_283 : i1 to i32
      %cond3A_285 = arith.constant 0 : i32
      %cond3A_286 = arith.cmpi ne, %convert_element_type3A_284, %cond3A_285 : i32
      scf.if %cond3A_286 {
        %dma_wait3A = arith.constant 0 : i32
        %dma_wait3A_328 = arith.constant 0 : i32
        %dma_wait3A_329 = tpu.memref_slice %arg13[%dma_wait3A, %dma_wait3A_328] : memref<10240x128xf32, #tpu.memory_space<vmem_shared>> -> memref<10240x128xf32, #tpu.memory_space<vmem_shared>>
        tpu.wait_indirect_dma semaphore(%arg15 : memref<!tpu.dma_semaphore, #tpu.memory_space<semaphore_mem>>) src(%arg11 : memref<128x128xf32, #tpu.memory_space<vmem>>) dst(%dma_wait3A_329 : memref<10240x128xf32, #tpu.memory_space<vmem_shared>>)
      } else {
      }
      %lt3A_287 = arith.cmpi slt, %add3A_277, %select_n3A : i32
      %convert_element_type3A_288 = arith.extui %lt3A_287 : i1 to i32
      %cond3A_289 = arith.constant 0 : i32
      %cond3A_290 = arith.cmpi ne, %convert_element_type3A_288, %cond3A_289 : i32
      scf.if %cond3A_290 {
        %scan3A_328 = arith.constant 0 : i32
        %scan3A_329 = arith.constant 0 : i32
        %scan3A_330 = arith.constant 8 : i32
        %scan3A_331 = arith.addi %scan3A_329, %scan3A_330 : i32
        %scan3A_332 = arith.constant 1 : i32
        scf.for %scan3A_336 = %scan3A_329 to %scan3A_331 step %scan3A_332  : i32 {
          %sub3A_337 = arith.constant 80 : i32
          %sub3A_338 = arith.subi %add3A_277, %sub3A_337 : i32
          %mul3A_339 = arith.constant 16 : i32
          %mul3A_340 = arith.muli %scan3A_336, %mul3A_339 : i32
          %get3A = arith.index_cast %sub3A_338 : i32 to index
          %get3A_341 = arith.index_cast %mul3A_340 : i32 to index
          %get3A_342 = tpu.vector_load %arg6[%get3A, %get3A_341] {strides = array<i32>} : memref<40x128xi32, #tpu.memory_space<vmem>>, vector<1x16xi32>,
          %get3A_343 = vector.shape_cast %get3A_342 : vector<1x16xi32> to vector<16xi32>
          %shift_right_logical3A = arith.constant 14 : i32
          %shift_right_logical3A_344 = vector.broadcast %shift_right_logical3A : i32 to vector<16xi32>
          %shift_right_logical3A_345 = arith.shrui %get3A_343, %shift_right_logical3A_344 : vector<16xi32>
          %mul3A_346 = arith.constant 16 : i32
          %mul3A_347 = arith.muli %scan3A_336, %mul3A_346 : i32
          %swap3A_348 = arith.index_cast %mul3A_347 : i32 to index
          %swap3A_349 = tpu.vector_load %arg7[%swap3A_348] {strides = array<i32>} : memref<128xi32, #tpu.memory_space<vmem>>, vector<16xi32>,
          %swap3A_350 = vector.shape_cast %swap3A_349 : vector<16xi32> to vector<16xi32>
          %swap3A_351 = vector.shape_cast %shift_right_logical3A_345 : vector<16xi32> to vector<16xi32>
          tpu.vector_store %arg7[%swap3A_348], %swap3A_351 {strides = array<i32>} : memref<128xi32, #tpu.memory_space<vmem>>, vector<16xi32>,
          %and3A_352 = arith.constant 16383 : i32
          %and3A_353 = vector.broadcast %and3A_352 : i32 to vector<16xi32>
          %and3A_354 = arith.andi %get3A_343, %and3A_353 : vector<16xi32>
          %mul3A_355 = arith.constant 16 : i32
          %mul3A_356 = arith.muli %scan3A_336, %mul3A_355 : i32
          %swap3A_357 = arith.index_cast %mul3A_356 : i32 to index
          %swap3A_358 = tpu.vector_load %arg9[%swap3A_357] {strides = array<i32>} : memref<128xi32, #tpu.memory_space<vmem>>, vector<16xi32>,
          %swap3A_359 = vector.shape_cast %swap3A_358 : vector<16xi32> to vector<16xi32>
          %swap3A_360 = vector.shape_cast %and3A_354 : vector<16xi32> to vector<16xi32>
          tpu.vector_store %arg9[%swap3A_357], %swap3A_360 {strides = array<i32>} : memref<128xi32, #tpu.memory_space<vmem>>, vector<16xi32>,
        }
        %scan3A_333 = arith.constant 8 : i32
        %dma_start3A = arith.constant 0 : i32
        %dma_start3A_334 = arith.constant 0 : i32
        %dma_start3A_335 = tpu.memref_slice %arg3[%dma_start3A, %dma_start3A_334] : memref<10000x128xf32, #tpu.memory_space<hbm>> -> memref<10000x128xf32, #tpu.memory_space<hbm>>
        tpu.enqueue_indirect_dma source(%dma_start3A_335 : memref<10000x128xf32, #tpu.memory_space<hbm>>) target(%arg11 : memref<128x128xf32, #tpu.memory_space<vmem>>) offsets(%arg7 : memref<128xi32, #tpu.memory_space<vmem>>) semaphore(%arg14 : memref<!tpu.dma_semaphore, #tpu.memory_space<semaphore_mem>>)
      } else {
      }
      %sub3A_291 = arith.constant 1 : i32
      %sub3A_292 = arith.subi %add3A_277, %sub3A_291 : i32
      %ge3A_293 = arith.constant 0 : i32
      %ge3A_294 = arith.cmpi sge, %sub3A_292, %ge3A_293 : i32
      %lt3A_295 = arith.cmpi slt, %sub3A_292, %select_n3A : i32
      %and3A_296 = arith.andi %ge3A_294, %lt3A_295 : i1
      %convert_element_type3A_297 = arith.extui %and3A_296 : i1 to i32
      %cond3A_298 = arith.constant 0 : i32
      %cond3A_299 = arith.cmpi ne, %convert_element_type3A_297, %cond3A_298 : i32
      scf.if %cond3A_299 {
        %dma_wait3A = arith.constant 0 : i32
        %dma_wait3A_328 = arith.constant 0 : i32
        %dma_wait3A_329 = tpu.memref_slice %arg3[%dma_wait3A, %dma_wait3A_328] : memref<10000x128xf32, #tpu.memory_space<hbm>> -> memref<10000x128xf32, #tpu.memory_space<hbm>>
        tpu.wait_indirect_dma semaphore(%arg14 : memref<!tpu.dma_semaphore, #tpu.memory_space<semaphore_mem>>) src(%dma_wait3A_329 : memref<10000x128xf32, #tpu.memory_space<hbm>>) dst(%arg12 : memref<128x128xf32, #tpu.memory_space<vmem>>)
        %dma_start3A = arith.constant 0 : i32
        %dma_start3A_330 = arith.constant 0 : i32
        %dma_start3A_331 = tpu.memref_slice %arg13[%dma_start3A, %dma_start3A_330] : memref<10240x128xf32, #tpu.memory_space<vmem_shared>> -> memref<10240x128xf32, #tpu.memory_space<vmem_shared>>
        tpu.enqueue_indirect_dma source(%arg12 : memref<128x128xf32, #tpu.memory_space<vmem>>) target(%dma_start3A_331 : memref<10240x128xf32, #tpu.memory_space<vmem_shared>>) offsets(%arg10 : memref<128xi32, #tpu.memory_space<vmem>>) semaphore(%arg15 : memref<!tpu.dma_semaphore, #tpu.memory_space<semaphore_mem>>) {add = true}
      } else {
      }
      %mul3A_300 = arith.constant 2 : i32
      %mul3A_301 = arith.muli %scan3A_271, %mul3A_300 : i32
      %add3A_302 = arith.constant 80 : i32
      %add3A_303 = arith.addi %add3A_302, %mul3A_301 : i32
      %add3A_304 = arith.constant 1 : i32
      %add3A_305 = arith.addi %add3A_303, %add3A_304 : i32
      %ge3A_306 = arith.constant 2 : i32
      %ge3A_307 = arith.cmpi sge, %add3A_305, %ge3A_306 : i32
      %sub3A_308 = arith.constant 2 : i32
      %sub3A_309 = arith.subi %add3A_305, %sub3A_308 : i32
      %lt3A_310 = arith.cmpi slt, %sub3A_309, %select_n3A : i32
      %and3A_311 = arith.andi %ge3A_307, %lt3A_310 : i1
      %convert_element_type3A_312 = arith.extui %and3A_311 : i1 to i32
      %cond3A_313 = arith.constant 0 : i32
      %cond3A_314 = arith.cmpi ne, %convert_element_type3A_312, %cond3A_313 : i32
      scf.if %cond3A_314 {
        %dma_wait3A = arith.constant 0 : i32
        %dma_wait3A_328 = arith.constant 0 : i32
        %dma_wait3A_329 = tpu.memref_slice %arg13[%dma_wait3A, %dma_wait3A_328] : memref<10240x128xf32, #tpu.memory_space<vmem_shared>> -> memref<10240x128xf32, #tpu.memory_space<vmem_shared>>
        tpu.wait_indirect_dma semaphore(%arg15 : memref<!tpu.dma_semaphore, #tpu.memory_space<semaphore_mem>>) src(%arg12 : memref<128x128xf32, #tpu.memory_space<vmem>>) dst(%dma_wait3A_329 : memref<10240x128xf32, #tpu.memory_space<vmem_shared>>)
      } else {
      }
      %lt3A_315 = arith.cmpi slt, %add3A_305, %select_n3A : i32
      %convert_element_type3A_316 = arith.extui %lt3A_315 : i1 to i32
      %cond3A_317 = arith.constant 0 : i32
      %cond3A_318 = arith.cmpi ne, %convert_element_type3A_316, %cond3A_317 : i32
      scf.if %cond3A_318 {
        %scan3A_328 = arith.constant 0 : i32
        %scan3A_329 = arith.constant 0 : i32
        %scan3A_330 = arith.constant 8 : i32
        %scan3A_331 = arith.addi %scan3A_329, %scan3A_330 : i32
        %scan3A_332 = arith.constant 1 : i32
        scf.for %scan3A_336 = %scan3A_329 to %scan3A_331 step %scan3A_332  : i32 {
          %sub3A_337 = arith.constant 80 : i32
          %sub3A_338 = arith.subi %add3A_305, %sub3A_337 : i32
          %mul3A_339 = arith.constant 16 : i32
          %mul3A_340 = arith.muli %scan3A_336, %mul3A_339 : i32
          %get3A = arith.index_cast %sub3A_338 : i32 to index
          %get3A_341 = arith.index_cast %mul3A_340 : i32 to index
          %get3A_342 = tpu.vector_load %arg6[%get3A, %get3A_341] {strides = array<i32>} : memref<40x128xi32, #tpu.memory_space<vmem>>, vector<1x16xi32>,
          %get3A_343 = vector.shape_cast %get3A_342 : vector<1x16xi32> to vector<16xi32>
          %shift_right_logical3A = arith.constant 14 : i32
          %shift_right_logical3A_344 = vector.broadcast %shift_right_logical3A : i32 to vector<16xi32>
          %shift_right_logical3A_345 = arith.shrui %get3A_343, %shift_right_logical3A_344 : vector<16xi32>
          %mul3A_346 = arith.constant 16 : i32
          %mul3A_347 = arith.muli %scan3A_336, %mul3A_346 : i32
          %swap3A_348 = arith.index_cast %mul3A_347 : i32 to index
          %swap3A_349 = tpu.vector_load %arg8[%swap3A_348] {strides = array<i32>} : memref<128xi32, #tpu.memory_space<vmem>>, vector<16xi32>,
          %swap3A_350 = vector.shape_cast %swap3A_349 : vector<16xi32> to vector<16xi32>
          %swap3A_351 = vector.shape_cast %shift_right_logical3A_345 : vector<16xi32> to vector<16xi32>
          tpu.vector_store %arg8[%swap3A_348], %swap3A_351 {strides = array<i32>} : memref<128xi32, #tpu.memory_space<vmem>>, vector<16xi32>,
          %and3A_352 = arith.constant 16383 : i32
          %and3A_353 = vector.broadcast %and3A_352 : i32 to vector<16xi32>
          %and3A_354 = arith.andi %get3A_343, %and3A_353 : vector<16xi32>
          %mul3A_355 = arith.constant 16 : i32
          %mul3A_356 = arith.muli %scan3A_336, %mul3A_355 : i32
          %swap3A_357 = arith.index_cast %mul3A_356 : i32 to index
          %swap3A_358 = tpu.vector_load %arg10[%swap3A_357] {strides = array<i32>} : memref<128xi32, #tpu.memory_space<vmem>>, vector<16xi32>,
          %swap3A_359 = vector.shape_cast %swap3A_358 : vector<16xi32> to vector<16xi32>
          %swap3A_360 = vector.shape_cast %and3A_354 : vector<16xi32> to vector<16xi32>
          tpu.vector_store %arg10[%swap3A_357], %swap3A_360 {strides = array<i32>} : memref<128xi32, #tpu.memory_space<vmem>>, vector<16xi32>,
        }
        %scan3A_333 = arith.constant 8 : i32
        %dma_start3A = arith.constant 0 : i32
        %dma_start3A_334 = arith.constant 0 : i32
        %dma_start3A_335 = tpu.memref_slice %arg3[%dma_start3A, %dma_start3A_334] : memref<10000x128xf32, #tpu.memory_space<hbm>> -> memref<10000x128xf32, #tpu.memory_space<hbm>>
        tpu.enqueue_indirect_dma source(%dma_start3A_335 : memref<10000x128xf32, #tpu.memory_space<hbm>>) target(%arg12 : memref<128x128xf32, #tpu.memory_space<vmem>>) offsets(%arg8 : memref<128xi32, #tpu.memory_space<vmem>>) semaphore(%arg14 : memref<!tpu.dma_semaphore, #tpu.memory_space<semaphore_mem>>)
      } else {
      }
      %sub3A_319 = arith.constant 1 : i32
      %sub3A_320 = arith.subi %add3A_305, %sub3A_319 : i32
      %ge3A_321 = arith.constant 0 : i32
      %ge3A_322 = arith.cmpi sge, %sub3A_320, %ge3A_321 : i32
      %lt3A_323 = arith.cmpi slt, %sub3A_320, %select_n3A : i32
      %and3A_324 = arith.andi %ge3A_322, %lt3A_323 : i1
      %convert_element_type3A_325 = arith.extui %and3A_324 : i1 to i32
      %cond3A_326 = arith.constant 0 : i32
      %cond3A_327 = arith.cmpi ne, %convert_element_type3A_325, %cond3A_326 : i32
      scf.if %cond3A_327 {
        %dma_wait3A = arith.constant 0 : i32
        %dma_wait3A_328 = arith.constant 0 : i32
        %dma_wait3A_329 = tpu.memref_slice %arg3[%dma_wait3A, %dma_wait3A_328] : memref<10000x128xf32, #tpu.memory_space<hbm>> -> memref<10000x128xf32, #tpu.memory_space<hbm>>
        tpu.wait_indirect_dma semaphore(%arg14 : memref<!tpu.dma_semaphore, #tpu.memory_space<semaphore_mem>>) src(%dma_wait3A_329 : memref<10000x128xf32, #tpu.memory_space<hbm>>) dst(%arg11 : memref<128x128xf32, #tpu.memory_space<vmem>>)
        %dma_start3A = arith.constant 0 : i32
        %dma_start3A_330 = arith.constant 0 : i32
        %dma_start3A_331 = tpu.memref_slice %arg13[%dma_start3A, %dma_start3A_330] : memref<10240x128xf32, #tpu.memory_space<vmem_shared>> -> memref<10240x128xf32, #tpu.memory_space<vmem_shared>>
        tpu.enqueue_indirect_dma source(%arg11 : memref<128x128xf32, #tpu.memory_space<vmem>>) target(%dma_start3A_331 : memref<10240x128xf32, #tpu.memory_space<vmem_shared>>) offsets(%arg9 : memref<128xi32, #tpu.memory_space<vmem>>) semaphore(%arg15 : memref<!tpu.dma_semaphore, #tpu.memory_space<semaphore_mem>>) {add = true}
      } else {
      }
    }
    %scan3A_159 = arith.constant 20 : i32
    %scan3A_160 = arith.constant 0 : i32
    %scan3A_161 = arith.constant 0 : i32
    %mul3A_162 = arith.constant 2 : i32
    %mul3A_163 = arith.muli %scan3A_161, %mul3A_162 : i32
    %add3A_164 = arith.constant 120 : i32
    %add3A_165 = arith.addi %add3A_164, %mul3A_163 : i32
    %add3A_166 = arith.constant 0 : i32
    %add3A_167 = arith.addi %add3A_165, %add3A_166 : i32
    %ge3A = arith.constant 2 : i32
    %ge3A_168 = arith.cmpi sge, %add3A_167, %ge3A : i32
    %sub3A = arith.constant 2 : i32
    %sub3A_169 = arith.subi %add3A_167, %sub3A : i32
    %lt3A = arith.cmpi slt, %sub3A_169, %select_n3A : i32
    %and3A = arith.andi %ge3A_168, %lt3A : i1
    %convert_element_type3A_170 = arith.extui %and3A : i1 to i32
    %cond3A_171 = arith.constant 0 : i32
    %cond3A_172 = arith.cmpi ne, %convert_element_type3A_170, %cond3A_171 : i32
    scf.if %cond3A_172 {
      %dma_wait3A = arith.constant 0 : i32
      %dma_wait3A_271 = arith.constant 0 : i32
      %dma_wait3A_272 = tpu.memref_slice %arg13[%dma_wait3A, %dma_wait3A_271] : memref<10240x128xf32, #tpu.memory_space<vmem_shared>> -> memref<10240x128xf32, #tpu.memory_space<vmem_shared>>
      tpu.wait_indirect_dma semaphore(%arg15 : memref<!tpu.dma_semaphore, #tpu.memory_space<semaphore_mem>>) src(%arg11 : memref<128x128xf32, #tpu.memory_space<vmem>>) dst(%dma_wait3A_272 : memref<10240x128xf32, #tpu.memory_space<vmem_shared>>)
    } else {
    }
    %lt3A_173 = arith.cmpi slt, %add3A_167, %select_n3A : i32
    %convert_element_type3A_174 = arith.extui %lt3A_173 : i1 to i32
    %cond3A_175 = arith.constant 0 : i32
    %cond3A_176 = arith.cmpi ne, %convert_element_type3A_174, %cond3A_175 : i32
    scf.if %cond3A_176 {
      %scan3A_271 = arith.constant 0 : i32
      %scan3A_272 = arith.constant 0 : i32
      %scan3A_273 = arith.constant 8 : i32
      %scan3A_274 = arith.addi %scan3A_272, %scan3A_273 : i32
      %scan3A_275 = arith.constant 1 : i32
      scf.for %scan3A_279 = %scan3A_272 to %scan3A_274 step %scan3A_275  : i32 {
        %sub3A_280 = arith.constant 120 : i32
        %sub3A_281 = arith.subi %add3A_167, %sub3A_280 : i32
        %mul3A_282 = arith.constant 16 : i32
        %mul3A_283 = arith.muli %scan3A_279, %mul3A_282 : i32
        %get3A = arith.index_cast %sub3A_281 : i32 to index
        %get3A_284 = arith.index_cast %mul3A_283 : i32 to index
        %get3A_285 = tpu.vector_load %arg6[%get3A, %get3A_284] {strides = array<i32>} : memref<40x128xi32, #tpu.memory_space<vmem>>, vector<1x16xi32>,
        %get3A_286 = vector.shape_cast %get3A_285 : vector<1x16xi32> to vector<16xi32>
        %shift_right_logical3A = arith.constant 14 : i32
        %shift_right_logical3A_287 = vector.broadcast %shift_right_logical3A : i32 to vector<16xi32>
        %shift_right_logical3A_288 = arith.shrui %get3A_286, %shift_right_logical3A_287 : vector<16xi32>
        %mul3A_289 = arith.constant 16 : i32
        %mul3A_290 = arith.muli %scan3A_279, %mul3A_289 : i32
        %swap3A_291 = arith.index_cast %mul3A_290 : i32 to index
        %swap3A_292 = tpu.vector_load %arg7[%swap3A_291] {strides = array<i32>} : memref<128xi32, #tpu.memory_space<vmem>>, vector<16xi32>,
        %swap3A_293 = vector.shape_cast %swap3A_292 : vector<16xi32> to vector<16xi32>
        %swap3A_294 = vector.shape_cast %shift_right_logical3A_288 : vector<16xi32> to vector<16xi32>
        tpu.vector_store %arg7[%swap3A_291], %swap3A_294 {strides = array<i32>} : memref<128xi32, #tpu.memory_space<vmem>>, vector<16xi32>,
        %and3A_295 = arith.constant 16383 : i32
        %and3A_296 = vector.broadcast %and3A_295 : i32 to vector<16xi32>
        %and3A_297 = arith.andi %get3A_286, %and3A_296 : vector<16xi32>
        %mul3A_298 = arith.constant 16 : i32
        %mul3A_299 = arith.muli %scan3A_279, %mul3A_298 : i32
        %swap3A_300 = arith.index_cast %mul3A_299 : i32 to index
        %swap3A_301 = tpu.vector_load %arg9[%swap3A_300] {strides = array<i32>} : memref<128xi32, #tpu.memory_space<vmem>>, vector<16xi32>,
        %swap3A_302 = vector.shape_cast %swap3A_301 : vector<16xi32> to vector<16xi32>
        %swap3A_303 = vector.shape_cast %and3A_297 : vector<16xi32> to vector<16xi32>
        tpu.vector_store %arg9[%swap3A_300], %swap3A_303 {strides = array<i32>} : memref<128xi32, #tpu.memory_space<vmem>>, vector<16xi32>,
      }
      %scan3A_276 = arith.constant 8 : i32
      %dma_start3A = arith.constant 0 : i32
      %dma_start3A_277 = arith.constant 0 : i32
      %dma_start3A_278 = tpu.memref_slice %arg3[%dma_start3A, %dma_start3A_277] : memref<10000x128xf32, #tpu.memory_space<hbm>> -> memref<10000x128xf32, #tpu.memory_space<hbm>>
      tpu.enqueue_indirect_dma source(%dma_start3A_278 : memref<10000x128xf32, #tpu.memory_space<hbm>>) target(%arg11 : memref<128x128xf32, #tpu.memory_space<vmem>>) offsets(%arg7 : memref<128xi32, #tpu.memory_space<vmem>>) semaphore(%arg14 : memref<!tpu.dma_semaphore, #tpu.memory_space<semaphore_mem>>)
    } else {
    }
    %sub3A_177 = arith.constant 1 : i32
    %sub3A_178 = arith.subi %add3A_167, %sub3A_177 : i32
    %ge3A_179 = arith.constant 0 : i32
    %ge3A_180 = arith.cmpi sge, %sub3A_178, %ge3A_179 : i32
    %lt3A_181 = arith.cmpi slt, %sub3A_178, %select_n3A : i32
    %and3A_182 = arith.andi %ge3A_180, %lt3A_181 : i1
    %convert_element_type3A_183 = arith.extui %and3A_182 : i1 to i32
    %cond3A_184 = arith.constant 0 : i32
    %cond3A_185 = arith.cmpi ne, %convert_element_type3A_183, %cond3A_184 : i32
    scf.if %cond3A_185 {
      %dma_wait3A = arith.constant 0 : i32
      %dma_wait3A_271 = arith.constant 0 : i32
      %dma_wait3A_272 = tpu.memref_slice %arg3[%dma_wait3A, %dma_wait3A_271] : memref<10000x128xf32, #tpu.memory_space<hbm>> -> memref<10000x128xf32, #tpu.memory_space<hbm>>
      tpu.wait_indirect_dma semaphore(%arg14 : memref<!tpu.dma_semaphore, #tpu.memory_space<semaphore_mem>>) src(%dma_wait3A_272 : memref<10000x128xf32, #tpu.memory_space<hbm>>) dst(%arg12 : memref<128x128xf32, #tpu.memory_space<vmem>>)
      %dma_start3A = arith.constant 0 : i32
      %dma_start3A_273 = arith.constant 0 : i32
      %dma_start3A_274 = tpu.memref_slice %arg13[%dma_start3A, %dma_start3A_273] : memref<10240x128xf32, #tpu.memory_space<vmem_shared>> -> memref<10240x128xf32, #tpu.memory_space<vmem_shared>>
      tpu.enqueue_indirect_dma source(%arg12 : memref<128x128xf32, #tpu.memory_space<vmem>>) target(%dma_start3A_274 : memref<10240x128xf32, #tpu.memory_space<vmem_shared>>) offsets(%arg10 : memref<128xi32, #tpu.memory_space<vmem>>) semaphore(%arg15 : memref<!tpu.dma_semaphore, #tpu.memory_space<semaphore_mem>>) {add = true}
    } else {
    }
    %mul3A_186 = arith.constant 2 : i32
    %mul3A_187 = arith.muli %scan3A_161, %mul3A_186 : i32
    %add3A_188 = arith.constant 120 : i32
    %add3A_189 = arith.addi %add3A_188, %mul3A_187 : i32
    %add3A_190 = arith.constant 1 : i32
    %add3A_191 = arith.addi %add3A_189, %add3A_190 : i32
    %ge3A_192 = arith.constant 2 : i32
    %ge3A_193 = arith.cmpi sge, %add3A_191, %ge3A_192 : i32
    %sub3A_194 = arith.constant 2 : i32
    %sub3A_195 = arith.subi %add3A_191, %sub3A_194 : i32
    %lt3A_196 = arith.cmpi slt, %sub3A_195, %select_n3A : i32
    %and3A_197 = arith.andi %ge3A_193, %lt3A_196 : i1
    %convert_element_type3A_198 = arith.extui %and3A_197 : i1 to i32
    %cond3A_199 = arith.constant 0 : i32
    %cond3A_200 = arith.cmpi ne, %convert_element_type3A_198, %cond3A_199 : i32
    scf.if %cond3A_200 {
      %dma_wait3A = arith.constant 0 : i32
      %dma_wait3A_271 = arith.constant 0 : i32
      %dma_wait3A_272 = tpu.memref_slice %arg13[%dma_wait3A, %dma_wait3A_271] : memref<10240x128xf32, #tpu.memory_space<vmem_shared>> -> memref<10240x128xf32, #tpu.memory_space<vmem_shared>>
      tpu.wait_indirect_dma semaphore(%arg15 : memref<!tpu.dma_semaphore, #tpu.memory_space<semaphore_mem>>) src(%arg12 : memref<128x128xf32, #tpu.memory_space<vmem>>) dst(%dma_wait3A_272 : memref<10240x128xf32, #tpu.memory_space<vmem_shared>>)
    } else {
    }
    %lt3A_201 = arith.cmpi slt, %add3A_191, %select_n3A : i32
    %convert_element_type3A_202 = arith.extui %lt3A_201 : i1 to i32
    %cond3A_203 = arith.constant 0 : i32
    %cond3A_204 = arith.cmpi ne, %convert_element_type3A_202, %cond3A_203 : i32
    scf.if %cond3A_204 {
      %scan3A_271 = arith.constant 0 : i32
      %scan3A_272 = arith.constant 0 : i32
      %scan3A_273 = arith.constant 8 : i32
      %scan3A_274 = arith.addi %scan3A_272, %scan3A_273 : i32
      %scan3A_275 = arith.constant 1 : i32
      scf.for %scan3A_279 = %scan3A_272 to %scan3A_274 step %scan3A_275  : i32 {
        %sub3A_280 = arith.constant 120 : i32
        %sub3A_281 = arith.subi %add3A_191, %sub3A_280 : i32
        %mul3A_282 = arith.constant 16 : i32
        %mul3A_283 = arith.muli %scan3A_279, %mul3A_282 : i32
        %get3A = arith.index_cast %sub3A_281 : i32 to index
        %get3A_284 = arith.index_cast %mul3A_283 : i32 to index
        %get3A_285 = tpu.vector_load %arg6[%get3A, %get3A_284] {strides = array<i32>} : memref<40x128xi32, #tpu.memory_space<vmem>>, vector<1x16xi32>,
        %get3A_286 = vector.shape_cast %get3A_285 : vector<1x16xi32> to vector<16xi32>
        %shift_right_logical3A = arith.constant 14 : i32
        %shift_right_logical3A_287 = vector.broadcast %shift_right_logical3A : i32 to vector<16xi32>
        %shift_right_logical3A_288 = arith.shrui %get3A_286, %shift_right_logical3A_287 : vector<16xi32>
        %mul3A_289 = arith.constant 16 : i32
        %mul3A_290 = arith.muli %scan3A_279, %mul3A_289 : i32
        %swap3A_291 = arith.index_cast %mul3A_290 : i32 to index
        %swap3A_292 = tpu.vector_load %arg8[%swap3A_291] {strides = array<i32>} : memref<128xi32, #tpu.memory_space<vmem>>, vector<16xi32>,
        %swap3A_293 = vector.shape_cast %swap3A_292 : vector<16xi32> to vector<16xi32>
        %swap3A_294 = vector.shape_cast %shift_right_logical3A_288 : vector<16xi32> to vector<16xi32>
        tpu.vector_store %arg8[%swap3A_291], %swap3A_294 {strides = array<i32>} : memref<128xi32, #tpu.memory_space<vmem>>, vector<16xi32>,
        %and3A_295 = arith.constant 16383 : i32
        %and3A_296 = vector.broadcast %and3A_295 : i32 to vector<16xi32>
        %and3A_297 = arith.andi %get3A_286, %and3A_296 : vector<16xi32>
        %mul3A_298 = arith.constant 16 : i32
        %mul3A_299 = arith.muli %scan3A_279, %mul3A_298 : i32
        %swap3A_300 = arith.index_cast %mul3A_299 : i32 to index
        %swap3A_301 = tpu.vector_load %arg10[%swap3A_300] {strides = array<i32>} : memref<128xi32, #tpu.memory_space<vmem>>, vector<16xi32>,
        %swap3A_302 = vector.shape_cast %swap3A_301 : vector<16xi32> to vector<16xi32>
        %swap3A_303 = vector.shape_cast %and3A_297 : vector<16xi32> to vector<16xi32>
        tpu.vector_store %arg10[%swap3A_300], %swap3A_303 {strides = array<i32>} : memref<128xi32, #tpu.memory_space<vmem>>, vector<16xi32>,
      }
      %scan3A_276 = arith.constant 8 : i32
      %dma_start3A = arith.constant 0 : i32
      %dma_start3A_277 = arith.constant 0 : i32
      %dma_start3A_278 = tpu.memref_slice %arg3[%dma_start3A, %dma_start3A_277] : memref<10000x128xf32, #tpu.memory_space<hbm>> -> memref<10000x128xf32, #tpu.memory_space<hbm>>
      tpu.enqueue_indirect_dma source(%dma_start3A_278 : memref<10000x128xf32, #tpu.memory_space<hbm>>) target(%arg12 : memref<128x128xf32, #tpu.memory_space<vmem>>) offsets(%arg8 : memref<128xi32, #tpu.memory_space<vmem>>) semaphore(%arg14 : memref<!tpu.dma_semaphore, #tpu.memory_space<semaphore_mem>>)
    } else {
    }
    %sub3A_205 = arith.constant 1 : i32
    %sub3A_206 = arith.subi %add3A_191, %sub3A_205 : i32
    %ge3A_207 = arith.constant 0 : i32
    %ge3A_208 = arith.cmpi sge, %sub3A_206, %ge3A_207 : i32
    %lt3A_209 = arith.cmpi slt, %sub3A_206, %select_n3A : i32
    %and3A_210 = arith.andi %ge3A_208, %lt3A_209 : i1
    %convert_element_type3A_211 = arith.extui %and3A_210 : i1 to i32
    %cond3A_212 = arith.constant 0 : i32
    %cond3A_213 = arith.cmpi ne, %convert_element_type3A_211, %cond3A_212 : i32
    scf.if %cond3A_213 {
      %dma_wait3A = arith.constant 0 : i32
      %dma_wait3A_271 = arith.constant 0 : i32
      %dma_wait3A_272 = tpu.memref_slice %arg3[%dma_wait3A, %dma_wait3A_271] : memref<10000x128xf32, #tpu.memory_space<hbm>> -> memref<10000x128xf32, #tpu.memory_space<hbm>>
      tpu.wait_indirect_dma semaphore(%arg14 : memref<!tpu.dma_semaphore, #tpu.memory_space<semaphore_mem>>) src(%dma_wait3A_272 : memref<10000x128xf32, #tpu.memory_space<hbm>>) dst(%arg11 : memref<128x128xf32, #tpu.memory_space<vmem>>)
      %dma_start3A = arith.constant 0 : i32
      %dma_start3A_273 = arith.constant 0 : i32
      %dma_start3A_274 = tpu.memref_slice %arg13[%dma_start3A, %dma_start3A_273] : memref<10240x128xf32, #tpu.memory_space<vmem_shared>> -> memref<10240x128xf32, #tpu.memory_space<vmem_shared>>
      tpu.enqueue_indirect_dma source(%arg11 : memref<128x128xf32, #tpu.memory_space<vmem>>) target(%dma_start3A_274 : memref<10240x128xf32, #tpu.memory_space<vmem_shared>>) offsets(%arg9 : memref<128xi32, #tpu.memory_space<vmem>>) semaphore(%arg15 : memref<!tpu.dma_semaphore, #tpu.memory_space<semaphore_mem>>) {add = true}
    } else {
    }
    %scan3A_214 = arith.constant 1 : i32
    %barrier3A_215 = arith.constant 0 : index
    tpu.barrier barrier_id(%barrier3A_215)
    %mul3A_216 = arith.constant 640 : i32
    %mul3A_217 = arith.muli %arg1, %mul3A_216 : i32
    %add3A_218 = arith.constant 0 : i32
    %add3A_219 = arith.addi %mul3A_217, %add3A_218 : i32
    %mul3A_220 = arith.constant 10240 : i32
    %mul3A_221 = arith.muli %arg0, %mul3A_220 : i32
    %mul3A_222 = arith.constant 640 : i32
    %mul3A_223 = arith.muli %arg1, %mul3A_222 : i32
    %add3A_224 = arith.addi %mul3A_221, %mul3A_223 : i32
    %add3A_225 = arith.constant 0 : i32
    %add3A_226 = arith.addi %add3A_224, %add3A_225 : i32
    "tpu.region"() ({
      %run_scoped3A = tpu.sem_alloc : memref<!tpu.dma_semaphore, #tpu.memory_space<semaphore_mem>>
      %dma_start3A = arith.constant 0 : i32
      %dma_start3A_271 = tpu.memref_slice %arg4[%add3A_226, %dma_start3A] : memref<20480x128xf32, #tpu.memory_space<hbm>> -> memref<128x128xf32, #tpu.memory_space<hbm>>
      %dma_start3A_272 = arith.constant 0 : i32
      %dma_start3A_273 = tpu.memref_slice %arg13[%add3A_219, %dma_start3A_272] : memref<10240x128xf32, #tpu.memory_space<vmem_shared>> -> memref<128x128xf32, #tpu.memory_space<vmem_shared>>
      tpu.enqueue_dma source(%dma_start3A_273 : memref<128x128xf32, #tpu.memory_space<vmem_shared>>) target(%dma_start3A_271 : memref<128x128xf32, #tpu.memory_space<hbm>>) target_semaphore(%run_scoped3A : memref<!tpu.dma_semaphore, #tpu.memory_space<semaphore_mem>>)
      %dma_wait3A = arith.constant 0 : i32
      %dma_wait3A_274 = tpu.memref_slice %arg4[%add3A_226, %dma_wait3A] : memref<20480x128xf32, #tpu.memory_space<hbm>> -> memref<128x128xf32, #tpu.memory_space<hbm>>
      %dma_wait3A_275 = arith.constant 0 : i32
      %dma_wait3A_276 = tpu.memref_slice %arg13[%add3A_219, %dma_wait3A_275] : memref<10240x128xf32, #tpu.memory_space<vmem_shared>> -> memref<128x128xf32, #tpu.memory_space<vmem_shared>>
      tpu.wait_dma2 semaphore(%run_scoped3A : memref<!tpu.dma_semaphore, #tpu.memory_space<semaphore_mem>>) src(%dma_wait3A_276 : memref<128x128xf32, #tpu.memory_space<vmem_shared>>) dst(%dma_wait3A_274 : memref<128x128xf32, #tpu.memory_space<hbm>>)
      tpu.yield
    }) : () -> ()
    %mul3A_227 = arith.constant 640 : i32
    %mul3A_228 = arith.muli %arg1, %mul3A_227 : i32
    %add3A_229 = arith.constant 128 : i32
    %add3A_230 = arith.addi %mul3A_228, %add3A_229 : i32
    %mul3A_231 = arith.constant 10240 : i32
    %mul3A_232 = arith.muli %arg0, %mul3A_231 : i32
    %mul3A_233 = arith.constant 640 : i32
    %mul3A_234 = arith.muli %arg1, %mul3A_233 : i32
    %add3A_235 = arith.addi %mul3A_232, %mul3A_234 : i32
    %add3A_236 = arith.constant 128 : i32
    %add3A_237 = arith.addi %add3A_235, %add3A_236 : i32
    "tpu.region"() ({
      %run_scoped3A = tpu.sem_alloc : memref<!tpu.dma_semaphore, #tpu.memory_space<semaphore_mem>>
      %dma_start3A = arith.constant 0 : i32
      %dma_start3A_271 = tpu.memref_slice %arg4[%add3A_237, %dma_start3A] : memref<20480x128xf32, #tpu.memory_space<hbm>> -> memref<128x128xf32, #tpu.memory_space<hbm>>
      %dma_start3A_272 = arith.constant 0 : i32
      %dma_start3A_273 = tpu.memref_slice %arg13[%add3A_230, %dma_start3A_272] : memref<10240x128xf32, #tpu.memory_space<vmem_shared>> -> memref<128x128xf32, #tpu.memory_space<vmem_shared>>
      tpu.enqueue_dma source(%dma_start3A_273 : memref<128x128xf32, #tpu.memory_space<vmem_shared>>) target(%dma_start3A_271 : memref<128x128xf32, #tpu.memory_space<hbm>>) target_semaphore(%run_scoped3A : memref<!tpu.dma_semaphore, #tpu.memory_space<semaphore_mem>>)
      %dma_wait3A = arith.constant 0 : i32
      %dma_wait3A_274 = tpu.memref_slice %arg4[%add3A_237, %dma_wait3A] : memref<20480x128xf32, #tpu.memory_space<hbm>> -> memref<128x128xf32, #tpu.memory_space<hbm>>
      %dma_wait3A_275 = arith.constant 0 : i32
      %dma_wait3A_276 = tpu.memref_slice %arg13[%add3A_230, %dma_wait3A_275] : memref<10240x128xf32, #tpu.memory_space<vmem_shared>> -> memref<128x128xf32, #tpu.memory_space<vmem_shared>>
      tpu.wait_dma2 semaphore(%run_scoped3A : memref<!tpu.dma_semaphore, #tpu.memory_space<semaphore_mem>>) src(%dma_wait3A_276 : memref<128x128xf32, #tpu.memory_space<vmem_shared>>) dst(%dma_wait3A_274 : memref<128x128xf32, #tpu.memory_space<hbm>>)
      tpu.yield
    }) : () -> ()
    %mul3A_238 = arith.constant 640 : i32
    %mul3A_239 = arith.muli %arg1, %mul3A_238 : i32
    %add3A_240 = arith.constant 256 : i32
    %add3A_241 = arith.addi %mul3A_239, %add3A_240 : i32
    %mul3A_242 = arith.constant 10240 : i32
    %mul3A_243 = arith.muli %arg0, %mul3A_242 : i32
    %mul3A_244 = arith.constant 640 : i32
    %mul3A_245 = arith.muli %arg1, %mul3A_244 : i32
    %add3A_246 = arith.addi %mul3A_243, %mul3A_245 : i32
    %add3A_247 = arith.constant 256 : i32
    %add3A_248 = arith.addi %add3A_246, %add3A_247 : i32
    "tpu.region"() ({
      %run_scoped3A = tpu.sem_alloc : memref<!tpu.dma_semaphore, #tpu.memory_space<semaphore_mem>>
      %dma_start3A = arith.constant 0 : i32
      %dma_start3A_271 = tpu.memref_slice %arg4[%add3A_248, %dma_start3A] : memref<20480x128xf32, #tpu.memory_space<hbm>> -> memref<128x128xf32, #tpu.memory_space<hbm>>
      %dma_start3A_272 = arith.constant 0 : i32
      %dma_start3A_273 = tpu.memref_slice %arg13[%add3A_241, %dma_start3A_272] : memref<10240x128xf32, #tpu.memory_space<vmem_shared>> -> memref<128x128xf32, #tpu.memory_space<vmem_shared>>
      tpu.enqueue_dma source(%dma_start3A_273 : memref<128x128xf32, #tpu.memory_space<vmem_shared>>) target(%dma_start3A_271 : memref<128x128xf32, #tpu.memory_space<hbm>>) target_semaphore(%run_scoped3A : memref<!tpu.dma_semaphore, #tpu.memory_space<semaphore_mem>>)
      %dma_wait3A = arith.constant 0 : i32
      %dma_wait3A_274 = tpu.memref_slice %arg4[%add3A_248, %dma_wait3A] : memref<20480x128xf32, #tpu.memory_space<hbm>> -> memref<128x128xf32, #tpu.memory_space<hbm>>
      %dma_wait3A_275 = arith.constant 0 : i32
      %dma_wait3A_276 = tpu.memref_slice %arg13[%add3A_241, %dma_wait3A_275] : memref<10240x128xf32, #tpu.memory_space<vmem_shared>> -> memref<128x128xf32, #tpu.memory_space<vmem_shared>>
      tpu.wait_dma2 semaphore(%run_scoped3A : memref<!tpu.dma_semaphore, #tpu.memory_space<semaphore_mem>>) src(%dma_wait3A_276 : memref<128x128xf32, #tpu.memory_space<vmem_shared>>) dst(%dma_wait3A_274 : memref<128x128xf32, #tpu.memory_space<hbm>>)
      tpu.yield
    }) : () -> ()
    %mul3A_249 = arith.constant 640 : i32
    %mul3A_250 = arith.muli %arg1, %mul3A_249 : i32
    %add3A_251 = arith.constant 384 : i32
    %add3A_252 = arith.addi %mul3A_250, %add3A_251 : i32
    %mul3A_253 = arith.constant 10240 : i32
    %mul3A_254 = arith.muli %arg0, %mul3A_253 : i32
    %mul3A_255 = arith.constant 640 : i32
    %mul3A_256 = arith.muli %arg1, %mul3A_255 : i32
    %add3A_257 = arith.addi %mul3A_254, %mul3A_256 : i32
    %add3A_258 = arith.constant 384 : i32
    %add3A_259 = arith.addi %add3A_257, %add3A_258 : i32
    "tpu.region"() ({
      %run_scoped3A = tpu.sem_alloc : memref<!tpu.dma_semaphore, #tpu.memory_space<semaphore_mem>>
      %dma_start3A = arith.constant 0 : i32
      %dma_start3A_271 = tpu.memref_slice %arg4[%add3A_259, %dma_start3A] : memref<20480x128xf32, #tpu.memory_space<hbm>> -> memref<128x128xf32, #tpu.memory_space<hbm>>
      %dma_start3A_272 = arith.constant 0 : i32
      %dma_start3A_273 = tpu.memref_slice %arg13[%add3A_252, %dma_start3A_272] : memref<10240x128xf32, #tpu.memory_space<vmem_shared>> -> memref<128x128xf32, #tpu.memory_space<vmem_shared>>
      tpu.enqueue_dma source(%dma_start3A_273 : memref<128x128xf32, #tpu.memory_space<vmem_shared>>) target(%dma_start3A_271 : memref<128x128xf32, #tpu.memory_space<hbm>>) target_semaphore(%run_scoped3A : memref<!tpu.dma_semaphore, #tpu.memory_space<semaphore_mem>>)
      %dma_wait3A = arith.constant 0 : i32
      %dma_wait3A_274 = tpu.memref_slice %arg4[%add3A_259, %dma_wait3A] : memref<20480x128xf32, #tpu.memory_space<hbm>> -> memref<128x128xf32, #tpu.memory_space<hbm>>
      %dma_wait3A_275 = arith.constant 0 : i32
      %dma_wait3A_276 = tpu.memref_slice %arg13[%add3A_252, %dma_wait3A_275] : memref<10240x128xf32, #tpu.memory_space<vmem_shared>> -> memref<128x128xf32, #tpu.memory_space<vmem_shared>>
      tpu.wait_dma2 semaphore(%run_scoped3A : memref<!tpu.dma_semaphore, #tpu.memory_space<semaphore_mem>>) src(%dma_wait3A_276 : memref<128x128xf32, #tpu.memory_space<vmem_shared>>) dst(%dma_wait3A_274 : memref<128x128xf32, #tpu.memory_space<hbm>>)
      tpu.yield
    }) : () -> ()
    %mul3A_260 = arith.constant 640 : i32
    %mul3A_261 = arith.muli %arg1, %mul3A_260 : i32
    %add3A_262 = arith.constant 512 : i32
    %add3A_263 = arith.addi %mul3A_261, %add3A_262 : i32
    %mul3A_264 = arith.constant 10240 : i32
    %mul3A_265 = arith.muli %arg0, %mul3A_264 : i32
    %mul3A_266 = arith.constant 640 : i32
    %mul3A_267 = arith.muli %arg1, %mul3A_266 : i32
    %add3A_268 = arith.addi %mul3A_265, %mul3A_267 : i32
    %add3A_269 = arith.constant 512 : i32
    %add3A_270 = arith.addi %add3A_268, %add3A_269 : i32
    "tpu.region"() ({
      %run_scoped3A = tpu.sem_alloc : memref<!tpu.dma_semaphore, #tpu.memory_space<semaphore_mem>>
      %dma_start3A = arith.constant 0 : i32
      %dma_start3A_271 = tpu.memref_slice %arg4[%add3A_270, %dma_start3A] : memref<20480x128xf32, #tpu.memory_space<hbm>> -> memref<128x128xf32, #tpu.memory_space<hbm>>
      %dma_start3A_272 = arith.constant 0 : i32
      %dma_start3A_273 = tpu.memref_slice %arg13[%add3A_263, %dma_start3A_272] : memref<10240x128xf32, #tpu.memory_space<vmem_shared>> -> memref<128x128xf32, #tpu.memory_space<vmem_shared>>
      tpu.enqueue_dma source(%dma_start3A_273 : memref<128x128xf32, #tpu.memory_space<vmem_shared>>) target(%dma_start3A_271 : memref<128x128xf32, #tpu.memory_space<hbm>>) target_semaphore(%run_scoped3A : memref<!tpu.dma_semaphore, #tpu.memory_space<semaphore_mem>>)
      %dma_wait3A = arith.constant 0 : i32
      %dma_wait3A_274 = tpu.memref_slice %arg4[%add3A_270, %dma_wait3A] : memref<20480x128xf32, #tpu.memory_space<hbm>> -> memref<128x128xf32, #tpu.memory_space<hbm>>
      %dma_wait3A_275 = arith.constant 0 : i32
      %dma_wait3A_276 = tpu.memref_slice %arg13[%add3A_263, %dma_wait3A_275] : memref<10240x128xf32, #tpu.memory_space<vmem_shared>> -> memref<128x128xf32, #tpu.memory_space<vmem_shared>>
      tpu.wait_dma2 semaphore(%run_scoped3A : memref<!tpu.dma_semaphore, #tpu.memory_space<semaphore_mem>>) src(%dma_wait3A_276 : memref<128x128xf32, #tpu.memory_space<vmem_shared>>) dst(%dma_wait3A_274 : memref<128x128xf32, #tpu.memory_space<hbm>>)
      tpu.yield
    }) : () -> ()
    return
  }
}

module attributes {stable_mosaic.version = 14 : i64} {
  func.func @_tc1a_body(%arg0: i32, %arg1: memref<1000x128xf32, #tpu.memory_space<vmem>>, %arg2: memref<128x128xf32, #tpu.memory_space<vmem>>, %arg3: memref<1x128xf32, #tpu.memory_space<vmem>>, %arg4: memref<1000x128xf32, #tpu.memory_space<vmem>>) attributes {dimension_semantics = [#tpu.dimension_semantics<arbitrary>], iteration_bounds = array<i64: 10>, scalar_prefetch = 0 : i64, scratch_operands = 0 : i64, tpu.core_type = #tpu.core_type<tc>, window_params = [{transform_indices = @transform_0, window_bounds = array<i64: 1000, 128>}, {pipeline_mode = #tpu.pipeline_mode<synchronous>, transform_indices = @transform_1, window_bounds = array<i64: 128, 128>}, {pipeline_mode = #tpu.pipeline_mode<synchronous>, transform_indices = @transform_2, window_bounds = array<i64: 1, 128>}, {transform_indices = @transform_3, window_bounds = array<i64: 1000, 128>}]} {
    %get3A = arith.constant 0 : index
    %get3A_0 = arith.constant 0 : index
    %get3A_1 = vector.load %arg1[%get3A, %get3A_0] : memref<1000x128xf32, #tpu.memory_space<vmem>>, vector<1000x128xf32>
    %get3A_2 = arith.constant 0 : index
    %get3A_3 = arith.constant 0 : index
    %get3A_4 = vector.load %arg2[%get3A_2, %get3A_3] : memref<128x128xf32, #tpu.memory_space<vmem>>, vector<128x128xf32>
    %dot_general3A = arith.constant dense<0.000000e+00> : vector<1000x128xf32>
    %dot_general3A_5 = tpu.matmul %get3A_1, %get3A_4, %dot_general3A {dimension_numbers = #tpu.dot_dimension_numbers<[1], [0], [0], [1], [0, 0, 1, 1], [], []>, transpose_lhs_hint = false} : vector<1000x128xf32>, vector<128x128xf32>, vector<1000x128xf32> -> vector<1000x128xf32>
    %get3A_6 = arith.constant 0 : index
    %get3A_7 = arith.constant 0 : index
    %get3A_8 = vector.load %arg3[%get3A_6, %get3A_7] : memref<1x128xf32, #tpu.memory_space<vmem>>, vector<1x128xf32>
    %add3A = vector.broadcast %get3A_8 : vector<1x128xf32> to vector<1000x128xf32>
    %add3A_9 = arith.addf %dot_general3A_5, %add3A : vector<1000x128xf32>
    %max3A = arith.constant 0.000000e+00 : f32
    %max3A_10 = vector.broadcast %max3A : f32 to vector<1000x128xf32>
    %max3A_11 = arith.maximumf %add3A_9, %max3A_10 : vector<1000x128xf32>
    %swap3A = arith.constant 0 : index
    %swap3A_12 = arith.constant 0 : index
    %swap3A_13 = vector.load %arg4[%swap3A, %swap3A_12] : memref<1000x128xf32, #tpu.memory_space<vmem>>, vector<1000x128xf32>
    tpu.vector_store %arg4[%swap3A, %swap3A_12], %max3A_11 {strides = array<i32>} : memref<1000x128xf32, #tpu.memory_space<vmem>>, vector<1000x128xf32>,
    return
  }
  func.func @transform_0(%arg0: i32) -> (i32, i32) {
    %c0_i32 = arith.constant 0 : i32
    %c0_i32_0 = arith.constant 0 : i32
    return %arg0, %c0_i32 : i32, i32
  }
  func.func @transform_1(%arg0: i32) -> (i32, i32) {
    %c0_i32 = arith.constant 0 : i32
    %c0_i32_0 = arith.constant 0 : i32
    %c0_i32_1 = arith.constant 0 : i32
    return %c0_i32, %c0_i32_0 : i32, i32
  }
  func.func @transform_2(%arg0: i32) -> (i32, i32) {
    %c0_i32 = arith.constant 0 : i32
    %c0_i32_0 = arith.constant 0 : i32
    %c0_i32_1 = arith.constant 0 : i32
    return %c0_i32, %c0_i32_0 : i32, i32
  }
  func.func @transform_3(%arg0: i32) -> (i32, i32) {
    %c0_i32 = arith.constant 0 : i32
    %c0_i32_0 = arith.constant 0 : i32
    return %arg0, %c0_i32 : i32, i32
  }
}

module attributes {stable_mosaic.version = 14 : i64} {
  func.func @_tc1b_body(%arg0: i32, %arg1: memref<1000x128xf32, #tpu.memory_space<vmem>>, %arg2: memref<128x128xf32, #tpu.memory_space<vmem>>, %arg3: memref<1000x128xf32, #tpu.memory_space<vmem>>, %arg4: memref<1000x128xf32, #tpu.memory_space<vmem>>, %arg5: memref<1000x128xf32, #tpu.memory_space<vmem>>) attributes {dimension_semantics = [#tpu.dimension_semantics<arbitrary>], iteration_bounds = array<i64: 10>, scalar_prefetch = 0 : i64, scratch_operands = 0 : i64, tpu.core_type = #tpu.core_type<tc>, window_params = [{transform_indices = @transform_0, window_bounds = array<i64: 1000, 128>}, {pipeline_mode = #tpu.pipeline_mode<synchronous>, transform_indices = @transform_1, window_bounds = array<i64: 128, 128>}, {transform_indices = @transform_2, window_bounds = array<i64: 1000, 128>}, {transform_indices = @transform_3, window_bounds = array<i64: 1000, 128>}, {transform_indices = @transform_4, window_bounds = array<i64: 1000, 128>}]} {
    %get3A = arith.constant 0 : index
    %get3A_0 = arith.constant 0 : index
    %get3A_1 = vector.load %arg3[%get3A, %get3A_0] : memref<1000x128xf32, #tpu.memory_space<vmem>>, vector<1000x1xf32>
    %get3A_2 = arith.constant 0 : index
    %get3A_3 = arith.constant 0 : index
    %get3A_4 = vector.load %arg4[%get3A_2, %get3A_3] : memref<1000x128xf32, #tpu.memory_space<vmem>>, vector<1000x1xf32>
    %add3A = arith.addf %get3A_1, %get3A_4 : vector<1000x1xf32>
    %add3A_5 = arith.constant 1.000000e+00 : f32
    %add3A_6 = vector.broadcast %add3A_5 : f32 to vector<1000x1xf32>
    %add3A_7 = arith.addf %add3A, %add3A_6 : vector<1000x1xf32>
    %rsqrt3A = math.rsqrt %add3A_7 : vector<1000x1xf32>
    %get3A_8 = arith.constant 0 : index
    %get3A_9 = arith.constant 0 : index
    %get3A_10 = vector.load %arg1[%get3A_8, %get3A_9] : memref<1000x128xf32, #tpu.memory_space<vmem>>, vector<1000x128xf32>
    %get3A_11 = arith.constant 0 : index
    %get3A_12 = arith.constant 0 : index
    %get3A_13 = vector.load %arg2[%get3A_11, %get3A_12] : memref<128x128xf32, #tpu.memory_space<vmem>>, vector<128x128xf32>
    %dot_general3A = arith.constant dense<0.000000e+00> : vector<1000x128xf32>
    %dot_general3A_14 = tpu.matmul %get3A_10, %get3A_13, %dot_general3A {dimension_numbers = #tpu.dot_dimension_numbers<[1], [0], [0], [1], [0, 0, 1, 1], [], []>, transpose_lhs_hint = false} : vector<1000x128xf32>, vector<128x128xf32>, vector<1000x128xf32> -> vector<1000x128xf32>
    %mul3A = vector.broadcast %rsqrt3A : vector<1000x1xf32> to vector<1000x128xf32>
    %mul3A_15 = arith.mulf %mul3A, %dot_general3A_14 : vector<1000x128xf32>
    %swap3A = arith.constant 0 : index
    %swap3A_16 = arith.constant 0 : index
    %swap3A_17 = vector.load %arg5[%swap3A, %swap3A_16] : memref<1000x128xf32, #tpu.memory_space<vmem>>, vector<1000x128xf32>
    tpu.vector_store %arg5[%swap3A, %swap3A_16], %mul3A_15 {strides = array<i32>} : memref<1000x128xf32, #tpu.memory_space<vmem>>, vector<1000x128xf32>,
    return
  }
  func.func @transform_0(%arg0: i32) -> (i32, i32) {
    %c0_i32 = arith.constant 0 : i32
    %c0_i32_0 = arith.constant 0 : i32
    return %arg0, %c0_i32 : i32, i32
  }
  func.func @transform_1(%arg0: i32) -> (i32, i32) {
    %c0_i32 = arith.constant 0 : i32
    %c0_i32_0 = arith.constant 0 : i32
    %c0_i32_1 = arith.constant 0 : i32
    return %c0_i32, %c0_i32_0 : i32, i32
  }
  func.func @transform_2(%arg0: i32) -> (i32, i32) {
    %c0_i32 = arith.constant 0 : i32
    %c0_i32_0 = arith.constant 0 : i32
    return %arg0, %c0_i32 : i32, i32
  }
  func.func @transform_3(%arg0: i32) -> (i32, i32) {
    %c0_i32 = arith.constant 0 : i32
    %c0_i32_0 = arith.constant 0 : i32
    return %arg0, %c0_i32 : i32, i32
  }
  func.func @transform_4(%arg0: i32) -> (i32, i32) {
    %c0_i32 = arith.constant 0 : i32
    %c0_i32_0 = arith.constant 0 : i32
    return %arg0, %c0_i32 : i32, i32
  }
}

module attributes {stable_mosaic.version = 14 : i64} {
  func.func @_tc3_body(%arg0: i32, %arg1: memref<1000x128xf32, #tpu.memory_space<vmem>>, %arg2: memref<1000x128xf32, #tpu.memory_space<vmem>>, %arg3: memref<1000x128xf32, #tpu.memory_space<vmem>>, %arg4: memref<1000x128xf32, #tpu.memory_space<vmem>>, %arg5: memref<1000x128xf32, #tpu.memory_space<vmem>>, %arg6: memref<1000x128xf32, #tpu.memory_space<vmem>>, %arg7: memref<128x128xf32, #tpu.memory_space<vmem>>, %arg8: memref<1x128xf32, #tpu.memory_space<vmem>>, %arg9: memref<1x128xf32, #tpu.memory_space<vmem>>, %arg10: memref<1000x128xf32, #tpu.memory_space<vmem>>, %arg11: memref<1000x128xf32, #tpu.memory_space<vmem>>) attributes {dimension_semantics = [#tpu.dimension_semantics<arbitrary>], iteration_bounds = array<i64: 10>, scalar_prefetch = 0 : i64, scratch_operands = 0 : i64, tpu.core_type = #tpu.core_type<tc>, window_params = [{transform_indices = @transform_0, window_bounds = array<i64: 1000, 128>}, {transform_indices = @transform_1, window_bounds = array<i64: 1000, 128>}, {transform_indices = @transform_2, window_bounds = array<i64: 1000, 128>}, {transform_indices = @transform_3, window_bounds = array<i64: 1000, 128>}, {transform_indices = @transform_4, window_bounds = array<i64: 1000, 128>}, {transform_indices = @transform_5, window_bounds = array<i64: 1000, 128>}, {pipeline_mode = #tpu.pipeline_mode<synchronous>, transform_indices = @transform_6, window_bounds = array<i64: 128, 128>}, {pipeline_mode = #tpu.pipeline_mode<synchronous>, transform_indices = @transform_7, window_bounds = array<i64: 1, 128>}, {pipeline_mode = #tpu.pipeline_mode<synchronous>, transform_indices = @transform_8, window_bounds = array<i64: 1, 128>}, {transform_indices = @transform_9, window_bounds = array<i64: 1000, 128>}, {transform_indices = @transform_10, window_bounds = array<i64: 1000, 128>}]} {
    %get3A = arith.constant 0 : index
    %get3A_0 = arith.constant 0 : index
    %get3A_1 = vector.load %arg4[%get3A, %get3A_0] : memref<1000x128xf32, #tpu.memory_space<vmem>>, vector<1000x1xf32>
    %get3A_2 = arith.constant 0 : index
    %get3A_3 = arith.constant 0 : index
    %get3A_4 = vector.load %arg5[%get3A_2, %get3A_3] : memref<1000x128xf32, #tpu.memory_space<vmem>>, vector<1000x1xf32>
    %add3A = arith.addf %get3A_1, %get3A_4 : vector<1000x1xf32>
    %add3A_5 = arith.constant 1.000000e+00 : f32
    %add3A_6 = vector.broadcast %add3A_5 : f32 to vector<1000x1xf32>
    %add3A_7 = arith.addf %add3A, %add3A_6 : vector<1000x1xf32>
    %rsqrt3A = math.rsqrt %add3A_7 : vector<1000x1xf32>
    %get3A_8 = arith.constant 0 : index
    %get3A_9 = arith.constant 0 : index
    %get3A_10 = vector.load %arg1[%get3A_8, %get3A_9] : memref<1000x128xf32, #tpu.memory_space<vmem>>, vector<1000x128xf32>
    %get3A_11 = arith.constant 0 : index
    %get3A_12 = arith.constant 0 : index
    %get3A_13 = vector.load %arg2[%get3A_11, %get3A_12] : memref<1000x128xf32, #tpu.memory_space<vmem>>, vector<1000x128xf32>
    %add3A_14 = arith.addf %get3A_10, %get3A_13 : vector<1000x128xf32>
    %get3A_15 = arith.constant 0 : index
    %get3A_16 = arith.constant 0 : index
    %get3A_17 = vector.load %arg3[%get3A_15, %get3A_16] : memref<1000x128xf32, #tpu.memory_space<vmem>>, vector<1000x128xf32>
    %add3A_18 = arith.addf %add3A_14, %get3A_17 : vector<1000x128xf32>
    %mul3A = vector.broadcast %rsqrt3A : vector<1000x1xf32> to vector<1000x128xf32>
    %mul3A_19 = arith.mulf %mul3A, %add3A_18 : vector<1000x128xf32>
    %get3A_20 = arith.constant 0 : index
    %get3A_21 = arith.constant 0 : index
    %get3A_22 = vector.load %arg9[%get3A_20, %get3A_21] : memref<1x128xf32, #tpu.memory_space<vmem>>, vector<1x128xf32>
    %add3A_23 = vector.broadcast %get3A_22 : vector<1x128xf32> to vector<1000x128xf32>
    %add3A_24 = arith.addf %mul3A_19, %add3A_23 : vector<1000x128xf32>
    %get3A_25 = arith.constant 0 : index
    %get3A_26 = arith.constant 0 : index
    %get3A_27 = vector.load %arg6[%get3A_25, %get3A_26] : memref<1000x128xf32, #tpu.memory_space<vmem>>, vector<1000x128xf32>
    %add3A_28 = arith.addf %add3A_24, %get3A_27 : vector<1000x128xf32>
    %max3A = arith.constant 0.000000e+00 : f32
    %max3A_29 = vector.broadcast %max3A : f32 to vector<1000x128xf32>
    %max3A_30 = arith.maximumf %add3A_28, %max3A_29 : vector<1000x128xf32>
    %swap3A = arith.constant 0 : index
    %swap3A_31 = arith.constant 0 : index
    %swap3A_32 = vector.load %arg10[%swap3A, %swap3A_31] : memref<1000x128xf32, #tpu.memory_space<vmem>>, vector<1000x128xf32>
    tpu.vector_store %arg10[%swap3A, %swap3A_31], %max3A_30 {strides = array<i32>} : memref<1000x128xf32, #tpu.memory_space<vmem>>, vector<1000x128xf32>,
    %get3A_33 = arith.constant 0 : index
    %get3A_34 = arith.constant 0 : index
    %get3A_35 = vector.load %arg7[%get3A_33, %get3A_34] : memref<128x128xf32, #tpu.memory_space<vmem>>, vector<128x128xf32>
    %dot_general3A = arith.constant dense<0.000000e+00> : vector<1000x128xf32>
    %dot_general3A_36 = tpu.matmul %max3A_30, %get3A_35, %dot_general3A {dimension_numbers = #tpu.dot_dimension_numbers<[1], [0], [0], [1], [0, 0, 1, 1], [], []>, transpose_lhs_hint = false} : vector<1000x128xf32>, vector<128x128xf32>, vector<1000x128xf32> -> vector<1000x128xf32>
    %get3A_37 = arith.constant 0 : index
    %get3A_38 = arith.constant 0 : index
    %get3A_39 = vector.load %arg8[%get3A_37, %get3A_38] : memref<1x128xf32, #tpu.memory_space<vmem>>, vector<1x128xf32>
    %add3A_40 = vector.broadcast %get3A_39 : vector<1x128xf32> to vector<1000x128xf32>
    %add3A_41 = arith.addf %dot_general3A_36, %add3A_40 : vector<1000x128xf32>
    %swap3A_42 = arith.constant 0 : index
    %swap3A_43 = arith.constant 0 : index
    %swap3A_44 = vector.load %arg11[%swap3A_42, %swap3A_43] : memref<1000x128xf32, #tpu.memory_space<vmem>>, vector<1000x128xf32>
    tpu.vector_store %arg11[%swap3A_42, %swap3A_43], %add3A_41 {strides = array<i32>} : memref<1000x128xf32, #tpu.memory_space<vmem>>, vector<1000x128xf32>,
    return
  }
  func.func @transform_0(%arg0: i32) -> (i32, i32) {
    %c0_i32 = arith.constant 0 : i32
    %c0_i32_0 = arith.constant 0 : i32
    return %arg0, %c0_i32 : i32, i32
  }
  func.func @transform_1(%arg0: i32) -> (i32, i32) {
    %c0_i32 = arith.constant 0 : i32
    %c0_i32_0 = arith.constant 0 : i32
    return %arg0, %c0_i32 : i32, i32
  }
  func.func @transform_2(%arg0: i32) -> (i32, i32) {
    %c0_i32 = arith.constant 0 : i32
    %c0_i32_0 = arith.constant 0 : i32
    return %arg0, %c0_i32 : i32, i32
  }
  func.func @transform_3(%arg0: i32) -> (i32, i32) {
    %c0_i32 = arith.constant 0 : i32
    %c0_i32_0 = arith.constant 0 : i32
    return %arg0, %c0_i32 : i32, i32
  }
  func.func @transform_4(%arg0: i32) -> (i32, i32) {
    %c0_i32 = arith.constant 0 : i32
    %c0_i32_0 = arith.constant 0 : i32
    return %arg0, %c0_i32 : i32, i32
  }
  func.func @transform_5(%arg0: i32) -> (i32, i32) {
    %c0_i32 = arith.constant 0 : i32
    %c0_i32_0 = arith.constant 0 : i32
    return %arg0, %c0_i32 : i32, i32
  }
  func.func @transform_6(%arg0: i32) -> (i32, i32) {
    %c0_i32 = arith.constant 0 : i32
    %c0_i32_0 = arith.constant 0 : i32
    %c0_i32_1 = arith.constant 0 : i32
    return %c0_i32, %c0_i32_0 : i32, i32
  }
  func.func @transform_7(%arg0: i32) -> (i32, i32) {
    %c0_i32 = arith.constant 0 : i32
    %c0_i32_0 = arith.constant 0 : i32
    %c0_i32_1 = arith.constant 0 : i32
    return %c0_i32, %c0_i32_0 : i32, i32
  }
  func.func @transform_8(%arg0: i32) -> (i32, i32) {
    %c0_i32 = arith.constant 0 : i32
    %c0_i32_0 = arith.constant 0 : i32
    %c0_i32_1 = arith.constant 0 : i32
    return %c0_i32, %c0_i32_0 : i32, i32
  }
  func.func @transform_9(%arg0: i32) -> (i32, i32) {
    %c0_i32 = arith.constant 0 : i32
    %c0_i32_0 = arith.constant 0 : i32
    return %arg0, %c0_i32 : i32, i32
  }
  func.func @transform_10(%arg0: i32) -> (i32, i32) {
    %c0_i32 = arith.constant 0 : i32
    %c0_i32_0 = arith.constant 0 : i32
    return %arg0, %c0_i32 : i32, i32
  }
}

module attributes {stable_mosaic.version = 14 : i64} {
  func.func @_tc2_body(%arg0: i32, %arg1: memref<1000x128xf32, #tpu.memory_space<vmem>>, %arg2: memref<1000x128xf32, #tpu.memory_space<vmem>>, %arg3: memref<1000x128xf32, #tpu.memory_space<vmem>>, %arg4: memref<1000x128xf32, #tpu.memory_space<vmem>>, %arg5: memref<1000x128xf32, #tpu.memory_space<vmem>>, %arg6: memref<128x128xf32, #tpu.memory_space<vmem>>, %arg7: memref<1x128xf32, #tpu.memory_space<vmem>>, %arg8: memref<1000x128xf32, #tpu.memory_space<vmem>>) attributes {dimension_semantics = [#tpu.dimension_semantics<arbitrary>], iteration_bounds = array<i64: 10>, scalar_prefetch = 0 : i64, scratch_operands = 0 : i64, tpu.core_type = #tpu.core_type<tc>, window_params = [{transform_indices = @transform_0, window_bounds = array<i64: 1000, 128>}, {transform_indices = @transform_1, window_bounds = array<i64: 1000, 128>}, {transform_indices = @transform_2, window_bounds = array<i64: 1000, 128>}, {transform_indices = @transform_3, window_bounds = array<i64: 1000, 128>}, {transform_indices = @transform_4, window_bounds = array<i64: 1000, 128>}, {pipeline_mode = #tpu.pipeline_mode<synchronous>, transform_indices = @transform_5, window_bounds = array<i64: 128, 128>}, {pipeline_mode = #tpu.pipeline_mode<synchronous>, transform_indices = @transform_6, window_bounds = array<i64: 1, 128>}, {transform_indices = @transform_7, window_bounds = array<i64: 1000, 128>}]} {
    %get3A = arith.constant 0 : index
    %get3A_0 = arith.constant 0 : index
    %get3A_1 = vector.load %arg4[%get3A, %get3A_0] : memref<1000x128xf32, #tpu.memory_space<vmem>>, vector<1000x1xf32>
    %get3A_2 = arith.constant 0 : index
    %get3A_3 = arith.constant 0 : index
    %get3A_4 = vector.load %arg5[%get3A_2, %get3A_3] : memref<1000x128xf32, #tpu.memory_space<vmem>>, vector<1000x1xf32>
    %add3A = arith.addf %get3A_1, %get3A_4 : vector<1000x1xf32>
    %add3A_5 = arith.constant 1.000000e+00 : f32
    %add3A_6 = vector.broadcast %add3A_5 : f32 to vector<1000x1xf32>
    %add3A_7 = arith.addf %add3A, %add3A_6 : vector<1000x1xf32>
    %rsqrt3A = math.rsqrt %add3A_7 : vector<1000x1xf32>
    %get3A_8 = arith.constant 0 : index
    %get3A_9 = arith.constant 0 : index
    %get3A_10 = vector.load %arg1[%get3A_8, %get3A_9] : memref<1000x128xf32, #tpu.memory_space<vmem>>, vector<1000x128xf32>
    %get3A_11 = arith.constant 0 : index
    %get3A_12 = arith.constant 0 : index
    %get3A_13 = vector.load %arg2[%get3A_11, %get3A_12] : memref<1000x128xf32, #tpu.memory_space<vmem>>, vector<1000x128xf32>
    %add3A_14 = arith.addf %get3A_10, %get3A_13 : vector<1000x128xf32>
    %get3A_15 = arith.constant 0 : index
    %get3A_16 = arith.constant 0 : index
    %get3A_17 = vector.load %arg3[%get3A_15, %get3A_16] : memref<1000x128xf32, #tpu.memory_space<vmem>>, vector<1000x128xf32>
    %add3A_18 = arith.addf %add3A_14, %get3A_17 : vector<1000x128xf32>
    %mul3A = vector.broadcast %rsqrt3A : vector<1000x1xf32> to vector<1000x128xf32>
    %mul3A_19 = arith.mulf %mul3A, %add3A_18 : vector<1000x128xf32>
    %get3A_20 = arith.constant 0 : index
    %get3A_21 = arith.constant 0 : index
    %get3A_22 = vector.load %arg7[%get3A_20, %get3A_21] : memref<1x128xf32, #tpu.memory_space<vmem>>, vector<1x128xf32>
    %add3A_23 = vector.broadcast %get3A_22 : vector<1x128xf32> to vector<1000x128xf32>
    %add3A_24 = arith.addf %mul3A_19, %add3A_23 : vector<1000x128xf32>
    %max3A = arith.constant 0.000000e+00 : f32
    %max3A_25 = vector.broadcast %max3A : f32 to vector<1000x128xf32>
    %max3A_26 = arith.maximumf %add3A_24, %max3A_25 : vector<1000x128xf32>
    %get3A_27 = arith.constant 0 : index
    %get3A_28 = arith.constant 0 : index
    %get3A_29 = vector.load %arg6[%get3A_27, %get3A_28] : memref<128x128xf32, #tpu.memory_space<vmem>>, vector<128x128xf32>
    %dot_general3A = arith.constant dense<0.000000e+00> : vector<1000x128xf32>
    %dot_general3A_30 = tpu.matmul %max3A_26, %get3A_29, %dot_general3A {dimension_numbers = #tpu.dot_dimension_numbers<[1], [0], [0], [1], [0, 0, 1, 1], [], []>, transpose_lhs_hint = false} : vector<1000x128xf32>, vector<128x128xf32>, vector<1000x128xf32> -> vector<1000x128xf32>
    %mul3A_31 = vector.broadcast %rsqrt3A : vector<1000x1xf32> to vector<1000x128xf32>
    %mul3A_32 = arith.mulf %mul3A_31, %dot_general3A_30 : vector<1000x128xf32>
    %swap3A = arith.constant 0 : index
    %swap3A_33 = arith.constant 0 : index
    %swap3A_34 = vector.load %arg8[%swap3A, %swap3A_33] : memref<1000x128xf32, #tpu.memory_space<vmem>>, vector<1000x128xf32>
    tpu.vector_store %arg8[%swap3A, %swap3A_33], %mul3A_32 {strides = array<i32>} : memref<1000x128xf32, #tpu.memory_space<vmem>>, vector<1000x128xf32>,
    return
  }
  func.func @transform_0(%arg0: i32) -> (i32, i32) {
    %c0_i32 = arith.constant 0 : i32
    %c0_i32_0 = arith.constant 0 : i32
    return %arg0, %c0_i32 : i32, i32
  }
  func.func @transform_1(%arg0: i32) -> (i32, i32) {
    %c0_i32 = arith.constant 0 : i32
    %c0_i32_0 = arith.constant 0 : i32
    return %arg0, %c0_i32 : i32, i32
  }
  func.func @transform_2(%arg0: i32) -> (i32, i32) {
    %c0_i32 = arith.constant 0 : i32
    %c0_i32_0 = arith.constant 0 : i32
    return %arg0, %c0_i32 : i32, i32
  }
  func.func @transform_3(%arg0: i32) -> (i32, i32) {
    %c0_i32 = arith.constant 0 : i32
    %c0_i32_0 = arith.constant 0 : i32
    return %arg0, %c0_i32 : i32, i32
  }
  func.func @transform_4(%arg0: i32) -> (i32, i32) {
    %c0_i32 = arith.constant 0 : i32
    %c0_i32_0 = arith.constant 0 : i32
    return %arg0, %c0_i32 : i32, i32
  }
  func.func @transform_5(%arg0: i32) -> (i32, i32) {
    %c0_i32 = arith.constant 0 : i32
    %c0_i32_0 = arith.constant 0 : i32
    %c0_i32_1 = arith.constant 0 : i32
    return %c0_i32, %c0_i32_0 : i32, i32
  }
  func.func @transform_6(%arg0: i32) -> (i32, i32) {
    %c0_i32 = arith.constant 0 : i32
    %c0_i32_0 = arith.constant 0 : i32
    %c0_i32_1 = arith.constant 0 : i32
    return %c0_i32, %c0_i32_0 : i32, i32
  }
  func.func @transform_7(%arg0: i32) -> (i32, i32) {
    %c0_i32 = arith.constant 0 : i32
    %c0_i32_0 = arith.constant 0 : i32
    return %arg0, %c0_i32 : i32, i32
  }
}

</mosaic_0001>

<sc_bundles>
// kernel: kernel.12.cloned.1.call-start
scs
__scs_entry_jumppad:
0x0: {  	(pc) =	sbr.rel $0x88, $3  }
0x1: {  	(tag) =	ssettag $0x0;
	lr =	simm.s32 $0x1  }
0x2: {  	[smem:$0x3F97] =	sst lr;
	_ =	strace $0xD0000000  }
0x3: {  	_ = 	snop  }
0x4: {  	_ = 	snop  }
0x5: {  	_ = 	snop  }
0x6: {  	_ = 	snop  }
0x7: {  	_ = 	snop  }
__scs_overlays_trampoline_lowered:
0x8: {  	[smem:$0x3FA6] =	sst s0  }
0x9: {  	[smem:$0x3FA7] =	sst s1  }
0xa: {  	[smem:$0x3FA8] =	sst s2  }
0xb: {  	[smem:$0x3FA9] =	sst s3  }
0xc: {  	[smem:$0x3FAA] =	sst s4  }
0xd: {  	[smem:$0x3FAB] =	sst s5  }
0xe: {  	[smem:$0x3FAC] =	sst s6  }
0xf: {  	[smem:$0x3FAD] =	sst s7  }
0x10: {  	[smem:$0x3FAE] =	sst s8  }
0x11: {  	[smem:$0x3FAF] =	sst s9;
	s0 =	simm.s32 @!p0 $0x0  }
0x12: {  	s1 =	sld [smem:$0x3F95];
	s0 =	simm.s32 @p0 $0x1  }
0x13: {  	[smem:$0x3FB0] =	sst s0;
	s0 =	simm.s32 @!p1 $0x0  }
0x14: {  	s2 =	sld [smem:$0x3F94];
	s0 =	simm.s32 @p1 $0x1  }
0x15: {  	[smem:$0x3FB1] =	sst s0;
	s0 =	simm.s32 @!p2 $0x0  }
0x16: {  	s3 =	sld [smem:$0x3FDB];
	s0 =	simm.s32 @p2 $0x1  }
0x17: {  	s4 =	simm.s32 $0x1BF5;
	[smem:$0x3FB3] =	sst s0  }
0x18: {  	s0 =	sld [smem:$0x3F96];
	_ =	swait.ge [sflag:s4], $0x0  }
0x19: {  	s7 =	sld [smem:$0x3F97]  }
0x1a: {  	s8 =	sadd.s32 $0xFFFFE003, lr  }
0x1b: {  	s9 =	sadd.s32 $0xFFFFFEF7, lr;
	s5 =	simm.s32 $0xFFFFFFFF;
	p2 =	slt.u32 s8, $0xFFFFF086  }
0x1c: {  	p1 =	slt.u32 s9, $0xF7A;
	s5 =	simm.s32 @!p2 $0x0  }
0x1d: {  	s5 =	simm.s32 @p1 $0x1;
	p0 =	seq.s32 s7, s2  }
0x1e: {  	s7 =	smul.u32 @!p0 $0xF7A, s2;
	p2 =	seq.s32 @!p0 s5, $0x0  }
0x1f: {  	s9 =	smul.u32 $0xF7A, s1;
	s8 =	simm.s32 @!p0 $0x1BF5;
	p2 =	por !p2, p0  }
0x20: {  	[sflag:s8] =	ssyncset.s32 @!p0 $0xFFFFF086;
	s6 =	sadd.s32 @!p0 s3, s7;
	s7 =	simm.s32 @!p0 $0x108  }
0x21: {  	s3 =	sadd.s32 s3, s9;
	s6 =	sadd.s32 @!p0 $0x88, s6;
	s7 =	simm.s32 @p2 $0x1082  }
0x22: {  	[simem:s7], [sflag:s8] =	dma.local @!p0 [hbm:s6], $0xF7A  }
0x23: {  	s9 =	sor.u32 $0xD0000000, s2;
	s6 =	simm.s32 $0x108;
	_ =	swait.ge @!p0 [sflag:s8], $0x0  }
0x24: {  	s3 =	sadd.s32 $0x88, s3;
	s6 =	simm.s32 @!p1 $0x1082;
	[sflag:s4] =	ssyncset.s32 $0xFFFFF086  }
0x25: {  	[simem:s6], [sflag:s4] =	dma.local [hbm:s3], $0xF7A  }
0x26: {  	[smem:$0x3F97] =	sst s1;
	(tag) =	ssettag s2;
	_ =	strace s9  }
0x27: {  	s1 =	sld [smem:$0x3FA7]  }
0x28: {  	s2 =	sld [smem:$0x3FA8]  }
0x29: {  	s4 =	sld [smem:$0x3FAA]  }
0x2a: {  	p0 =	seq.s32 s5, $0x0;
	s5 =	sld [smem:$0x3FAB]  }
0x2b: {  	s6 =	sld [smem:$0x3FAC]  }
0x2c: {  	s7 =	sld [smem:$0x3FAD]  }
0x2d: {  	s3 =	simm.s32 $0x108;
	s8 =	sld [smem:$0x3FAE]  }
0x2e: {  	s3 =	simm.s32 @!p0 $0x1082;
	s9 =	sld [smem:$0x3FAF]  }
0x2f: {  	lr =	sadd.s32 s0, s3;
	s0 =	sld [smem:$0x3FA6]  }
0x30: {  	s3 =	sld [smem:$0x3FA9]  }
0x31: {  	[smem:$0x3FB2] =	sst s10  }
0x32: {  	s10 =	sld [smem:$0x3FB0];
	_ =	sdelay $0x3  }
0x33: {  	p0 =	seq.s32 s10, $0x1;
	s10 =	sld [smem:$0x3FB2];
	_ =	sdelay $0x3  }
0x34: {  	[smem:$0x3FB2] =	sst s10  }
0x35: {  	s10 =	sld [smem:$0x3FB1];
	_ =	sdelay $0x3  }
0x36: {  	p1 =	seq.s32 s10, $0x1;
	s10 =	sld [smem:$0x3FB2];
	_ =	sdelay $0x3  }
0x37: {  	[smem:$0x3FB2] =	sst s10  }
0x38: {  	s10 =	sld [smem:$0x3FB3]  }
0x39: {  	_ = 	snop;
	(pc) =	sbr.ind lr, $3  }
0x3a: {  	_ = 	snop  }
0x3b: {  	_ = 	snop  }
0x3c: {  	p2 =	seq.s32 s10, $0x1;
	s10 =	sld [smem:$0x3FB2]  }
0x3d: {  	_ =	shalt  }
0x3e: {  	_ =	shalt  }
0x3f: {  	_ =	shalt  }
0x40: {  	_ =	shalt  }
0x41: {  	_ =	shalt  }
0x42: {  	_ =	shalt  }
0x43: {  	_ =	shalt  }
0x44: {  	_ =	shalt  }
0x45: {  	_ =	shalt  }
0x46: {  	_ =	shalt  }
0x47: {  	_ =	shalt  }
0x48: {  	_ =	shalt  }
0x49: {  	_ =	shalt  }
0x4a: {  	_ =	shalt  }
0x4b: {  	_ =	shalt  }
0x4c: {  	_ =	shalt  }
0x4d: {  	_ =	shalt  }
0x4e: {  	_ =	shalt  }
0x4f: {  	_ =	shalt  }
0x50: {  	_ =	shalt  }
0x51: {  	_ =	shalt  }
0x52: {  	_ =	shalt  }
0x53: {  	_ =	shalt  }
0x54: {  	_ =	shalt  }
0x55: {  	_ =	shalt  }
0x56: {  	_ =	shalt  }
0x57: {  	_ =	shalt  }
0x58: {  	_ =	shalt  }
0x59: {  	_ =	shalt  }
0x5a: {  	_ =	shalt  }
0x5b: {  	_ =	shalt  }
0x5c: {  	_ =	shalt  }
0x5d: {  	_ =	shalt  }
0x5e: {  	_ =	shalt  }
0x5f: {  	_ =	shalt  }
0x60: {  	_ =	shalt  }
0x61: {  	_ =	shalt  }
0x62: {  	_ =	shalt  }
0x63: {  	_ =	shalt  }
0x64: {  	_ =	shalt  }
0x65: {  	_ =	shalt  }
0x66: {  	_ =	shalt  }
0x67: {  	_ =	shalt  }
0x68: {  	_ =	shalt  }
0x69: {  	_ =	shalt  }
0x6a: {  	_ =	shalt  }
0x6b: {  	_ =	shalt  }
0x6c: {  	_ =	shalt  }
0x6d: {  	_ =	shalt  }
0x6e: {  	_ =	shalt  }
0x6f: {  	_ =	shalt  }
0x70: {  	_ =	shalt  }
0x71: {  	_ =	shalt  }
0x72: {  	_ =	shalt  }
0x73: {  	_ =	shalt  }
0x74: {  	_ =	shalt  }
0x75: {  	_ =	shalt  }
0x76: {  	_ =	shalt  }
0x77: {  	_ =	shalt  }
0x78: {  	_ =	shalt  }
0x79: {  	_ =	shalt  }
0x7a: {  	_ =	shalt  }
0x7b: {  	_ =	shalt  }
0x7c: {  	_ =	shalt  }
0x7d: {  	_ =	shalt  }
0x7e: {  	_ =	shalt  }
0x7f: {  	_ =	shalt  }
0x80: {  	_ =	shalt  }
0x81: {  	_ =	shalt  }
0x82: {  	_ =	shalt  }
0x83: {  	_ =	shalt  }
0x84: {  	_ =	shalt  }
0x85: {  	_ =	shalt  }
0x86: {  	_ =	shalt  }
0x87: {  	_ =	shalt  }
.Lfunc_end0:
.L_simem_size_0:
called_computation.1_lowered:
.L_overlay_start_0:
0x88: {  	s2 =	sld [smem:$0x3FD9]  }
0x89: {  	s3 =	sld [smem:$0x3FFE];
	_ =	sdelay $0x1  }
0x8a: {  	s1 =	srdreg.scid  }
0x8b: {  	s0 =	sand.u32 $0x1, s1  }
0x8c: {  	s14 =	sshll.u32 s0, $0xA;
	s2 =	sadd.s32 s3, s2  }
0x8d: {  	s2 =	sadd.s32 s2, s14  }
0x8e: {  	[smem:$0x3FBE] =	sst s2  }
0x8f: {  	_ = 	snop  }
0x90: {  	s2 =	sld [smem:$0x3FD0];
	_ =	sdelay $0x2  }
0x91: {  	s15 =	simm.s32 $0xA;
	s4 =	simm.s32 $0x10  }
0x92: {  	[smem:s4], [sflag:s15] =	dma.local [hbm:s2], $0x1  }
0x93: {  	_ =	swait.eq [sflag:s15], $0x1  }
0x94: {  	[sflag:s15] =	ssyncset.done $0x0  }
0x95: {  	[sflag:s15] =	ssyncadd.s32 $0xFFFFFFFF  }
0x96: {  	s16 =	sld [smem:$0x11];
	(tm) =	ssettm $0x1  }
0x97: {  	s17 =	sld [smem:$0x3FFB];
	_ =	sdelay $0x3  }
0x98: {  	_ =	strace s17  }
0x99: {  	s3 =	sld [smem:$0x3FFC];
	_ =	sdelay $0x3  }
0x9a: {  	_ =	strace s3  }
0x9b: {  	s3 =	sld [smem:$0x3FFD];
	_ =	sdelay $0x3  }
0x9c: {  	_ =	strace s3  }
0x9d: {  	_ =	strace $0x8FFFFFFF  }
0x9e: {  	s18 =	sld [smem:$0x3FDB];
	_ =	sdelay $0x1  }
0x9f: {  	s19 =	simm.s32 $_scs_section_size  }
0xa0: {  	s5 =	simm.s32 $_size__tile_overlayer_lowered;
	s6 =	simm.s32 $_tile_overlayer_lowered  }
0xa1: {  	s22 =	simm.s32 $0x1BFF;
	s21 =	sshll.u32 s6, $0x1;
	s3 =	sadd.s32 s19, s18  }
0xa2: {  	s7 =	simm.s32 $0x0;
	s20 =	sshll.u32 s5, $0x1;
	s5 =	sadd.s32 s21, s3  }
0xa3: {  	[timem:s7], [sflag:s22] =	dma.local [hbm:s5], s20  }
0xa4: {  	_ =	swait.ge [sflag:s22], s20  }
0xa5: {  	s4 =	ssub.s32 $0x0, s20;
	[sflag:s22] =	ssyncset.done $0x0  }
0xa6: {  	[sflag:s22] =	ssyncadd.s32 s4;
	_ =	sdelay $0x1  }
0xa7: {  	s23 =	simm.s32 $0x1B8B  }
0xa8: {  	_ =	swait.ge [sflag:s23], $0x1  }
0xa9: {  	[sflag:s23] =	ssyncset.done $0x0  }
0xaa: {  	s25 =	simm.s32 $0x1B8E;
	s24 =	sld [smem:$0x3FFE];
	[sflag:s23] =	ssyncadd.s32 $0xFFFFFFFF  }
0xab: {  	s26 =	simm.s32 $execute0_lowered;
	[smem:$0x3FD2] =	sst s25  }
0xac: {  	s5 =	sshll.u32 s26, $0x1;
	_ =	strace $0x80000049;
	[dreg:$0x1] =	wrdreg $0xFFFFFFFF  }
0xad: {  	s28 =	simm.s32 $_size_execute0_lowered;
	s3 =	sadd.s32 s3, s5;
	[dreg:$0x0] =	wrdreg $0x0  }
0xae: {  	s5 =	sshll.u32 s28, $0x1;
	[dreg:$0x2] =	wrdreg s3  }
0xaf: {  	[dreg:$0x3] =	wrdreg s5  }
0xb0: {  	[dreg:$0x4] =	wrdreg $0xC0  }
0xb1: {  	_ =	task [dreg:s7], $0x5FFFF  }
0xb2: {  	[dreg:$0x1] =	wrdreg $0xFFFFFFFF  }
0xb3: {  	[dreg:$0x0] =	wrdreg $0x60  }
0xb4: {  	[dreg:$0x2] =	wrdreg s24  }
0xb5: {  	[dreg:$0x3] =	wrdreg s16  }
0xb6: {  	[dreg:$0x4] =	wrdreg $0x96800  }
0xb7: {  	[dreg:$0x5] =	wrdreg $0x9  }
0xb8: {  	_ =	task.clear_ibuf [dreg:s7], $0x6FFFF;
	_ =	strace $0x90000049  }
0xb9: {  	s29 =	simm.s32 $0x9;
	_ =	strace $0x8000004B  }
0xba: {  	_ =	swait.ge [sflag:s29], $0x1  }
0xbb: {  	[sflag:s29] =	ssyncadd.s32 $0xFFFFFFFF  }
0xbc: {  	_ =	strace $0x9000004B  }
0xbd: {  	_ =	sfence  }
0xbe: {  	s30 =	sld [smem:$0x0];
	_ =	sdelay $0x2  }
0xbf: {  	s31 =	sshll.u32 s1, $0xD;
	s1 =	sshrl.u32 s1, $0x2  }
0xc0: {  	s3 =	sand.u32 $0x4000, s31;
	s1 =	sadd.s32 s1, s30  }
0xc1: {  	s0 =	sor.u32 s3, s0;
	s1 =	sshll.u32 s1, $0x11  }
0xc2: {  	s0 =	sor.u32 s1, s0  }
0xc3: {  	s0 =	sadd.s32 $0x8F2B, s0  }
0xc4: {  	[sflag:s0] =	ssyncadd.remote.s32 $0x1  }
0xc5: {  	_ =	sfence.sel $0xFFFF  }
0xc6: {  	[dreg:$0x0] =	wrdreg $0xFFFFFFFF;
	(pc) =	sbr.abs _section_cstart, $3  }
0xc7: {  	[dreg:$0x1] =	wrdreg $0xFFFFFFFF  }
0xc8: {  	_ =	task.clear_ibuf [dreg:s7], $0x2FFFF;
	_ =	strace $0x9FFFFFFF  }
0xc9: {  	(tm) =	ssettm $0x7FFFFFFF  }
tec
execute0_lowered:
.L_overlay_start_1:
0x0: {  	(tag) =	ssettag $0x1  }
0x1: {  	s1 =	rddreg [dreg:$0x0]  }
0x2: {  	s2 =	rddreg [dreg:$0x1]  }
0x3: {  	s0 =	srdreg.scid;
	s10 =	stileid.u32  }
0x4: {  	s3 =	rddreg [dreg:$0x2];
	s6 =	simm.s32 $0x0;
	s4 =	smul.u32 $0x280, s10  }
0x5: {  	s28 =	simm.s32 $0x1500;
	s29 =	simm.s32 $0x5680;
	s18 =	smul.u32 $0x28, s10  }
0x6: {  	s30 =	simm.s32 $0x1;
	s31 =	simm.s32 $0x1580;
	s7 =	smul.u32 $0x78, s10  }
0x7: {  	s0 =	sand.u32 $0x1, s0;
	[smem:$0x7FF] =	sst s6;
	s20 =	smul.u32 $0x50000, s10  }
0x8: {  	s17 =	sadd.s32 $0x7B000, s1;
	s6 =	simm.s32 $0x78;
	s5 =	smul.u32 $0x2800, s0  }
0x9: {  	_ =	strace $0x8000004A;
	[dreg:$0x4] =	wrdreg s17;
	s19 =	ssub.s32 $0x2, s0  }
0xa: {  	p0 =	seq.s32 s0, $0x0;
	s8 =	sshrl.u32 s19, $0x1;
	s9 =	sadd.s32 $0x780, s18  }
0xb: {  	s6 =	simm.s32 @!p0 $0x28;
	s4 =	sadd.s32 s4, s5;
	s9 =	smov.u32 @p0 s7  }
0xc: {  	s7 =	sshrl.u32 s20, $0x2;
	s14 =	sadd.s32 $0xFFFFFFD9, s6;
	p0 =	sne.s32 s0, $0x0  }
0xd: {  	s4 =	sshll.u32 s4, $0x4;
	s21 =	sadd.s32 $0x10, s9;
	s12 =	sadd.s32 $0x20, s9  }
0xe: {  	s13 =	sadd.s32 $0x30, s9;
	s15 =	sadd.s32 $0x40, s9;
	s5 =	sadd.s32 s7, s3  }
0xf: {  	s16 =	sadd.s32 $0x50, s9;
	s17 =	sadd.s32 $0x60, s9;
	s7 =	sadd.s32 $0xC000, s5  }
0x10: {  	v4 =	vlaneseq.u32;
	s1 =	sadd.s32 s4, s1;
	s10 =	sadd.s32 $0x10000, s5;
	[dreg:$0x5] =	wrdreg s7  }
0x11: {  	s23 =	sadd.s32 $0x70, s9;
	v6 =	vadd.s32 s9, v4;
	v0 =	vadd.s32 s21, v4;
	v1 =	vadd.s32 s12, v4;
	s11 =	sadd.s32 $0x85000, s1;
	[dreg:$0x6] =	wrdreg s10  }
0x12: {  	s4 =	ssub.s32 s19, s8;
	v2 =	vadd.s32 s13, v4;
	v3 =	vadd.s32 s15, v4;
	v5 =	vadd.s32 s16, v4;
	s22 =	sadd.s32 $0x85800, s1;
	[dreg:$0x7] =	wrdreg s11  }
0x13: {  	s8 =	sadd.s32 $0x4000, s5;
	v7 =	vadd.s32 s17, v4;
	v8 =	vadd.s32 s23, v4;
	v6 =	vmin.u32 v6, $0x9FF;
	s24 =	sadd.s32 $0x86000, s1;
	[dreg:$0x8] =	wrdreg s22  }
0x14: {  	s9 =	sadd.s32 $0x8000, s5;
	vm0 =	vlt.s32 v0, $0x9FF;
	vm11 =	vlt.s32 v1, $0x9FF;
	vm1 =	vlt.s32 v2, $0x9FF;
	s25 =	sadd.s32 $0x86800, s1;
	[dreg:$0x9] =	wrdreg s24  }
0x15: {  	s12 =	sadd.s32 $0xFFFFFFDA, s6;
	vm12 =	vlt.s32 v3, $0x9FF;
	s1 =	sadd.s32 $0x87000, s1;
	vm13 =	vlt.s32 v5, $0x9FF;
	vm14 =	vlt.s32 v7, $0x9FF;
	[dreg:$0xa] =	wrdreg s25  }
0x16: {  	s13 =	sadd.s32 $0xFFFFFFD8, s6;
	s26 =	smax.u32 s4, $0x1;
	vm15 =	vlt.s32 v8, $0x9FF;
	v0 =	vnsel vm0, $0x9FF, v0;
	v1 =	vnsel vm11, $0x9FF, v1;
	[dreg:$0xb] =	wrdreg s1  }
0x17: {  	s21 =	simm.s32 $0x1680;
	v2 =	vnsel vm1, $0x9FF, v2;
	[dreg:$0xc] =	wrdreg s26;
	v3 =	vnsel vm12, $0x9FF, v3;
	s22 =	simm.s32 $0x4;
	v4 =	vnsel vm13, $0x9FF, v5  }
0x18: {  	s24 =	simm.s32 $0x80;
	v5 =	vnsel vm14, $0x9FF, v7;
	s26 =	simm.s32 $0x1480;
	v7 =	vnsel vm15, $0x9FF, v8;
	v8 =	vimm.f32 $0.0e+00;
	s1 =	simm.s32 $0x0  }
.LBB2_1:
0x19: {  	[tilespmem:$0x0] =	vst v6  }
0x1a: {  	[tilespmem:$0x10] =	vst v0  }
0x1b: {  	[tilespmem:$0x20] =	vst v1  }
0x1c: {  	[tilespmem:$0x30] =	vst v2  }
0x1d: {  	[tilespmem:$0x40] =	vst v3  }
0x1e: {  	[tilespmem:$0x50] =	vst v4  }
0x1f: {  	[tilespmem:$0x60] =	vst v5  }
0x20: {  	[tilespmem:$0x70] =	vst v7;
	s0 =	simm.s32 $0x0;
	s4 =	simm.s32 $0x200  }
.LBB2_2:
0x21: {  	p1 =	sne.s32 s4, $0xFE00;
	[tilespmem:s0+$0x16F0] =	vst v8  }
0x22: {  	[tilespmem:s0+$0x1680] =	vst v8  }
0x23: {  	[tilespmem:s0+$0x1690] =	vst v8  }
.Ltmp0:
0x24: {  	[tilespmem:s0+$0x16A0] =	vst v8;
	(pc) =	sbr.rel @p1 .LBB2_2-.Ltmp0, $4  }
0x25: {  	[tilespmem:s0+$0x16B0] =	vst v8  }
0x26: {  	[tilespmem:s0+$0x16C0] =	vst v8  }
0x27: {  	[tilespmem:s0+$0x16D0] =	vst v8  }
0x28: {  	[tilespmem:s0+$0x16E0] =	vst v8;
	s0 =	sshra.s32 s4, $0x2;
	s4 =	sadd.s32 $0x200, s4  }
0x29: {  	[tilespmem:s0+$0x16F0] =	vst v8  }
0x2a: {  	[tilespmem:s0+$0x1680] =	vst v8  }
0x2b: {  	[tilespmem:s0+$0x1690] =	vst v8  }
0x2c: {  	[tilespmem:s0+$0x16A0] =	vst v8  }
0x2d: {  	[tilespmem:s0+$0x16B0] =	vst v8  }
0x2e: {  	[tilespmem:s0+$0x16C0] =	vst v8  }
0x2f: {  	[tilespmem:s0+$0x16D0] =	vst v8  }
0x30: {  	[tilespmem:s0+$0x16E0] =	vst v8  }
0x31: {  	[spmem:s5] =	stream.linear.scatter [tilespmem:s21], [sflag:$0x4], $0x4000, $0x38;
	[tilespmem:$0x1D680] =	vst v63  }
0x32: {  	_ =	swait.ge [sflag:s22], $0x4000  }
0x33: {  	[sflag:s22] =	ssyncset.done $0x0  }
0x34: {  	[sflag:s22] =	ssyncadd.s32 $0xFFFFC000  }
0x35: {  	[spmem:s8] =	stream.linear.scatter [tilespmem:s21], [sflag:$0x4], $0x4000, $0x38;
	[tilespmem:$0x1D680] =	vst v63  }
0x36: {  	_ =	swait.ge [sflag:s22], $0x4000  }
0x37: {  	[sflag:s22] =	ssyncset.done $0x0  }
0x38: {  	[sflag:s22] =	ssyncadd.s32 $0xFFFFC000  }
0x39: {  	[spmem:s9] =	stream.linear.scatter [tilespmem:s21], [sflag:$0x4], $0x4000, $0x38;
	[tilespmem:$0x1D680] =	vst v63  }
0x3a: {  	_ =	swait.ge [sflag:s22], $0x4000  }
0x3b: {  	[sflag:s22] =	ssyncset.done $0x0  }
0x3c: {  	[sflag:s22] =	ssyncadd.s32 $0xFFFFC000  }
0x3d: {  	[spmem:s7] =	stream.linear.scatter [tilespmem:s21], [sflag:$0x4], $0x4000, $0x38;
	[tilespmem:$0x1D680] =	vst v63  }
0x3e: {  	_ =	swait.ge [sflag:s22], $0x4000  }
0x3f: {  	[sflag:s22] =	ssyncset.done $0x0  }
0x40: {  	[sflag:s22] =	ssyncadd.s32 $0xFFFFC000  }
0x41: {  	[spmem:s10] =	stream.linear.scatter [tilespmem:s21], [sflag:$0x4], $0x4000, $0x38;
	[tilespmem:$0x1D680] =	vst v63  }
0x42: {  	_ =	swait.ge [sflag:s22], $0x4000  }
0x43: {  	[sflag:s22] =	ssyncset.done $0x0  }
0x44: {  	[sflag:s22] =	ssyncadd.s32 $0xFFFFC000  }
0x45: {  	s23 =	simm.s32 $0x0;
	[bflag:$0x0] =	sbarrier.arrive $0xFFFF  }
0x46: {  	s4 =	simm.s32 $0x28;
	s25 =	simm.s32 $0x3;
	s10 =	rddreg [dreg:$0x4]  }
0x47: {  	[tilespmem:s24], [sflag:$0x3] =	stream.indirect.gather [hbm4b:s10+s4], $0x80, s23, s4, $0xb8;
	[tilespmem:$0x1D680] =	vst v63  }
0x48: {  	_ =	swait.ge [sflag:s25], $0x1400  }
0x49: {  	p1 =	por $0x1, $0x1;
	[sflag:s25] =	ssyncset.done $0x0  }
0x4a: {  	s0 =	simm.s32 @!p1 $0x2;
	[sflag:s25] =	ssyncadd.s32 $0xFFFFEC00  }
0x4b: {  	_ =	swait.ge @!p1 [sflag:s0], $0x4000  }
0x4c: {  	[sflag:s0] =	ssyncset.done @!p1 $0x0  }
0x4d: {  	s4 =	simm.s32 $0x100;
	[sflag:s0] =	ssyncadd.s32 @!p1 $0xFFFFC000  }
0x4e: {  	v9 =	vld [tilespmem:s4+$0xFFFFFF80];
	_ =	sdelay $0x4  }
0x4f: {  	v10 =	vshrl.u32 v9, $0xE  }
0x50: {  	v9 =	vand.u32 $0x3FFF, v9;
	[tilespmem:$0x1480] =	vst v10  }
0x51: {  	[tilespmem:$0x1580] =	vst v9  }
0x52: {  	v9 =	vld [tilespmem:s4+$0xFFFFFF90];
	_ =	sdelay $0x4  }
0x53: {  	v10 =	vshrl.u32 v9, $0xE  }
0x54: {  	v9 =	vand.u32 $0x3FFF, v9;
	[tilespmem:$0x1490] =	vst v10  }
0x55: {  	[tilespmem:$0x1590] =	vst v9  }
0x56: {  	v9 =	vld [tilespmem:s4+$0xFFFFFFA0];
	_ =	sdelay $0x4  }
0x57: {  	v10 =	vand.u32 $0x3FFF, v9  }
0x58: {  	v9 =	vshrl.u32 v9, $0xE;
	[tilespmem:$0x15A0] =	vst v10  }
0x59: {  	[tilespmem:$0x14A0] =	vst v9  }
0x5a: {  	v9 =	vld [tilespmem:s4+$0xFFFFFFB0];
	_ =	sdelay $0x4  }
0x5b: {  	v10 =	vshrl.u32 v9, $0xE  }
0x5c: {  	v9 =	vand.u32 $0x3FFF, v9;
	[tilespmem:$0x14B0] =	vst v10  }
0x5d: {  	[tilespmem:$0x15B0] =	vst v9  }
0x5e: {  	v9 =	vld [tilespmem:s4+$0xFFFFFFC0];
	_ =	sdelay $0x4  }
0x5f: {  	v10 =	vshrl.u32 v9, $0xE  }
0x60: {  	v9 =	vand.u32 $0x3FFF, v9;
	[tilespmem:$0x14C0] =	vst v10  }
0x61: {  	[tilespmem:$0x15C0] =	vst v9  }
0x62: {  	v9 =	vld [tilespmem:s4+$0xFFFFFFD0];
	_ =	sdelay $0x4  }
0x63: {  	v10 =	vand.u32 $0x3FFF, v9  }
0x64: {  	v9 =	vshrl.u32 v9, $0xE;
	[tilespmem:$0x15D0] =	vst v10  }
0x65: {  	[tilespmem:$0x14D0] =	vst v9  }
0x66: {  	v9 =	vld [tilespmem:s4+$0xFFFFFFE0];
	_ =	sdelay $0x4  }
0x67: {  	v10 =	vand.u32 $0x3FFF, v9  }
0x68: {  	v9 =	vshrl.u32 v9, $0xE;
	[tilespmem:$0x15E0] =	vst v10  }
0x69: {  	[tilespmem:$0x14E0] =	vst v9  }
0x6a: {  	v9 =	vld [tilespmem:s4+$0xFFFFFFF0];
	_ =	sdelay $0x4  }
0x6b: {  	v10 =	vshrl.u32 v9, $0xE  }
0x6c: {  	p2 =	sle.u32 s6, $0xFFFFFFFF;
	v9 =	vand.u32 $0x3FFF, v9;
	[tilespmem:$0x14F0] =	vst v10  }
0x6d: {  	s15 =	simm.s32 @!p2 $0x1;
	[tilespmem:$0x15F0] =	vst v9  }
0x6e: {  	[tilespmem:s21], [sflag:$0x1] =	stream.indirect.gather [hbm4b:s2+s24], $0x80, s26, s24, $0xb8;
	[tilespmem:$0x1D680] =	vst v63  }
0x6f: {  	_ =	swait.ge @!p2 [sflag:s15], $0x4000  }
0x70: {  	s16 =	simm.s32 @!p2 $0x5680;
	[sflag:s15] =	ssyncset.done @!p2 $0x0  }
0x71: {  	s17 =	simm.s32 @!p2 $0x1600;
	[sflag:s15] =	ssyncadd.s32 @!p2 $0xFFFFC000;
	s15 =	simm.s32 @!p2 $0x80  }
0x72: {  	[spmem:s3] =	stream.indirect.scatter.add.f32 @!p2 [tilespmem:s16], [sflag:$0x2], $0x80, s17, s15, $0xb8;
	[tilespmem:$0x1D680] =	vst v63  }
0x73: {  	_ =	swait.ge @!p1 [sflag:s0], $0x4000  }
0x74: {  	[sflag:s0] =	ssyncset.done @!p1 $0x0  }
0x75: {  	[sflag:s0] =	ssyncadd.s32 @!p1 $0xFFFFC000  }
0x76: {  	v9 =	vld [tilespmem:s4+$0x0];
	_ =	sdelay $0x4  }
0x77: {  	v10 =	vshrl.u32 v9, $0xE  }
0x78: {  	v9 =	vand.u32 $0x3FFF, v9;
	[tilespmem:$0x1500] =	vst v10  }
0x79: {  	[tilespmem:$0x1600] =	vst v9  }
0x7a: {  	v9 =	vld [tilespmem:s4+$0x10];
	_ =	sdelay $0x4  }
0x7b: {  	v10 =	vshrl.u32 v9, $0xE  }
0x7c: {  	v9 =	vand.u32 $0x3FFF, v9;
	[tilespmem:$0x1510] =	vst v10  }
0x7d: {  	[tilespmem:$0x1610] =	vst v9  }
0x7e: {  	v9 =	vld [tilespmem:s4+$0x20];
	_ =	sdelay $0x4  }
0x7f: {  	v10 =	vshrl.u32 v9, $0xE  }
0x80: {  	v9 =	vand.u32 $0x3FFF, v9;
	[tilespmem:$0x1520] =	vst v10  }
0x81: {  	[tilespmem:$0x1620] =	vst v9  }
0x82: {  	v9 =	vld [tilespmem:s4+$0x30];
	_ =	sdelay $0x4  }
0x83: {  	v10 =	vshrl.u32 v9, $0xE  }
0x84: {  	v9 =	vand.u32 $0x3FFF, v9;
	[tilespmem:$0x1530] =	vst v10  }
0x85: {  	[tilespmem:$0x1630] =	vst v9  }
0x86: {  	v9 =	vld [tilespmem:s4+$0x40];
	_ =	sdelay $0x4  }
0x87: {  	v10 =	vshrl.u32 v9, $0xE  }
0x88: {  	v9 =	vand.u32 $0x3FFF, v9;
	[tilespmem:$0x1540] =	vst v10  }
0x89: {  	[tilespmem:$0x1640] =	vst v9  }
0x8a: {  	v9 =	vld [tilespmem:s4+$0x50];
	_ =	sdelay $0x4  }
0x8b: {  	v10 =	vshrl.u32 v9, $0xE  }
0x8c: {  	v9 =	vand.u32 $0x3FFF, v9;
	[tilespmem:$0x1550] =	vst v10  }
0x8d: {  	[tilespmem:$0x1650] =	vst v9  }
0x8e: {  	s23 =	simm.s32 $0x1;
	s0 =	simm.s32 $0x100;
	v9 =	vld [tilespmem:s4+$0x60]  }
.LBB2_4:
0x8f: {  	_ = 	snop  }
0x90: {  	s4 =	sadd.s32 $0x100, s4;
	s15 =	smov.u32 s23;
	s23 =	sadd.s32 $0x2, s23  }
0x91: {  	p1 =	sne.s32 s23, $0x27;
	_ =	sdelay $0x1  }
0x92: {  	v10 =	vshrl.u32 v9, $0xE;
	v9 =	vand.u32 $0x3FFF, v9  }
0x93: {  	[tilespmem:$0x1560] =	vst v10  }
0x94: {  	[tilespmem:$0x1660] =	vst v9  }
0x95: {  	v9 =	vld [tilespmem:s0+$0x70];
	s0 =	smov.u32 s4;
	_ =	sdelay $0x4  }
0x96: {  	v10 =	vshrl.u32 v9, $0xE;
	v9 =	vand.u32 $0x3FFF, v9  }
0x97: {  	[tilespmem:$0x1570] =	vst v10  }
0x98: {  	[tilespmem:$0x1670] =	vst v9  }
0x99: {  	[tilespmem:s29], [sflag:$0x1] =	stream.indirect.gather [hbm4b:s2+s24], $0x80, s28, s24, $0xb8;
	[tilespmem:$0x1D680] =	vst v63  }
0x9a: {  	p2 =	seq.s32 s15, $0xFFFFFFFF;
	_ =	swait.ge [sflag:s30], $0x4000  }
0x9b: {  	s16 =	simm.s32 @!p2 $0x2;
	[sflag:s30] =	ssyncset.done $0x0  }
0x9c: {  	[sflag:s30] =	ssyncadd.s32 $0xFFFFC000  }
0x9d: {  	[spmem:s3] =	stream.indirect.scatter.add.f32 [tilespmem:s21], [sflag:$0x2], $0x80, s31, s24, $0xb8;
	[tilespmem:$0x1D680] =	vst v63  }
0x9e: {  	_ =	swait.ge @!p2 [sflag:s16], $0x4000  }
0x9f: {  	[sflag:s16] =	ssyncset.done @!p2 $0x0  }
0xa0: {  	[sflag:s16] =	ssyncadd.s32 @!p2 $0xFFFFC000  }
0xa1: {  	v9 =	vld [tilespmem:s4+$0xFFFFFF80];
	_ =	sdelay $0x4  }
0xa2: {  	v10 =	vshrl.u32 v9, $0xE;
	v9 =	vand.u32 $0x3FFF, v9  }
0xa3: {  	[tilespmem:$0x1480] =	vst v10  }
0xa4: {  	[tilespmem:$0x1580] =	vst v9  }
0xa5: {  	v9 =	vld [tilespmem:s4+$0xFFFFFF90];
	_ =	sdelay $0x4  }
0xa6: {  	v10 =	vshrl.u32 v9, $0xE;
	v9 =	vand.u32 $0x3FFF, v9  }
0xa7: {  	[tilespmem:$0x1490] =	vst v10  }
0xa8: {  	[tilespmem:$0x1590] =	vst v9  }
0xa9: {  	v9 =	vld [tilespmem:s4+$0xFFFFFFA0];
	_ =	sdelay $0x4  }
0xaa: {  	v10 =	vshrl.u32 v9, $0xE;
	v9 =	vand.u32 $0x3FFF, v9  }
0xab: {  	[tilespmem:$0x15A0] =	vst v9  }
0xac: {  	[tilespmem:$0x14A0] =	vst v10  }
0xad: {  	v9 =	vld [tilespmem:s4+$0xFFFFFFB0];
	_ =	sdelay $0x4  }
0xae: {  	v10 =	vshrl.u32 v9, $0xE;
	v9 =	vand.u32 $0x3FFF, v9  }
0xaf: {  	[tilespmem:$0x14B0] =	vst v10  }
0xb0: {  	[tilespmem:$0x15B0] =	vst v9  }
0xb1: {  	v9 =	vld [tilespmem:s4+$0xFFFFFFC0];
	_ =	sdelay $0x4  }
0xb2: {  	v10 =	vshrl.u32 v9, $0xE;
	v9 =	vand.u32 $0x3FFF, v9  }
0xb3: {  	[tilespmem:$0x14C0] =	vst v10  }
0xb4: {  	[tilespmem:$0x15C0] =	vst v9  }
0xb5: {  	v9 =	vld [tilespmem:s4+$0xFFFFFFD0];
	_ =	sdelay $0x4  }
0xb6: {  	v10 =	vshrl.u32 v9, $0xE;
	v9 =	vand.u32 $0x3FFF, v9  }
0xb7: {  	[tilespmem:$0x15D0] =	vst v9  }
0xb8: {  	[tilespmem:$0x14D0] =	vst v10  }
0xb9: {  	v9 =	vld [tilespmem:s4+$0xFFFFFFE0];
	_ =	sdelay $0x4  }
0xba: {  	v10 =	vshrl.u32 v9, $0xE;
	v9 =	vand.u32 $0x3FFF, v9  }
0xbb: {  	[tilespmem:$0x15E0] =	vst v9  }
0xbc: {  	[tilespmem:$0x14E0] =	vst v10  }
0xbd: {  	v9 =	vld [tilespmem:s4+$0xFFFFFFF0];
	_ =	sdelay $0x4  }
0xbe: {  	v10 =	vshrl.u32 v9, $0xE;
	v9 =	vand.u32 $0x3FFF, v9  }
0xbf: {  	p3 =	sge.u32 s15, s6;
	[tilespmem:$0x14F0] =	vst v10  }
0xc0: {  	s15 =	simm.s32 @!p3 $0x1;
	[tilespmem:$0x15F0] =	vst v9  }
0xc1: {  	[tilespmem:s21], [sflag:$0x1] =	stream.indirect.gather [hbm4b:s2+s24], $0x80, s26, s24, $0xb8;
	[tilespmem:$0x1D680] =	vst v63  }
0xc2: {  	_ =	swait.ge @!p3 [sflag:s15], $0x4000  }
0xc3: {  	s17 =	simm.s32 @!p3 $0x5680;
	[sflag:s15] =	ssyncset.done @!p3 $0x0  }
0xc4: {  	s18 =	simm.s32 @!p3 $0x1600;
	[sflag:s15] =	ssyncadd.s32 @!p3 $0xFFFFC000;
	s15 =	simm.s32 @!p3 $0x80  }
0xc5: {  	[spmem:s3] =	stream.indirect.scatter.add.f32 @!p3 [tilespmem:s17], [sflag:$0x2], $0x80, s18, s15, $0xb8;
	[tilespmem:$0x1D680] =	vst v63  }
0xc6: {  	_ =	swait.ge @!p2 [sflag:s16], $0x4000  }
0xc7: {  	[sflag:s16] =	ssyncset.done @!p2 $0x0  }
0xc8: {  	[sflag:s16] =	ssyncadd.s32 @!p2 $0xFFFFC000  }
0xc9: {  	v9 =	vld [tilespmem:s4+$0x0];
	_ =	sdelay $0x4  }
0xca: {  	v10 =	vshrl.u32 v9, $0xE;
	v9 =	vand.u32 $0x3FFF, v9  }
0xcb: {  	[tilespmem:$0x1500] =	vst v10  }
0xcc: {  	[tilespmem:$0x1600] =	vst v9  }
0xcd: {  	v9 =	vld [tilespmem:s4+$0x10];
	_ =	sdelay $0x4  }
0xce: {  	v10 =	vshrl.u32 v9, $0xE;
	v9 =	vand.u32 $0x3FFF, v9  }
0xcf: {  	[tilespmem:$0x1510] =	vst v10  }
0xd0: {  	[tilespmem:$0x1610] =	vst v9  }
0xd1: {  	v9 =	vld [tilespmem:s4+$0x20];
	_ =	sdelay $0x4  }
0xd2: {  	v10 =	vshrl.u32 v9, $0xE;
	v9 =	vand.u32 $0x3FFF, v9  }
0xd3: {  	[tilespmem:$0x1520] =	vst v10  }
0xd4: {  	[tilespmem:$0x1620] =	vst v9  }
0xd5: {  	v9 =	vld [tilespmem:s4+$0x30];
	_ =	sdelay $0x4  }
0xd6: {  	v10 =	vshrl.u32 v9, $0xE;
	v9 =	vand.u32 $0x3FFF, v9  }
0xd7: {  	[tilespmem:$0x1530] =	vst v10  }
0xd8: {  	[tilespmem:$0x1630] =	vst v9  }
0xd9: {  	v9 =	vld [tilespmem:s4+$0x40];
	_ =	sdelay $0x4  }
0xda: {  	v10 =	vshrl.u32 v9, $0xE;
	v9 =	vand.u32 $0x3FFF, v9  }
0xdb: {  	[tilespmem:$0x1540] =	vst v10  }
0xdc: {  	[tilespmem:$0x1640] =	vst v9  }
0xdd: {  	v9 =	vld [tilespmem:s4+$0x50];
	_ =	sdelay $0x3  }
.Ltmp1:
0xde: {  	(pc) =	sbr.rel @p1 .LBB2_4-.Ltmp1, $4  }
0xdf: {  	v10 =	vshrl.u32 v9, $0xE;
	v9 =	vand.u32 $0x3FFF, v9  }
0xe0: {  	[tilespmem:$0x1550] =	vst v10  }
0xe1: {  	[tilespmem:$0x1650] =	vst v9  }
0xe2: {  	v9 =	vld [tilespmem:s4+$0x60]  }
0xe3: {  	_ =	sdelay $0x3  }
0xe4: {  	v10 =	vshrl.u32 v9, $0xE  }
0xe5: {  	v9 =	vand.u32 $0x3FFF, v9;
	[tilespmem:$0x1560] =	vst v10  }
0xe6: {  	[tilespmem:$0x1660] =	vst v9  }
0xe7: {  	v9 =	vld [tilespmem:s0+$0x70];
	_ =	sdelay $0x4  }
0xe8: {  	v10 =	vshrl.u32 v9, $0xE  }
0xe9: {  	v9 =	vand.u32 $0x3FFF, v9;
	[tilespmem:$0x1570] =	vst v10  }
0xea: {  	[tilespmem:$0x1670] =	vst v9  }
0xeb: {  	[tilespmem:s29], [sflag:$0x1] =	stream.indirect.gather [hbm4b:s2+s24], $0x80, s28, s24, $0xb8;
	[tilespmem:$0x1D680] =	vst v63  }
0xec: {  	_ =	swait.ge [sflag:s30], $0x4000  }
0xed: {  	[sflag:s30] =	ssyncset.done $0x0  }
0xee: {  	[sflag:s30] =	ssyncadd.s32 $0xFFFFC000  }
0xef: {  	[spmem:s3] =	stream.indirect.scatter.add.f32 [tilespmem:s21], [sflag:$0x2], $0x80, s31, s24, $0xb8;
	[tilespmem:$0x1D680] =	vst v63  }
0xf0: {  	s4 =	simm.s32 @!p0 $0x80;
	s0 =	simm.s32 @!p0 $0x28  }
0xf1: {  	[tilespmem:s4], [sflag:$0x3] =	stream.indirect.gather @!p0 [hbm4b:s10+s0], $0x80, s0, s0, $0xb8;
	[tilespmem:$0x1D680] =	vst v63  }
0xf2: {  	s0 =	simm.s32 @!p0 $0x3  }
0xf3: {  	_ =	swait.ge @!p0 [sflag:s0], $0x1400  }
0xf4: {  	p1 =	sle.u32 s12, $0x0;
	[sflag:s0] =	ssyncset.done @!p0 $0x0  }
0xf5: {  	[sflag:s0] =	ssyncadd.s32 @!p0 $0xFFFFEC00;
	s0 =	simm.s32 @!p1 $0x2  }
0xf6: {  	_ =	swait.ge @!p1 [sflag:s0], $0x4000  }
0xf7: {  	[sflag:s0] =	ssyncset.done @!p1 $0x0  }
0xf8: {  	s4 =	simm.s32 $0x100;
	[sflag:s0] =	ssyncadd.s32 @!p1 $0xFFFFC000;
	p1 =	sle.u32 s13, $0x0  }
0xf9: {  	v9 =	vld @!p1 [tilespmem:s4+$0xFFFFFF80];
	_ =	sdelay $0x4  }
0xfa: {  	v10 =	vshrl.u32 @!p1 v9, $0xE  }
0xfb: {  	v9 =	vand.u32 @!p1 $0x3FFF, v9;
	[tilespmem:$0x1480] =	vst @!p1 v10  }
0xfc: {  	[tilespmem:$0x1580] =	vst @!p1 v9  }
0xfd: {  	v9 =	vld @!p1 [tilespmem:s4+$0xFFFFFF90];
	_ =	sdelay $0x4  }
0xfe: {  	v10 =	vshrl.u32 @!p1 v9, $0xE  }
0xff: {  	v9 =	vand.u32 @!p1 $0x3FFF, v9;
	[tilespmem:$0x1490] =	vst @!p1 v10  }
0x100: {  	[tilespmem:$0x1590] =	vst @!p1 v9  }
0x101: {  	v9 =	vld @!p1 [tilespmem:s4+$0xFFFFFFA0];
	_ =	sdelay $0x4  }
0x102: {  	v10 =	vshrl.u32 @!p1 v9, $0xE  }
0x103: {  	v9 =	vand.u32 @!p1 $0x3FFF, v9;
	[tilespmem:$0x14A0] =	vst @!p1 v10  }
0x104: {  	[tilespmem:$0x15A0] =	vst @!p1 v9  }
0x105: {  	v9 =	vld @!p1 [tilespmem:s4+$0xFFFFFFB0];
	_ =	sdelay $0x4  }
0x106: {  	v10 =	vshrl.u32 @!p1 v9, $0xE  }
0x107: {  	v9 =	vand.u32 @!p1 $0x3FFF, v9;
	[tilespmem:$0x14B0] =	vst @!p1 v10  }
0x108: {  	[tilespmem:$0x15B0] =	vst @!p1 v9  }
0x109: {  	v9 =	vld @!p1 [tilespmem:s4+$0xFFFFFFC0];
	_ =	sdelay $0x4  }
0x10a: {  	v10 =	vshrl.u32 @!p1 v9, $0xE  }
0x10b: {  	v9 =	vand.u32 @!p1 $0x3FFF, v9;
	[tilespmem:$0x14C0] =	vst @!p1 v10  }
0x10c: {  	[tilespmem:$0x15C0] =	vst @!p1 v9  }
0x10d: {  	v9 =	vld @!p1 [tilespmem:s4+$0xFFFFFFD0];
	_ =	sdelay $0x4  }
0x10e: {  	v10 =	vshrl.u32 @!p1 v9, $0xE  }
0x10f: {  	v9 =	vand.u32 @!p1 $0x3FFF, v9;
	[tilespmem:$0x14D0] =	vst @!p1 v10  }
0x110: {  	[tilespmem:$0x15D0] =	vst @!p1 v9  }
0x111: {  	v9 =	vld @!p1 [tilespmem:s4+$0xFFFFFFE0];
	_ =	sdelay $0x4  }
0x112: {  	v10 =	vshrl.u32 @!p1 v9, $0xE  }
0x113: {  	v9 =	vand.u32 @!p1 $0x3FFF, v9;
	[tilespmem:$0x14E0] =	vst @!p1 v10  }
0x114: {  	[tilespmem:$0x15E0] =	vst @!p1 v9  }
0x115: {  	v9 =	vld @!p1 [tilespmem:s4+$0xFFFFFFF0];
	_ =	sdelay $0x4  }
0x116: {  	p2 =	sle.u32 s14, $0x0;
	v10 =	vshrl.u32 @!p1 v9, $0xE  }
0x117: {  	s17 =	simm.s32 @!p2 $0x1;
	v9 =	vand.u32 @!p1 $0x3FFF, v9;
	[tilespmem:$0x14F0] =	vst @!p1 v10  }
0x118: {  	s15 =	simm.s32 @!p1 $0x1680;
	s16 =	simm.s32 @!p1 $0x80;
	s0 =	simm.s32 @!p1 $0x1480;
	[tilespmem:$0x15F0] =	vst @!p1 v9  }
0x119: {  	[tilespmem:s15], [sflag:$0x1] =	stream.indirect.gather @!p1 [hbm4b:s2+s16], $0x80, s0, s16, $0xb8;
	[tilespmem:$0x1D680] =	vst v63  }
0x11a: {  	_ =	swait.ge @!p2 [sflag:s17], $0x4000  }
0x11b: {  	s18 =	simm.s32 @!p2 $0x2;
	s23 =	simm.s32 @!p2 $0x1600;
	[sflag:s17] =	ssyncset.done @!p2 $0x0  }
0x11c: {  	s0 =	simm.s32 @!p2 $0x5680;
	[sflag:s17] =	ssyncadd.s32 @!p2 $0xFFFFC000;
	s17 =	simm.s32 @!p2 $0x80  }
0x11d: {  	[spmem:s3] =	stream.indirect.scatter.add.f32 @!p2 [tilespmem:s0], [sflag:$0x2], $0x80, s23, s17, $0xb8;
	[tilespmem:$0x1D680] =	vst v63  }
0x11e: {  	_ =	swait.ge @!p2 [sflag:s18], $0x4000  }
0x11f: {  	[sflag:s18] =	ssyncset.done @!p2 $0x0  }
0x120: {  	p3 =	sle.u32 s6, $0x29;
	[sflag:s18] =	ssyncadd.s32 @!p2 $0xFFFFC000  }
0x121: {  	v9 =	vld @!p3 [tilespmem:s4+$0x0];
	_ =	sdelay $0x4  }
0x122: {  	v10 =	vshrl.u32 @!p3 v9, $0xE  }
0x123: {  	v9 =	vand.u32 @!p3 $0x3FFF, v9;
	[tilespmem:$0x1500] =	vst @!p3 v10  }
0x124: {  	[tilespmem:$0x1600] =	vst @!p3 v9  }
0x125: {  	v9 =	vld @!p3 [tilespmem:s4+$0x10];
	_ =	sdelay $0x4  }
0x126: {  	v10 =	vshrl.u32 @!p3 v9, $0xE  }
0x127: {  	v9 =	vand.u32 @!p3 $0x3FFF, v9;
	[tilespmem:$0x1510] =	vst @!p3 v10  }
0x128: {  	[tilespmem:$0x1610] =	vst @!p3 v9  }
0x129: {  	v9 =	vld @!p3 [tilespmem:s4+$0x20];
	_ =	sdelay $0x4  }
0x12a: {  	v10 =	vshrl.u32 @!p3 v9, $0xE  }
0x12b: {  	v9 =	vand.u32 @!p3 $0x3FFF, v9;
	[tilespmem:$0x1520] =	vst @!p3 v10  }
0x12c: {  	[tilespmem:$0x1620] =	vst @!p3 v9  }
0x12d: {  	v9 =	vld @!p3 [tilespmem:s4+$0x30];
	_ =	sdelay $0x4  }
0x12e: {  	v10 =	vshrl.u32 @!p3 v9, $0xE  }
0x12f: {  	v9 =	vand.u32 @!p3 $0x3FFF, v9;
	[tilespmem:$0x1530] =	vst @!p3 v10  }
0x130: {  	[tilespmem:$0x1630] =	vst @!p3 v9  }
0x131: {  	v9 =	vld @!p3 [tilespmem:s4+$0x40];
	_ =	sdelay $0x4  }
0x132: {  	v10 =	vshrl.u32 @!p3 v9, $0xE  }
0x133: {  	v9 =	vand.u32 @!p3 $0x3FFF, v9;
	[tilespmem:$0x1540] =	vst @!p3 v10  }
0x134: {  	[tilespmem:$0x1640] =	vst @!p3 v9  }
0x135: {  	v9 =	vld @!p3 [tilespmem:s4+$0x50];
	_ =	sdelay $0x4  }
0x136: {  	v10 =	vshrl.u32 @!p3 v9, $0xE  }
0x137: {  	v9 =	vand.u32 @!p3 $0x3FFF, v9;
	[tilespmem:$0x1550] =	vst @!p3 v10  }
0x138: {  	[tilespmem:$0x1650] =	vst @!p3 v9  }
0x139: {  	s23 =	simm.s32 $0x2;
	s0 =	simm.s32 $0x100;
	v9 =	vld @!p3 [tilespmem:s4+$0x60]  }
.LBB2_6:
0x13a: {  	_ =	sdelay $0x1  }
0x13b: {  	s4 =	sadd.s32 $0x100, s4;
	s17 =	smov.u32 s23;
	s23 =	sadd.s32 $0x2, s23  }
0x13c: {  	p2 =	sne.s32 s23, $0x28  }
0x13d: {  	v10 =	vshrl.u32 @!p3 v9, $0xE;
	v9 =	vand.u32 @!p3 $0x3FFF, v9  }
0x13e: {  	[tilespmem:$0x1560] =	vst @!p3 v10  }
0x13f: {  	[tilespmem:$0x1660] =	vst @!p3 v9  }
0x140: {  	v9 =	vld @!p3 [tilespmem:s0+$0x70];
	s0 =	smov.u32 s4;
	_ =	sdelay $0x4  }
0x141: {  	v10 =	vshrl.u32 @!p3 v9, $0xE;
	v9 =	vand.u32 @!p3 $0x3FFF, v9  }
0x142: {  	s18 =	simm.s32 @!p1 $0x1;
	[tilespmem:$0x1570] =	vst @!p3 v10  }
0x143: {  	s19 =	simm.s32 @!p3 $0x80;
	s20 =	simm.s32 @!p3 $0x1500;
	s25 =	simm.s32 @!p3 $0x5680;
	[tilespmem:$0x1670] =	vst @!p3 v9  }
0x144: {  	[tilespmem:s25], [sflag:$0x1] =	stream.indirect.gather @!p3 [hbm4b:s2+s19], $0x80, s20, s19, $0xb8;
	[tilespmem:$0x1D680] =	vst v63  }
0x145: {  	_ =	swait.ge @!p1 [sflag:s18], $0x4000  }
0x146: {  	p3 =	sge.u32 s17, s12;
	[sflag:s18] =	ssyncset.done @!p1 $0x0  }
0x147: {  	s19 =	simm.s32 @!p3 $0x2;
	[sflag:s18] =	ssyncadd.s32 @!p1 $0xFFFFC000;
	s18 =	simm.s32 @!p1 $0x1580  }
0x148: {  	[spmem:s3] =	stream.indirect.scatter.add.f32 @!p1 [tilespmem:s15], [sflag:$0x2], $0x80, s18, s16, $0xb8;
	[tilespmem:$0x1D680] =	vst v63  }
0x149: {  	_ =	swait.ge @!p3 [sflag:s19], $0x4000  }
0x14a: {  	[sflag:s19] =	ssyncset.done @!p3 $0x0  }
0x14b: {  	p1 =	sge.u32 s17, s13;
	[sflag:s19] =	ssyncadd.s32 @!p3 $0xFFFFC000  }
0x14c: {  	v9 =	vld @!p1 [tilespmem:s4+$0xFFFFFF80];
	_ =	sdelay $0x4  }
0x14d: {  	v10 =	vshrl.u32 @!p1 v9, $0xE;
	v9 =	vand.u32 @!p1 $0x3FFF, v9  }
0x14e: {  	[tilespmem:$0x1480] =	vst @!p1 v10  }
0x14f: {  	[tilespmem:$0x1580] =	vst @!p1 v9  }
0x150: {  	v9 =	vld @!p1 [tilespmem:s4+$0xFFFFFF90];
	_ =	sdelay $0x4  }
0x151: {  	v10 =	vshrl.u32 @!p1 v9, $0xE;
	v9 =	vand.u32 @!p1 $0x3FFF, v9  }
0x152: {  	[tilespmem:$0x1490] =	vst @!p1 v10  }
0x153: {  	[tilespmem:$0x1590] =	vst @!p1 v9  }
0x154: {  	v9 =	vld @!p1 [tilespmem:s4+$0xFFFFFFA0];
	_ =	sdelay $0x4  }
0x155: {  	v10 =	vshrl.u32 @!p1 v9, $0xE;
	v9 =	vand.u32 @!p1 $0x3FFF, v9  }
0x156: {  	[tilespmem:$0x14A0] =	vst @!p1 v10  }
0x157: {  	[tilespmem:$0x15A0] =	vst @!p1 v9  }
0x158: {  	v9 =	vld @!p1 [tilespmem:s4+$0xFFFFFFB0];
	_ =	sdelay $0x4  }
0x159: {  	v10 =	vshrl.u32 @!p1 v9, $0xE;
	v9 =	vand.u32 @!p1 $0x3FFF, v9  }
0x15a: {  	[tilespmem:$0x14B0] =	vst @!p1 v10  }
0x15b: {  	[tilespmem:$0x15B0] =	vst @!p1 v9  }
0x15c: {  	v9 =	vld @!p1 [tilespmem:s4+$0xFFFFFFC0];
	_ =	sdelay $0x4  }
0x15d: {  	v10 =	vshrl.u32 @!p1 v9, $0xE;
	v9 =	vand.u32 @!p1 $0x3FFF, v9  }
0x15e: {  	[tilespmem:$0x14C0] =	vst @!p1 v10  }
0x15f: {  	[tilespmem:$0x15C0] =	vst @!p1 v9  }
0x160: {  	v9 =	vld @!p1 [tilespmem:s4+$0xFFFFFFD0];
	_ =	sdelay $0x4  }
0x161: {  	v10 =	vshrl.u32 @!p1 v9, $0xE;
	v9 =	vand.u32 @!p1 $0x3FFF, v9  }
0x162: {  	[tilespmem:$0x14D0] =	vst @!p1 v10  }
0x163: {  	[tilespmem:$0x15D0] =	vst @!p1 v9  }
0x164: {  	v9 =	vld @!p1 [tilespmem:s4+$0xFFFFFFE0];
	_ =	sdelay $0x4  }
0x165: {  	v10 =	vshrl.u32 @!p1 v9, $0xE;
	v9 =	vand.u32 @!p1 $0x3FFF, v9  }
0x166: {  	[tilespmem:$0x14E0] =	vst @!p1 v10  }
0x167: {  	[tilespmem:$0x15E0] =	vst @!p1 v9  }
0x168: {  	v9 =	vld @!p1 [tilespmem:s4+$0xFFFFFFF0];
	_ =	sdelay $0x4  }
0x169: {  	v10 =	vshrl.u32 @!p1 v9, $0xE;
	v9 =	vand.u32 @!p1 $0x3FFF, v9  }
0x16a: {  	s15 =	simm.s32 @!p1 $0x1680;
	p3 =	sge.u32 s17, s14;
	[tilespmem:$0x14F0] =	vst @!p1 v10  }
0x16b: {  	s16 =	simm.s32 @!p1 $0x80;
	s18 =	simm.s32 @!p1 $0x1480;
	s19 =	simm.s32 @!p3 $0x1;
	[tilespmem:$0x15F0] =	vst @!p1 v9  }
0x16c: {  	[tilespmem:s15], [sflag:$0x1] =	stream.indirect.gather @!p1 [hbm4b:s2+s16], $0x80, s18, s16, $0xb8;
	[tilespmem:$0x1D680] =	vst v63  }
0x16d: {  	_ =	swait.ge @!p3 [sflag:s19], $0x4000  }
0x16e: {  	s20 =	simm.s32 @!p3 $0x2;
	s18 =	simm.s32 @!p3 $0x5680;
	[sflag:s19] =	ssyncset.done @!p3 $0x0  }
0x16f: {  	s25 =	simm.s32 @!p3 $0x1600;
	[sflag:s19] =	ssyncadd.s32 @!p3 $0xFFFFC000;
	s19 =	simm.s32 @!p3 $0x80  }
0x170: {  	[spmem:s3] =	stream.indirect.scatter.add.f32 @!p3 [tilespmem:s18], [sflag:$0x2], $0x80, s25, s19, $0xb8;
	[tilespmem:$0x1D680] =	vst v63  }
0x171: {  	_ =	swait.ge @!p3 [sflag:s20], $0x4000  }
0x172: {  	s17 =	sadd.s32 $0x29, s17;
	[sflag:s20] =	ssyncset.done @!p3 $0x0  }
0x173: {  	[sflag:s20] =	ssyncadd.s32 @!p3 $0xFFFFC000;
	p3 =	sge.u32 s17, s6  }
0x174: {  	v9 =	vld @!p3 [tilespmem:s4+$0x0];
	_ =	sdelay $0x4  }
0x175: {  	v10 =	vshrl.u32 @!p3 v9, $0xE;
	v9 =	vand.u32 @!p3 $0x3FFF, v9  }
0x176: {  	[tilespmem:$0x1500] =	vst @!p3 v10  }
0x177: {  	[tilespmem:$0x1600] =	vst @!p3 v9  }
0x178: {  	v9 =	vld @!p3 [tilespmem:s4+$0x10];
	_ =	sdelay $0x4  }
0x179: {  	v10 =	vshrl.u32 @!p3 v9, $0xE;
	v9 =	vand.u32 @!p3 $0x3FFF, v9  }
0x17a: {  	[tilespmem:$0x1510] =	vst @!p3 v10  }
0x17b: {  	[tilespmem:$0x1610] =	vst @!p3 v9  }
0x17c: {  	v9 =	vld @!p3 [tilespmem:s4+$0x20];
	_ =	sdelay $0x4  }
0x17d: {  	v10 =	vshrl.u32 @!p3 v9, $0xE;
	v9 =	vand.u32 @!p3 $0x3FFF, v9  }
0x17e: {  	[tilespmem:$0x1520] =	vst @!p3 v10  }
0x17f: {  	[tilespmem:$0x1620] =	vst @!p3 v9  }
0x180: {  	v9 =	vld @!p3 [tilespmem:s4+$0x30];
	_ =	sdelay $0x4  }
0x181: {  	v10 =	vshrl.u32 @!p3 v9, $0xE;
	v9 =	vand.u32 @!p3 $0x3FFF, v9  }
0x182: {  	[tilespmem:$0x1530] =	vst @!p3 v10  }
0x183: {  	[tilespmem:$0x1630] =	vst @!p3 v9  }
0x184: {  	v9 =	vld @!p3 [tilespmem:s4+$0x40];
	_ =	sdelay $0x4  }
0x185: {  	v10 =	vshrl.u32 @!p3 v9, $0xE;
	v9 =	vand.u32 @!p3 $0x3FFF, v9  }
0x186: {  	[tilespmem:$0x1540] =	vst @!p3 v10  }
0x187: {  	[tilespmem:$0x1640] =	vst @!p3 v9  }
0x188: {  	v9 =	vld @!p3 [tilespmem:s4+$0x50];
	_ =	sdelay $0x3  }
.Ltmp2:
0x189: {  	(pc) =	sbr.rel @p2 .LBB2_6-.Ltmp2, $4  }
0x18a: {  	v10 =	vshrl.u32 @!p3 v9, $0xE;
	v9 =	vand.u32 @!p3 $0x3FFF, v9  }
0x18b: {  	[tilespmem:$0x1550] =	vst @!p3 v10  }
0x18c: {  	[tilespmem:$0x1650] =	vst @!p3 v9  }
0x18d: {  	v9 =	vld @!p3 [tilespmem:s4+$0x60]  }
0x18e: {  	_ =	sdelay $0x3  }
0x18f: {  	v10 =	vshrl.u32 @!p3 v9, $0xE  }
0x190: {  	v9 =	vand.u32 @!p3 $0x3FFF, v9;
	[tilespmem:$0x1560] =	vst @!p3 v10  }
0x191: {  	[tilespmem:$0x1660] =	vst @!p3 v9  }
0x192: {  	v9 =	vld @!p3 [tilespmem:s0+$0x70];
	_ =	sdelay $0x4  }
0x193: {  	v10 =	vshrl.u32 @!p3 v9, $0xE  }
0x194: {  	s4 =	simm.s32 @!p3 $0x80;
	v9 =	vand.u32 @!p3 $0x3FFF, v9;
	[tilespmem:$0x1570] =	vst @!p3 v10  }
0x195: {  	s17 =	simm.s32 @!p3 $0x1500;
	s18 =	simm.s32 @!p3 $0x5680;
	s0 =	simm.s32 @!p1 $0x1;
	[tilespmem:$0x1670] =	vst @!p3 v9  }
0x196: {  	[tilespmem:s18], [sflag:$0x1] =	stream.indirect.gather @!p3 [hbm4b:s2+s4], $0x80, s17, s4, $0xb8;
	[tilespmem:$0x1D680] =	vst v63  }
0x197: {  	_ =	swait.ge @!p1 [sflag:s0], $0x4000  }
0x198: {  	[sflag:s0] =	ssyncset.done @!p1 $0x0  }
0x199: {  	[sflag:s0] =	ssyncadd.s32 @!p1 $0xFFFFC000;
	s0 =	simm.s32 @!p1 $0x1580  }
0x19a: {  	[spmem:s3] =	stream.indirect.scatter.add.f32 @!p1 [tilespmem:s15], [sflag:$0x2], $0x80, s0, s16, $0xb8;
	[tilespmem:$0x1D680] =	vst v63  }
0x19b: {  	s4 =	simm.s32 @!p0 $0x50;
	s0 =	simm.s32 @!p0 $0x28;
	s15 =	simm.s32 @!p0 $0x80  }
0x19c: {  	[tilespmem:s15], [sflag:$0x3] =	stream.indirect.gather @!p0 [hbm4b:s10+s0], $0x80, s4, s0, $0xb8;
	[tilespmem:$0x1D680] =	vst v63  }
0x19d: {  	s0 =	simm.s32 @!p0 $0x3  }
0x19e: {  	_ =	swait.ge @!p0 [sflag:s0], $0x1400  }
0x19f: {  	p2 =	sle.u32 s6, $0x4E;
	[sflag:s0] =	ssyncset.done @!p0 $0x0  }
0x1a0: {  	[sflag:s0] =	ssyncadd.s32 @!p0 $0xFFFFEC00;
	s0 =	simm.s32 @!p2 $0x2  }
0x1a1: {  	_ =	swait.ge @!p2 [sflag:s0], $0x4000  }
0x1a2: {  	p6 =	sle.u32 s6, $0x50;
	[sflag:s0] =	ssyncset.done @!p2 $0x0  }
0x1a3: {  	p1 =	por p6, p6;
	s4 =	simm.s32 $0x100;
	[sflag:s0] =	ssyncadd.s32 @!p2 $0xFFFFC000  }
0x1a4: {  	v9 =	vld @!p1 [tilespmem:s4+$0xFFFFFF80];
	_ =	sdelay $0x4  }
0x1a5: {  	v10 =	vshrl.u32 @!p1 v9, $0xE  }
0x1a6: {  	v9 =	vand.u32 @!p1 $0x3FFF, v9;
	[tilespmem:$0x1480] =	vst @!p1 v10  }
0x1a7: {  	[tilespmem:$0x1580] =	vst @!p1 v9  }
0x1a8: {  	v9 =	vld @!p1 [tilespmem:s4+$0xFFFFFF90];
	_ =	sdelay $0x4  }
0x1a9: {  	v10 =	vshrl.u32 @!p1 v9, $0xE  }
0x1aa: {  	v9 =	vand.u32 @!p1 $0x3FFF, v9;
	[tilespmem:$0x1490] =	vst @!p1 v10  }
0x1ab: {  	[tilespmem:$0x1590] =	vst @!p1 v9  }
0x1ac: {  	v9 =	vld @!p1 [tilespmem:s4+$0xFFFFFFA0];
	_ =	sdelay $0x4  }
0x1ad: {  	v10 =	vand.u32 @!p1 $0x3FFF, v9  }
0x1ae: {  	v9 =	vshrl.u32 @!p1 v9, $0xE;
	[tilespmem:$0x15A0] =	vst @!p1 v10  }
0x1af: {  	[tilespmem:$0x14A0] =	vst @!p1 v9  }
0x1b0: {  	v9 =	vld @!p1 [tilespmem:s4+$0xFFFFFFB0];
	_ =	sdelay $0x4  }
0x1b1: {  	v10 =	vshrl.u32 @!p1 v9, $0xE  }
0x1b2: {  	v9 =	vand.u32 @!p1 $0x3FFF, v9;
	[tilespmem:$0x14B0] =	vst @!p1 v10  }
0x1b3: {  	[tilespmem:$0x15B0] =	vst @!p1 v9  }
0x1b4: {  	v9 =	vld @!p1 [tilespmem:s4+$0xFFFFFFC0];
	_ =	sdelay $0x4  }
0x1b5: {  	v10 =	vshrl.u32 @!p1 v9, $0xE  }
0x1b6: {  	v9 =	vand.u32 @!p1 $0x3FFF, v9;
	[tilespmem:$0x14C0] =	vst @!p1 v10  }
0x1b7: {  	[tilespmem:$0x15C0] =	vst @!p1 v9  }
0x1b8: {  	v9 =	vld @!p1 [tilespmem:s4+$0xFFFFFFD0];
	_ =	sdelay $0x4  }
0x1b9: {  	v10 =	vshrl.u32 @!p1 v9, $0xE  }
0x1ba: {  	v9 =	vand.u32 @!p1 $0x3FFF, v9;
	[tilespmem:$0x14D0] =	vst @!p1 v10  }
0x1bb: {  	[tilespmem:$0x15D0] =	vst @!p1 v9  }
0x1bc: {  	v9 =	vld @!p1 [tilespmem:s4+$0xFFFFFFE0];
	_ =	sdelay $0x4  }
0x1bd: {  	v10 =	vshrl.u32 @!p1 v9, $0xE  }
0x1be: {  	v9 =	vand.u32 @!p1 $0x3FFF, v9;
	[tilespmem:$0x14E0] =	vst @!p1 v10  }
0x1bf: {  	[tilespmem:$0x15E0] =	vst @!p1 v9  }
0x1c0: {  	v9 =	vld @!p1 [tilespmem:s4+$0xFFFFFFF0];
	_ =	sdelay $0x4  }
0x1c1: {  	v10 =	vshrl.u32 @!p1 v9, $0xE  }
0x1c2: {  	s16 =	simm.s32 @!p1 $0x1680;
	p2 =	sle.u32 s6, $0x4F;
	v9 =	vand.u32 @!p1 $0x3FFF, v9;
	[tilespmem:$0x14F0] =	vst @!p1 v10  }
0x1c3: {  	s15 =	simm.s32 @!p1 $0x80;
	s0 =	simm.s32 @!p1 $0x1480;
	s17 =	simm.s32 @!p2 $0x1;
	[tilespmem:$0x15F0] =	vst @!p1 v9  }
0x1c4: {  	[tilespmem:s16], [sflag:$0x1] =	stream.indirect.gather @!p1 [hbm4b:s2+s15], $0x80, s0, s15, $0xb8;
	[tilespmem:$0x1D680] =	vst v63  }
0x1c5: {  	_ =	swait.ge @!p2 [sflag:s17], $0x4000  }
0x1c6: {  	s18 =	simm.s32 @!p2 $0x5680;
	s19 =	simm.s32 @!p2 $0x80;
	[sflag:s17] =	ssyncset.done @!p2 $0x0  }
0x1c7: {  	s20 =	simm.s32 @!p2 $0x2;
	s0 =	simm.s32 @!p2 $0x1600;
	[sflag:s17] =	ssyncadd.s32 @!p2 $0xFFFFC000  }
0x1c8: {  	[spmem:s3] =	stream.indirect.scatter.add.f32 @!p2 [tilespmem:s18], [sflag:$0x2], $0x80, s0, s19, $0xb8;
	[tilespmem:$0x1D680] =	vst v63  }
0x1c9: {  	_ =	swait.ge @!p2 [sflag:s20], $0x4000  }
0x1ca: {  	[sflag:s20] =	ssyncset.done @!p2 $0x0  }
0x1cb: {  	p3 =	sle.u32 s6, $0x51;
	[sflag:s20] =	ssyncadd.s32 @!p2 $0xFFFFC000  }
0x1cc: {  	v9 =	vld @!p3 [tilespmem:s4+$0x0];
	_ =	sdelay $0x4  }
0x1cd: {  	v10 =	vshrl.u32 @!p3 v9, $0xE  }
0x1ce: {  	v9 =	vand.u32 @!p3 $0x3FFF, v9;
	[tilespmem:$0x1500] =	vst @!p3 v10  }
0x1cf: {  	[tilespmem:$0x1600] =	vst @!p3 v9  }
0x1d0: {  	v9 =	vld @!p3 [tilespmem:s4+$0x10];
	_ =	sdelay $0x4  }
0x1d1: {  	v10 =	vshrl.u32 @!p3 v9, $0xE  }
0x1d2: {  	v9 =	vand.u32 @!p3 $0x3FFF, v9;
	[tilespmem:$0x1510] =	vst @!p3 v10  }
0x1d3: {  	[tilespmem:$0x1610] =	vst @!p3 v9  }
0x1d4: {  	v9 =	vld @!p3 [tilespmem:s4+$0x20];
	_ =	sdelay $0x4  }
0x1d5: {  	v10 =	vshrl.u32 @!p3 v9, $0xE  }
0x1d6: {  	v9 =	vand.u32 @!p3 $0x3FFF, v9;
	[tilespmem:$0x1520] =	vst @!p3 v10  }
0x1d7: {  	[tilespmem:$0x1620] =	vst @!p3 v9  }
0x1d8: {  	v9 =	vld @!p3 [tilespmem:s4+$0x30];
	_ =	sdelay $0x4  }
0x1d9: {  	v10 =	vshrl.u32 @!p3 v9, $0xE  }
0x1da: {  	v9 =	vand.u32 @!p3 $0x3FFF, v9;
	[tilespmem:$0x1530] =	vst @!p3 v10  }
0x1db: {  	[tilespmem:$0x1630] =	vst @!p3 v9  }
0x1dc: {  	v9 =	vld @!p3 [tilespmem:s4+$0x40];
	_ =	sdelay $0x4  }
0x1dd: {  	v10 =	vshrl.u32 @!p3 v9, $0xE  }
0x1de: {  	v9 =	vand.u32 @!p3 $0x3FFF, v9;
	[tilespmem:$0x1540] =	vst @!p3 v10  }
0x1df: {  	s7 =	smov.u32 s9;
	[tilespmem:$0x1640] =	vst @!p3 v9  }
0x1e0: {  	s11 =	smov.u32 s8;
	s23 =	simm.s32 $0x100;
	s0 =	simm.s32 $0x53;
	v9 =	vld @!p3 [tilespmem:s4+$0x50]  }
.LBB2_8:
0x1e1: {  	s4 =	sadd.s32 $0x100, s4;
	s17 =	smov.u32 s0;
	s0 =	sadd.s32 $0x2, s0  }
0x1e2: {  	p2 =	sne.s32 s0, $0x79;
	_ =	sdelay $0x2  }
0x1e3: {  	v10 =	vshrl.u32 @!p3 v9, $0xE;
	v9 =	vand.u32 @!p3 $0x3FFF, v9  }
0x1e4: {  	[tilespmem:$0x1550] =	vst @!p3 v10  }
0x1e5: {  	[tilespmem:$0x1650] =	vst @!p3 v9  }
0x1e6: {  	v9 =	vld @!p3 [tilespmem:s23+$0x60];
	_ =	sdelay $0x4  }
0x1e7: {  	s18 =	simm.s32 @!p3 $0x80;
	s19 =	simm.s32 @!p3 $0x1500;
	s20 =	simm.s32 @!p3 $0x5680;
	v10 =	vshrl.u32 @!p3 v9, $0xE;
	v9 =	vand.u32 @!p3 $0x3FFF, v9  }
0x1e8: {  	s25 =	simm.s32 @!p1 $0x1;
	[tilespmem:$0x1560] =	vst @!p3 v10  }
0x1e9: {  	s8 =	sadd.s32 $0xFFFFFFFD, s17;
	[tilespmem:$0x1660] =	vst @!p3 v9  }
0x1ea: {  	p4 =	sge.u32 s8, s6;
	v9 =	vld @!p3 [tilespmem:s23+$0x70];
	s23 =	smov.u32 s4  }
0x1eb: {  	s9 =	simm.s32 @!p1 $0x1580;
	s8 =	simm.s32 @!p4 $0x2;
	_ =	sdelay $0x2  }
0x1ec: {  	s10 =	sadd.s32 $0xFFFFFFFF, s17  }
0x1ed: {  	p5 =	sge.u32 s10, s6;
	v10 =	vshrl.u32 @!p3 v9, $0xE;
	v9 =	vand.u32 @!p3 $0x3FFF, v9  }
0x1ee: {  	[tilespmem:$0x1570] =	vst @!p3 v10  }
0x1ef: {  	[tilespmem:$0x1670] =	vst @!p3 v9  }
0x1f0: {  	[tilespmem:s20], [sflag:$0x1] =	stream.indirect.gather @!p3 [hbm4b:s2+s18], $0x80, s19, s18, $0xb8;
	[tilespmem:$0x1D680] =	vst v63  }
0x1f1: {  	_ =	swait.ge @!p1 [sflag:s25], $0x4000  }
0x1f2: {  	[sflag:s25] =	ssyncset.done @!p1 $0x0  }
0x1f3: {  	[sflag:s25] =	ssyncadd.s32 @!p1 $0xFFFFC000  }
0x1f4: {  	[spmem:s3] =	stream.indirect.scatter.add.f32 @!p1 [tilespmem:s16], [sflag:$0x2], $0x80, s9, s15, $0xb8;
	[tilespmem:$0x1D680] =	vst v63  }
0x1f5: {  	p1 =	por p5, p5;
	_ =	swait.ge @!p4 [sflag:s8], $0x4000  }
0x1f6: {  	[sflag:s8] =	ssyncset.done @!p4 $0x0  }
0x1f7: {  	[sflag:s8] =	ssyncadd.s32 @!p4 $0xFFFFC000  }
0x1f8: {  	v9 =	vld @!p1 [tilespmem:s4+$0xFFFFFF80];
	_ =	sdelay $0x4  }
0x1f9: {  	v10 =	vshrl.u32 @!p1 v9, $0xE;
	v9 =	vand.u32 @!p1 $0x3FFF, v9  }
0x1fa: {  	[tilespmem:$0x1480] =	vst @!p1 v10  }
0x1fb: {  	[tilespmem:$0x1580] =	vst @!p1 v9  }
0x1fc: {  	v9 =	vld @!p1 [tilespmem:s4+$0xFFFFFF90];
	_ =	sdelay $0x4  }
0x1fd: {  	v10 =	vshrl.u32 @!p1 v9, $0xE;
	v9 =	vand.u32 @!p1 $0x3FFF, v9  }
0x1fe: {  	[tilespmem:$0x1490] =	vst @!p1 v10  }
0x1ff: {  	[tilespmem:$0x1590] =	vst @!p1 v9  }
0x200: {  	v9 =	vld @!p1 [tilespmem:s4+$0xFFFFFFA0];
	_ =	sdelay $0x4  }
0x201: {  	v10 =	vshrl.u32 @!p1 v9, $0xE;
	v9 =	vand.u32 @!p1 $0x3FFF, v9  }
0x202: {  	[tilespmem:$0x15A0] =	vst @!p1 v9  }
0x203: {  	[tilespmem:$0x14A0] =	vst @!p1 v10  }
0x204: {  	v9 =	vld @!p1 [tilespmem:s4+$0xFFFFFFB0];
	_ =	sdelay $0x4  }
0x205: {  	v10 =	vshrl.u32 @!p1 v9, $0xE;
	v9 =	vand.u32 @!p1 $0x3FFF, v9  }
0x206: {  	[tilespmem:$0x14B0] =	vst @!p1 v10  }
0x207: {  	[tilespmem:$0x15B0] =	vst @!p1 v9  }
0x208: {  	v9 =	vld @!p1 [tilespmem:s4+$0xFFFFFFC0];
	_ =	sdelay $0x4  }
0x209: {  	v10 =	vshrl.u32 @!p1 v9, $0xE;
	v9 =	vand.u32 @!p1 $0x3FFF, v9  }
0x20a: {  	[tilespmem:$0x14C0] =	vst @!p1 v10  }
0x20b: {  	[tilespmem:$0x15C0] =	vst @!p1 v9  }
0x20c: {  	v9 =	vld @!p1 [tilespmem:s4+$0xFFFFFFD0];
	_ =	sdelay $0x4  }
0x20d: {  	v10 =	vshrl.u32 @!p1 v9, $0xE;
	v9 =	vand.u32 @!p1 $0x3FFF, v9  }
0x20e: {  	[tilespmem:$0x14D0] =	vst @!p1 v10  }
0x20f: {  	[tilespmem:$0x15D0] =	vst @!p1 v9  }
0x210: {  	v9 =	vld @!p1 [tilespmem:s4+$0xFFFFFFE0];
	_ =	sdelay $0x3  }
0x211: {  	s8 =	sadd.s32 $0xFFFFFFFE, s17  }
0x212: {  	s15 =	simm.s32 @!p1 $0x80;
	s9 =	simm.s32 @!p1 $0x1480;
	p3 =	sge.u32 s8, s6;
	v10 =	vshrl.u32 @!p1 v9, $0xE;
	v9 =	vand.u32 @!p1 $0x3FFF, v9  }
0x213: {  	[tilespmem:$0x14E0] =	vst @!p1 v10  }
0x214: {  	[tilespmem:$0x15E0] =	vst @!p1 v9  }
0x215: {  	v9 =	vld @!p1 [tilespmem:s4+$0xFFFFFFF0];
	_ =	sdelay $0x1  }
0x216: {  	s8 =	simm.s32 @!p3 $0x1;
	s10 =	simm.s32 @!p3 $0x1600;
	s18 =	simm.s32 @!p3 $0x5680  }
0x217: {  	_ =	sdelay $0x1  }
0x218: {  	v10 =	vshrl.u32 @!p1 v9, $0xE;
	v9 =	vand.u32 @!p1 $0x3FFF, v9  }
0x219: {  	s19 =	simm.s32 @!p3 $0x80;
	s20 =	simm.s32 @!p3 $0x2;
	[tilespmem:$0x14F0] =	vst @!p1 v10  }
0x21a: {  	s16 =	simm.s32 @!p1 $0x1680;
	[tilespmem:$0x15F0] =	vst @!p1 v9  }
0x21b: {  	[tilespmem:s16], [sflag:$0x1] =	stream.indirect.gather @!p1 [hbm4b:s2+s15], $0x80, s9, s15, $0xb8;
	[tilespmem:$0x1D680] =	vst v63  }
0x21c: {  	_ =	swait.ge @!p3 [sflag:s8], $0x4000  }
0x21d: {  	[sflag:s8] =	ssyncset.done @!p3 $0x0  }
0x21e: {  	[sflag:s8] =	ssyncadd.s32 @!p3 $0xFFFFC000  }
0x21f: {  	[spmem:s3] =	stream.indirect.scatter.add.f32 @!p3 [tilespmem:s18], [sflag:$0x2], $0x80, s10, s19, $0xb8;
	[tilespmem:$0x1D680] =	vst v63  }
0x220: {  	_ =	swait.ge @!p3 [sflag:s20], $0x4000  }
0x221: {  	[sflag:s20] =	ssyncset.done @!p3 $0x0  }
0x222: {  	[sflag:s20] =	ssyncadd.s32 @!p3 $0xFFFFC000;
	p3 =	sge.u32 s17, s6  }
0x223: {  	v9 =	vld @!p3 [tilespmem:s4+$0x0];
	_ =	sdelay $0x4  }
0x224: {  	v10 =	vshrl.u32 @!p3 v9, $0xE;
	v9 =	vand.u32 @!p3 $0x3FFF, v9  }
0x225: {  	[tilespmem:$0x1500] =	vst @!p3 v10  }
0x226: {  	[tilespmem:$0x1600] =	vst @!p3 v9  }
0x227: {  	v9 =	vld @!p3 [tilespmem:s4+$0x10];
	_ =	sdelay $0x4  }
0x228: {  	v10 =	vshrl.u32 @!p3 v9, $0xE;
	v9 =	vand.u32 @!p3 $0x3FFF, v9  }
0x229: {  	[tilespmem:$0x1510] =	vst @!p3 v10  }
0x22a: {  	[tilespmem:$0x1610] =	vst @!p3 v9  }
0x22b: {  	v9 =	vld @!p3 [tilespmem:s4+$0x20];
	_ =	sdelay $0x4  }
0x22c: {  	v10 =	vshrl.u32 @!p3 v9, $0xE;
	v9 =	vand.u32 @!p3 $0x3FFF, v9  }
0x22d: {  	[tilespmem:$0x1520] =	vst @!p3 v10  }
0x22e: {  	[tilespmem:$0x1620] =	vst @!p3 v9  }
0x22f: {  	v9 =	vld @!p3 [tilespmem:s4+$0x30];
	_ =	sdelay $0x4  }
0x230: {  	v10 =	vshrl.u32 @!p3 v9, $0xE;
	v9 =	vand.u32 @!p3 $0x3FFF, v9  }
0x231: {  	[tilespmem:$0x1530] =	vst @!p3 v10  }
0x232: {  	[tilespmem:$0x1630] =	vst @!p3 v9  }
0x233: {  	v9 =	vld @!p3 [tilespmem:s4+$0x40];
	_ =	sdelay $0x3  }
.Ltmp3:
0x234: {  	(pc) =	sbr.rel @p2 .LBB2_8-.Ltmp3, $4  }
0x235: {  	v10 =	vshrl.u32 @!p3 v9, $0xE;
	v9 =	vand.u32 @!p3 $0x3FFF, v9  }
0x236: {  	[tilespmem:$0x1540] =	vst @!p3 v10  }
0x237: {  	[tilespmem:$0x1640] =	vst @!p3 v9  }
0x238: {  	v9 =	vld @!p3 [tilespmem:s4+$0x50]  }
0x239: {  	_ =	sdelay $0x3  }
0x23a: {  	v10 =	vshrl.u32 @!p3 v9, $0xE  }
0x23b: {  	v9 =	vand.u32 @!p3 $0x3FFF, v9;
	[tilespmem:$0x1550] =	vst @!p3 v10  }
0x23c: {  	[tilespmem:$0x1650] =	vst @!p3 v9  }
0x23d: {  	v9 =	vld @!p3 [tilespmem:s23+$0x60];
	_ =	sdelay $0x4  }
0x23e: {  	v10 =	vshrl.u32 @!p3 v9, $0xE  }
0x23f: {  	v9 =	vand.u32 @!p3 $0x3FFF, v9;
	[tilespmem:$0x1560] =	vst @!p3 v10  }
0x240: {  	[tilespmem:$0x1660] =	vst @!p3 v9  }
0x241: {  	v9 =	vld @!p3 [tilespmem:s23+$0x70];
	_ =	sdelay $0x4  }
0x242: {  	v10 =	vshrl.u32 @!p3 v9, $0xE  }
0x243: {  	s0 =	simm.s32 @!p3 $0x80;
	v9 =	vand.u32 @!p3 $0x3FFF, v9;
	[tilespmem:$0x1570] =	vst @!p3 v10  }
0x244: {  	s4 =	simm.s32 @!p3 $0x1500;
	s8 =	simm.s32 @!p3 $0x5680;
	s9 =	simm.s32 @!p1 $0x1;
	[tilespmem:$0x1670] =	vst @!p3 v9  }
0x245: {  	[tilespmem:s8], [sflag:$0x1] =	stream.indirect.gather @!p3 [hbm4b:s2+s0], $0x80, s4, s0, $0xb8;
	[tilespmem:$0x1D680] =	vst v63  }
0x246: {  	_ =	swait.ge @!p1 [sflag:s9], $0x4000  }
0x247: {  	[sflag:s9] =	ssyncset.done @!p1 $0x0  }
0x248: {  	s0 =	simm.s32 @!p1 $0x1580;
	[sflag:s9] =	ssyncadd.s32 @!p1 $0xFFFFC000  }
0x249: {  	[spmem:s3] =	stream.indirect.scatter.add.f32 @!p1 [tilespmem:s16], [sflag:$0x2], $0x80, s0, s15, $0xb8;
	[tilespmem:$0x1D680] =	vst v63  }
0x24a: {  	s0 =	simm.s32 @!p0 $0x2  }
0x24b: {  	_ =	swait.ge @!p0 [sflag:s0], $0x4000  }
0x24c: {  	[sflag:s0] =	ssyncset.done @!p0 $0x0  }
0x24d: {  	s4 =	simm.s32 @!p0 $0x1;
	[sflag:s0] =	ssyncadd.s32 @!p0 $0xFFFFC000  }
0x24e: {  	_ =	swait.ge @!p0 [sflag:s4], $0x4000  }
0x24f: {  	s8 =	simm.s32 @!p0 $0x1600;
	[sflag:s4] =	ssyncset.done @!p0 $0x0  }
0x250: {  	s9 =	simm.s32 @!p0 $0x5680;
	[sflag:s4] =	ssyncadd.s32 @!p0 $0xFFFFC000;
	s4 =	simm.s32 @!p0 $0x80  }
0x251: {  	[spmem:s3] =	stream.indirect.scatter.add.f32 @!p0 [tilespmem:s9], [sflag:$0x2], $0x80, s8, s4, $0xb8;
	[tilespmem:$0x1D680] =	vst v63  }
0x252: {  	_ =	swait.ge @!p0 [sflag:s0], $0x4000  }
0x253: {  	[sflag:s0] =	ssyncset.done @!p0 $0x0  }
0x254: {  	s8 =	stileid.u32;
	[sflag:s0] =	ssyncadd.s32 @!p0 $0xFFFFC000  }
0x255: {  	s0 =	sshll.u32 s8, $0x6;
	[bflag:$0x0] =	sbarrier.arrive $0xFFFF  }
0x256: {  	s9 =	sshrl.u32 s5, $0x3;
	s0 =	sor.u32 $0x1C04, s0;
	s10 =	rddreg [dreg:$0x7]  }
0x257: {  	[hbm:s10], [sflag:s0] =	dma.local [spmem:s9], $0x800  }
0x258: {  	_ =	swait.ge [sflag:s22], $0x800  }
0x259: {  	[sflag:s22] =	ssyncset.done $0x0  }
0x25a: {  	s15 =	sshrl.u32 s11, $0x3;
	s16 =	rddreg [dreg:$0x8];
	[sflag:s22] =	ssyncadd.s32 $0xFFFFF800  }
0x25b: {  	[hbm:s16], [sflag:s0] =	dma.local [spmem:s15], $0x800  }
0x25c: {  	_ =	swait.ge [sflag:s22], $0x800  }
0x25d: {  	[sflag:s22] =	ssyncset.done $0x0  }
0x25e: {  	s17 =	sshrl.u32 s7, $0x3;
	s18 =	rddreg [dreg:$0x9];
	[sflag:s22] =	ssyncadd.s32 $0xFFFFF800  }
0x25f: {  	[hbm:s18], [sflag:s0] =	dma.local [spmem:s17], $0x800  }
0x260: {  	_ =	swait.ge [sflag:s22], $0x800  }
0x261: {  	s9 =	smov.u32 s7;
	[sflag:s22] =	ssyncset.done $0x0;
	s7 =	rddreg [dreg:$0x5]  }
0x262: {  	s10 =	rddreg [dreg:$0xa];
	[sflag:s22] =	ssyncadd.s32 $0xFFFFF800;
	s19 =	sshrl.u32 s7, $0x3  }
0x263: {  	[hbm:s10], [sflag:s0] =	dma.local [spmem:s19], $0x800  }
0x264: {  	_ =	swait.ge [sflag:s22], $0x800  }
0x265: {  	[sflag:s22] =	ssyncset.done $0x0;
	s10 =	rddreg [dreg:$0x6]  }
0x266: {  	s23 =	rddreg [dreg:$0xb];
	[sflag:s22] =	ssyncadd.s32 $0xFFFFF800;
	s20 =	sshrl.u32 s10, $0x3  }
0x267: {  	[hbm:s23], [sflag:s0] =	dma.local [spmem:s20], $0x800  }
0x268: {  	_ =	swait.ge [sflag:s22], $0x800  }
0x269: {  	s1 =	sadd.s32 $0x1, s1;
	s25 =	rddreg [dreg:$0xc]  }
0x26a: {  	p1 =	sne.s32 s1, s25  }
.Ltmp4:
0x26b: {  	_ = 	snop;
	(pc) =	sbr.rel @p1 .LBB2_1-.Ltmp4, $3  }
0x26c: {  	_ =	sdelay $0x1  }
0x26d: {  	[sflag:s22] =	ssyncset.done $0x0  }
0x26e: {  	s8 =	smov.u32 s11;
	[sflag:s22] =	ssyncadd.s32 $0xFFFFF800  }
0x26f: {  	_ =	sfence.sel $0x180000  }
0x270: {  	[bflag:$0x0] =	sbarrier.arrive $0xFFFF  }
0x271: {  	_ =	strace $0x9000004A  }
0x272: {  	s0 =	stileid.u32;
	[bflag:$0x2] =	sbarrier.arrive $0xFFFF  }
0x273: {  	p0 =	sne.s32 s0, $0x0;
	s0 =	rddreg [dreg:$0x3]  }
0x274: {  	s0 =	sadd.s32 @!p0 $0x100000, s0  }
0x275: {  	[sflag:s0] =	ssyncadd.tile.s32 @!p0 $0x1;
	_ =	shalt  }
.Lfunc_end2:
_tile_overlayer_lowered:
.L_overlay_start_2:
0x276: {  	(tag) =	ssettag $0x2  }
0x277: {  	s0 =	rddreg [dreg:$0x0];
	s2 =	stileid.u32  }
0x278: {  	s1 =	rddreg [dreg:$0x1];
	p0 =	sne.s32 s2, $0x0  }
0x279: {  	s3 =	rddreg [dreg:$0x2];
	[bflag:$0x3] =	sbarrier.arrive $0xFFFF;
	s2 =	simm.s32 @!p0 $0x1C04  }
0x27a: {  	[timem:s3], [sflag:s2] =	dma.local @!p0 [hbm:s0], s1  }
0x27b: {  	s0 =	simm.s32 @!p0 $0x4  }
0x27c: {  	_ =	swait.ge @!p0 [sflag:s0], s1  }
0x27d: {  	s1 =	ssub.s32 @!p0 $0x0, s1;
	[sflag:s0] =	ssyncset.done @!p0 $0x0  }
0x27e: {  	[sflag:s0] =	ssyncadd.s32 @!p0 s1  }
0x27f: {  	[bflag:$0x3] =	sbarrier.arrive $0xFFFF  }
0x280: {  	_ =	shalt  }

// kernel: kernel.15.cloned.1.call-start
scs
__scs_entry_jumppad:
0x0: {  	(pc) =	sbr.rel $0x88, $3  }
0x1: {  	(tag) =	ssettag $0x0;
	lr =	simm.s32 $0x1  }
0x2: {  	[smem:$0x3F97] =	sst lr;
	_ =	strace $0xD0000000  }
0x3: {  	_ = 	snop  }
0x4: {  	_ = 	snop  }
0x5: {  	_ = 	snop  }
0x6: {  	_ = 	snop  }
0x7: {  	_ = 	snop  }
__scs_overlays_trampoline_lowered:
0x8: {  	[smem:$0x3FA6] =	sst s0  }
0x9: {  	[smem:$0x3FA7] =	sst s1  }
0xa: {  	[smem:$0x3FA8] =	sst s2  }
0xb: {  	[smem:$0x3FA9] =	sst s3  }
0xc: {  	[smem:$0x3FAA] =	sst s4  }
0xd: {  	[smem:$0x3FAB] =	sst s5  }
0xe: {  	[smem:$0x3FAC] =	sst s6  }
0xf: {  	[smem:$0x3FAD] =	sst s7  }
0x10: {  	[smem:$0x3FAE] =	sst s8  }
0x11: {  	[smem:$0x3FAF] =	sst s9;
	s0 =	simm.s32 @!p0 $0x0  }
0x12: {  	s1 =	sld [smem:$0x3F95];
	s0 =	simm.s32 @p0 $0x1  }
0x13: {  	[smem:$0x3FB0] =	sst s0;
	s0 =	simm.s32 @!p1 $0x0  }
0x14: {  	s2 =	sld [smem:$0x3F94];
	s0 =	simm.s32 @p1 $0x1  }
0x15: {  	[smem:$0x3FB1] =	sst s0;
	s0 =	simm.s32 @!p2 $0x0  }
0x16: {  	s3 =	sld [smem:$0x3FDB];
	s0 =	simm.s32 @p2 $0x1  }
0x17: {  	s4 =	simm.s32 $0x1BF5;
	[smem:$0x3FB3] =	sst s0  }
0x18: {  	s0 =	sld [smem:$0x3F96];
	_ =	swait.ge [sflag:s4], $0x0  }
0x19: {  	s7 =	sld [smem:$0x3F97]  }
0x1a: {  	s8 =	sadd.s32 $0xFFFFE003, lr  }
0x1b: {  	s9 =	sadd.s32 $0xFFFFFEF7, lr;
	s5 =	simm.s32 $0xFFFFFFFF;
	p2 =	slt.u32 s8, $0xFFFFF086  }
0x1c: {  	p1 =	slt.u32 s9, $0xF7A;
	s5 =	simm.s32 @!p2 $0x0  }
0x1d: {  	s5 =	simm.s32 @p1 $0x1;
	p0 =	seq.s32 s7, s2  }
0x1e: {  	s7 =	smul.u32 @!p0 $0xF7A, s2;
	p2 =	seq.s32 @!p0 s5, $0x0  }
0x1f: {  	s9 =	smul.u32 $0xF7A, s1;
	s8 =	simm.s32 @!p0 $0x1BF5;
	p2 =	por !p2, p0  }
0x20: {  	[sflag:s8] =	ssyncset.s32 @!p0 $0xFFFFF086;
	s6 =	sadd.s32 @!p0 s3, s7;
	s7 =	simm.s32 @!p0 $0x108  }
0x21: {  	s3 =	sadd.s32 s3, s9;
	s6 =	sadd.s32 @!p0 $0x88, s6;
	s7 =	simm.s32 @p2 $0x1082  }
0x22: {  	[simem:s7], [sflag:s8] =	dma.local @!p0 [hbm:s6], $0xF7A  }
0x23: {  	s9 =	sor.u32 $0xD0000000, s2;
	s6 =	simm.s32 $0x108;
	_ =	swait.ge @!p0 [sflag:s8], $0x0  }
0x24: {  	s3 =	sadd.s32 $0x88, s3;
	s6 =	simm.s32 @!p1 $0x1082;
	[sflag:s4] =	ssyncset.s32 $0xFFFFF086  }
0x25: {  	[simem:s6], [sflag:s4] =	dma.local [hbm:s3], $0xF7A  }
0x26: {  	[smem:$0x3F97] =	sst s1;
	(tag) =	ssettag s2;
	_ =	strace s9  }
0x27: {  	s1 =	sld [smem:$0x3FA7]  }
0x28: {  	s2 =	sld [smem:$0x3FA8]  }
0x29: {  	s4 =	sld [smem:$0x3FAA]  }
0x2a: {  	p0 =	seq.s32 s5, $0x0;
	s5 =	sld [smem:$0x3FAB]  }
0x2b: {  	s6 =	sld [smem:$0x3FAC]  }
0x2c: {  	s7 =	sld [smem:$0x3FAD]  }
0x2d: {  	s3 =	simm.s32 $0x108;
	s8 =	sld [smem:$0x3FAE]  }
0x2e: {  	s3 =	simm.s32 @!p0 $0x1082;
	s9 =	sld [smem:$0x3FAF]  }
0x2f: {  	lr =	sadd.s32 s0, s3;
	s0 =	sld [smem:$0x3FA6]  }
0x30: {  	s3 =	sld [smem:$0x3FA9]  }
0x31: {  	[smem:$0x3FB2] =	sst s10  }
0x32: {  	s10 =	sld [smem:$0x3FB0];
	_ =	sdelay $0x3  }
0x33: {  	p0 =	seq.s32 s10, $0x1;
	s10 =	sld [smem:$0x3FB2];
	_ =	sdelay $0x3  }
0x34: {  	[smem:$0x3FB2] =	sst s10  }
0x35: {  	s10 =	sld [smem:$0x3FB1];
	_ =	sdelay $0x3  }
0x36: {  	p1 =	seq.s32 s10, $0x1;
	s10 =	sld [smem:$0x3FB2];
	_ =	sdelay $0x3  }
0x37: {  	[smem:$0x3FB2] =	sst s10  }
0x38: {  	s10 =	sld [smem:$0x3FB3]  }
0x39: {  	_ = 	snop;
	(pc) =	sbr.ind lr, $3  }
0x3a: {  	_ = 	snop  }
0x3b: {  	_ = 	snop  }
0x3c: {  	p2 =	seq.s32 s10, $0x1;
	s10 =	sld [smem:$0x3FB2]  }
0x3d: {  	_ =	shalt  }
0x3e: {  	_ =	shalt  }
0x3f: {  	_ =	shalt  }
0x40: {  	_ =	shalt  }
0x41: {  	_ =	shalt  }
0x42: {  	_ =	shalt  }
0x43: {  	_ =	shalt  }
0x44: {  	_ =	shalt  }
0x45: {  	_ =	shalt  }
0x46: {  	_ =	shalt  }
0x47: {  	_ =	shalt  }
0x48: {  	_ =	shalt  }
0x49: {  	_ =	shalt  }
0x4a: {  	_ =	shalt  }
0x4b: {  	_ =	shalt  }
0x4c: {  	_ =	shalt  }
0x4d: {  	_ =	shalt  }
0x4e: {  	_ =	shalt  }
0x4f: {  	_ =	shalt  }
0x50: {  	_ =	shalt  }
0x51: {  	_ =	shalt  }
0x52: {  	_ =	shalt  }
0x53: {  	_ =	shalt  }
0x54: {  	_ =	shalt  }
0x55: {  	_ =	shalt  }
0x56: {  	_ =	shalt  }
0x57: {  	_ =	shalt  }
0x58: {  	_ =	shalt  }
0x59: {  	_ =	shalt  }
0x5a: {  	_ =	shalt  }
0x5b: {  	_ =	shalt  }
0x5c: {  	_ =	shalt  }
0x5d: {  	_ =	shalt  }
0x5e: {  	_ =	shalt  }
0x5f: {  	_ =	shalt  }
0x60: {  	_ =	shalt  }
0x61: {  	_ =	shalt  }
0x62: {  	_ =	shalt  }
0x63: {  	_ =	shalt  }
0x64: {  	_ =	shalt  }
0x65: {  	_ =	shalt  }
0x66: {  	_ =	shalt  }
0x67: {  	_ =	shalt  }
0x68: {  	_ =	shalt  }
0x69: {  	_ =	shalt  }
0x6a: {  	_ =	shalt  }
0x6b: {  	_ =	shalt  }
0x6c: {  	_ =	shalt  }
0x6d: {  	_ =	shalt  }
0x6e: {  	_ =	shalt  }
0x6f: {  	_ =	shalt  }
0x70: {  	_ =	shalt  }
0x71: {  	_ =	shalt  }
0x72: {  	_ =	shalt  }
0x73: {  	_ =	shalt  }
0x74: {  	_ =	shalt  }
0x75: {  	_ =	shalt  }
0x76: {  	_ =	shalt  }
0x77: {  	_ =	shalt  }
0x78: {  	_ =	shalt  }
0x79: {  	_ =	shalt  }
0x7a: {  	_ =	shalt  }
0x7b: {  	_ =	shalt  }
0x7c: {  	_ =	shalt  }
0x7d: {  	_ =	shalt  }
0x7e: {  	_ =	shalt  }
0x7f: {  	_ =	shalt  }
0x80: {  	_ =	shalt  }
0x81: {  	_ =	shalt  }
0x82: {  	_ =	shalt  }
0x83: {  	_ =	shalt  }
0x84: {  	_ =	shalt  }
0x85: {  	_ =	shalt  }
0x86: {  	_ =	shalt  }
0x87: {  	_ =	shalt  }
.Lfunc_end0:
.L_simem_size_0:
called_computation.2_lowered:
.L_overlay_start_0:
0x88: {  	s2 =	sld [smem:$0x3FD9]  }
0x89: {  	s3 =	sld [smem:$0x3FFE];
	_ =	sdelay $0x1  }
0x8a: {  	s1 =	srdreg.scid  }
0x8b: {  	s0 =	sand.u32 $0x1, s1  }
0x8c: {  	s14 =	sshll.u32 s0, $0xA;
	s2 =	sadd.s32 s3, s2  }
0x8d: {  	s2 =	sadd.s32 s2, s14  }
0x8e: {  	[smem:$0x3FBE] =	sst s2  }
0x8f: {  	_ = 	snop  }
0x90: {  	s2 =	sld [smem:$0x3FD0];
	_ =	sdelay $0x2  }
0x91: {  	s15 =	simm.s32 $0xA;
	s4 =	simm.s32 $0x10  }
0x92: {  	[smem:s4], [sflag:s15] =	dma.local [hbm:s2], $0x1  }
0x93: {  	_ =	swait.eq [sflag:s15], $0x1  }
0x94: {  	[sflag:s15] =	ssyncset.done $0x0  }
0x95: {  	[sflag:s15] =	ssyncadd.s32 $0xFFFFFFFF  }
0x96: {  	s16 =	sld [smem:$0x11];
	(tm) =	ssettm $0x1  }
0x97: {  	s17 =	sld [smem:$0x3FFB];
	_ =	sdelay $0x3  }
0x98: {  	_ =	strace s17  }
0x99: {  	s3 =	sld [smem:$0x3FFC];
	_ =	sdelay $0x3  }
0x9a: {  	_ =	strace s3  }
0x9b: {  	s3 =	sld [smem:$0x3FFD];
	_ =	sdelay $0x3  }
0x9c: {  	_ =	strace s3  }
0x9d: {  	_ =	strace $0x8FFFFFFF  }
0x9e: {  	s18 =	sld [smem:$0x3FDB];
	_ =	sdelay $0x1  }
0x9f: {  	s19 =	simm.s32 $_scs_section_size  }
0xa0: {  	s5 =	simm.s32 $_size__tile_overlayer_lowered;
	s6 =	simm.s32 $_tile_overlayer_lowered  }
0xa1: {  	s22 =	simm.s32 $0x1BFF;
	s21 =	sshll.u32 s6, $0x1;
	s3 =	sadd.s32 s19, s18  }
0xa2: {  	s7 =	simm.s32 $0x0;
	s20 =	sshll.u32 s5, $0x1;
	s5 =	sadd.s32 s21, s3  }
0xa3: {  	[timem:s7], [sflag:s22] =	dma.local [hbm:s5], s20  }
0xa4: {  	_ =	swait.ge [sflag:s22], s20  }
0xa5: {  	s4 =	ssub.s32 $0x0, s20;
	[sflag:s22] =	ssyncset.done $0x0  }
0xa6: {  	[sflag:s22] =	ssyncadd.s32 s4;
	_ =	sdelay $0x1  }
0xa7: {  	s23 =	simm.s32 $0x1B8B  }
0xa8: {  	_ =	swait.ge [sflag:s23], $0x1  }
0xa9: {  	[sflag:s23] =	ssyncset.done $0x0  }
0xaa: {  	s25 =	simm.s32 $0x1B8E;
	s24 =	sld [smem:$0x3FFE];
	[sflag:s23] =	ssyncadd.s32 $0xFFFFFFFF  }
0xab: {  	s26 =	simm.s32 $execute0_lowered;
	[smem:$0x3FD2] =	sst s25  }
0xac: {  	s5 =	sshll.u32 s26, $0x1;
	_ =	strace $0x8000004C;
	[dreg:$0x1] =	wrdreg $0xFFFFFFFF  }
0xad: {  	s28 =	simm.s32 $_size_execute0_lowered;
	s3 =	sadd.s32 s3, s5;
	[dreg:$0x0] =	wrdreg $0x0  }
0xae: {  	s5 =	sshll.u32 s28, $0x1;
	[dreg:$0x2] =	wrdreg s3  }
0xaf: {  	[dreg:$0x3] =	wrdreg s5  }
0xb0: {  	[dreg:$0x4] =	wrdreg $0xC0  }
0xb1: {  	_ =	task [dreg:s7], $0x5FFFF  }
0xb2: {  	[dreg:$0x1] =	wrdreg $0xFFFFFFFF  }
0xb3: {  	[dreg:$0x0] =	wrdreg $0x60  }
0xb4: {  	[dreg:$0x2] =	wrdreg s24  }
0xb5: {  	[dreg:$0x3] =	wrdreg s16  }
0xb6: {  	[dreg:$0x4] =	wrdreg $0x96800  }
0xb7: {  	[dreg:$0x5] =	wrdreg $0x9  }
0xb8: {  	_ =	task.clear_ibuf [dreg:s7], $0x6FFFF;
	_ =	strace $0x9000004C  }
0xb9: {  	s29 =	simm.s32 $0x9;
	_ =	strace $0x8000004E  }
0xba: {  	_ =	swait.ge [sflag:s29], $0x1  }
0xbb: {  	[sflag:s29] =	ssyncadd.s32 $0xFFFFFFFF  }
0xbc: {  	_ =	strace $0x9000004E  }
0xbd: {  	_ =	sfence  }
0xbe: {  	s30 =	sld [smem:$0x0];
	_ =	sdelay $0x2  }
0xbf: {  	s31 =	sshll.u32 s1, $0xD;
	s1 =	sshrl.u32 s1, $0x2  }
0xc0: {  	s3 =	sand.u32 $0x4000, s31;
	s1 =	sadd.s32 s1, s30  }
0xc1: {  	s0 =	sor.u32 s3, s0;
	s1 =	sshll.u32 s1, $0x11  }
0xc2: {  	s0 =	sor.u32 s1, s0  }
0xc3: {  	s0 =	sadd.s32 $0x8F2B, s0  }
0xc4: {  	[sflag:s0] =	ssyncadd.remote.s32 $0x1  }
0xc5: {  	_ =	sfence.sel $0xFFFF  }
0xc6: {  	[dreg:$0x0] =	wrdreg $0xFFFFFFFF;
	(pc) =	sbr.abs _section_cstart, $3  }
0xc7: {  	[dreg:$0x1] =	wrdreg $0xFFFFFFFF  }
0xc8: {  	_ =	task.clear_ibuf [dreg:s7], $0x2FFFF;
	_ =	strace $0x9FFFFFFF  }
0xc9: {  	(tm) =	ssettm $0x7FFFFFFF  }
tec
execute0_lowered:
.L_overlay_start_1:
0x0: {  	(tag) =	ssettag $0x1  }
0x1: {  	s1 =	rddreg [dreg:$0x0]  }
0x2: {  	s2 =	rddreg [dreg:$0x1]  }
0x3: {  	s0 =	srdreg.scid;
	s10 =	stileid.u32  }
0x4: {  	s3 =	rddreg [dreg:$0x2];
	s6 =	simm.s32 $0x0;
	s4 =	smul.u32 $0x280, s10  }
0x5: {  	s28 =	simm.s32 $0x1500;
	s29 =	simm.s32 $0x5680;
	s18 =	smul.u32 $0x28, s10  }
0x6: {  	s30 =	simm.s32 $0x1;
	s31 =	simm.s32 $0x1580;
	s7 =	smul.u32 $0x78, s10  }
0x7: {  	s0 =	sand.u32 $0x1, s0;
	[smem:$0x7FF] =	sst s6;
	s20 =	smul.u32 $0x50000, s10  }
0x8: {  	s17 =	sadd.s32 $0x7B000, s1;
	s6 =	simm.s32 $0x78;
	s5 =	smul.u32 $0x2800, s0  }
0x9: {  	_ =	strace $0x8000004D;
	[dreg:$0x4] =	wrdreg s17;
	s19 =	ssub.s32 $0x2, s0  }
0xa: {  	p0 =	seq.s32 s0, $0x0;
	s8 =	sshrl.u32 s19, $0x1;
	s9 =	sadd.s32 $0x780, s18  }
0xb: {  	s6 =	simm.s32 @!p0 $0x28;
	s4 =	sadd.s32 s4, s5;
	s9 =	smov.u32 @p0 s7  }
0xc: {  	s7 =	sshrl.u32 s20, $0x2;
	s14 =	sadd.s32 $0xFFFFFFD9, s6;
	p0 =	sne.s32 s0, $0x0  }
0xd: {  	s4 =	sshll.u32 s4, $0x4;
	s21 =	sadd.s32 $0x10, s9;
	s12 =	sadd.s32 $0x20, s9  }
0xe: {  	s13 =	sadd.s32 $0x30, s9;
	s15 =	sadd.s32 $0x40, s9;
	s5 =	sadd.s32 s7, s3  }
0xf: {  	s16 =	sadd.s32 $0x50, s9;
	s17 =	sadd.s32 $0x60, s9;
	s7 =	sadd.s32 $0xC000, s5  }
0x10: {  	v4 =	vlaneseq.u32;
	s1 =	sadd.s32 s4, s1;
	s10 =	sadd.s32 $0x10000, s5;
	[dreg:$0x5] =	wrdreg s7  }
0x11: {  	s23 =	sadd.s32 $0x70, s9;
	v6 =	vadd.s32 s9, v4;
	v0 =	vadd.s32 s21, v4;
	v1 =	vadd.s32 s12, v4;
	s11 =	sadd.s32 $0x85000, s1;
	[dreg:$0x6] =	wrdreg s10  }
0x12: {  	s4 =	ssub.s32 s19, s8;
	v2 =	vadd.s32 s13, v4;
	v3 =	vadd.s32 s15, v4;
	v5 =	vadd.s32 s16, v4;
	s22 =	sadd.s32 $0x85800, s1;
	[dreg:$0x7] =	wrdreg s11  }
0x13: {  	s8 =	sadd.s32 $0x4000, s5;
	v7 =	vadd.s32 s17, v4;
	v8 =	vadd.s32 s23, v4;
	v6 =	vmin.u32 v6, $0x9FF;
	s24 =	sadd.s32 $0x86000, s1;
	[dreg:$0x8] =	wrdreg s22  }
0x14: {  	s9 =	sadd.s32 $0x8000, s5;
	vm0 =	vlt.s32 v0, $0x9FF;
	vm11 =	vlt.s32 v1, $0x9FF;
	vm1 =	vlt.s32 v2, $0x9FF;
	s25 =	sadd.s32 $0x86800, s1;
	[dreg:$0x9] =	wrdreg s24  }
0x15: {  	s12 =	sadd.s32 $0xFFFFFFDA, s6;
	vm12 =	vlt.s32 v3, $0x9FF;
	s1 =	sadd.s32 $0x87000, s1;
	vm13 =	vlt.s32 v5, $0x9FF;
	vm14 =	vlt.s32 v7, $0x9FF;
	[dreg:$0xa] =	wrdreg s25  }
0x16: {  	s13 =	sadd.s32 $0xFFFFFFD8, s6;
	s26 =	smax.u32 s4, $0x1;
	vm15 =	vlt.s32 v8, $0x9FF;
	v0 =	vnsel vm0, $0x9FF, v0;
	v1 =	vnsel vm11, $0x9FF, v1;
	[dreg:$0xb] =	wrdreg s1  }
0x17: {  	s21 =	simm.s32 $0x1680;
	v2 =	vnsel vm1, $0x9FF, v2;
	[dreg:$0xc] =	wrdreg s26;
	v3 =	vnsel vm12, $0x9FF, v3;
	s22 =	simm.s32 $0x4;
	v4 =	vnsel vm13, $0x9FF, v5  }
0x18: {  	s24 =	simm.s32 $0x80;
	v5 =	vnsel vm14, $0x9FF, v7;
	s26 =	simm.s32 $0x1480;
	v7 =	vnsel vm15, $0x9FF, v8;
	v8 =	vimm.f32 $0.0e+00;
	s1 =	simm.s32 $0x0  }
.LBB2_1:
0x19: {  	[tilespmem:$0x0] =	vst v6  }
0x1a: {  	[tilespmem:$0x10] =	vst v0  }
0x1b: {  	[tilespmem:$0x20] =	vst v1  }
0x1c: {  	[tilespmem:$0x30] =	vst v2  }
0x1d: {  	[tilespmem:$0x40] =	vst v3  }
0x1e: {  	[tilespmem:$0x50] =	vst v4  }
0x1f: {  	[tilespmem:$0x60] =	vst v5  }
0x20: {  	[tilespmem:$0x70] =	vst v7;
	s0 =	simm.s32 $0x0;
	s4 =	simm.s32 $0x200  }
.LBB2_2:
0x21: {  	p1 =	sne.s32 s4, $0xFE00;
	[tilespmem:s0+$0x16F0] =	vst v8  }
0x22: {  	[tilespmem:s0+$0x1680] =	vst v8  }
0x23: {  	[tilespmem:s0+$0x1690] =	vst v8  }
.Ltmp0:
0x24: {  	[tilespmem:s0+$0x16A0] =	vst v8;
	(pc) =	sbr.rel @p1 .LBB2_2-.Ltmp0, $4  }
0x25: {  	[tilespmem:s0+$0x16B0] =	vst v8  }
0x26: {  	[tilespmem:s0+$0x16C0] =	vst v8  }
0x27: {  	[tilespmem:s0+$0x16D0] =	vst v8  }
0x28: {  	[tilespmem:s0+$0x16E0] =	vst v8;
	s0 =	sshra.s32 s4, $0x2;
	s4 =	sadd.s32 $0x200, s4  }
0x29: {  	[tilespmem:s0+$0x16F0] =	vst v8  }
0x2a: {  	[tilespmem:s0+$0x1680] =	vst v8  }
0x2b: {  	[tilespmem:s0+$0x1690] =	vst v8  }
0x2c: {  	[tilespmem:s0+$0x16A0] =	vst v8  }
0x2d: {  	[tilespmem:s0+$0x16B0] =	vst v8  }
0x2e: {  	[tilespmem:s0+$0x16C0] =	vst v8  }
0x2f: {  	[tilespmem:s0+$0x16D0] =	vst v8  }
0x30: {  	[tilespmem:s0+$0x16E0] =	vst v8  }
0x31: {  	[spmem:s5] =	stream.linear.scatter [tilespmem:s21], [sflag:$0x4], $0x4000, $0x38;
	[tilespmem:$0x1D680] =	vst v63  }
0x32: {  	_ =	swait.ge [sflag:s22], $0x4000  }
0x33: {  	[sflag:s22] =	ssyncset.done $0x0  }
0x34: {  	[sflag:s22] =	ssyncadd.s32 $0xFFFFC000  }
0x35: {  	[spmem:s8] =	stream.linear.scatter [tilespmem:s21], [sflag:$0x4], $0x4000, $0x38;
	[tilespmem:$0x1D680] =	vst v63  }
0x36: {  	_ =	swait.ge [sflag:s22], $0x4000  }
0x37: {  	[sflag:s22] =	ssyncset.done $0x0  }
0x38: {  	[sflag:s22] =	ssyncadd.s32 $0xFFFFC000  }
0x39: {  	[spmem:s9] =	stream.linear.scatter [tilespmem:s21], [sflag:$0x4], $0x4000, $0x38;
	[tilespmem:$0x1D680] =	vst v63  }
0x3a: {  	_ =	swait.ge [sflag:s22], $0x4000  }
0x3b: {  	[sflag:s22] =	ssyncset.done $0x0  }
0x3c: {  	[sflag:s22] =	ssyncadd.s32 $0xFFFFC000  }
0x3d: {  	[spmem:s7] =	stream.linear.scatter [tilespmem:s21], [sflag:$0x4], $0x4000, $0x38;
	[tilespmem:$0x1D680] =	vst v63  }
0x3e: {  	_ =	swait.ge [sflag:s22], $0x4000  }
0x3f: {  	[sflag:s22] =	ssyncset.done $0x0  }
0x40: {  	[sflag:s22] =	ssyncadd.s32 $0xFFFFC000  }
0x41: {  	[spmem:s10] =	stream.linear.scatter [tilespmem:s21], [sflag:$0x4], $0x4000, $0x38;
	[tilespmem:$0x1D680] =	vst v63  }
0x42: {  	_ =	swait.ge [sflag:s22], $0x4000  }
0x43: {  	[sflag:s22] =	ssyncset.done $0x0  }
0x44: {  	[sflag:s22] =	ssyncadd.s32 $0xFFFFC000  }
0x45: {  	s23 =	simm.s32 $0x0;
	[bflag:$0x0] =	sbarrier.arrive $0xFFFF  }
0x46: {  	s4 =	simm.s32 $0x28;
	s25 =	simm.s32 $0x3;
	s10 =	rddreg [dreg:$0x4]  }
0x47: {  	[tilespmem:s24], [sflag:$0x3] =	stream.indirect.gather [hbm4b:s10+s4], $0x80, s23, s4, $0xb8;
	[tilespmem:$0x1D680] =	vst v63  }
0x48: {  	_ =	swait.ge [sflag:s25], $0x1400  }
0x49: {  	p1 =	por $0x1, $0x1;
	[sflag:s25] =	ssyncset.done $0x0  }
0x4a: {  	s0 =	simm.s32 @!p1 $0x2;
	[sflag:s25] =	ssyncadd.s32 $0xFFFFEC00  }
0x4b: {  	_ =	swait.ge @!p1 [sflag:s0], $0x4000  }
0x4c: {  	[sflag:s0] =	ssyncset.done @!p1 $0x0  }
0x4d: {  	s4 =	simm.s32 $0x100;
	[sflag:s0] =	ssyncadd.s32 @!p1 $0xFFFFC000  }
0x4e: {  	v9 =	vld [tilespmem:s4+$0xFFFFFF80];
	_ =	sdelay $0x4  }
0x4f: {  	v10 =	vshrl.u32 v9, $0xE  }
0x50: {  	v9 =	vand.u32 $0x3FFF, v9;
	[tilespmem:$0x1480] =	vst v10  }
0x51: {  	[tilespmem:$0x1580] =	vst v9  }
0x52: {  	v9 =	vld [tilespmem:s4+$0xFFFFFF90];
	_ =	sdelay $0x4  }
0x53: {  	v10 =	vshrl.u32 v9, $0xE  }
0x54: {  	v9 =	vand.u32 $0x3FFF, v9;
	[tilespmem:$0x1490] =	vst v10  }
0x55: {  	[tilespmem:$0x1590] =	vst v9  }
0x56: {  	v9 =	vld [tilespmem:s4+$0xFFFFFFA0];
	_ =	sdelay $0x4  }
0x57: {  	v10 =	vand.u32 $0x3FFF, v9  }
0x58: {  	v9 =	vshrl.u32 v9, $0xE;
	[tilespmem:$0x15A0] =	vst v10  }
0x59: {  	[tilespmem:$0x14A0] =	vst v9  }
0x5a: {  	v9 =	vld [tilespmem:s4+$0xFFFFFFB0];
	_ =	sdelay $0x4  }
0x5b: {  	v10 =	vshrl.u32 v9, $0xE  }
0x5c: {  	v9 =	vand.u32 $0x3FFF, v9;
	[tilespmem:$0x14B0] =	vst v10  }
0x5d: {  	[tilespmem:$0x15B0] =	vst v9  }
0x5e: {  	v9 =	vld [tilespmem:s4+$0xFFFFFFC0];
	_ =	sdelay $0x4  }
0x5f: {  	v10 =	vshrl.u32 v9, $0xE  }
0x60: {  	v9 =	vand.u32 $0x3FFF, v9;
	[tilespmem:$0x14C0] =	vst v10  }
0x61: {  	[tilespmem:$0x15C0] =	vst v9  }
0x62: {  	v9 =	vld [tilespmem:s4+$0xFFFFFFD0];
	_ =	sdelay $0x4  }
0x63: {  	v10 =	vand.u32 $0x3FFF, v9  }
0x64: {  	v9 =	vshrl.u32 v9, $0xE;
	[tilespmem:$0x15D0] =	vst v10  }
0x65: {  	[tilespmem:$0x14D0] =	vst v9  }
0x66: {  	v9 =	vld [tilespmem:s4+$0xFFFFFFE0];
	_ =	sdelay $0x4  }
0x67: {  	v10 =	vand.u32 $0x3FFF, v9  }
0x68: {  	v9 =	vshrl.u32 v9, $0xE;
	[tilespmem:$0x15E0] =	vst v10  }
0x69: {  	[tilespmem:$0x14E0] =	vst v9  }
0x6a: {  	v9 =	vld [tilespmem:s4+$0xFFFFFFF0];
	_ =	sdelay $0x4  }
0x6b: {  	v10 =	vshrl.u32 v9, $0xE  }
0x6c: {  	p2 =	sle.u32 s6, $0xFFFFFFFF;
	v9 =	vand.u32 $0x3FFF, v9;
	[tilespmem:$0x14F0] =	vst v10  }
0x6d: {  	s15 =	simm.s32 @!p2 $0x1;
	[tilespmem:$0x15F0] =	vst v9  }
0x6e: {  	[tilespmem:s21], [sflag:$0x1] =	stream.indirect.gather [hbm4b:s2+s24], $0x80, s26, s24, $0xb8;
	[tilespmem:$0x1D680] =	vst v63  }
0x6f: {  	_ =	swait.ge @!p2 [sflag:s15], $0x4000  }
0x70: {  	s16 =	simm.s32 @!p2 $0x5680;
	[sflag:s15] =	ssyncset.done @!p2 $0x0  }
0x71: {  	s17 =	simm.s32 @!p2 $0x1600;
	[sflag:s15] =	ssyncadd.s32 @!p2 $0xFFFFC000;
	s15 =	simm.s32 @!p2 $0x80  }
0x72: {  	[spmem:s3] =	stream.indirect.scatter.add.f32 @!p2 [tilespmem:s16], [sflag:$0x2], $0x80, s17, s15, $0xb8;
	[tilespmem:$0x1D680] =	vst v63  }
0x73: {  	_ =	swait.ge @!p1 [sflag:s0], $0x4000  }
0x74: {  	[sflag:s0] =	ssyncset.done @!p1 $0x0  }
0x75: {  	[sflag:s0] =	ssyncadd.s32 @!p1 $0xFFFFC000  }
0x76: {  	v9 =	vld [tilespmem:s4+$0x0];
	_ =	sdelay $0x4  }
0x77: {  	v10 =	vshrl.u32 v9, $0xE  }
0x78: {  	v9 =	vand.u32 $0x3FFF, v9;
	[tilespmem:$0x1500] =	vst v10  }
0x79: {  	[tilespmem:$0x1600] =	vst v9  }
0x7a: {  	v9 =	vld [tilespmem:s4+$0x10];
	_ =	sdelay $0x4  }
0x7b: {  	v10 =	vshrl.u32 v9, $0xE  }
0x7c: {  	v9 =	vand.u32 $0x3FFF, v9;
	[tilespmem:$0x1510] =	vst v10  }
0x7d: {  	[tilespmem:$0x1610] =	vst v9  }
0x7e: {  	v9 =	vld [tilespmem:s4+$0x20];
	_ =	sdelay $0x4  }
0x7f: {  	v10 =	vshrl.u32 v9, $0xE  }
0x80: {  	v9 =	vand.u32 $0x3FFF, v9;
	[tilespmem:$0x1520] =	vst v10  }
0x81: {  	[tilespmem:$0x1620] =	vst v9  }
0x82: {  	v9 =	vld [tilespmem:s4+$0x30];
	_ =	sdelay $0x4  }
0x83: {  	v10 =	vshrl.u32 v9, $0xE  }
0x84: {  	v9 =	vand.u32 $0x3FFF, v9;
	[tilespmem:$0x1530] =	vst v10  }
0x85: {  	[tilespmem:$0x1630] =	vst v9  }
0x86: {  	v9 =	vld [tilespmem:s4+$0x40];
	_ =	sdelay $0x4  }
0x87: {  	v10 =	vshrl.u32 v9, $0xE  }
0x88: {  	v9 =	vand.u32 $0x3FFF, v9;
	[tilespmem:$0x1540] =	vst v10  }
0x89: {  	[tilespmem:$0x1640] =	vst v9  }
0x8a: {  	v9 =	vld [tilespmem:s4+$0x50];
	_ =	sdelay $0x4  }
0x8b: {  	v10 =	vshrl.u32 v9, $0xE  }
0x8c: {  	v9 =	vand.u32 $0x3FFF, v9;
	[tilespmem:$0x1550] =	vst v10  }
0x8d: {  	[tilespmem:$0x1650] =	vst v9  }
0x8e: {  	s23 =	simm.s32 $0x1;
	s0 =	simm.s32 $0x100;
	v9 =	vld [tilespmem:s4+$0x60]  }
.LBB2_4:
0x8f: {  	_ = 	snop  }
0x90: {  	s4 =	sadd.s32 $0x100, s4;
	s15 =	smov.u32 s23;
	s23 =	sadd.s32 $0x2, s23  }
0x91: {  	p1 =	sne.s32 s23, $0x27;
	_ =	sdelay $0x1  }
0x92: {  	v10 =	vshrl.u32 v9, $0xE;
	v9 =	vand.u32 $0x3FFF, v9  }
0x93: {  	[tilespmem:$0x1560] =	vst v10  }
0x94: {  	[tilespmem:$0x1660] =	vst v9  }
0x95: {  	v9 =	vld [tilespmem:s0+$0x70];
	s0 =	smov.u32 s4;
	_ =	sdelay $0x4  }
0x96: {  	v10 =	vshrl.u32 v9, $0xE;
	v9 =	vand.u32 $0x3FFF, v9  }
0x97: {  	[tilespmem:$0x1570] =	vst v10  }
0x98: {  	[tilespmem:$0x1670] =	vst v9  }
0x99: {  	[tilespmem:s29], [sflag:$0x1] =	stream.indirect.gather [hbm4b:s2+s24], $0x80, s28, s24, $0xb8;
	[tilespmem:$0x1D680] =	vst v63  }
0x9a: {  	p2 =	seq.s32 s15, $0xFFFFFFFF;
	_ =	swait.ge [sflag:s30], $0x4000  }
0x9b: {  	s16 =	simm.s32 @!p2 $0x2;
	[sflag:s30] =	ssyncset.done $0x0  }
0x9c: {  	[sflag:s30] =	ssyncadd.s32 $0xFFFFC000  }
0x9d: {  	[spmem:s3] =	stream.indirect.scatter.add.f32 [tilespmem:s21], [sflag:$0x2], $0x80, s31, s24, $0xb8;
	[tilespmem:$0x1D680] =	vst v63  }
0x9e: {  	_ =	swait.ge @!p2 [sflag:s16], $0x4000  }
0x9f: {  	[sflag:s16] =	ssyncset.done @!p2 $0x0  }
0xa0: {  	[sflag:s16] =	ssyncadd.s32 @!p2 $0xFFFFC000  }
0xa1: {  	v9 =	vld [tilespmem:s4+$0xFFFFFF80];
	_ =	sdelay $0x4  }
0xa2: {  	v10 =	vshrl.u32 v9, $0xE;
	v9 =	vand.u32 $0x3FFF, v9  }
0xa3: {  	[tilespmem:$0x1480] =	vst v10  }
0xa4: {  	[tilespmem:$0x1580] =	vst v9  }
0xa5: {  	v9 =	vld [tilespmem:s4+$0xFFFFFF90];
	_ =	sdelay $0x4  }
0xa6: {  	v10 =	vshrl.u32 v9, $0xE;
	v9 =	vand.u32 $0x3FFF, v9  }
0xa7: {  	[tilespmem:$0x1490] =	vst v10  }
0xa8: {  	[tilespmem:$0x1590] =	vst v9  }
0xa9: {  	v9 =	vld [tilespmem:s4+$0xFFFFFFA0];
	_ =	sdelay $0x4  }
0xaa: {  	v10 =	vshrl.u32 v9, $0xE;
	v9 =	vand.u32 $0x3FFF, v9  }
0xab: {  	[tilespmem:$0x15A0] =	vst v9  }
0xac: {  	[tilespmem:$0x14A0] =	vst v10  }
0xad: {  	v9 =	vld [tilespmem:s4+$0xFFFFFFB0];
	_ =	sdelay $0x4  }
0xae: {  	v10 =	vshrl.u32 v9, $0xE;
	v9 =	vand.u32 $0x3FFF, v9  }
0xaf: {  	[tilespmem:$0x14B0] =	vst v10  }
0xb0: {  	[tilespmem:$0x15B0] =	vst v9  }
0xb1: {  	v9 =	vld [tilespmem:s4+$0xFFFFFFC0];
	_ =	sdelay $0x4  }
0xb2: {  	v10 =	vshrl.u32 v9, $0xE;
	v9 =	vand.u32 $0x3FFF, v9  }
0xb3: {  	[tilespmem:$0x14C0] =	vst v10  }
0xb4: {  	[tilespmem:$0x15C0] =	vst v9  }
0xb5: {  	v9 =	vld [tilespmem:s4+$0xFFFFFFD0];
	_ =	sdelay $0x4  }
0xb6: {  	v10 =	vshrl.u32 v9, $0xE;
	v9 =	vand.u32 $0x3FFF, v9  }
0xb7: {  	[tilespmem:$0x15D0] =	vst v9  }
0xb8: {  	[tilespmem:$0x14D0] =	vst v10  }
0xb9: {  	v9 =	vld [tilespmem:s4+$0xFFFFFFE0];
	_ =	sdelay $0x4  }
0xba: {  	v10 =	vshrl.u32 v9, $0xE;
	v9 =	vand.u32 $0x3FFF, v9  }
0xbb: {  	[tilespmem:$0x15E0] =	vst v9  }
0xbc: {  	[tilespmem:$0x14E0] =	vst v10  }
0xbd: {  	v9 =	vld [tilespmem:s4+$0xFFFFFFF0];
	_ =	sdelay $0x4  }
0xbe: {  	v10 =	vshrl.u32 v9, $0xE;
	v9 =	vand.u32 $0x3FFF, v9  }
0xbf: {  	p3 =	sge.u32 s15, s6;
	[tilespmem:$0x14F0] =	vst v10  }
0xc0: {  	s15 =	simm.s32 @!p3 $0x1;
	[tilespmem:$0x15F0] =	vst v9  }
0xc1: {  	[tilespmem:s21], [sflag:$0x1] =	stream.indirect.gather [hbm4b:s2+s24], $0x80, s26, s24, $0xb8;
	[tilespmem:$0x1D680] =	vst v63  }
0xc2: {  	_ =	swait.ge @!p3 [sflag:s15], $0x4000  }
0xc3: {  	s17 =	simm.s32 @!p3 $0x5680;
	[sflag:s15] =	ssyncset.done @!p3 $0x0  }
0xc4: {  	s18 =	simm.s32 @!p3 $0x1600;
	[sflag:s15] =	ssyncadd.s32 @!p3 $0xFFFFC000;
	s15 =	simm.s32 @!p3 $0x80  }
0xc5: {  	[spmem:s3] =	stream.indirect.scatter.add.f32 @!p3 [tilespmem:s17], [sflag:$0x2], $0x80, s18, s15, $0xb8;
	[tilespmem:$0x1D680] =	vst v63  }
0xc6: {  	_ =	swait.ge @!p2 [sflag:s16], $0x4000  }
0xc7: {  	[sflag:s16] =	ssyncset.done @!p2 $0x0  }
0xc8: {  	[sflag:s16] =	ssyncadd.s32 @!p2 $0xFFFFC000  }
0xc9: {  	v9 =	vld [tilespmem:s4+$0x0];
	_ =	sdelay $0x4  }
0xca: {  	v10 =	vshrl.u32 v9, $0xE;
	v9 =	vand.u32 $0x3FFF, v9  }
0xcb: {  	[tilespmem:$0x1500] =	vst v10  }
0xcc: {  	[tilespmem:$0x1600] =	vst v9  }
0xcd: {  	v9 =	vld [tilespmem:s4+$0x10];
	_ =	sdelay $0x4  }
0xce: {  	v10 =	vshrl.u32 v9, $0xE;
	v9 =	vand.u32 $0x3FFF, v9  }
0xcf: {  	[tilespmem:$0x1510] =	vst v10  }
0xd0: {  	[tilespmem:$0x1610] =	vst v9  }
0xd1: {  	v9 =	vld [tilespmem:s4+$0x20];
	_ =	sdelay $0x4  }
0xd2: {  	v10 =	vshrl.u32 v9, $0xE;
	v9 =	vand.u32 $0x3FFF, v9  }
0xd3: {  	[tilespmem:$0x1520] =	vst v10  }
0xd4: {  	[tilespmem:$0x1620] =	vst v9  }
0xd5: {  	v9 =	vld [tilespmem:s4+$0x30];
	_ =	sdelay $0x4  }
0xd6: {  	v10 =	vshrl.u32 v9, $0xE;
	v9 =	vand.u32 $0x3FFF, v9  }
0xd7: {  	[tilespmem:$0x1530] =	vst v10  }
0xd8: {  	[tilespmem:$0x1630] =	vst v9  }
0xd9: {  	v9 =	vld [tilespmem:s4+$0x40];
	_ =	sdelay $0x4  }
0xda: {  	v10 =	vshrl.u32 v9, $0xE;
	v9 =	vand.u32 $0x3FFF, v9  }
0xdb: {  	[tilespmem:$0x1540] =	vst v10  }
0xdc: {  	[tilespmem:$0x1640] =	vst v9  }
0xdd: {  	v9 =	vld [tilespmem:s4+$0x50];
	_ =	sdelay $0x3  }
.Ltmp1:
0xde: {  	(pc) =	sbr.rel @p1 .LBB2_4-.Ltmp1, $4  }
0xdf: {  	v10 =	vshrl.u32 v9, $0xE;
	v9 =	vand.u32 $0x3FFF, v9  }
0xe0: {  	[tilespmem:$0x1550] =	vst v10  }
0xe1: {  	[tilespmem:$0x1650] =	vst v9  }
0xe2: {  	v9 =	vld [tilespmem:s4+$0x60]  }
0xe3: {  	_ =	sdelay $0x3  }
0xe4: {  	v10 =	vshrl.u32 v9, $0xE  }
0xe5: {  	v9 =	vand.u32 $0x3FFF, v9;
	[tilespmem:$0x1560] =	vst v10  }
0xe6: {  	[tilespmem:$0x1660] =	vst v9  }
0xe7: {  	v9 =	vld [tilespmem:s0+$0x70];
	_ =	sdelay $0x4  }
0xe8: {  	v10 =	vshrl.u32 v9, $0xE  }
0xe9: {  	v9 =	vand.u32 $0x3FFF, v9;
	[tilespmem:$0x1570] =	vst v10  }
0xea: {  	[tilespmem:$0x1670] =	vst v9  }
0xeb: {  	[tilespmem:s29], [sflag:$0x1] =	stream.indirect.gather [hbm4b:s2+s24], $0x80, s28, s24, $0xb8;
	[tilespmem:$0x1D680] =	vst v63  }
0xec: {  	_ =	swait.ge [sflag:s30], $0x4000  }
0xed: {  	[sflag:s30] =	ssyncset.done $0x0  }
0xee: {  	[sflag:s30] =	ssyncadd.s32 $0xFFFFC000  }
0xef: {  	[spmem:s3] =	stream.indirect.scatter.add.f32 [tilespmem:s21], [sflag:$0x2], $0x80, s31, s24, $0xb8;
	[tilespmem:$0x1D680] =	vst v63  }
0xf0: {  	s4 =	simm.s32 @!p0 $0x80;
	s0 =	simm.s32 @!p0 $0x28  }
0xf1: {  	[tilespmem:s4], [sflag:$0x3] =	stream.indirect.gather @!p0 [hbm4b:s10+s0], $0x80, s0, s0, $0xb8;
	[tilespmem:$0x1D680] =	vst v63  }
0xf2: {  	s0 =	simm.s32 @!p0 $0x3  }
0xf3: {  	_ =	swait.ge @!p0 [sflag:s0], $0x1400  }
0xf4: {  	p1 =	sle.u32 s12, $0x0;
	[sflag:s0] =	ssyncset.done @!p0 $0x0  }
0xf5: {  	[sflag:s0] =	ssyncadd.s32 @!p0 $0xFFFFEC00;
	s0 =	simm.s32 @!p1 $0x2  }
0xf6: {  	_ =	swait.ge @!p1 [sflag:s0], $0x4000  }
0xf7: {  	[sflag:s0] =	ssyncset.done @!p1 $0x0  }
0xf8: {  	s4 =	simm.s32 $0x100;
	[sflag:s0] =	ssyncadd.s32 @!p1 $0xFFFFC000;
	p1 =	sle.u32 s13, $0x0  }
0xf9: {  	v9 =	vld @!p1 [tilespmem:s4+$0xFFFFFF80];
	_ =	sdelay $0x4  }
0xfa: {  	v10 =	vshrl.u32 @!p1 v9, $0xE  }
0xfb: {  	v9 =	vand.u32 @!p1 $0x3FFF, v9;
	[tilespmem:$0x1480] =	vst @!p1 v10  }
0xfc: {  	[tilespmem:$0x1580] =	vst @!p1 v9  }
0xfd: {  	v9 =	vld @!p1 [tilespmem:s4+$0xFFFFFF90];
	_ =	sdelay $0x4  }
0xfe: {  	v10 =	vshrl.u32 @!p1 v9, $0xE  }
0xff: {  	v9 =	vand.u32 @!p1 $0x3FFF, v9;
	[tilespmem:$0x1490] =	vst @!p1 v10  }
0x100: {  	[tilespmem:$0x1590] =	vst @!p1 v9  }
0x101: {  	v9 =	vld @!p1 [tilespmem:s4+$0xFFFFFFA0];
	_ =	sdelay $0x4  }
0x102: {  	v10 =	vshrl.u32 @!p1 v9, $0xE  }
0x103: {  	v9 =	vand.u32 @!p1 $0x3FFF, v9;
	[tilespmem:$0x14A0] =	vst @!p1 v10  }
0x104: {  	[tilespmem:$0x15A0] =	vst @!p1 v9  }
0x105: {  	v9 =	vld @!p1 [tilespmem:s4+$0xFFFFFFB0];
	_ =	sdelay $0x4  }
0x106: {  	v10 =	vshrl.u32 @!p1 v9, $0xE  }
0x107: {  	v9 =	vand.u32 @!p1 $0x3FFF, v9;
	[tilespmem:$0x14B0] =	vst @!p1 v10  }
0x108: {  	[tilespmem:$0x15B0] =	vst @!p1 v9  }
0x109: {  	v9 =	vld @!p1 [tilespmem:s4+$0xFFFFFFC0];
	_ =	sdelay $0x4  }
0x10a: {  	v10 =	vshrl.u32 @!p1 v9, $0xE  }
0x10b: {  	v9 =	vand.u32 @!p1 $0x3FFF, v9;
	[tilespmem:$0x14C0] =	vst @!p1 v10  }
0x10c: {  	[tilespmem:$0x15C0] =	vst @!p1 v9  }
0x10d: {  	v9 =	vld @!p1 [tilespmem:s4+$0xFFFFFFD0];
	_ =	sdelay $0x4  }
0x10e: {  	v10 =	vshrl.u32 @!p1 v9, $0xE  }
0x10f: {  	v9 =	vand.u32 @!p1 $0x3FFF, v9;
	[tilespmem:$0x14D0] =	vst @!p1 v10  }
0x110: {  	[tilespmem:$0x15D0] =	vst @!p1 v9  }
0x111: {  	v9 =	vld @!p1 [tilespmem:s4+$0xFFFFFFE0];
	_ =	sdelay $0x4  }
0x112: {  	v10 =	vshrl.u32 @!p1 v9, $0xE  }
0x113: {  	v9 =	vand.u32 @!p1 $0x3FFF, v9;
	[tilespmem:$0x14E0] =	vst @!p1 v10  }
0x114: {  	[tilespmem:$0x15E0] =	vst @!p1 v9  }
0x115: {  	v9 =	vld @!p1 [tilespmem:s4+$0xFFFFFFF0];
	_ =	sdelay $0x4  }
0x116: {  	p2 =	sle.u32 s14, $0x0;
	v10 =	vshrl.u32 @!p1 v9, $0xE  }
0x117: {  	s17 =	simm.s32 @!p2 $0x1;
	v9 =	vand.u32 @!p1 $0x3FFF, v9;
	[tilespmem:$0x14F0] =	vst @!p1 v10  }
0x118: {  	s15 =	simm.s32 @!p1 $0x1680;
	s16 =	simm.s32 @!p1 $0x80;
	s0 =	simm.s32 @!p1 $0x1480;
	[tilespmem:$0x15F0] =	vst @!p1 v9  }
0x119: {  	[tilespmem:s15], [sflag:$0x1] =	stream.indirect.gather @!p1 [hbm4b:s2+s16], $0x80, s0, s16, $0xb8;
	[tilespmem:$0x1D680] =	vst v63  }
0x11a: {  	_ =	swait.ge @!p2 [sflag:s17], $0x4000  }
0x11b: {  	s18 =	simm.s32 @!p2 $0x2;
	s23 =	simm.s32 @!p2 $0x1600;
	[sflag:s17] =	ssyncset.done @!p2 $0x0  }
0x11c: {  	s0 =	simm.s32 @!p2 $0x5680;
	[sflag:s17] =	ssyncadd.s32 @!p2 $0xFFFFC000;
	s17 =	simm.s32 @!p2 $0x80  }
0x11d: {  	[spmem:s3] =	stream.indirect.scatter.add.f32 @!p2 [tilespmem:s0], [sflag:$0x2], $0x80, s23, s17, $0xb8;
	[tilespmem:$0x1D680] =	vst v63  }
0x11e: {  	_ =	swait.ge @!p2 [sflag:s18], $0x4000  }
0x11f: {  	[sflag:s18] =	ssyncset.done @!p2 $0x0  }
0x120: {  	p3 =	sle.u32 s6, $0x29;
	[sflag:s18] =	ssyncadd.s32 @!p2 $0xFFFFC000  }
0x121: {  	v9 =	vld @!p3 [tilespmem:s4+$0x0];
	_ =	sdelay $0x4  }
0x122: {  	v10 =	vshrl.u32 @!p3 v9, $0xE  }
0x123: {  	v9 =	vand.u32 @!p3 $0x3FFF, v9;
	[tilespmem:$0x1500] =	vst @!p3 v10  }
0x124: {  	[tilespmem:$0x1600] =	vst @!p3 v9  }
0x125: {  	v9 =	vld @!p3 [tilespmem:s4+$0x10];
	_ =	sdelay $0x4  }
0x126: {  	v10 =	vshrl.u32 @!p3 v9, $0xE  }
0x127: {  	v9 =	vand.u32 @!p3 $0x3FFF, v9;
	[tilespmem:$0x1510] =	vst @!p3 v10  }
0x128: {  	[tilespmem:$0x1610] =	vst @!p3 v9  }
0x129: {  	v9 =	vld @!p3 [tilespmem:s4+$0x20];
	_ =	sdelay $0x4  }
0x12a: {  	v10 =	vshrl.u32 @!p3 v9, $0xE  }
0x12b: {  	v9 =	vand.u32 @!p3 $0x3FFF, v9;
	[tilespmem:$0x1520] =	vst @!p3 v10  }
0x12c: {  	[tilespmem:$0x1620] =	vst @!p3 v9  }
0x12d: {  	v9 =	vld @!p3 [tilespmem:s4+$0x30];
	_ =	sdelay $0x4  }
0x12e: {  	v10 =	vshrl.u32 @!p3 v9, $0xE  }
0x12f: {  	v9 =	vand.u32 @!p3 $0x3FFF, v9;
	[tilespmem:$0x1530] =	vst @!p3 v10  }
0x130: {  	[tilespmem:$0x1630] =	vst @!p3 v9  }
0x131: {  	v9 =	vld @!p3 [tilespmem:s4+$0x40];
	_ =	sdelay $0x4  }
0x132: {  	v10 =	vshrl.u32 @!p3 v9, $0xE  }
0x133: {  	v9 =	vand.u32 @!p3 $0x3FFF, v9;
	[tilespmem:$0x1540] =	vst @!p3 v10  }
0x134: {  	[tilespmem:$0x1640] =	vst @!p3 v9  }
0x135: {  	v9 =	vld @!p3 [tilespmem:s4+$0x50];
	_ =	sdelay $0x4  }
0x136: {  	v10 =	vshrl.u32 @!p3 v9, $0xE  }
0x137: {  	v9 =	vand.u32 @!p3 $0x3FFF, v9;
	[tilespmem:$0x1550] =	vst @!p3 v10  }
0x138: {  	[tilespmem:$0x1650] =	vst @!p3 v9  }
0x139: {  	s23 =	simm.s32 $0x2;
	s0 =	simm.s32 $0x100;
	v9 =	vld @!p3 [tilespmem:s4+$0x60]  }
.LBB2_6:
0x13a: {  	_ =	sdelay $0x1  }
0x13b: {  	s4 =	sadd.s32 $0x100, s4;
	s17 =	smov.u32 s23;
	s23 =	sadd.s32 $0x2, s23  }
0x13c: {  	p2 =	sne.s32 s23, $0x28  }
0x13d: {  	v10 =	vshrl.u32 @!p3 v9, $0xE;
	v9 =	vand.u32 @!p3 $0x3FFF, v9  }
0x13e: {  	[tilespmem:$0x1560] =	vst @!p3 v10  }
0x13f: {  	[tilespmem:$0x1660] =	vst @!p3 v9  }
0x140: {  	v9 =	vld @!p3 [tilespmem:s0+$0x70];
	s0 =	smov.u32 s4;
	_ =	sdelay $0x4  }
0x141: {  	v10 =	vshrl.u32 @!p3 v9, $0xE;
	v9 =	vand.u32 @!p3 $0x3FFF, v9  }
0x142: {  	s18 =	simm.s32 @!p1 $0x1;
	[tilespmem:$0x1570] =	vst @!p3 v10  }
0x143: {  	s19 =	simm.s32 @!p3 $0x80;
	s20 =	simm.s32 @!p3 $0x1500;
	s25 =	simm.s32 @!p3 $0x5680;
	[tilespmem:$0x1670] =	vst @!p3 v9  }
0x144: {  	[tilespmem:s25], [sflag:$0x1] =	stream.indirect.gather @!p3 [hbm4b:s2+s19], $0x80, s20, s19, $0xb8;
	[tilespmem:$0x1D680] =	vst v63  }
0x145: {  	_ =	swait.ge @!p1 [sflag:s18], $0x4000  }
0x146: {  	p3 =	sge.u32 s17, s12;
	[sflag:s18] =	ssyncset.done @!p1 $0x0  }
0x147: {  	s19 =	simm.s32 @!p3 $0x2;
	[sflag:s18] =	ssyncadd.s32 @!p1 $0xFFFFC000;
	s18 =	simm.s32 @!p1 $0x1580  }
0x148: {  	[spmem:s3] =	stream.indirect.scatter.add.f32 @!p1 [tilespmem:s15], [sflag:$0x2], $0x80, s18, s16, $0xb8;
	[tilespmem:$0x1D680] =	vst v63  }
0x149: {  	_ =	swait.ge @!p3 [sflag:s19], $0x4000  }
0x14a: {  	[sflag:s19] =	ssyncset.done @!p3 $0x0  }
0x14b: {  	p1 =	sge.u32 s17, s13;
	[sflag:s19] =	ssyncadd.s32 @!p3 $0xFFFFC000  }
0x14c: {  	v9 =	vld @!p1 [tilespmem:s4+$0xFFFFFF80];
	_ =	sdelay $0x4  }
0x14d: {  	v10 =	vshrl.u32 @!p1 v9, $0xE;
	v9 =	vand.u32 @!p1 $0x3FFF, v9  }
0x14e: {  	[tilespmem:$0x1480] =	vst @!p1 v10  }
0x14f: {  	[tilespmem:$0x1580] =	vst @!p1 v9  }
0x150: {  	v9 =	vld @!p1 [tilespmem:s4+$0xFFFFFF90];
	_ =	sdelay $0x4  }
0x151: {  	v10 =	vshrl.u32 @!p1 v9, $0xE;
	v9 =	vand.u32 @!p1 $0x3FFF, v9  }
0x152: {  	[tilespmem:$0x1490] =	vst @!p1 v10  }
0x153: {  	[tilespmem:$0x1590] =	vst @!p1 v9  }
0x154: {  	v9 =	vld @!p1 [tilespmem:s4+$0xFFFFFFA0];
	_ =	sdelay $0x4  }
0x155: {  	v10 =	vshrl.u32 @!p1 v9, $0xE;
	v9 =	vand.u32 @!p1 $0x3FFF, v9  }
0x156: {  	[tilespmem:$0x14A0] =	vst @!p1 v10  }
0x157: {  	[tilespmem:$0x15A0] =	vst @!p1 v9  }
0x158: {  	v9 =	vld @!p1 [tilespmem:s4+$0xFFFFFFB0];
	_ =	sdelay $0x4  }
0x159: {  	v10 =	vshrl.u32 @!p1 v9, $0xE;
	v9 =	vand.u32 @!p1 $0x3FFF, v9  }
0x15a: {  	[tilespmem:$0x14B0] =	vst @!p1 v10  }
0x15b: {  	[tilespmem:$0x15B0] =	vst @!p1 v9  }
0x15c: {  	v9 =	vld @!p1 [tilespmem:s4+$0xFFFFFFC0];
	_ =	sdelay $0x4  }
0x15d: {  	v10 =	vshrl.u32 @!p1 v9, $0xE;
	v9 =	vand.u32 @!p1 $0x3FFF, v9  }
0x15e: {  	[tilespmem:$0x14C0] =	vst @!p1 v10  }
0x15f: {  	[tilespmem:$0x15C0] =	vst @!p1 v9  }
0x160: {  	v9 =	vld @!p1 [tilespmem:s4+$0xFFFFFFD0];
	_ =	sdelay $0x4  }
0x161: {  	v10 =	vshrl.u32 @!p1 v9, $0xE;
	v9 =	vand.u32 @!p1 $0x3FFF, v9  }
0x162: {  	[tilespmem:$0x14D0] =	vst @!p1 v10  }
0x163: {  	[tilespmem:$0x15D0] =	vst @!p1 v9  }
0x164: {  	v9 =	vld @!p1 [tilespmem:s4+$0xFFFFFFE0];
	_ =	sdelay $0x4  }
0x165: {  	v10 =	vshrl.u32 @!p1 v9, $0xE;
	v9 =	vand.u32 @!p1 $0x3FFF, v9  }
0x166: {  	[tilespmem:$0x14E0] =	vst @!p1 v10  }
0x167: {  	[tilespmem:$0x15E0] =	vst @!p1 v9  }
0x168: {  	v9 =	vld @!p1 [tilespmem:s4+$0xFFFFFFF0];
	_ =	sdelay $0x4  }
0x169: {  	v10 =	vshrl.u32 @!p1 v9, $0xE;
	v9 =	vand.u32 @!p1 $0x3FFF, v9  }
0x16a: {  	s15 =	simm.s32 @!p1 $0x1680;
	p3 =	sge.u32 s17, s14;
	[tilespmem:$0x14F0] =	vst @!p1 v10  }
0x16b: {  	s16 =	simm.s32 @!p1 $0x80;
	s18 =	simm.s32 @!p1 $0x1480;
	s19 =	simm.s32 @!p3 $0x1;
	[tilespmem:$0x15F0] =	vst @!p1 v9  }
0x16c: {  	[tilespmem:s15], [sflag:$0x1] =	stream.indirect.gather @!p1 [hbm4b:s2+s16], $0x80, s18, s16, $0xb8;
	[tilespmem:$0x1D680] =	vst v63  }
0x16d: {  	_ =	swait.ge @!p3 [sflag:s19], $0x4000  }
0x16e: {  	s20 =	simm.s32 @!p3 $0x2;
	s18 =	simm.s32 @!p3 $0x5680;
	[sflag:s19] =	ssyncset.done @!p3 $0x0  }
0x16f: {  	s25 =	simm.s32 @!p3 $0x1600;
	[sflag:s19] =	ssyncadd.s32 @!p3 $0xFFFFC000;
	s19 =	simm.s32 @!p3 $0x80  }
0x170: {  	[spmem:s3] =	stream.indirect.scatter.add.f32 @!p3 [tilespmem:s18], [sflag:$0x2], $0x80, s25, s19, $0xb8;
	[tilespmem:$0x1D680] =	vst v63  }
0x171: {  	_ =	swait.ge @!p3 [sflag:s20], $0x4000  }
0x172: {  	s17 =	sadd.s32 $0x29, s17;
	[sflag:s20] =	ssyncset.done @!p3 $0x0  }
0x173: {  	[sflag:s20] =	ssyncadd.s32 @!p3 $0xFFFFC000;
	p3 =	sge.u32 s17, s6  }
0x174: {  	v9 =	vld @!p3 [tilespmem:s4+$0x0];
	_ =	sdelay $0x4  }
0x175: {  	v10 =	vshrl.u32 @!p3 v9, $0xE;
	v9 =	vand.u32 @!p3 $0x3FFF, v9  }
0x176: {  	[tilespmem:$0x1500] =	vst @!p3 v10  }
0x177: {  	[tilespmem:$0x1600] =	vst @!p3 v9  }
0x178: {  	v9 =	vld @!p3 [tilespmem:s4+$0x10];
	_ =	sdelay $0x4  }
0x179: {  	v10 =	vshrl.u32 @!p3 v9, $0xE;
	v9 =	vand.u32 @!p3 $0x3FFF, v9  }
0x17a: {  	[tilespmem:$0x1510] =	vst @!p3 v10  }
0x17b: {  	[tilespmem:$0x1610] =	vst @!p3 v9  }
0x17c: {  	v9 =	vld @!p3 [tilespmem:s4+$0x20];
	_ =	sdelay $0x4  }
0x17d: {  	v10 =	vshrl.u32 @!p3 v9, $0xE;
	v9 =	vand.u32 @!p3 $0x3FFF, v9  }
0x17e: {  	[tilespmem:$0x1520] =	vst @!p3 v10  }
0x17f: {  	[tilespmem:$0x1620] =	vst @!p3 v9  }
0x180: {  	v9 =	vld @!p3 [tilespmem:s4+$0x30];
	_ =	sdelay $0x4  }
0x181: {  	v10 =	vshrl.u32 @!p3 v9, $0xE;
	v9 =	vand.u32 @!p3 $0x3FFF, v9  }
0x182: {  	[tilespmem:$0x1530] =	vst @!p3 v10  }
0x183: {  	[tilespmem:$0x1630] =	vst @!p3 v9  }
0x184: {  	v9 =	vld @!p3 [tilespmem:s4+$0x40];
	_ =	sdelay $0x4  }
0x185: {  	v10 =	vshrl.u32 @!p3 v9, $0xE;
	v9 =	vand.u32 @!p3 $0x3FFF, v9  }
0x186: {  	[tilespmem:$0x1540] =	vst @!p3 v10  }
0x187: {  	[tilespmem:$0x1640] =	vst @!p3 v9  }
0x188: {  	v9 =	vld @!p3 [tilespmem:s4+$0x50];
	_ =	sdelay $0x3  }
.Ltmp2:
0x189: {  	(pc) =	sbr.rel @p2 .LBB2_6-.Ltmp2, $4  }
0x18a: {  	v10 =	vshrl.u32 @!p3 v9, $0xE;
	v9 =	vand.u32 @!p3 $0x3FFF, v9  }
0x18b: {  	[tilespmem:$0x1550] =	vst @!p3 v10  }
0x18c: {  	[tilespmem:$0x1650] =	vst @!p3 v9  }
0x18d: {  	v9 =	vld @!p3 [tilespmem:s4+$0x60]  }
0x18e: {  	_ =	sdelay $0x3  }
0x18f: {  	v10 =	vshrl.u32 @!p3 v9, $0xE  }
0x190: {  	v9 =	vand.u32 @!p3 $0x3FFF, v9;
	[tilespmem:$0x1560] =	vst @!p3 v10  }
0x191: {  	[tilespmem:$0x1660] =	vst @!p3 v9  }
0x192: {  	v9 =	vld @!p3 [tilespmem:s0+$0x70];
	_ =	sdelay $0x4  }
0x193: {  	v10 =	vshrl.u32 @!p3 v9, $0xE  }
0x194: {  	s4 =	simm.s32 @!p3 $0x80;
	v9 =	vand.u32 @!p3 $0x3FFF, v9;
	[tilespmem:$0x1570] =	vst @!p3 v10  }
0x195: {  	s17 =	simm.s32 @!p3 $0x1500;
	s18 =	simm.s32 @!p3 $0x5680;
	s0 =	simm.s32 @!p1 $0x1;
	[tilespmem:$0x1670] =	vst @!p3 v9  }
0x196: {  	[tilespmem:s18], [sflag:$0x1] =	stream.indirect.gather @!p3 [hbm4b:s2+s4], $0x80, s17, s4, $0xb8;
	[tilespmem:$0x1D680] =	vst v63  }
0x197: {  	_ =	swait.ge @!p1 [sflag:s0], $0x4000  }
0x198: {  	[sflag:s0] =	ssyncset.done @!p1 $0x0  }
0x199: {  	[sflag:s0] =	ssyncadd.s32 @!p1 $0xFFFFC000;
	s0 =	simm.s32 @!p1 $0x1580  }
0x19a: {  	[spmem:s3] =	stream.indirect.scatter.add.f32 @!p1 [tilespmem:s15], [sflag:$0x2], $0x80, s0, s16, $0xb8;
	[tilespmem:$0x1D680] =	vst v63  }
0x19b: {  	s4 =	simm.s32 @!p0 $0x50;
	s0 =	simm.s32 @!p0 $0x28;
	s15 =	simm.s32 @!p0 $0x80  }
0x19c: {  	[tilespmem:s15], [sflag:$0x3] =	stream.indirect.gather @!p0 [hbm4b:s10+s0], $0x80, s4, s0, $0xb8;
	[tilespmem:$0x1D680] =	vst v63  }
0x19d: {  	s0 =	simm.s32 @!p0 $0x3  }
0x19e: {  	_ =	swait.ge @!p0 [sflag:s0], $0x1400  }
0x19f: {  	p2 =	sle.u32 s6, $0x4E;
	[sflag:s0] =	ssyncset.done @!p0 $0x0  }
0x1a0: {  	[sflag:s0] =	ssyncadd.s32 @!p0 $0xFFFFEC00;
	s0 =	simm.s32 @!p2 $0x2  }
0x1a1: {  	_ =	swait.ge @!p2 [sflag:s0], $0x4000  }
0x1a2: {  	p6 =	sle.u32 s6, $0x50;
	[sflag:s0] =	ssyncset.done @!p2 $0x0  }
0x1a3: {  	p1 =	por p6, p6;
	s4 =	simm.s32 $0x100;
	[sflag:s0] =	ssyncadd.s32 @!p2 $0xFFFFC000  }
0x1a4: {  	v9 =	vld @!p1 [tilespmem:s4+$0xFFFFFF80];
	_ =	sdelay $0x4  }
0x1a5: {  	v10 =	vshrl.u32 @!p1 v9, $0xE  }
0x1a6: {  	v9 =	vand.u32 @!p1 $0x3FFF, v9;
	[tilespmem:$0x1480] =	vst @!p1 v10  }
0x1a7: {  	[tilespmem:$0x1580] =	vst @!p1 v9  }
0x1a8: {  	v9 =	vld @!p1 [tilespmem:s4+$0xFFFFFF90];
	_ =	sdelay $0x4  }
0x1a9: {  	v10 =	vshrl.u32 @!p1 v9, $0xE  }
0x1aa: {  	v9 =	vand.u32 @!p1 $0x3FFF, v9;
	[tilespmem:$0x1490] =	vst @!p1 v10  }
0x1ab: {  	[tilespmem:$0x1590] =	vst @!p1 v9  }
0x1ac: {  	v9 =	vld @!p1 [tilespmem:s4+$0xFFFFFFA0];
	_ =	sdelay $0x4  }
0x1ad: {  	v10 =	vand.u32 @!p1 $0x3FFF, v9  }
0x1ae: {  	v9 =	vshrl.u32 @!p1 v9, $0xE;
	[tilespmem:$0x15A0] =	vst @!p1 v10  }
0x1af: {  	[tilespmem:$0x14A0] =	vst @!p1 v9  }
0x1b0: {  	v9 =	vld @!p1 [tilespmem:s4+$0xFFFFFFB0];
	_ =	sdelay $0x4  }
0x1b1: {  	v10 =	vshrl.u32 @!p1 v9, $0xE  }
0x1b2: {  	v9 =	vand.u32 @!p1 $0x3FFF, v9;
	[tilespmem:$0x14B0] =	vst @!p1 v10  }
0x1b3: {  	[tilespmem:$0x15B0] =	vst @!p1 v9  }
0x1b4: {  	v9 =	vld @!p1 [tilespmem:s4+$0xFFFFFFC0];
	_ =	sdelay $0x4  }
0x1b5: {  	v10 =	vshrl.u32 @!p1 v9, $0xE  }
0x1b6: {  	v9 =	vand.u32 @!p1 $0x3FFF, v9;
	[tilespmem:$0x14C0] =	vst @!p1 v10  }
0x1b7: {  	[tilespmem:$0x15C0] =	vst @!p1 v9  }
0x1b8: {  	v9 =	vld @!p1 [tilespmem:s4+$0xFFFFFFD0];
	_ =	sdelay $0x4  }
0x1b9: {  	v10 =	vshrl.u32 @!p1 v9, $0xE  }
0x1ba: {  	v9 =	vand.u32 @!p1 $0x3FFF, v9;
	[tilespmem:$0x14D0] =	vst @!p1 v10  }
0x1bb: {  	[tilespmem:$0x15D0] =	vst @!p1 v9  }
0x1bc: {  	v9 =	vld @!p1 [tilespmem:s4+$0xFFFFFFE0];
	_ =	sdelay $0x4  }
0x1bd: {  	v10 =	vshrl.u32 @!p1 v9, $0xE  }
0x1be: {  	v9 =	vand.u32 @!p1 $0x3FFF, v9;
	[tilespmem:$0x14E0] =	vst @!p1 v10  }
0x1bf: {  	[tilespmem:$0x15E0] =	vst @!p1 v9  }
0x1c0: {  	v9 =	vld @!p1 [tilespmem:s4+$0xFFFFFFF0];
	_ =	sdelay $0x4  }
0x1c1: {  	v10 =	vshrl.u32 @!p1 v9, $0xE  }
0x1c2: {  	s16 =	simm.s32 @!p1 $0x1680;
	p2 =	sle.u32 s6, $0x4F;
	v9 =	vand.u32 @!p1 $0x3FFF, v9;
	[tilespmem:$0x14F0] =	vst @!p1 v10  }
0x1c3: {  	s15 =	simm.s32 @!p1 $0x80;
	s0 =	simm.s32 @!p1 $0x1480;
	s17 =	simm.s32 @!p2 $0x1;
	[tilespmem:$0x15F0] =	vst @!p1 v9  }
0x1c4: {  	[tilespmem:s16], [sflag:$0x1] =	stream.indirect.gather @!p1 [hbm4b:s2+s15], $0x80, s0, s15, $0xb8;
	[tilespmem:$0x1D680] =	vst v63  }
0x1c5: {  	_ =	swait.ge @!p2 [sflag:s17], $0x4000  }
0x1c6: {  	s18 =	simm.s32 @!p2 $0x5680;
	s19 =	simm.s32 @!p2 $0x80;
	[sflag:s17] =	ssyncset.done @!p2 $0x0  }
0x1c7: {  	s20 =	simm.s32 @!p2 $0x2;
	s0 =	simm.s32 @!p2 $0x1600;
	[sflag:s17] =	ssyncadd.s32 @!p2 $0xFFFFC000  }
0x1c8: {  	[spmem:s3] =	stream.indirect.scatter.add.f32 @!p2 [tilespmem:s18], [sflag:$0x2], $0x80, s0, s19, $0xb8;
	[tilespmem:$0x1D680] =	vst v63  }
0x1c9: {  	_ =	swait.ge @!p2 [sflag:s20], $0x4000  }
0x1ca: {  	[sflag:s20] =	ssyncset.done @!p2 $0x0  }
0x1cb: {  	p3 =	sle.u32 s6, $0x51;
	[sflag:s20] =	ssyncadd.s32 @!p2 $0xFFFFC000  }
0x1cc: {  	v9 =	vld @!p3 [tilespmem:s4+$0x0];
	_ =	sdelay $0x4  }
0x1cd: {  	v10 =	vshrl.u32 @!p3 v9, $0xE  }
0x1ce: {  	v9 =	vand.u32 @!p3 $0x3FFF, v9;
	[tilespmem:$0x1500] =	vst @!p3 v10  }
0x1cf: {  	[tilespmem:$0x1600] =	vst @!p3 v9  }
0x1d0: {  	v9 =	vld @!p3 [tilespmem:s4+$0x10];
	_ =	sdelay $0x4  }
0x1d1: {  	v10 =	vshrl.u32 @!p3 v9, $0xE  }
0x1d2: {  	v9 =	vand.u32 @!p3 $0x3FFF, v9;
	[tilespmem:$0x1510] =	vst @!p3 v10  }
0x1d3: {  	[tilespmem:$0x1610] =	vst @!p3 v9  }
0x1d4: {  	v9 =	vld @!p3 [tilespmem:s4+$0x20];
	_ =	sdelay $0x4  }
0x1d5: {  	v10 =	vshrl.u32 @!p3 v9, $0xE  }
0x1d6: {  	v9 =	vand.u32 @!p3 $0x3FFF, v9;
	[tilespmem:$0x1520] =	vst @!p3 v10  }
0x1d7: {  	[tilespmem:$0x1620] =	vst @!p3 v9  }
0x1d8: {  	v9 =	vld @!p3 [tilespmem:s4+$0x30];
	_ =	sdelay $0x4  }
0x1d9: {  	v10 =	vshrl.u32 @!p3 v9, $0xE  }
0x1da: {  	v9 =	vand.u32 @!p3 $0x3FFF, v9;
	[tilespmem:$0x1530] =	vst @!p3 v10  }
0x1db: {  	[tilespmem:$0x1630] =	vst @!p3 v9  }
0x1dc: {  	v9 =	vld @!p3 [tilespmem:s4+$0x40];
	_ =	sdelay $0x4  }
0x1dd: {  	v10 =	vshrl.u32 @!p3 v9, $0xE  }
0x1de: {  	v9 =	vand.u32 @!p3 $0x3FFF, v9;
	[tilespmem:$0x1540] =	vst @!p3 v10  }
0x1df: {  	s7 =	smov.u32 s9;
	[tilespmem:$0x1640] =	vst @!p3 v9  }
0x1e0: {  	s11 =	smov.u32 s8;
	s23 =	simm.s32 $0x100;
	s0 =	simm.s32 $0x53;
	v9 =	vld @!p3 [tilespmem:s4+$0x50]  }
.LBB2_8:
0x1e1: {  	s4 =	sadd.s32 $0x100, s4;
	s17 =	smov.u32 s0;
	s0 =	sadd.s32 $0x2, s0  }
0x1e2: {  	p2 =	sne.s32 s0, $0x79;
	_ =	sdelay $0x2  }
0x1e3: {  	v10 =	vshrl.u32 @!p3 v9, $0xE;
	v9 =	vand.u32 @!p3 $0x3FFF, v9  }
0x1e4: {  	[tilespmem:$0x1550] =	vst @!p3 v10  }
0x1e5: {  	[tilespmem:$0x1650] =	vst @!p3 v9  }
0x1e6: {  	v9 =	vld @!p3 [tilespmem:s23+$0x60];
	_ =	sdelay $0x4  }
0x1e7: {  	s18 =	simm.s32 @!p3 $0x80;
	s19 =	simm.s32 @!p3 $0x1500;
	s20 =	simm.s32 @!p3 $0x5680;
	v10 =	vshrl.u32 @!p3 v9, $0xE;
	v9 =	vand.u32 @!p3 $0x3FFF, v9  }
0x1e8: {  	s25 =	simm.s32 @!p1 $0x1;
	[tilespmem:$0x1560] =	vst @!p3 v10  }
0x1e9: {  	s8 =	sadd.s32 $0xFFFFFFFD, s17;
	[tilespmem:$0x1660] =	vst @!p3 v9  }
0x1ea: {  	p4 =	sge.u32 s8, s6;
	v9 =	vld @!p3 [tilespmem:s23+$0x70];
	s23 =	smov.u32 s4  }
0x1eb: {  	s9 =	simm.s32 @!p1 $0x1580;
	s8 =	simm.s32 @!p4 $0x2;
	_ =	sdelay $0x2  }
0x1ec: {  	s10 =	sadd.s32 $0xFFFFFFFF, s17  }
0x1ed: {  	p5 =	sge.u32 s10, s6;
	v10 =	vshrl.u32 @!p3 v9, $0xE;
	v9 =	vand.u32 @!p3 $0x3FFF, v9  }
0x1ee: {  	[tilespmem:$0x1570] =	vst @!p3 v10  }
0x1ef: {  	[tilespmem:$0x1670] =	vst @!p3 v9  }
0x1f0: {  	[tilespmem:s20], [sflag:$0x1] =	stream.indirect.gather @!p3 [hbm4b:s2+s18], $0x80, s19, s18, $0xb8;
	[tilespmem:$0x1D680] =	vst v63  }
0x1f1: {  	_ =	swait.ge @!p1 [sflag:s25], $0x4000  }
0x1f2: {  	[sflag:s25] =	ssyncset.done @!p1 $0x0  }
0x1f3: {  	[sflag:s25] =	ssyncadd.s32 @!p1 $0xFFFFC000  }
0x1f4: {  	[spmem:s3] =	stream.indirect.scatter.add.f32 @!p1 [tilespmem:s16], [sflag:$0x2], $0x80, s9, s15, $0xb8;
	[tilespmem:$0x1D680] =	vst v63  }
0x1f5: {  	p1 =	por p5, p5;
	_ =	swait.ge @!p4 [sflag:s8], $0x4000  }
0x1f6: {  	[sflag:s8] =	ssyncset.done @!p4 $0x0  }
0x1f7: {  	[sflag:s8] =	ssyncadd.s32 @!p4 $0xFFFFC000  }
0x1f8: {  	v9 =	vld @!p1 [tilespmem:s4+$0xFFFFFF80];
	_ =	sdelay $0x4  }
0x1f9: {  	v10 =	vshrl.u32 @!p1 v9, $0xE;
	v9 =	vand.u32 @!p1 $0x3FFF, v9  }
0x1fa: {  	[tilespmem:$0x1480] =	vst @!p1 v10  }
0x1fb: {  	[tilespmem:$0x1580] =	vst @!p1 v9  }
0x1fc: {  	v9 =	vld @!p1 [tilespmem:s4+$0xFFFFFF90];
	_ =	sdelay $0x4  }
0x1fd: {  	v10 =	vshrl.u32 @!p1 v9, $0xE;
	v9 =	vand.u32 @!p1 $0x3FFF, v9  }
0x1fe: {  	[tilespmem:$0x1490] =	vst @!p1 v10  }
0x1ff: {  	[tilespmem:$0x1590] =	vst @!p1 v9  }
0x200: {  	v9 =	vld @!p1 [tilespmem:s4+$0xFFFFFFA0];
	_ =	sdelay $0x4  }
0x201: {  	v10 =	vshrl.u32 @!p1 v9, $0xE;
	v9 =	vand.u32 @!p1 $0x3FFF, v9  }
0x202: {  	[tilespmem:$0x15A0] =	vst @!p1 v9  }
0x203: {  	[tilespmem:$0x14A0] =	vst @!p1 v10  }
0x204: {  	v9 =	vld @!p1 [tilespmem:s4+$0xFFFFFFB0];
	_ =	sdelay $0x4  }
0x205: {  	v10 =	vshrl.u32 @!p1 v9, $0xE;
	v9 =	vand.u32 @!p1 $0x3FFF, v9  }
0x206: {  	[tilespmem:$0x14B0] =	vst @!p1 v10  }
0x207: {  	[tilespmem:$0x15B0] =	vst @!p1 v9  }
0x208: {  	v9 =	vld @!p1 [tilespmem:s4+$0xFFFFFFC0];
	_ =	sdelay $0x4  }
0x209: {  	v10 =	vshrl.u32 @!p1 v9, $0xE;
	v9 =	vand.u32 @!p1 $0x3FFF, v9  }
0x20a: {  	[tilespmem:$0x14C0] =	vst @!p1 v10  }
0x20b: {  	[tilespmem:$0x15C0] =	vst @!p1 v9  }
0x20c: {  	v9 =	vld @!p1 [tilespmem:s4+$0xFFFFFFD0];
	_ =	sdelay $0x4  }
0x20d: {  	v10 =	vshrl.u32 @!p1 v9, $0xE;
	v9 =	vand.u32 @!p1 $0x3FFF, v9  }
0x20e: {  	[tilespmem:$0x14D0] =	vst @!p1 v10  }
0x20f: {  	[tilespmem:$0x15D0] =	vst @!p1 v9  }
0x210: {  	v9 =	vld @!p1 [tilespmem:s4+$0xFFFFFFE0];
	_ =	sdelay $0x3  }
0x211: {  	s8 =	sadd.s32 $0xFFFFFFFE, s17  }
0x212: {  	s15 =	simm.s32 @!p1 $0x80;
	s9 =	simm.s32 @!p1 $0x1480;
	p3 =	sge.u32 s8, s6;
	v10 =	vshrl.u32 @!p1 v9, $0xE;
	v9 =	vand.u32 @!p1 $0x3FFF, v9  }
0x213: {  	[tilespmem:$0x14E0] =	vst @!p1 v10  }
0x214: {  	[tilespmem:$0x15E0] =	vst @!p1 v9  }
0x215: {  	v9 =	vld @!p1 [tilespmem:s4+$0xFFFFFFF0];
	_ =	sdelay $0x1  }
0x216: {  	s8 =	simm.s32 @!p3 $0x1;
	s10 =	simm.s32 @!p3 $0x1600;
	s18 =	simm.s32 @!p3 $0x5680  }
0x217: {  	_ =	sdelay $0x1  }
0x218: {  	v10 =	vshrl.u32 @!p1 v9, $0xE;
	v9 =	vand.u32 @!p1 $0x3FFF, v9  }
0x219: {  	s19 =	simm.s32 @!p3 $0x80;
	s20 =	simm.s32 @!p3 $0x2;
	[tilespmem:$0x14F0] =	vst @!p1 v10  }
0x21a: {  	s16 =	simm.s32 @!p1 $0x1680;
	[tilespmem:$0x15F0] =	vst @!p1 v9  }
0x21b: {  	[tilespmem:s16], [sflag:$0x1] =	stream.indirect.gather @!p1 [hbm4b:s2+s15], $0x80, s9, s15, $0xb8;
	[tilespmem:$0x1D680] =	vst v63  }
0x21c: {  	_ =	swait.ge @!p3 [sflag:s8], $0x4000  }
0x21d: {  	[sflag:s8] =	ssyncset.done @!p3 $0x0  }
0x21e: {  	[sflag:s8] =	ssyncadd.s32 @!p3 $0xFFFFC000  }
0x21f: {  	[spmem:s3] =	stream.indirect.scatter.add.f32 @!p3 [tilespmem:s18], [sflag:$0x2], $0x80, s10, s19, $0xb8;
	[tilespmem:$0x1D680] =	vst v63  }
0x220: {  	_ =	swait.ge @!p3 [sflag:s20], $0x4000  }
0x221: {  	[sflag:s20] =	ssyncset.done @!p3 $0x0  }
0x222: {  	[sflag:s20] =	ssyncadd.s32 @!p3 $0xFFFFC000;
	p3 =	sge.u32 s17, s6  }
0x223: {  	v9 =	vld @!p3 [tilespmem:s4+$0x0];
	_ =	sdelay $0x4  }
0x224: {  	v10 =	vshrl.u32 @!p3 v9, $0xE;
	v9 =	vand.u32 @!p3 $0x3FFF, v9  }
0x225: {  	[tilespmem:$0x1500] =	vst @!p3 v10  }
0x226: {  	[tilespmem:$0x1600] =	vst @!p3 v9  }
0x227: {  	v9 =	vld @!p3 [tilespmem:s4+$0x10];
	_ =	sdelay $0x4  }
0x228: {  	v10 =	vshrl.u32 @!p3 v9, $0xE;
	v9 =	vand.u32 @!p3 $0x3FFF, v9  }
0x229: {  	[tilespmem:$0x1510] =	vst @!p3 v10  }
0x22a: {  	[tilespmem:$0x1610] =	vst @!p3 v9  }
0x22b: {  	v9 =	vld @!p3 [tilespmem:s4+$0x20];
	_ =	sdelay $0x4  }
0x22c: {  	v10 =	vshrl.u32 @!p3 v9, $0xE;
	v9 =	vand.u32 @!p3 $0x3FFF, v9  }
0x22d: {  	[tilespmem:$0x1520] =	vst @!p3 v10  }
0x22e: {  	[tilespmem:$0x1620] =	vst @!p3 v9  }
0x22f: {  	v9 =	vld @!p3 [tilespmem:s4+$0x30];
	_ =	sdelay $0x4  }
0x230: {  	v10 =	vshrl.u32 @!p3 v9, $0xE;
	v9 =	vand.u32 @!p3 $0x3FFF, v9  }
0x231: {  	[tilespmem:$0x1530] =	vst @!p3 v10  }
0x232: {  	[tilespmem:$0x1630] =	vst @!p3 v9  }
0x233: {  	v9 =	vld @!p3 [tilespmem:s4+$0x40];
	_ =	sdelay $0x3  }
.Ltmp3:
0x234: {  	(pc) =	sbr.rel @p2 .LBB2_8-.Ltmp3, $4  }
0x235: {  	v10 =	vshrl.u32 @!p3 v9, $0xE;
	v9 =	vand.u32 @!p3 $0x3FFF, v9  }
0x236: {  	[tilespmem:$0x1540] =	vst @!p3 v10  }
0x237: {  	[tilespmem:$0x1640] =	vst @!p3 v9  }
0x238: {  	v9 =	vld @!p3 [tilespmem:s4+$0x50]  }
0x239: {  	_ =	sdelay $0x3  }
0x23a: {  	v10 =	vshrl.u32 @!p3 v9, $0xE  }
0x23b: {  	v9 =	vand.u32 @!p3 $0x3FFF, v9;
	[tilespmem:$0x1550] =	vst @!p3 v10  }
0x23c: {  	[tilespmem:$0x1650] =	vst @!p3 v9  }
0x23d: {  	v9 =	vld @!p3 [tilespmem:s23+$0x60];
	_ =	sdelay $0x4  }
0x23e: {  	v10 =	vshrl.u32 @!p3 v9, $0xE  }
0x23f: {  	v9 =	vand.u32 @!p3 $0x3FFF, v9;
	[tilespmem:$0x1560] =	vst @!p3 v10  }
0x240: {  	[tilespmem:$0x1660] =	vst @!p3 v9  }
0x241: {  	v9 =	vld @!p3 [tilespmem:s23+$0x70];
	_ =	sdelay $0x4  }
0x242: {  	v10 =	vshrl.u32 @!p3 v9, $0xE  }
0x243: {  	s0 =	simm.s32 @!p3 $0x80;
	v9 =	vand.u32 @!p3 $0x3FFF, v9;
	[tilespmem:$0x1570] =	vst @!p3 v10  }
0x244: {  	s4 =	simm.s32 @!p3 $0x1500;
	s8 =	simm.s32 @!p3 $0x5680;
	s9 =	simm.s32 @!p1 $0x1;
	[tilespmem:$0x1670] =	vst @!p3 v9  }
0x245: {  	[tilespmem:s8], [sflag:$0x1] =	stream.indirect.gather @!p3 [hbm4b:s2+s0], $0x80, s4, s0, $0xb8;
	[tilespmem:$0x1D680] =	vst v63  }
0x246: {  	_ =	swait.ge @!p1 [sflag:s9], $0x4000  }
0x247: {  	[sflag:s9] =	ssyncset.done @!p1 $0x0  }
0x248: {  	s0 =	simm.s32 @!p1 $0x1580;
	[sflag:s9] =	ssyncadd.s32 @!p1 $0xFFFFC000  }
0x249: {  	[spmem:s3] =	stream.indirect.scatter.add.f32 @!p1 [tilespmem:s16], [sflag:$0x2], $0x80, s0, s15, $0xb8;
	[tilespmem:$0x1D680] =	vst v63  }
0x24a: {  	s0 =	simm.s32 @!p0 $0x2  }
0x24b: {  	_ =	swait.ge @!p0 [sflag:s0], $0x4000  }
0x24c: {  	[sflag:s0] =	ssyncset.done @!p0 $0x0  }
0x24d: {  	s4 =	simm.s32 @!p0 $0x1;
	[sflag:s0] =	ssyncadd.s32 @!p0 $0xFFFFC000  }
0x24e: {  	_ =	swait.ge @!p0 [sflag:s4], $0x4000  }
0x24f: {  	s8 =	simm.s32 @!p0 $0x1600;
	[sflag:s4] =	ssyncset.done @!p0 $0x0  }
0x250: {  	s9 =	simm.s32 @!p0 $0x5680;
	[sflag:s4] =	ssyncadd.s32 @!p0 $0xFFFFC000;
	s4 =	simm.s32 @!p0 $0x80  }
0x251: {  	[spmem:s3] =	stream.indirect.scatter.add.f32 @!p0 [tilespmem:s9], [sflag:$0x2], $0x80, s8, s4, $0xb8;
	[tilespmem:$0x1D680] =	vst v63  }
0x252: {  	_ =	swait.ge @!p0 [sflag:s0], $0x4000  }
0x253: {  	[sflag:s0] =	ssyncset.done @!p0 $0x0  }
0x254: {  	s8 =	stileid.u32;
	[sflag:s0] =	ssyncadd.s32 @!p0 $0xFFFFC000  }
0x255: {  	s0 =	sshll.u32 s8, $0x6;
	[bflag:$0x0] =	sbarrier.arrive $0xFFFF  }
0x256: {  	s9 =	sshrl.u32 s5, $0x3;
	s0 =	sor.u32 $0x1C04, s0;
	s10 =	rddreg [dreg:$0x7]  }
0x257: {  	[hbm:s10], [sflag:s0] =	dma.local [spmem:s9], $0x800  }
0x258: {  	_ =	swait.ge [sflag:s22], $0x800  }
0x259: {  	[sflag:s22] =	ssyncset.done $0x0  }
0x25a: {  	s15 =	sshrl.u32 s11, $0x3;
	s16 =	rddreg [dreg:$0x8];
	[sflag:s22] =	ssyncadd.s32 $0xFFFFF800  }
0x25b: {  	[hbm:s16], [sflag:s0] =	dma.local [spmem:s15], $0x800  }
0x25c: {  	_ =	swait.ge [sflag:s22], $0x800  }
0x25d: {  	[sflag:s22] =	ssyncset.done $0x0  }
0x25e: {  	s17 =	sshrl.u32 s7, $0x3;
	s18 =	rddreg [dreg:$0x9];
	[sflag:s22] =	ssyncadd.s32 $0xFFFFF800  }
0x25f: {  	[hbm:s18], [sflag:s0] =	dma.local [spmem:s17], $0x800  }
0x260: {  	_ =	swait.ge [sflag:s22], $0x800  }
0x261: {  	s9 =	smov.u32 s7;
	[sflag:s22] =	ssyncset.done $0x0;
	s7 =	rddreg [dreg:$0x5]  }
0x262: {  	s10 =	rddreg [dreg:$0xa];
	[sflag:s22] =	ssyncadd.s32 $0xFFFFF800;
	s19 =	sshrl.u32 s7, $0x3  }
0x263: {  	[hbm:s10], [sflag:s0] =	dma.local [spmem:s19], $0x800  }
0x264: {  	_ =	swait.ge [sflag:s22], $0x800  }
0x265: {  	[sflag:s22] =	ssyncset.done $0x0;
	s10 =	rddreg [dreg:$0x6]  }
0x266: {  	s23 =	rddreg [dreg:$0xb];
	[sflag:s22] =	ssyncadd.s32 $0xFFFFF800;
	s20 =	sshrl.u32 s10, $0x3  }
0x267: {  	[hbm:s23], [sflag:s0] =	dma.local [spmem:s20], $0x800  }
0x268: {  	_ =	swait.ge [sflag:s22], $0x800  }
0x269: {  	s1 =	sadd.s32 $0x1, s1;
	s25 =	rddreg [dreg:$0xc]  }
0x26a: {  	p1 =	sne.s32 s1, s25  }
.Ltmp4:
0x26b: {  	_ = 	snop;
	(pc) =	sbr.rel @p1 .LBB2_1-.Ltmp4, $3  }
0x26c: {  	_ =	sdelay $0x1  }
0x26d: {  	[sflag:s22] =	ssyncset.done $0x0  }
0x26e: {  	s8 =	smov.u32 s11;
	[sflag:s22] =	ssyncadd.s32 $0xFFFFF800  }
0x26f: {  	_ =	sfence.sel $0x180000  }
0x270: {  	[bflag:$0x0] =	sbarrier.arrive $0xFFFF  }
0x271: {  	_ =	strace $0x9000004D  }
0x272: {  	s0 =	stileid.u32;
	[bflag:$0x2] =	sbarrier.arrive $0xFFFF  }
0x273: {  	p0 =	sne.s32 s0, $0x0;
	s0 =	rddreg [dreg:$0x3]  }
0x274: {  	s0 =	sadd.s32 @!p0 $0x100000, s0  }
0x275: {  	[sflag:s0] =	ssyncadd.tile.s32 @!p0 $0x1;
	_ =	shalt  }
.Lfunc_end2:
_tile_overlayer_lowered:
.L_overlay_start_2:
0x276: {  	(tag) =	ssettag $0x2  }
0x277: {  	s0 =	rddreg [dreg:$0x0];
	s2 =	stileid.u32  }
0x278: {  	s1 =	rddreg [dreg:$0x1];
	p0 =	sne.s32 s2, $0x0  }
0x279: {  	s3 =	rddreg [dreg:$0x2];
	[bflag:$0x3] =	sbarrier.arrive $0xFFFF;
	s2 =	simm.s32 @!p0 $0x1C04  }
0x27a: {  	[timem:s3], [sflag:s2] =	dma.local @!p0 [hbm:s0], s1  }
0x27b: {  	s0 =	simm.s32 @!p0 $0x4  }
0x27c: {  	_ =	swait.ge @!p0 [sflag:s0], s1  }
0x27d: {  	s1 =	ssub.s32 @!p0 $0x0, s1;
	[sflag:s0] =	ssyncset.done @!p0 $0x0  }
0x27e: {  	[sflag:s0] =	ssyncadd.s32 @!p0 s1  }
0x27f: {  	[bflag:$0x3] =	sbarrier.arrive $0xFFFF  }
0x280: {  	_ =	shalt  }

// kernel: kernel.9.cloned.1.call-start
scs
__scs_entry_jumppad:
0x0: {  	(pc) =	sbr.rel $0x88, $3  }
0x1: {  	(tag) =	ssettag $0x0;
	lr =	simm.s32 $0x1  }
0x2: {  	[smem:$0x3F97] =	sst lr;
	_ =	strace $0xD0000000  }
0x3: {  	_ = 	snop  }
0x4: {  	_ = 	snop  }
0x5: {  	_ = 	snop  }
0x6: {  	_ = 	snop  }
0x7: {  	_ = 	snop  }
__scs_overlays_trampoline_lowered:
0x8: {  	[smem:$0x3FA6] =	sst s0  }
0x9: {  	[smem:$0x3FA7] =	sst s1  }
0xa: {  	[smem:$0x3FA8] =	sst s2  }
0xb: {  	[smem:$0x3FA9] =	sst s3  }
0xc: {  	[smem:$0x3FAA] =	sst s4  }
0xd: {  	[smem:$0x3FAB] =	sst s5  }
0xe: {  	[smem:$0x3FAC] =	sst s6  }
0xf: {  	[smem:$0x3FAD] =	sst s7  }
0x10: {  	[smem:$0x3FAE] =	sst s8  }
0x11: {  	[smem:$0x3FAF] =	sst s9;
	s0 =	simm.s32 @!p0 $0x0  }
0x12: {  	s1 =	sld [smem:$0x3F95];
	s0 =	simm.s32 @p0 $0x1  }
0x13: {  	[smem:$0x3FB0] =	sst s0;
	s0 =	simm.s32 @!p1 $0x0  }
0x14: {  	s2 =	sld [smem:$0x3F94];
	s0 =	simm.s32 @p1 $0x1  }
0x15: {  	[smem:$0x3FB1] =	sst s0;
	s0 =	simm.s32 @!p2 $0x0  }
0x16: {  	s3 =	sld [smem:$0x3FDB];
	s0 =	simm.s32 @p2 $0x1  }
0x17: {  	s4 =	simm.s32 $0x1BF5;
	[smem:$0x3FB3] =	sst s0  }
0x18: {  	s0 =	sld [smem:$0x3F96];
	_ =	swait.ge [sflag:s4], $0x0  }
0x19: {  	s7 =	sld [smem:$0x3F97]  }
0x1a: {  	s8 =	sadd.s32 $0xFFFFE003, lr  }
0x1b: {  	s9 =	sadd.s32 $0xFFFFFEF7, lr;
	s5 =	simm.s32 $0xFFFFFFFF;
	p2 =	slt.u32 s8, $0xFFFFF086  }
0x1c: {  	p1 =	slt.u32 s9, $0xF7A;
	s5 =	simm.s32 @!p2 $0x0  }
0x1d: {  	s5 =	simm.s32 @p1 $0x1;
	p0 =	seq.s32 s7, s2  }
0x1e: {  	s7 =	smul.u32 @!p0 $0xF7A, s2;
	p2 =	seq.s32 @!p0 s5, $0x0  }
0x1f: {  	s9 =	smul.u32 $0xF7A, s1;
	s8 =	simm.s32 @!p0 $0x1BF5;
	p2 =	por !p2, p0  }
0x20: {  	[sflag:s8] =	ssyncset.s32 @!p0 $0xFFFFF086;
	s6 =	sadd.s32 @!p0 s3, s7;
	s7 =	simm.s32 @!p0 $0x108  }
0x21: {  	s3 =	sadd.s32 s3, s9;
	s6 =	sadd.s32 @!p0 $0x88, s6;
	s7 =	simm.s32 @p2 $0x1082  }
0x22: {  	[simem:s7], [sflag:s8] =	dma.local @!p0 [hbm:s6], $0xF7A  }
0x23: {  	s9 =	sor.u32 $0xD0000000, s2;
	s6 =	simm.s32 $0x108;
	_ =	swait.ge @!p0 [sflag:s8], $0x0  }
0x24: {  	s3 =	sadd.s32 $0x88, s3;
	s6 =	simm.s32 @!p1 $0x1082;
	[sflag:s4] =	ssyncset.s32 $0xFFFFF086  }
0x25: {  	[simem:s6], [sflag:s4] =	dma.local [hbm:s3], $0xF7A  }
0x26: {  	[smem:$0x3F97] =	sst s1;
	(tag) =	ssettag s2;
	_ =	strace s9  }
0x27: {  	s1 =	sld [smem:$0x3FA7]  }
0x28: {  	s2 =	sld [smem:$0x3FA8]  }
0x29: {  	s4 =	sld [smem:$0x3FAA]  }
0x2a: {  	p0 =	seq.s32 s5, $0x0;
	s5 =	sld [smem:$0x3FAB]  }
0x2b: {  	s6 =	sld [smem:$0x3FAC]  }
0x2c: {  	s7 =	sld [smem:$0x3FAD]  }
0x2d: {  	s3 =	simm.s32 $0x108;
	s8 =	sld [smem:$0x3FAE]  }
0x2e: {  	s3 =	simm.s32 @!p0 $0x1082;
	s9 =	sld [smem:$0x3FAF]  }
0x2f: {  	lr =	sadd.s32 s0, s3;
	s0 =	sld [smem:$0x3FA6]  }
0x30: {  	s3 =	sld [smem:$0x3FA9]  }
0x31: {  	[smem:$0x3FB2] =	sst s10  }
0x32: {  	s10 =	sld [smem:$0x3FB0];
	_ =	sdelay $0x3  }
0x33: {  	p0 =	seq.s32 s10, $0x1;
	s10 =	sld [smem:$0x3FB2];
	_ =	sdelay $0x3  }
0x34: {  	[smem:$0x3FB2] =	sst s10  }
0x35: {  	s10 =	sld [smem:$0x3FB1];
	_ =	sdelay $0x3  }
0x36: {  	p1 =	seq.s32 s10, $0x1;
	s10 =	sld [smem:$0x3FB2];
	_ =	sdelay $0x3  }
0x37: {  	[smem:$0x3FB2] =	sst s10  }
0x38: {  	s10 =	sld [smem:$0x3FB3]  }
0x39: {  	_ = 	snop;
	(pc) =	sbr.ind lr, $3  }
0x3a: {  	_ = 	snop  }
0x3b: {  	_ = 	snop  }
0x3c: {  	p2 =	seq.s32 s10, $0x1;
	s10 =	sld [smem:$0x3FB2]  }
0x3d: {  	_ =	shalt  }
0x3e: {  	_ =	shalt  }
0x3f: {  	_ =	shalt  }
0x40: {  	_ =	shalt  }
0x41: {  	_ =	shalt  }
0x42: {  	_ =	shalt  }
0x43: {  	_ =	shalt  }
0x44: {  	_ =	shalt  }
0x45: {  	_ =	shalt  }
0x46: {  	_ =	shalt  }
0x47: {  	_ =	shalt  }
0x48: {  	_ =	shalt  }
0x49: {  	_ =	shalt  }
0x4a: {  	_ =	shalt  }
0x4b: {  	_ =	shalt  }
0x4c: {  	_ =	shalt  }
0x4d: {  	_ =	shalt  }
0x4e: {  	_ =	shalt  }
0x4f: {  	_ =	shalt  }
0x50: {  	_ =	shalt  }
0x51: {  	_ =	shalt  }
0x52: {  	_ =	shalt  }
0x53: {  	_ =	shalt  }
0x54: {  	_ =	shalt  }
0x55: {  	_ =	shalt  }
0x56: {  	_ =	shalt  }
0x57: {  	_ =	shalt  }
0x58: {  	_ =	shalt  }
0x59: {  	_ =	shalt  }
0x5a: {  	_ =	shalt  }
0x5b: {  	_ =	shalt  }
0x5c: {  	_ =	shalt  }
0x5d: {  	_ =	shalt  }
0x5e: {  	_ =	shalt  }
0x5f: {  	_ =	shalt  }
0x60: {  	_ =	shalt  }
0x61: {  	_ =	shalt  }
0x62: {  	_ =	shalt  }
0x63: {  	_ =	shalt  }
0x64: {  	_ =	shalt  }
0x65: {  	_ =	shalt  }
0x66: {  	_ =	shalt  }
0x67: {  	_ =	shalt  }
0x68: {  	_ =	shalt  }
0x69: {  	_ =	shalt  }
0x6a: {  	_ =	shalt  }
0x6b: {  	_ =	shalt  }
0x6c: {  	_ =	shalt  }
0x6d: {  	_ =	shalt  }
0x6e: {  	_ =	shalt  }
0x6f: {  	_ =	shalt  }
0x70: {  	_ =	shalt  }
0x71: {  	_ =	shalt  }
0x72: {  	_ =	shalt  }
0x73: {  	_ =	shalt  }
0x74: {  	_ =	shalt  }
0x75: {  	_ =	shalt  }
0x76: {  	_ =	shalt  }
0x77: {  	_ =	shalt  }
0x78: {  	_ =	shalt  }
0x79: {  	_ =	shalt  }
0x7a: {  	_ =	shalt  }
0x7b: {  	_ =	shalt  }
0x7c: {  	_ =	shalt  }
0x7d: {  	_ =	shalt  }
0x7e: {  	_ =	shalt  }
0x7f: {  	_ =	shalt  }
0x80: {  	_ =	shalt  }
0x81: {  	_ =	shalt  }
0x82: {  	_ =	shalt  }
0x83: {  	_ =	shalt  }
0x84: {  	_ =	shalt  }
0x85: {  	_ =	shalt  }
0x86: {  	_ =	shalt  }
0x87: {  	_ =	shalt  }
.Lfunc_end0:
.L_simem_size_0:
called_computation_lowered:
.L_overlay_start_0:
0x88: {  	s2 =	sld [smem:$0x3FD9]  }
0x89: {  	s3 =	sld [smem:$0x3FFE];
	_ =	sdelay $0x1  }
0x8a: {  	s1 =	srdreg.scid  }
0x8b: {  	s0 =	sand.u32 $0x1, s1  }
0x8c: {  	s14 =	sshll.u32 s0, $0xA;
	s2 =	sadd.s32 s3, s2  }
0x8d: {  	s2 =	sadd.s32 s2, s14  }
0x8e: {  	[smem:$0x3FBE] =	sst s2  }
0x8f: {  	_ = 	snop  }
0x90: {  	s2 =	sld [smem:$0x3FD0];
	_ =	sdelay $0x2  }
0x91: {  	s15 =	simm.s32 $0xA;
	s4 =	simm.s32 $0x10  }
0x92: {  	[smem:s4], [sflag:s15] =	dma.local [hbm:s2], $0x1  }
0x93: {  	_ =	swait.eq [sflag:s15], $0x1  }
0x94: {  	[sflag:s15] =	ssyncset.done $0x0  }
0x95: {  	[sflag:s15] =	ssyncadd.s32 $0xFFFFFFFF  }
0x96: {  	s16 =	sld [smem:$0x11];
	(tm) =	ssettm $0x1  }
0x97: {  	s17 =	sld [smem:$0x3FFB];
	_ =	sdelay $0x3  }
0x98: {  	_ =	strace s17  }
0x99: {  	s3 =	sld [smem:$0x3FFC];
	_ =	sdelay $0x3  }
0x9a: {  	_ =	strace s3  }
0x9b: {  	s3 =	sld [smem:$0x3FFD];
	_ =	sdelay $0x3  }
0x9c: {  	_ =	strace s3  }
0x9d: {  	_ =	strace $0x8FFFFFFF  }
0x9e: {  	s18 =	sld [smem:$0x3FDB];
	_ =	sdelay $0x1  }
0x9f: {  	s19 =	simm.s32 $_scs_section_size  }
0xa0: {  	s5 =	simm.s32 $_size__tile_overlayer_lowered;
	s6 =	simm.s32 $_tile_overlayer_lowered  }
0xa1: {  	s22 =	simm.s32 $0x1BFF;
	s21 =	sshll.u32 s6, $0x1;
	s3 =	sadd.s32 s19, s18  }
0xa2: {  	s7 =	simm.s32 $0x0;
	s20 =	sshll.u32 s5, $0x1;
	s5 =	sadd.s32 s21, s3  }
0xa3: {  	[timem:s7], [sflag:s22] =	dma.local [hbm:s5], s20  }
0xa4: {  	_ =	swait.ge [sflag:s22], s20  }
0xa5: {  	s4 =	ssub.s32 $0x0, s20;
	[sflag:s22] =	ssyncset.done $0x0  }
0xa6: {  	[sflag:s22] =	ssyncadd.s32 s4;
	_ =	sdelay $0x1  }
0xa7: {  	s23 =	simm.s32 $0x1B8B  }
0xa8: {  	_ =	swait.ge [sflag:s23], $0x1  }
0xa9: {  	[sflag:s23] =	ssyncset.done $0x0  }
0xaa: {  	s25 =	simm.s32 $0x1B8E;
	s24 =	sld [smem:$0x3FFE];
	[sflag:s23] =	ssyncadd.s32 $0xFFFFFFFF  }
0xab: {  	s26 =	simm.s32 $execute0_lowered;
	[smem:$0x3FD2] =	sst s25  }
0xac: {  	s5 =	sshll.u32 s26, $0x1;
	_ =	strace $0x80000046;
	[dreg:$0x1] =	wrdreg $0xFFFFFFFF  }
0xad: {  	s28 =	simm.s32 $_size_execute0_lowered;
	s3 =	sadd.s32 s3, s5;
	[dreg:$0x0] =	wrdreg $0x0  }
0xae: {  	s5 =	sshll.u32 s28, $0x1;
	[dreg:$0x2] =	wrdreg s3  }
0xaf: {  	[dreg:$0x3] =	wrdreg s5  }
0xb0: {  	[dreg:$0x4] =	wrdreg $0xC0  }
0xb1: {  	_ =	task [dreg:s7], $0x5FFFF  }
0xb2: {  	[dreg:$0x1] =	wrdreg $0xFFFFFFFF  }
0xb3: {  	[dreg:$0x0] =	wrdreg $0x60  }
0xb4: {  	[dreg:$0x2] =	wrdreg s16  }
0xb5: {  	[dreg:$0x3] =	wrdreg s24  }
0xb6: {  	[dreg:$0x4] =	wrdreg $0x68800  }
0xb7: {  	[dreg:$0x5] =	wrdreg $0x9  }
0xb8: {  	_ =	task.clear_ibuf [dreg:s7], $0x6FFFF;
	_ =	strace $0x90000046  }
0xb9: {  	s29 =	simm.s32 $0x9;
	_ =	strace $0x80000048  }
0xba: {  	_ =	swait.ge [sflag:s29], $0x1  }
0xbb: {  	[sflag:s29] =	ssyncadd.s32 $0xFFFFFFFF  }
0xbc: {  	_ =	strace $0x90000048  }
0xbd: {  	_ =	sfence  }
0xbe: {  	s30 =	sld [smem:$0x0];
	_ =	sdelay $0x2  }
0xbf: {  	s31 =	sshll.u32 s1, $0xD;
	s1 =	sshrl.u32 s1, $0x2  }
0xc0: {  	s3 =	sand.u32 $0x4000, s31;
	s1 =	sadd.s32 s1, s30  }
0xc1: {  	s0 =	sor.u32 s3, s0;
	s1 =	sshll.u32 s1, $0x11  }
0xc2: {  	s0 =	sor.u32 s1, s0  }
0xc3: {  	s0 =	sadd.s32 $0x8F2B, s0  }
0xc4: {  	[sflag:s0] =	ssyncadd.remote.s32 $0x1  }
0xc5: {  	_ =	sfence.sel $0xFFFF  }
0xc6: {  	[dreg:$0x0] =	wrdreg $0xFFFFFFFF;
	(pc) =	sbr.abs _section_cstart, $3  }
0xc7: {  	[dreg:$0x1] =	wrdreg $0xFFFFFFFF  }
0xc8: {  	_ =	task.clear_ibuf [dreg:s7], $0x2FFFF;
	_ =	strace $0x9FFFFFFF  }
0xc9: {  	(tm) =	ssettm $0x7FFFFFFF  }
tec
execute0_lowered:
.L_overlay_start_1:
0x0: {  	(tag) =	ssettag $0x1  }
0x1: {  	s1 =	rddreg [dreg:$0x0]  }
0x2: {  	s5 =	rddreg [dreg:$0x1];
	s2 =	srdreg.scid  }
0x3: {  	s0 =	stileid.u32;
	s3 =	rddreg [dreg:$0x2]  }
0x4: {  	s4 =	simm.s32 $0x0;
	s20 =	simm.s32 $0x2;
	s7 =	smul.u32 $0x280, s0  }
0x5: {  	s6 =	sand.u32 $0x1, s2;
	s2 =	rddreg [dreg:$0x3];
	s9 =	smul.u32 $0x50000, s0  }
0x6: {  	s21 =	simm.s32 $0x0;
	[smem:$0x7FF] =	sst s4;
	s8 =	smul.u32 $0x2800, s6  }
0x7: {  	_ =	strace $0x80000047;
	s30 =	sshll.u32 s6, $0x4;
	s6 =	ssub.s32 $0x2, s6  }
0x8: {  	s10 =	sshrl.u32 s6, $0x1;
	s7 =	sadd.s32 s7, s8;
	s8 =	sor.u32 s0, s30  }
0x9: {  	s15 =	ssub.s32 s6, s10;
	s7 =	sshll.u32 s7, $0x4;
	s13 =	smul.u32 $0x50, s8  }
0xa: {  	s31 =	sshrl.u32 s9, $0x2;
	s15 =	smax.u32 s15, $0x1;
	s14 =	sadd.s32 s7, s5  }
0xb: {  	s5 =	sadd.s32 s31, s3;
	s16 =	sadd.s32 $0x10, s13;
	s17 =	sadd.s32 $0x20, s13  }
0xc: {  	s18 =	sadd.s32 $0x30, s13;
	s19 =	sadd.s32 $0x40, s13;
	s6 =	sadd.s32 $0x4000, s5  }
0xd: {  	s7 =	sadd.s32 $0x8000, s5;
	s8 =	sadd.s32 $0xC000, s5;
	s9 =	sadd.s32 $0x10000, s5  }
0xe: {  	v4 =	vlaneseq.u32;
	v5 =	vimm.f32 $0.0e+00;
	s10 =	sadd.s32 $0x3E00, s14;
	s11 =	sadd.s32 $0x4600, s14;
	s12 =	sadd.s32 $0x4E00, s14  }
0xf: {  	v6 =	vimm.f32 $1.000000000e+00;
	v0 =	vor.u32 s13, v4;
	s13 =	sadd.s32 $0x5600, s14;
	s14 =	sadd.s32 $0x5E00, s14;
	v1 =	vor.u32 s16, v4;
	s16 =	simm.s32 $0x50  }
0x10: {  	v2 =	vor.u32 s17, v4;
	v3 =	vor.u32 s18, v4;
	s17 =	simm.s32 $0x80;
	s18 =	simm.s32 $0x1;
	v4 =	vor.u32 s19, v4;
	s19 =	simm.s32 $0x2880  }
.LBB2_1:
0x11: {  	[tilespmem:$0x0] =	vst v0  }
0x12: {  	[tilespmem:$0x10] =	vst v1  }
0x13: {  	[tilespmem:$0x20] =	vst v2  }
0x14: {  	[tilespmem:$0x30] =	vst v3  }
0x15: {  	[tilespmem:$0x40] =	vst v4  }
0x16: {  	[tilespmem:s17], [sflag:$0x1] =	stream.indirect.gather [hbm4b:s1+s16], $0x80, s4, s16, $0xb8;
	[tilespmem:$0x1A880] =	vst v63  }
0x17: {  	_ =	swait.ge [sflag:s18], $0x2800  }
0x18: {  	[sflag:s18] =	ssyncset.done $0x0  }
0x19: {  	s22 =	simm.s32 $0x0;
	s23 =	simm.s32 $0x200;
	[sflag:s18] =	ssyncadd.s32 $0xFFFFD800  }
.LBB2_2:
0x1a: {  	p0 =	sne.s32 s23, $0xFE00;
	[tilespmem:s22+$0x28F0] =	vst v5  }
0x1b: {  	[tilespmem:s22+$0x2880] =	vst v5  }
0x1c: {  	[tilespmem:s22+$0x2890] =	vst v5  }
.Ltmp0:
0x1d: {  	[tilespmem:s22+$0x28A0] =	vst v5;
	(pc) =	sbr.rel @p0 .LBB2_2-.Ltmp0, $4  }
0x1e: {  	[tilespmem:s22+$0x28B0] =	vst v5  }
0x1f: {  	[tilespmem:s22+$0x28C0] =	vst v5  }
0x20: {  	[tilespmem:s22+$0x28D0] =	vst v5  }
0x21: {  	[tilespmem:s22+$0x28E0] =	vst v5;
	s22 =	sshra.s32 s23, $0x2;
	s23 =	sadd.s32 $0x200, s23  }
0x22: {  	[tilespmem:s22+$0x28F0] =	vst v5  }
0x23: {  	[tilespmem:s22+$0x2880] =	vst v5  }
0x24: {  	[tilespmem:s22+$0x2890] =	vst v5  }
0x25: {  	[tilespmem:s22+$0x28A0] =	vst v5  }
0x26: {  	[tilespmem:s22+$0x28B0] =	vst v5  }
0x27: {  	[tilespmem:s22+$0x28C0] =	vst v5  }
0x28: {  	[tilespmem:s22+$0x28D0] =	vst v5  }
0x29: {  	[tilespmem:s22+$0x28E0] =	vst v5  }
0x2a: {  	[spmem:s5] =	stream.linear.scatter [tilespmem:s19], [sflag:$0x2], $0x4000, $0x38;
	[tilespmem:$0x1A880] =	vst v63  }
0x2b: {  	_ =	swait.ge [sflag:s20], $0x4000  }
0x2c: {  	[sflag:s20] =	ssyncset.done $0x0  }
0x2d: {  	[sflag:s20] =	ssyncadd.s32 $0xFFFFC000  }
0x2e: {  	[spmem:s6] =	stream.linear.scatter [tilespmem:s19], [sflag:$0x2], $0x4000, $0x38;
	[tilespmem:$0x1A880] =	vst v63  }
0x2f: {  	_ =	swait.ge [sflag:s20], $0x4000  }
0x30: {  	[sflag:s20] =	ssyncset.done $0x0  }
0x31: {  	[sflag:s20] =	ssyncadd.s32 $0xFFFFC000  }
0x32: {  	[spmem:s7] =	stream.linear.scatter [tilespmem:s19], [sflag:$0x2], $0x4000, $0x38;
	[tilespmem:$0x1A880] =	vst v63  }
0x33: {  	_ =	swait.ge [sflag:s20], $0x4000  }
0x34: {  	[sflag:s20] =	ssyncset.done $0x0  }
0x35: {  	[sflag:s20] =	ssyncadd.s32 $0xFFFFC000  }
0x36: {  	[spmem:s8] =	stream.linear.scatter [tilespmem:s19], [sflag:$0x2], $0x4000, $0x38;
	[tilespmem:$0x1A880] =	vst v63  }
0x37: {  	_ =	swait.ge [sflag:s20], $0x4000  }
0x38: {  	[sflag:s20] =	ssyncset.done $0x0  }
0x39: {  	[sflag:s20] =	ssyncadd.s32 $0xFFFFC000  }
0x3a: {  	[spmem:s9] =	stream.linear.scatter [tilespmem:s19], [sflag:$0x2], $0x4000, $0x38;
	[tilespmem:$0x1A880] =	vst v63  }
0x3b: {  	_ =	swait.ge [sflag:s20], $0x4000  }
0x3c: {  	[sflag:s20] =	ssyncset.done $0x0  }
0x3d: {  	s22 =	simm.s32 $0x0;
	s23 =	simm.s32 $0x200;
	[sflag:s20] =	ssyncadd.s32 $0xFFFFC000  }
.LBB2_4:
0x3e: {  	p0 =	sne.s32 s23, $0xFE00;
	[tilespmem:s22+$0x28F0] =	vst v6  }
0x3f: {  	[tilespmem:s22+$0x2880] =	vst v6  }
0x40: {  	[tilespmem:s22+$0x2890] =	vst v6  }
.Ltmp1:
0x41: {  	[tilespmem:s22+$0x28A0] =	vst v6;
	(pc) =	sbr.rel @p0 .LBB2_4-.Ltmp1, $4  }
0x42: {  	[tilespmem:s22+$0x28B0] =	vst v6  }
0x43: {  	[tilespmem:s22+$0x28C0] =	vst v6  }
0x44: {  	[tilespmem:s22+$0x28D0] =	vst v6  }
0x45: {  	[tilespmem:s22+$0x28E0] =	vst v6;
	s22 =	sshra.s32 s23, $0x2;
	s23 =	sadd.s32 $0x200, s23  }
0x46: {  	[tilespmem:s22+$0x28F0] =	vst v6  }
0x47: {  	[tilespmem:s22+$0x2880] =	vst v6  }
0x48: {  	[tilespmem:s22+$0x2890] =	vst v6  }
0x49: {  	[tilespmem:s22+$0x28A0] =	vst v6  }
0x4a: {  	[tilespmem:s22+$0x28B0] =	vst v6  }
0x4b: {  	[tilespmem:s22+$0x28C0] =	vst v6  }
0x4c: {  	[tilespmem:s22+$0x28D0] =	vst v6  }
0x4d: {  	[tilespmem:s22+$0x28E0] =	vst v6;
	p0 =	por $0x1, $0x1  }
0x4e: {  	[bflag:$0x0] =	sbarrier.arrive $0xFFFF;
	s23 =	simm.s32 @!p0 $0x1  }
0x4f: {  	_ =	swait.ge @!p0 [sflag:s23], $0x4000  }
0x50: {  	s24 =	simm.s32 $0x80;
	[sflag:s23] =	ssyncset.done @!p0 $0x0  }
0x51: {  	s22 =	simm.s32 $0x1;
	[sflag:s23] =	ssyncadd.s32 @!p0 $0xFFFFC000;
	s23 =	simm.s32 $0x100  }
.LBB2_6:
0x52: {  	[spmem:s3] =	stream.indirect.scatter.add.f32 [tilespmem:s19], [sflag:$0x1], $0x80, s24, s17, $0xb8;
	[tilespmem:$0x1A880] =	vst v63  }
0x53: {  	p0 =	slt.u32 s22, $0x8;
	s22 =	sadd.s32 $0x1, s22  }
0x54: {  	p1 =	sne.s32 s22, $0x50  }
.Ltmp2:
0x55: {  	(pc) =	sbr.rel @p1 .LBB2_6-.Ltmp2, $4  }
0x56: {  	s24 =	smov.u32 s23;
	s25 =	simm.s32 @!p0 $0x1  }
0x57: {  	_ =	swait.ge @!p0 [sflag:s25], $0x4000  }
0x58: {  	[sflag:s25] =	ssyncset.done @!p0 $0x0  }
0x59: {  	s23 =	sadd.s32 $0x80, s23;
	[sflag:s25] =	ssyncadd.s32 @!p0 $0xFFFFC000  }
0x5a: {  	[spmem:s3] =	stream.indirect.scatter.add.f32 [tilespmem:s19], [sflag:$0x1], $0x80, s24, s17, $0xb8;
	[tilespmem:$0x1A880] =	vst v63  }
0x5b: {  	_ =	swait.ge [sflag:s18], $0x4000  }
0x5c: {  	[sflag:s18] =	ssyncset.done $0x0  }
0x5d: {  	[sflag:s18] =	ssyncadd.s32 $0xFFFFC000  }
0x5e: {  	_ =	swait.ge [sflag:s18], $0x4000  }
0x5f: {  	[sflag:s18] =	ssyncset.done $0x0  }
0x60: {  	[sflag:s18] =	ssyncadd.s32 $0xFFFFC000  }
0x61: {  	_ =	swait.ge [sflag:s18], $0x4000  }
0x62: {  	[sflag:s18] =	ssyncset.done $0x0  }
0x63: {  	[sflag:s18] =	ssyncadd.s32 $0xFFFFC000  }
0x64: {  	_ =	swait.ge [sflag:s18], $0x4000  }
0x65: {  	[sflag:s18] =	ssyncset.done $0x0  }
0x66: {  	[sflag:s18] =	ssyncadd.s32 $0xFFFFC000  }
0x67: {  	_ =	swait.ge [sflag:s18], $0x4000  }
0x68: {  	[sflag:s18] =	ssyncset.done $0x0  }
0x69: {  	[sflag:s18] =	ssyncadd.s32 $0xFFFFC000  }
0x6a: {  	_ =	swait.ge [sflag:s18], $0x4000  }
0x6b: {  	[sflag:s18] =	ssyncset.done $0x0  }
0x6c: {  	[sflag:s18] =	ssyncadd.s32 $0xFFFFC000  }
0x6d: {  	_ =	swait.ge [sflag:s18], $0x4000  }
0x6e: {  	[sflag:s18] =	ssyncset.done $0x0  }
0x6f: {  	[sflag:s18] =	ssyncadd.s32 $0xFFFFC000  }
0x70: {  	_ =	swait.ge [sflag:s18], $0x4000  }
0x71: {  	[sflag:s18] =	ssyncset.done $0x0  }
0x72: {  	s22 =	sshll.u32 s0, $0x6;
	[sflag:s18] =	ssyncadd.s32 $0xFFFFC000  }
0x73: {  	s23 =	sshrl.u32 s5, $0x3;
	s22 =	sor.u32 $0x1C02, s22;
	[bflag:$0x0] =	sbarrier.arrive $0xFFFF  }
0x74: {  	[hbm:s10], [sflag:s22] =	dma.local [spmem:s23], $0x800  }
0x75: {  	_ =	swait.ge [sflag:s20], $0x800  }
0x76: {  	[sflag:s20] =	ssyncset.done $0x0  }
0x77: {  	s28 =	sshrl.u32 s6, $0x3;
	[sflag:s20] =	ssyncadd.s32 $0xFFFFF800  }
0x78: {  	[hbm:s11], [sflag:s22] =	dma.local [spmem:s28], $0x800  }
0x79: {  	_ =	swait.ge [sflag:s20], $0x800  }
0x7a: {  	[sflag:s20] =	ssyncset.done $0x0  }
0x7b: {  	s29 =	sshrl.u32 s7, $0x3;
	[sflag:s20] =	ssyncadd.s32 $0xFFFFF800  }
0x7c: {  	[hbm:s12], [sflag:s22] =	dma.local [spmem:s29], $0x800  }
0x7d: {  	_ =	swait.ge [sflag:s20], $0x800  }
0x7e: {  	[sflag:s20] =	ssyncset.done $0x0  }
0x7f: {  	s30 =	sshrl.u32 s8, $0x3;
	[sflag:s20] =	ssyncadd.s32 $0xFFFFF800  }
0x80: {  	[hbm:s13], [sflag:s22] =	dma.local [spmem:s30], $0x800  }
0x81: {  	s21 =	sadd.s32 $0x1, s21;
	_ =	swait.ge [sflag:s20], $0x800  }
0x82: {  	p0 =	sne.s32 s21, s15;
	[sflag:s20] =	ssyncset.done $0x0  }
.Ltmp3:
0x83: {  	s31 =	sshrl.u32 s9, $0x3;
	[sflag:s20] =	ssyncadd.s32 $0xFFFFF800;
	(pc) =	sbr.rel @p0 .LBB2_1-.Ltmp3, $4  }
0x84: {  	[hbm:s14], [sflag:s22] =	dma.local [spmem:s31], $0x800  }
0x85: {  	_ =	swait.ge [sflag:s20], $0x800  }
0x86: {  	[sflag:s20] =	ssyncset.done $0x0  }
0x87: {  	[sflag:s20] =	ssyncadd.s32 $0xFFFFF800  }
0x88: {  	_ =	sfence.sel $0x180000  }
0x89: {  	[bflag:$0x0] =	sbarrier.arrive $0xFFFF  }
0x8a: {  	p0 =	sne.s32 s0, $0x0;
	_ =	strace $0x90000047  }
0x8b: {  	s0 =	sadd.s32 @!p0 $0x100000, s2;
	[bflag:$0x2] =	sbarrier.arrive $0xFFFF  }
0x8c: {  	[sflag:s0] =	ssyncadd.tile.s32 @!p0 $0x1;
	_ =	shalt  }
.Lfunc_end2:
_tile_overlayer_lowered:
.L_overlay_start_2:
0x8d: {  	(tag) =	ssettag $0x2  }
0x8e: {  	s0 =	rddreg [dreg:$0x0];
	s2 =	stileid.u32  }
0x8f: {  	s1 =	rddreg [dreg:$0x1];
	p0 =	sne.s32 s2, $0x0  }
0x90: {  	s3 =	rddreg [dreg:$0x2];
	[bflag:$0x3] =	sbarrier.arrive $0xFFFF;
	s2 =	simm.s32 @!p0 $0x1C02  }
0x91: {  	[timem:s3], [sflag:s2] =	dma.local @!p0 [hbm:s0], s1  }
0x92: {  	s0 =	simm.s32 @!p0 $0x2  }
0x93: {  	_ =	swait.ge @!p0 [sflag:s0], s1  }
0x94: {  	s1 =	ssub.s32 @!p0 $0x0, s1;
	[sflag:s0] =	ssyncset.done @!p0 $0x0  }
0x95: {  	[sflag:s0] =	ssyncadd.s32 @!p0 s1  }
0x96: {  	[bflag:$0x3] =	sbarrier.arrive $0xFFFF  }
0x97: {  	_ =	shalt  }

</sc_bundles>
